<compile_context>
chip_gen: v7x
topology: tpu7x:2x2x1
jax: 0.10.2.dev20260603
libtpu: 0.0.44.dev20260713+nightly
codegen_flags: <defaults>
</compile_context>

<pallas_src>
import math

import jax
import jax.numpy as jnp
from jax import lax
from jax.experimental import pallas as pl
from jax.experimental.pallas import tpu as pltpu
from jax.experimental.pallas import tpu_sc as plsc

_B, _T, _D = 4, 2048, 1024
_SLOTS = (512, 256, 128)
_SALL = sum(_SLOTS)
_K = 4
_LANES = 16
_N = _B * _T
_TQ = 256
_NW = 32
_QPW = _N // _NW
_WCOLS = 64
_ICOLS = _K
_S12 = _SLOTS[1] + _SLOTS[2]
_BQ = 2


def _score_topk_body(q_ref, k_ref, v12_ref, sal_ref, idx_ref, w_ref, p_ref):
    q = q_ref[...]
    k = k_ref[...]
    s = lax.dot_general(q, k, (((1,), (1,)), ((), ())),
                        preferred_element_type=jnp.float32)
    s = s * (1.0 / math.sqrt(_D)) + sal_ref[...]

    out_w = []
    out_i = []
    off = 0
    for S in _SLOTS:
        seg = s[:, off:off + S]
        col = lax.broadcasted_iota(jnp.int32, (_TQ, S), 1)
        vals, idxs = [], []
        for _ in range(_K):
            m = jnp.max(seg, axis=1, keepdims=True)
            ij = jnp.min(jnp.where(seg == m, col, S), axis=1, keepdims=True)
            vals.append(m)
            idxs.append(ij)
            seg = jnp.where(col == ij, -jnp.inf, seg)
        m0 = vals[0]
        es = [jnp.exp(v - m0) for v in vals]
        z = (es[0] + es[1]) + (es[2] + es[3])
        inv = (1.0 / len(_SLOTS)) / z
        out_w += [e * inv for e in es]
        out_i += [ij + off for ij in idxs]
        off += S

    jlane = lax.broadcasted_iota(jnp.int32, (_TQ, _WCOLS), 1) // _LANES
    wrep = jnp.zeros((_TQ, _WCOLS), jnp.float32)
    for j in range(_K):
        wrep = jnp.where(jlane == j, out_w[j], wrep)
    w_ref[...] = wrep
    idx_ref[...] = jnp.concatenate(out_i[:_K], axis=1)

    col12 = lax.broadcasted_iota(jnp.int32, (_TQ, _S12), 1) + _SLOTS[0]
    w12 = jnp.zeros((_TQ, _S12), jnp.float32)
    for j in range(_K, 3 * _K):
        w12 = jnp.where(col12 == out_i[j], out_w[j], w12)
    read12 = lax.dot_general(w12, v12_ref[...], (((1,), (0,)), ((), ())),
                             preferred_element_type=jnp.float32)
    p_ref[...] = read12.reshape(_TQ, 8, 128)


def _scores_topk(qf, k_all, v12, sal_all, interpret=False):
    return pl.pallas_call(
        _score_topk_body,
        grid=(_N // _TQ,),
        in_specs=[
            pl.BlockSpec((_TQ, _D), lambda i: (i, 0)),
            pl.BlockSpec((_SALL, _D), lambda i: (0, 0)),
            pl.BlockSpec((_S12, _D), lambda i: (0, 0)),
            pl.BlockSpec((1, _SALL), lambda i: (0, 0)),
        ],
        out_specs=[
            pl.BlockSpec((_TQ, _ICOLS), lambda i: (i, 0)),
            pl.BlockSpec((_TQ, _WCOLS), lambda i: (i, 0)),
            pl.BlockSpec((_TQ, 8, 128), lambda i: (i, 0, 0)),
        ],
        out_shape=[
            jax.ShapeDtypeStruct((_N, _ICOLS), jnp.int32),
            jax.ShapeDtypeStruct((_N, _WCOLS), jnp.float32),
            jax.ShapeDtypeStruct((_N, 8, 128), jnp.float32),
        ],
        interpret=interpret,
    )(qf, k_all, v12, sal_all)


_RING = 4


def _sc_body(v_hbm, idx_hbm, w_hbm, p_hbm, out_hbm, idx_v, w_v, rows_v, prt_v,
             row_o, *sems):
    sem_g = sems[:_RING]
    sem_p = sems[_RING:2 * _RING]
    sem_o = sems[2 * _RING:]
    wid = lax.axis_index("s") * 2 + lax.axis_index("c")
    base = wid * _QPW
    ngrp = _QPW // _BQ
    pltpu.sync_copy(
        idx_hbm.at[pl.ds(pl.multiple_of(base * _K, 8), _QPW * _K)], idx_v)
    pltpu.sync_copy(w_hbm.at[pl.ds(base, _QPW)], w_v)

    def gather(gq, par):
        go = pl.multiple_of(gq * (_BQ * _K), 8)
        return pltpu.make_async_copy(
            v_hbm.at[idx_v.at[pl.ds(go, _BQ * _K)]], rows_v.at[par],
            sem_g[par])

    def prt_copy(gq, par):
        return pltpu.make_async_copy(
            p_hbm.at[pl.ds(base + gq * _BQ, _BQ)], prt_v.at[par], sem_p[par])

    def out_copy(gq, par):
        return pltpu.make_async_copy(
            row_o.at[par], out_hbm.at[pl.ds(base + gq * _BQ, _BQ)], sem_o[par])

    for par in range(_RING):
        gather(par, par).start()
        prt_copy(par, par).start()

    def body(g, carry):
        for par in range(_RING):
            gq = g * _RING + par
            gather(gq, par).wait()
            prt_copy(gq, par).wait()

            @pl.when(g >= 1)
            def _():
                out_copy(gq - _RING, par).wait()

            for qq in range(_BQ):
                q = gq * _BQ + qq
                wbs = [w_v[q, pl.ds(j * _LANES, _LANES)] for j in range(_K)]

                def chunk(s, c2, qq=qq, wbs=wbs):
                    for l in range(8):
                        sl = pl.ds(l * _LANES, _LANES)
                        terms = [wbs[j] * rows_v[par, qq * _K + j, s, sl]
                                 for j in range(_K)]
                        terms.append(prt_v[par, qq, s, sl])
                        while len(terms) > 1:
                            terms = [terms[i] + terms[i + 1] if i + 1 < len(terms)
                                     else terms[i] for i in range(0, len(terms), 2)]
                        row_o[par, qq, s, sl] = terms[0]
                    return c2

                lax.fori_loop(0, 8, chunk, 0)

            out_copy(gq, par).start()

            @pl.when(g < ngrp // _RING - 1)
            def _():
                gather(gq + _RING, par).start()
                prt_copy(gq + _RING, par).start()
        return carry

    lax.fori_loop(0, ngrp // _RING, body, 0)
    for par in range(_RING):
        out_copy(ngrp - _RING + par, par).wait()


def _sc_gather_combine(v3, idx_flat, w, partial):
    mesh = plsc.VectorSubcoreMesh(core_axis_name="c", subcore_axis_name="s")
    run = pl.kernel(
        _sc_body,
        mesh=mesh,
        compiler_params=pltpu.CompilerParams(needs_layout_passes=False),
        out_type=jax.ShapeDtypeStruct((_N, 8, 128), jnp.float32),
        scratch_types=[
            pltpu.VMEM((_QPW * _K,), jnp.int32),
            pltpu.VMEM((_QPW, _WCOLS), jnp.float32),
            pltpu.VMEM((_RING, _BQ * _K, 8, 128), jnp.float32),
            pltpu.VMEM((_RING, _BQ, 8, 128), jnp.float32),
            pltpu.VMEM((_RING, _BQ, 8, 128), jnp.float32),
        ] + [pltpu.SemaphoreType.DMA] * (3 * _RING),
    )
    return run(v3, idx_flat, w, partial)


def kernel(q, K0, V0, sal0, K1, V1, sal1, K2, V2, sal2):
    qf = q.reshape(_N, _D)
    k_all = jnp.concatenate([K0, K1, K2], axis=0)
    v12 = jnp.concatenate([V1, V2], axis=0)
    sal_all = jnp.concatenate([sal0, sal1, sal2]).reshape(1, _SALL)
    idx, w, partial = _scores_topk(qf, k_all, v12, sal_all)
    out = _sc_gather_combine(V0.reshape(_SLOTS[0], 8, 128),
                             idx.reshape(_N * _K), w, partial)
    return out.reshape(_B, _T, _D)

# --- scband reference (transcript-rebuilt; emitter-appended) ---
"""Pipeline reference for scband-hierarchical-memory-bank-850403525344 (READ-ONLY COPY).

The authoritative reference and input builder live on the scoring server;
editing this copy changes nothing except your own understanding.
"""

import jax, jax.numpy as jnp
import numpy as np
import math

B, T, D = 4, 2048, 1024
LEVEL_SLOTS = [512, 256, 128]
TOPK = 4


def setup_inputs(seed: int = 0) -> dict:
    key = jax.random.key(seed)
    ks = jax.random.split(key, 1 + 3 * len(LEVEL_SLOTS))
    inp = {"q": jax.random.normal(ks[0], (B, T, D), dtype=jnp.float32)}
    for i, s in enumerate(LEVEL_SLOTS):
        lim = math.sqrt(6.0 / (s + D))  # xavier_uniform
        inp[f"K{i}"] = jax.random.uniform(ks[1 + 3 * i], (s, D), minval=-lim, maxval=lim, dtype=jnp.float32)
        inp[f"V{i}"] = jax.random.uniform(ks[2 + 3 * i], (s, D), minval=-lim, maxval=lim, dtype=jnp.float32)
        inp[f"sal{i}"] = jnp.zeros((s,), dtype=jnp.float32)
    return inp


def reference(q, K0, V0, sal0, K1, V1, sal1, K2, V2, sal2):
    # Faithful translation of HierarchicalMemoryBank.read(q, topk_per_level=4)
    levels = [(K0, V0, sal0), (K1, V1, sal1), (K2, V2, sal2)]
    num_levels = len(levels)
    level_weight = 1.0 / num_levels
    Dm = q.shape[-1]
    all_reads = []
    for K, V, sal in levels:
        scores = jnp.einsum('btd,sd->bts', q, K) / math.sqrt(Dm)
        scores = scores + sal[None, None, :]
        k = min(TOPK, K.shape[0])
        topk_scores, topk_idx = jax.lax.top_k(scores, k)
        level_attention = jax.nn.softmax(topk_scores, axis=-1)
        V_selected = V[topk_idx]  # gather: [B, T, k, D]
        level_read = jnp.einsum('btk,btkd->btd', level_attention, V_selected)
        all_reads.append(level_read * level_weight)
    final_read = jnp.stack(all_reads, axis=0).sum(axis=0)
    return final_read

if __name__ == "__main__":
    import jax
    _d = setup_inputs()
    print(jax.jit(kernel)(*tuple(_d.values())))

</pallas_src>

<mosaic_0001>
#map = affine_map<(d0, d1) -> (0, 0, 0)>
#map1 = affine_map<(d0, d1) -> (0)>
#map2 = affine_map<(d0, d1) -> (0, 0)>
module attributes {stable_mosaic.version = 14 : i64} {
  func.func @_sc_body(%arg0: i32, %arg1: i32, %arg2: memref<512x8x128xf32, #tpu.memory_space<hbm>>, %arg3: memref<32768xi32, #tpu.memory_space<hbm>>, %arg4: memref<8192x64xf32, #tpu.memory_space<hbm>>, %arg5: memref<8192x8x128xf32, #tpu.memory_space<hbm>>, %arg6: memref<8192x8x128xf32, #tpu.memory_space<hbm>>, %arg7: memref<1024xi32, #tpu.memory_space<vmem>>, %arg8: memref<256x64xf32, #tpu.memory_space<vmem>>, %arg9: memref<4x8x8x128xf32, #tpu.memory_space<vmem>>, %arg10: memref<4x2x8x128xf32, #tpu.memory_space<vmem>>, %arg11: memref<4x2x8x128xf32, #tpu.memory_space<vmem>>, %arg12: memref<!tpu.dma_semaphore, #tpu.memory_space<semaphore_mem>>, %arg13: memref<!tpu.dma_semaphore, #tpu.memory_space<semaphore_mem>>, %arg14: memref<!tpu.dma_semaphore, #tpu.memory_space<semaphore_mem>>, %arg15: memref<!tpu.dma_semaphore, #tpu.memory_space<semaphore_mem>>, %arg16: memref<!tpu.dma_semaphore, #tpu.memory_space<semaphore_mem>>, %arg17: memref<!tpu.dma_semaphore, #tpu.memory_space<semaphore_mem>>, %arg18: memref<!tpu.dma_semaphore, #tpu.memory_space<semaphore_mem>>, %arg19: memref<!tpu.dma_semaphore, #tpu.memory_space<semaphore_mem>>, %arg20: memref<!tpu.dma_semaphore, #tpu.memory_space<semaphore_mem>>, %arg21: memref<!tpu.dma_semaphore, #tpu.memory_space<semaphore_mem>>, %arg22: memref<!tpu.dma_semaphore, #tpu.memory_space<semaphore_mem>>, %arg23: memref<!tpu.dma_semaphore, #tpu.memory_space<semaphore_mem>>) attributes {dimension_semantics = [#tpu.dimension_semantics<core_parallel>, #tpu.dimension_semantics<subcore_parallel>], iteration_bounds = array<i64: 2, 16>, scalar_prefetch = 0 : i64, scratch_operands = 17 : i64, tpu.core_type = #tpu.core_type<sc_vector_subcore>, window_params = [{transform_indices = #map}, {transform_indices = #map1}, {transform_indices = #map2}, {transform_indices = #map}, {transform_indices = #map}]} {
    %mul3A = arith.constant 2 : i32
    %mul3A_0 = arith.muli %arg1, %mul3A : i32
    %add3A = arith.addi %mul3A_0, %arg0 : i32
    %mul3A_1 = arith.constant 256 : i32
    %mul3A_2 = arith.muli %add3A, %mul3A_1 : i32
    %mul3A_3 = arith.constant 4 : i32
    %mul3A_4 = arith.muli %mul3A_2, %mul3A_3 : i32
    %multiple_of3A = tpu.assume_multiple %mul3A_4, 8 : i32
    "tpu.region"() ({
      %run_scoped3A = tpu.sem_alloc : memref<!tpu.dma_semaphore, #tpu.memory_space<semaphore_mem>>
      %dma_start3A_212 = tpu.memref_slice %arg3[%multiple_of3A] : memref<32768xi32, #tpu.memory_space<hbm>> -> memref<1024xi32, #tpu.memory_space<hbm>>
      %dma_start3A_213 = tpu.memref_slice %arg3[%multiple_of3A] : memref<32768xi32, #tpu.memory_space<hbm>> -> memref<1024xi32, #tpu.memory_space<hbm>>
      tpu.enqueue_dma source(%dma_start3A_213 : memref<1024xi32, #tpu.memory_space<hbm>>) target(%arg7 : memref<1024xi32, #tpu.memory_space<vmem>>) target_semaphore(%run_scoped3A : memref<!tpu.dma_semaphore, #tpu.memory_space<semaphore_mem>>)
      %dma_wait3A_214 = tpu.memref_slice %arg3[%multiple_of3A] : memref<32768xi32, #tpu.memory_space<hbm>> -> memref<1024xi32, #tpu.memory_space<hbm>>
      %dma_wait3A_215 = tpu.memref_slice %arg3[%multiple_of3A] : memref<32768xi32, #tpu.memory_space<hbm>> -> memref<1024xi32, #tpu.memory_space<hbm>>
      tpu.wait_dma2 semaphore(%run_scoped3A : memref<!tpu.dma_semaphore, #tpu.memory_space<semaphore_mem>>) src(%dma_wait3A_215 : memref<1024xi32, #tpu.memory_space<hbm>>) dst(%arg7 : memref<1024xi32, #tpu.memory_space<vmem>>)
      tpu.yield
    }) : () -> ()
    "tpu.region"() ({
      %run_scoped3A = tpu.sem_alloc : memref<!tpu.dma_semaphore, #tpu.memory_space<semaphore_mem>>
      %dma_start3A_212 = arith.constant 0 : i32
      %dma_start3A_213 = tpu.memref_slice %arg4[%mul3A_2, %dma_start3A_212] : memref<8192x64xf32, #tpu.memory_space<hbm>> -> memref<256x64xf32, #tpu.memory_space<hbm>>
      %dma_start3A_214 = arith.constant 0 : i32
      %dma_start3A_215 = tpu.memref_slice %arg4[%mul3A_2, %dma_start3A_214] : memref<8192x64xf32, #tpu.memory_space<hbm>> -> memref<256x64xf32, #tpu.memory_space<hbm>>
      tpu.enqueue_dma source(%dma_start3A_215 : memref<256x64xf32, #tpu.memory_space<hbm>>) target(%arg8 : memref<256x64xf32, #tpu.memory_space<vmem>>) target_semaphore(%run_scoped3A : memref<!tpu.dma_semaphore, #tpu.memory_space<semaphore_mem>>)
      %dma_wait3A_216 = arith.constant 0 : i32
      %dma_wait3A_217 = tpu.memref_slice %arg4[%mul3A_2, %dma_wait3A_216] : memref<8192x64xf32, #tpu.memory_space<hbm>> -> memref<256x64xf32, #tpu.memory_space<hbm>>
      %dma_wait3A_218 = arith.constant 0 : i32
      %dma_wait3A_219 = tpu.memref_slice %arg4[%mul3A_2, %dma_wait3A_218] : memref<8192x64xf32, #tpu.memory_space<hbm>> -> memref<256x64xf32, #tpu.memory_space<hbm>>
      tpu.wait_dma2 semaphore(%run_scoped3A : memref<!tpu.dma_semaphore, #tpu.memory_space<semaphore_mem>>) src(%dma_wait3A_219 : memref<256x64xf32, #tpu.memory_space<hbm>>) dst(%arg8 : memref<256x64xf32, #tpu.memory_space<vmem>>)
      tpu.yield
    }) : () -> ()
    %multiple_of3A_5 = arith.constant 0 : i32
    %multiple_of3A_6 = tpu.assume_multiple %multiple_of3A_5, 8 : i32
    %dma_start3A = arith.constant 0 : i32
    %dma_start3A_7 = arith.constant 0 : i32
    %dma_start3A_8 = arith.constant 0 : i32
    %dma_start3A_9 = arith.constant 0 : i32
    %dma_start3A_10 = tpu.memref_slice %arg9[%dma_start3A, %dma_start3A_7, %dma_start3A_8, %dma_start3A_9] : memref<4x8x8x128xf32, #tpu.memory_space<vmem>> -> memref<1x8x8x128xf32, #tpu.memory_space<vmem>>
    %dma_start3A_11 = tpu.memref_squeeze %dma_start3A_10 : memref<1x8x8x128xf32, #tpu.memory_space<vmem>> -> memref<8x8x128xf32, #tpu.memory_space<vmem>>
    %dma_start3A_12 = tpu.memref_slice %arg7[%multiple_of3A_6] : memref<1024xi32, #tpu.memory_space<vmem>> -> memref<8xi32, #tpu.memory_space<vmem>>
    %dma_start3A_13 = arith.constant 0 : i32
    %dma_start3A_14 = arith.constant 0 : i32
    %dma_start3A_15 = arith.constant 0 : i32
    %dma_start3A_16 = tpu.memref_slice %arg2[%dma_start3A_13, %dma_start3A_14, %dma_start3A_15] : memref<512x8x128xf32, #tpu.memory_space<hbm>> -> memref<512x8x128xf32, #tpu.memory_space<hbm>>
    tpu.enqueue_indirect_dma source(%dma_start3A_16 : memref<512x8x128xf32, #tpu.memory_space<hbm>>) target(%dma_start3A_11 : memref<8x8x128xf32, #tpu.memory_space<vmem>>) offsets(%dma_start3A_12 : memref<8xi32, #tpu.memory_space<vmem>>) semaphore(%arg12 : memref<!tpu.dma_semaphore, #tpu.memory_space<semaphore_mem>>)
    %add3A_17 = arith.constant 0 : i32
    %add3A_18 = arith.addi %mul3A_2, %add3A_17 : i32
    %dma_start3A_19 = arith.constant 0 : i32
    %dma_start3A_20 = arith.constant 0 : i32
    %dma_start3A_21 = arith.constant 0 : i32
    %dma_start3A_22 = arith.constant 0 : i32
    %dma_start3A_23 = tpu.memref_slice %arg10[%dma_start3A_19, %dma_start3A_20, %dma_start3A_21, %dma_start3A_22] : memref<4x2x8x128xf32, #tpu.memory_space<vmem>> -> memref<1x2x8x128xf32, #tpu.memory_space<vmem>>
    %dma_start3A_24 = tpu.memref_squeeze %dma_start3A_23 : memref<1x2x8x128xf32, #tpu.memory_space<vmem>> -> memref<2x8x128xf32, #tpu.memory_space<vmem>>
    %dma_start3A_25 = arith.constant 0 : i32
    %dma_start3A_26 = arith.constant 0 : i32
    %dma_start3A_27 = tpu.memref_slice %arg5[%add3A_18, %dma_start3A_25, %dma_start3A_26] : memref<8192x8x128xf32, #tpu.memory_space<hbm>> -> memref<2x8x128xf32, #tpu.memory_space<hbm>>
    %dma_start3A_28 = arith.constant 0 : i32
    %dma_start3A_29 = arith.constant 0 : i32
    %dma_start3A_30 = arith.constant 0 : i32
    %dma_start3A_31 = tpu.memref_slice %arg10[%dma_start3A_19, %dma_start3A_28, %dma_start3A_29, %dma_start3A_30] : memref<4x2x8x128xf32, #tpu.memory_space<vmem>> -> memref<1x2x8x128xf32, #tpu.memory_space<vmem>>
    %dma_start3A_32 = tpu.memref_squeeze %dma_start3A_31 : memref<1x2x8x128xf32, #tpu.memory_space<vmem>> -> memref<2x8x128xf32, #tpu.memory_space<vmem>>
    %dma_start3A_33 = arith.constant 0 : i32
    %dma_start3A_34 = arith.constant 0 : i32
    %dma_start3A_35 = tpu.memref_slice %arg5[%add3A_18, %dma_start3A_33, %dma_start3A_34] : memref<8192x8x128xf32, #tpu.memory_space<hbm>> -> memref<2x8x128xf32, #tpu.memory_space<hbm>>
    tpu.enqueue_dma source(%dma_start3A_35 : memref<2x8x128xf32, #tpu.memory_space<hbm>>) target(%dma_start3A_32 : memref<2x8x128xf32, #tpu.memory_space<vmem>>) target_semaphore(%arg16 : memref<!tpu.dma_semaphore, #tpu.memory_space<semaphore_mem>>)
    %multiple_of3A_36 = arith.constant 8 : i32
    %multiple_of3A_37 = tpu.assume_multiple %multiple_of3A_36, 8 : i32
    %dma_start3A_38 = arith.constant 1 : i32
    %dma_start3A_39 = arith.constant 0 : i32
    %dma_start3A_40 = arith.constant 0 : i32
    %dma_start3A_41 = arith.constant 0 : i32
    %dma_start3A_42 = tpu.memref_slice %arg9[%dma_start3A_38, %dma_start3A_39, %dma_start3A_40, %dma_start3A_41] : memref<4x8x8x128xf32, #tpu.memory_space<vmem>> -> memref<1x8x8x128xf32, #tpu.memory_space<vmem>>
    %dma_start3A_43 = tpu.memref_squeeze %dma_start3A_42 : memref<1x8x8x128xf32, #tpu.memory_space<vmem>> -> memref<8x8x128xf32, #tpu.memory_space<vmem>>
    %dma_start3A_44 = tpu.memref_slice %arg7[%multiple_of3A_37] : memref<1024xi32, #tpu.memory_space<vmem>> -> memref<8xi32, #tpu.memory_space<vmem>>
    %dma_start3A_45 = arith.constant 0 : i32
    %dma_start3A_46 = arith.constant 0 : i32
    %dma_start3A_47 = arith.constant 0 : i32
    %dma_start3A_48 = tpu.memref_slice %arg2[%dma_start3A_45, %dma_start3A_46, %dma_start3A_47] : memref<512x8x128xf32, #tpu.memory_space<hbm>> -> memref<512x8x128xf32, #tpu.memory_space<hbm>>
    tpu.enqueue_indirect_dma source(%dma_start3A_48 : memref<512x8x128xf32, #tpu.memory_space<hbm>>) target(%dma_start3A_43 : memref<8x8x128xf32, #tpu.memory_space<vmem>>) offsets(%dma_start3A_44 : memref<8xi32, #tpu.memory_space<vmem>>) semaphore(%arg13 : memref<!tpu.dma_semaphore, #tpu.memory_space<semaphore_mem>>)
    %add3A_49 = arith.constant 2 : i32
    %add3A_50 = arith.addi %mul3A_2, %add3A_49 : i32
    %dma_start3A_51 = arith.constant 1 : i32
    %dma_start3A_52 = arith.constant 0 : i32
    %dma_start3A_53 = arith.constant 0 : i32
    %dma_start3A_54 = arith.constant 0 : i32
    %dma_start3A_55 = tpu.memref_slice %arg10[%dma_start3A_51, %dma_start3A_52, %dma_start3A_53, %dma_start3A_54] : memref<4x2x8x128xf32, #tpu.memory_space<vmem>> -> memref<1x2x8x128xf32, #tpu.memory_space<vmem>>
    %dma_start3A_56 = tpu.memref_squeeze %dma_start3A_55 : memref<1x2x8x128xf32, #tpu.memory_space<vmem>> -> memref<2x8x128xf32, #tpu.memory_space<vmem>>
    %dma_start3A_57 = arith.constant 0 : i32
    %dma_start3A_58 = arith.constant 0 : i32
    %dma_start3A_59 = tpu.memref_slice %arg5[%add3A_50, %dma_start3A_57, %dma_start3A_58] : memref<8192x8x128xf32, #tpu.memory_space<hbm>> -> memref<2x8x128xf32, #tpu.memory_space<hbm>>
    %dma_start3A_60 = arith.constant 0 : i32
    %dma_start3A_61 = arith.constant 0 : i32
    %dma_start3A_62 = arith.constant 0 : i32
    %dma_start3A_63 = tpu.memref_slice %arg10[%dma_start3A_51, %dma_start3A_60, %dma_start3A_61, %dma_start3A_62] : memref<4x2x8x128xf32, #tpu.memory_space<vmem>> -> memref<1x2x8x128xf32, #tpu.memory_space<vmem>>
    %dma_start3A_64 = tpu.memref_squeeze %dma_start3A_63 : memref<1x2x8x128xf32, #tpu.memory_space<vmem>> -> memref<2x8x128xf32, #tpu.memory_space<vmem>>
    %dma_start3A_65 = arith.constant 0 : i32
    %dma_start3A_66 = arith.constant 0 : i32
    %dma_start3A_67 = tpu.memref_slice %arg5[%add3A_50, %dma_start3A_65, %dma_start3A_66] : memref<8192x8x128xf32, #tpu.memory_space<hbm>> -> memref<2x8x128xf32, #tpu.memory_space<hbm>>
    tpu.enqueue_dma source(%dma_start3A_67 : memref<2x8x128xf32, #tpu.memory_space<hbm>>) target(%dma_start3A_64 : memref<2x8x128xf32, #tpu.memory_space<vmem>>) target_semaphore(%arg17 : memref<!tpu.dma_semaphore, #tpu.memory_space<semaphore_mem>>)
    %multiple_of3A_68 = arith.constant 16 : i32
    %multiple_of3A_69 = tpu.assume_multiple %multiple_of3A_68, 8 : i32
    %dma_start3A_70 = arith.constant 2 : i32
    %dma_start3A_71 = arith.constant 0 : i32
    %dma_start3A_72 = arith.constant 0 : i32
    %dma_start3A_73 = arith.constant 0 : i32
    %dma_start3A_74 = tpu.memref_slice %arg9[%dma_start3A_70, %dma_start3A_71, %dma_start3A_72, %dma_start3A_73] : memref<4x8x8x128xf32, #tpu.memory_space<vmem>> -> memref<1x8x8x128xf32, #tpu.memory_space<vmem>>
    %dma_start3A_75 = tpu.memref_squeeze %dma_start3A_74 : memref<1x8x8x128xf32, #tpu.memory_space<vmem>> -> memref<8x8x128xf32, #tpu.memory_space<vmem>>
    %dma_start3A_76 = tpu.memref_slice %arg7[%multiple_of3A_69] : memref<1024xi32, #tpu.memory_space<vmem>> -> memref<8xi32, #tpu.memory_space<vmem>>
    %dma_start3A_77 = arith.constant 0 : i32
    %dma_start3A_78 = arith.constant 0 : i32
    %dma_start3A_79 = arith.constant 0 : i32
    %dma_start3A_80 = tpu.memref_slice %arg2[%dma_start3A_77, %dma_start3A_78, %dma_start3A_79] : memref<512x8x128xf32, #tpu.memory_space<hbm>> -> memref<512x8x128xf32, #tpu.memory_space<hbm>>
    tpu.enqueue_indirect_dma source(%dma_start3A_80 : memref<512x8x128xf32, #tpu.memory_space<hbm>>) target(%dma_start3A_75 : memref<8x8x128xf32, #tpu.memory_space<vmem>>) offsets(%dma_start3A_76 : memref<8xi32, #tpu.memory_space<vmem>>) semaphore(%arg14 : memref<!tpu.dma_semaphore, #tpu.memory_space<semaphore_mem>>)
    %add3A_81 = arith.constant 4 : i32
    %add3A_82 = arith.addi %mul3A_2, %add3A_81 : i32
    %dma_start3A_83 = arith.constant 2 : i32
    %dma_start3A_84 = arith.constant 0 : i32
    %dma_start3A_85 = arith.constant 0 : i32
    %dma_start3A_86 = arith.constant 0 : i32
    %dma_start3A_87 = tpu.memref_slice %arg10[%dma_start3A_83, %dma_start3A_84, %dma_start3A_85, %dma_start3A_86] : memref<4x2x8x128xf32, #tpu.memory_space<vmem>> -> memref<1x2x8x128xf32, #tpu.memory_space<vmem>>
    %dma_start3A_88 = tpu.memref_squeeze %dma_start3A_87 : memref<1x2x8x128xf32, #tpu.memory_space<vmem>> -> memref<2x8x128xf32, #tpu.memory_space<vmem>>
    %dma_start3A_89 = arith.constant 0 : i32
    %dma_start3A_90 = arith.constant 0 : i32
    %dma_start3A_91 = tpu.memref_slice %arg5[%add3A_82, %dma_start3A_89, %dma_start3A_90] : memref<8192x8x128xf32, #tpu.memory_space<hbm>> -> memref<2x8x128xf32, #tpu.memory_space<hbm>>
    %dma_start3A_92 = arith.constant 0 : i32
    %dma_start3A_93 = arith.constant 0 : i32
    %dma_start3A_94 = arith.constant 0 : i32
    %dma_start3A_95 = tpu.memref_slice %arg10[%dma_start3A_83, %dma_start3A_92, %dma_start3A_93, %dma_start3A_94] : memref<4x2x8x128xf32, #tpu.memory_space<vmem>> -> memref<1x2x8x128xf32, #tpu.memory_space<vmem>>
    %dma_start3A_96 = tpu.memref_squeeze %dma_start3A_95 : memref<1x2x8x128xf32, #tpu.memory_space<vmem>> -> memref<2x8x128xf32, #tpu.memory_space<vmem>>
    %dma_start3A_97 = arith.constant 0 : i32
    %dma_start3A_98 = arith.constant 0 : i32
    %dma_start3A_99 = tpu.memref_slice %arg5[%add3A_82, %dma_start3A_97, %dma_start3A_98] : memref<8192x8x128xf32, #tpu.memory_space<hbm>> -> memref<2x8x128xf32, #tpu.memory_space<hbm>>
    tpu.enqueue_dma source(%dma_start3A_99 : memref<2x8x128xf32, #tpu.memory_space<hbm>>) target(%dma_start3A_96 : memref<2x8x128xf32, #tpu.memory_space<vmem>>) target_semaphore(%arg18 : memref<!tpu.dma_semaphore, #tpu.memory_space<semaphore_mem>>)
    %multiple_of3A_100 = arith.constant 24 : i32
    %multiple_of3A_101 = tpu.assume_multiple %multiple_of3A_100, 8 : i32
    %dma_start3A_102 = arith.constant 3 : i32
    %dma_start3A_103 = arith.constant 0 : i32
    %dma_start3A_104 = arith.constant 0 : i32
    %dma_start3A_105 = arith.constant 0 : i32
    %dma_start3A_106 = tpu.memref_slice %arg9[%dma_start3A_102, %dma_start3A_103, %dma_start3A_104, %dma_start3A_105] : memref<4x8x8x128xf32, #tpu.memory_space<vmem>> -> memref<1x8x8x128xf32, #tpu.memory_space<vmem>>
    %dma_start3A_107 = tpu.memref_squeeze %dma_start3A_106 : memref<1x8x8x128xf32, #tpu.memory_space<vmem>> -> memref<8x8x128xf32, #tpu.memory_space<vmem>>
    %dma_start3A_108 = tpu.memref_slice %arg7[%multiple_of3A_101] : memref<1024xi32, #tpu.memory_space<vmem>> -> memref<8xi32, #tpu.memory_space<vmem>>
    %dma_start3A_109 = arith.constant 0 : i32
    %dma_start3A_110 = arith.constant 0 : i32
    %dma_start3A_111 = arith.constant 0 : i32
    %dma_start3A_112 = tpu.memref_slice %arg2[%dma_start3A_109, %dma_start3A_110, %dma_start3A_111] : memref<512x8x128xf32, #tpu.memory_space<hbm>> -> memref<512x8x128xf32, #tpu.memory_space<hbm>>
    tpu.enqueue_indirect_dma source(%dma_start3A_112 : memref<512x8x128xf32, #tpu.memory_space<hbm>>) target(%dma_start3A_107 : memref<8x8x128xf32, #tpu.memory_space<vmem>>) offsets(%dma_start3A_108 : memref<8xi32, #tpu.memory_space<vmem>>) semaphore(%arg15 : memref<!tpu.dma_semaphore, #tpu.memory_space<semaphore_mem>>)
    %add3A_113 = arith.constant 6 : i32
    %add3A_114 = arith.addi %mul3A_2, %add3A_113 : i32
    %dma_start3A_115 = arith.constant 3 : i32
    %dma_start3A_116 = arith.constant 0 : i32
    %dma_start3A_117 = arith.constant 0 : i32
    %dma_start3A_118 = arith.constant 0 : i32
    %dma_start3A_119 = tpu.memref_slice %arg10[%dma_start3A_115, %dma_start3A_116, %dma_start3A_117, %dma_start3A_118] : memref<4x2x8x128xf32, #tpu.memory_space<vmem>> -> memref<1x2x8x128xf32, #tpu.memory_space<vmem>>
    %dma_start3A_120 = tpu.memref_squeeze %dma_start3A_119 : memref<1x2x8x128xf32, #tpu.memory_space<vmem>> -> memref<2x8x128xf32, #tpu.memory_space<vmem>>
    %dma_start3A_121 = arith.constant 0 : i32
    %dma_start3A_122 = arith.constant 0 : i32
    %dma_start3A_123 = tpu.memref_slice %arg5[%add3A_114, %dma_start3A_121, %dma_start3A_122] : memref<8192x8x128xf32, #tpu.memory_space<hbm>> -> memref<2x8x128xf32, #tpu.memory_space<hbm>>
    %dma_start3A_124 = arith.constant 0 : i32
    %dma_start3A_125 = arith.constant 0 : i32
    %dma_start3A_126 = arith.constant 0 : i32
    %dma_start3A_127 = tpu.memref_slice %arg10[%dma_start3A_115, %dma_start3A_124, %dma_start3A_125, %dma_start3A_126] : memref<4x2x8x128xf32, #tpu.memory_space<vmem>> -> memref<1x2x8x128xf32, #tpu.memory_space<vmem>>
    %dma_start3A_128 = tpu.memref_squeeze %dma_start3A_127 : memref<1x2x8x128xf32, #tpu.memory_space<vmem>> -> memref<2x8x128xf32, #tpu.memory_space<vmem>>
    %dma_start3A_129 = arith.constant 0 : i32
    %dma_start3A_130 = arith.constant 0 : i32
    %dma_start3A_131 = tpu.memref_slice %arg5[%add3A_114, %dma_start3A_129, %dma_start3A_130] : memref<8192x8x128xf32, #tpu.memory_space<hbm>> -> memref<2x8x128xf32, #tpu.memory_space<hbm>>
    tpu.enqueue_dma source(%dma_start3A_131 : memref<2x8x128xf32, #tpu.memory_space<hbm>>) target(%dma_start3A_128 : memref<2x8x128xf32, #tpu.memory_space<vmem>>) target_semaphore(%arg19 : memref<!tpu.dma_semaphore, #tpu.memory_space<semaphore_mem>>)
    %scan3A = arith.constant 0 : i32
    %scan3A_132 = arith.constant 0 : i32
    %scan3A_133 = arith.constant 32 : i32
    %scan3A_134 = arith.addi %scan3A_132, %scan3A_133 : i32
    %scan3A_135 = arith.constant 1 : i32
    scf.for %scan3A_212 = %scan3A_132 to %scan3A_134 step %scan3A_135  : i32 {
      %mul3A_213 = arith.constant 4 : i32
      %mul3A_214 = arith.muli %scan3A_212, %mul3A_213 : i32
      %add3A_215 = arith.constant 0 : i32
      %add3A_216 = arith.addi %mul3A_214, %add3A_215 : i32
      %mul3A_217 = arith.constant 8 : i32
      %mul3A_218 = arith.muli %add3A_216, %mul3A_217 : i32
      %multiple_of3A_219 = tpu.assume_multiple %mul3A_218, 8 : i32
      %dma_wait3A_220 = arith.constant 0 : i32
      %dma_wait3A_221 = arith.constant 0 : i32
      %dma_wait3A_222 = arith.constant 0 : i32
      %dma_wait3A_223 = arith.constant 0 : i32
      %dma_wait3A_224 = tpu.memref_slice %arg9[%dma_wait3A_220, %dma_wait3A_221, %dma_wait3A_222, %dma_wait3A_223] : memref<4x8x8x128xf32, #tpu.memory_space<vmem>> -> memref<1x8x8x128xf32, #tpu.memory_space<vmem>>
      %dma_wait3A_225 = tpu.memref_squeeze %dma_wait3A_224 : memref<1x8x8x128xf32, #tpu.memory_space<vmem>> -> memref<8x8x128xf32, #tpu.memory_space<vmem>>
      %dma_wait3A_226 = tpu.memref_slice %arg7[%multiple_of3A_219] : memref<1024xi32, #tpu.memory_space<vmem>> -> memref<8xi32, #tpu.memory_space<vmem>>
      %dma_wait3A_227 = arith.constant 0 : i32
      %dma_wait3A_228 = arith.constant 0 : i32
      %dma_wait3A_229 = arith.constant 0 : i32
      %dma_wait3A_230 = tpu.memref_slice %arg2[%dma_wait3A_227, %dma_wait3A_228, %dma_wait3A_229] : memref<512x8x128xf32, #tpu.memory_space<hbm>> -> memref<512x8x128xf32, #tpu.memory_space<hbm>>
      tpu.wait_indirect_dma semaphore(%arg12 : memref<!tpu.dma_semaphore, #tpu.memory_space<semaphore_mem>>) src(%dma_wait3A_230 : memref<512x8x128xf32, #tpu.memory_space<hbm>>) dst(%dma_wait3A_225 : memref<8x8x128xf32, #tpu.memory_space<vmem>>)
      %mul3A_231 = arith.constant 2 : i32
      %mul3A_232 = arith.muli %add3A_216, %mul3A_231 : i32
      %add3A_233 = arith.addi %mul3A_2, %mul3A_232 : i32
      %dma_wait3A_234 = arith.constant 0 : i32
      %dma_wait3A_235 = arith.constant 0 : i32
      %dma_wait3A_236 = arith.constant 0 : i32
      %dma_wait3A_237 = arith.constant 0 : i32
      %dma_wait3A_238 = tpu.memref_slice %arg10[%dma_wait3A_234, %dma_wait3A_235, %dma_wait3A_236, %dma_wait3A_237] : memref<4x2x8x128xf32, #tpu.memory_space<vmem>> -> memref<1x2x8x128xf32, #tpu.memory_space<vmem>>
      %dma_wait3A_239 = tpu.memref_squeeze %dma_wait3A_238 : memref<1x2x8x128xf32, #tpu.memory_space<vmem>> -> memref<2x8x128xf32, #tpu.memory_space<vmem>>
      %dma_wait3A_240 = arith.constant 0 : i32
      %dma_wait3A_241 = arith.constant 0 : i32
      %dma_wait3A_242 = tpu.memref_slice %arg5[%add3A_233, %dma_wait3A_240, %dma_wait3A_241] : memref<8192x8x128xf32, #tpu.memory_space<hbm>> -> memref<2x8x128xf32, #tpu.memory_space<hbm>>
      %dma_wait3A_243 = arith.constant 0 : i32
      %dma_wait3A_244 = arith.constant 0 : i32
      %dma_wait3A_245 = arith.constant 0 : i32
      %dma_wait3A_246 = tpu.memref_slice %arg10[%dma_wait3A_234, %dma_wait3A_243, %dma_wait3A_244, %dma_wait3A_245] : memref<4x2x8x128xf32, #tpu.memory_space<vmem>> -> memref<1x2x8x128xf32, #tpu.memory_space<vmem>>
      %dma_wait3A_247 = tpu.memref_squeeze %dma_wait3A_246 : memref<1x2x8x128xf32, #tpu.memory_space<vmem>> -> memref<2x8x128xf32, #tpu.memory_space<vmem>>
      %dma_wait3A_248 = arith.constant 0 : i32
      %dma_wait3A_249 = arith.constant 0 : i32
      %dma_wait3A_250 = tpu.memref_slice %arg5[%add3A_233, %dma_wait3A_248, %dma_wait3A_249] : memref<8192x8x128xf32, #tpu.memory_space<hbm>> -> memref<2x8x128xf32, #tpu.memory_space<hbm>>
      tpu.wait_dma2 semaphore(%arg16 : memref<!tpu.dma_semaphore, #tpu.memory_space<semaphore_mem>>) src(%dma_wait3A_250 : memref<2x8x128xf32, #tpu.memory_space<hbm>>) dst(%dma_wait3A_247 : memref<2x8x128xf32, #tpu.memory_space<vmem>>)
      %ge3A = arith.constant 1 : i32
      %ge3A_251 = arith.cmpi sge, %scan3A_212, %ge3A : i32
      %convert_element_type3A = arith.extui %ge3A_251 : i1 to i32
      %cond3A = arith.constant 0 : i32
      %cond3A_252 = arith.cmpi ne, %convert_element_type3A, %cond3A : i32
      scf.if %cond3A_252 {
        %sub3A = arith.constant 4 : i32
        %sub3A_656 = arith.subi %add3A_216, %sub3A : i32
        %mul3A_657 = arith.constant 2 : i32
        %mul3A_658 = arith.muli %sub3A_656, %mul3A_657 : i32
        %add3A_659 = arith.addi %mul3A_2, %mul3A_658 : i32
        %dma_wait3A_660 = arith.constant 0 : i32
        %dma_wait3A_661 = arith.constant 0 : i32
        %dma_wait3A_662 = arith.constant 0 : i32
        %dma_wait3A_663 = arith.constant 0 : i32
        %dma_wait3A_664 = tpu.memref_slice %arg11[%dma_wait3A_660, %dma_wait3A_661, %dma_wait3A_662, %dma_wait3A_663] : memref<4x2x8x128xf32, #tpu.memory_space<vmem>> -> memref<1x2x8x128xf32, #tpu.memory_space<vmem>>
        %dma_wait3A_665 = tpu.memref_squeeze %dma_wait3A_664 : memref<1x2x8x128xf32, #tpu.memory_space<vmem>> -> memref<2x8x128xf32, #tpu.memory_space<vmem>>
        %dma_wait3A_666 = arith.constant 0 : i32
        %dma_wait3A_667 = arith.constant 0 : i32
        %dma_wait3A_668 = tpu.memref_slice %arg6[%add3A_659, %dma_wait3A_666, %dma_wait3A_667] : memref<8192x8x128xf32, #tpu.memory_space<hbm>> -> memref<2x8x128xf32, #tpu.memory_space<hbm>>
        %dma_wait3A_669 = arith.constant 0 : i32
        %dma_wait3A_670 = arith.constant 0 : i32
        %dma_wait3A_671 = tpu.memref_slice %arg6[%add3A_659, %dma_wait3A_669, %dma_wait3A_670] : memref<8192x8x128xf32, #tpu.memory_space<hbm>> -> memref<2x8x128xf32, #tpu.memory_space<hbm>>
        %dma_wait3A_672 = arith.constant 0 : i32
        %dma_wait3A_673 = arith.constant 0 : i32
        %dma_wait3A_674 = arith.constant 0 : i32
        %dma_wait3A_675 = tpu.memref_slice %arg11[%dma_wait3A_660, %dma_wait3A_672, %dma_wait3A_673, %dma_wait3A_674] : memref<4x2x8x128xf32, #tpu.memory_space<vmem>> -> memref<1x2x8x128xf32, #tpu.memory_space<vmem>>
        %dma_wait3A_676 = tpu.memref_squeeze %dma_wait3A_675 : memref<1x2x8x128xf32, #tpu.memory_space<vmem>> -> memref<2x8x128xf32, #tpu.memory_space<vmem>>
        tpu.wait_dma2 semaphore(%arg20 : memref<!tpu.dma_semaphore, #tpu.memory_space<semaphore_mem>>) src(%dma_wait3A_676 : memref<2x8x128xf32, #tpu.memory_space<vmem>>) dst(%dma_wait3A_671 : memref<2x8x128xf32, #tpu.memory_space<hbm>>)
      } else {
      }
      %mul3A_253 = arith.constant 2 : i32
      %mul3A_254 = arith.muli %add3A_216, %mul3A_253 : i32
      %add3A_255 = arith.constant 0 : i32
      %add3A_256 = arith.addi %mul3A_254, %add3A_255 : i32
      %get3A = arith.index_cast %add3A_256 : i32 to index
      %get3A_257 = arith.constant 0 : index
      %get3A_258 = tpu.vector_load %arg8[%get3A, %get3A_257] {strides = array<i32>} : memref<256x64xf32, #tpu.memory_space<vmem>>, vector<16xf32>,
      %get3A_259 = arith.index_cast %add3A_256 : i32 to index
      %get3A_260 = arith.constant 16 : index
      %get3A_261 = tpu.vector_load %arg8[%get3A_259, %get3A_260] {strides = array<i32>} : memref<256x64xf32, #tpu.memory_space<vmem>>, vector<16xf32>,
      %get3A_262 = arith.index_cast %add3A_256 : i32 to index
      %get3A_263 = arith.constant 32 : index
      %get3A_264 = tpu.vector_load %arg8[%get3A_262, %get3A_263] {strides = array<i32>} : memref<256x64xf32, #tpu.memory_space<vmem>>, vector<16xf32>,
      %get3A_265 = arith.index_cast %add3A_256 : i32 to index
      %get3A_266 = arith.constant 48 : index
      %get3A_267 = tpu.vector_load %arg8[%get3A_265, %get3A_266] {strides = array<i32>} : memref<256x64xf32, #tpu.memory_space<vmem>>, vector<16xf32>,
      %scan3A_268 = arith.constant 0 : i32
      %scan3A_269 = arith.constant 0 : i32
      %scan3A_270 = arith.constant 8 : i32
      %scan3A_271 = arith.addi %scan3A_269, %scan3A_270 : i32
      %scan3A_272 = arith.constant 1 : i32
      scf.for %scan3A_656 = %scan3A_269 to %scan3A_271 step %scan3A_272  : i32 {
        %get3A_657 = arith.constant 0 : i32
        %get3A_658 = arith.constant 0 : i32
        %get3A_659 = arith.index_cast %get3A_657 : i32 to index
        %get3A_660 = arith.index_cast %get3A_658 : i32 to index
        %get3A_661 = arith.index_cast %scan3A_656 : i32 to index
        %get3A_662 = arith.constant 0 : index
        %get3A_663 = tpu.vector_load %arg9[%get3A_659, %get3A_660, %get3A_661, %get3A_662] {strides = array<i32>} : memref<4x8x8x128xf32, #tpu.memory_space<vmem>>, vector<16xf32>,
        %mul3A_664 = arith.mulf %get3A_258, %get3A_663 : vector<16xf32>
        %get3A_665 = arith.constant 0 : i32
        %get3A_666 = arith.constant 1 : i32
        %get3A_667 = arith.index_cast %get3A_665 : i32 to index
        %get3A_668 = arith.index_cast %get3A_666 : i32 to index
        %get3A_669 = arith.index_cast %scan3A_656 : i32 to index
        %get3A_670 = arith.constant 0 : index
        %get3A_671 = tpu.vector_load %arg9[%get3A_667, %get3A_668, %get3A_669, %get3A_670] {strides = array<i32>} : memref<4x8x8x128xf32, #tpu.memory_space<vmem>>, vector<16xf32>,
        %mul3A_672 = arith.mulf %get3A_261, %get3A_671 : vector<16xf32>
        %get3A_673 = arith.constant 0 : i32
        %get3A_674 = arith.constant 2 : i32
        %get3A_675 = arith.index_cast %get3A_673 : i32 to index
        %get3A_676 = arith.index_cast %get3A_674 : i32 to index
        %get3A_677 = arith.index_cast %scan3A_656 : i32 to index
        %get3A_678 = arith.constant 0 : index
        %get3A_679 = tpu.vector_load %arg9[%get3A_675, %get3A_676, %get3A_677, %get3A_678] {strides = array<i32>} : memref<4x8x8x128xf32, #tpu.memory_space<vmem>>, vector<16xf32>,
        %mul3A_680 = arith.mulf %get3A_264, %get3A_679 : vector<16xf32>
        %get3A_681 = arith.constant 0 : i32
        %get3A_682 = arith.constant 3 : i32
        %get3A_683 = arith.index_cast %get3A_681 : i32 to index
        %get3A_684 = arith.index_cast %get3A_682 : i32 to index
        %get3A_685 = arith.index_cast %scan3A_656 : i32 to index
        %get3A_686 = arith.constant 0 : index
        %get3A_687 = tpu.vector_load %arg9[%get3A_683, %get3A_684, %get3A_685, %get3A_686] {strides = array<i32>} : memref<4x8x8x128xf32, #tpu.memory_space<vmem>>, vector<16xf32>,
        %mul3A_688 = arith.mulf %get3A_267, %get3A_687 : vector<16xf32>
        %get3A_689 = arith.constant 0 : i32
        %get3A_690 = arith.constant 0 : i32
        %get3A_691 = arith.index_cast %get3A_689 : i32 to index
        %get3A_692 = arith.index_cast %get3A_690 : i32 to index
        %get3A_693 = arith.index_cast %scan3A_656 : i32 to index
        %get3A_694 = arith.constant 0 : index
        %get3A_695 = tpu.vector_load %arg10[%get3A_691, %get3A_692, %get3A_693, %get3A_694] {strides = array<i32>} : memref<4x2x8x128xf32, #tpu.memory_space<vmem>>, vector<16xf32>,
        %add3A_696 = arith.addf %mul3A_664, %mul3A_672 : vector<16xf32>
        %add3A_697 = arith.addf %mul3A_680, %mul3A_688 : vector<16xf32>
        %add3A_698 = arith.addf %add3A_696, %add3A_697 : vector<16xf32>
        %add3A_699 = arith.addf %add3A_698, %get3A_695 : vector<16xf32>
        %swap3A = arith.constant 0 : i32
        %swap3A_700 = arith.constant 0 : i32
        %swap3A_701 = arith.index_cast %swap3A : i32 to index
        %swap3A_702 = arith.index_cast %swap3A_700 : i32 to index
        %swap3A_703 = arith.index_cast %scan3A_656 : i32 to index
        %swap3A_704 = arith.constant 0 : index
        %swap3A_705 = tpu.vector_load %arg11[%swap3A_701, %swap3A_702, %swap3A_703, %swap3A_704] {strides = array<i32>} : memref<4x2x8x128xf32, #tpu.memory_space<vmem>>, vector<16xf32>,
        tpu.vector_store %arg11[%swap3A_701, %swap3A_702, %swap3A_703, %swap3A_704], %add3A_699 {strides = array<i32>} : memref<4x2x8x128xf32, #tpu.memory_space<vmem>>, vector<16xf32>,
        %get3A_706 = arith.constant 0 : i32
        %get3A_707 = arith.constant 0 : i32
        %get3A_708 = arith.index_cast %get3A_706 : i32 to index
        %get3A_709 = arith.index_cast %get3A_707 : i32 to index
        %get3A_710 = arith.index_cast %scan3A_656 : i32 to index
        %get3A_711 = arith.constant 16 : index
        %get3A_712 = tpu.vector_load %arg9[%get3A_708, %get3A_709, %get3A_710, %get3A_711] {strides = array<i32>} : memref<4x8x8x128xf32, #tpu.memory_space<vmem>>, vector<16xf32>,
        %mul3A_713 = arith.mulf %get3A_258, %get3A_712 : vector<16xf32>
        %get3A_714 = arith.constant 0 : i32
        %get3A_715 = arith.constant 1 : i32
        %get3A_716 = arith.index_cast %get3A_714 : i32 to index
        %get3A_717 = arith.index_cast %get3A_715 : i32 to index
        %get3A_718 = arith.index_cast %scan3A_656 : i32 to index
        %get3A_719 = arith.constant 16 : index
        %get3A_720 = tpu.vector_load %arg9[%get3A_716, %get3A_717, %get3A_718, %get3A_719] {strides = array<i32>} : memref<4x8x8x128xf32, #tpu.memory_space<vmem>>, vector<16xf32>,
        %mul3A_721 = arith.mulf %get3A_261, %get3A_720 : vector<16xf32>
        %get3A_722 = arith.constant 0 : i32
        %get3A_723 = arith.constant 2 : i32
        %get3A_724 = arith.index_cast %get3A_722 : i32 to index
        %get3A_725 = arith.index_cast %get3A_723 : i32 to index
        %get3A_726 = arith.index_cast %scan3A_656 : i32 to index
        %get3A_727 = arith.constant 16 : index
        %get3A_728 = tpu.vector_load %arg9[%get3A_724, %get3A_725, %get3A_726, %get3A_727] {strides = array<i32>} : memref<4x8x8x128xf32, #tpu.memory_space<vmem>>, vector<16xf32>,
        %mul3A_729 = arith.mulf %get3A_264, %get3A_728 : vector<16xf32>
        %get3A_730 = arith.constant 0 : i32
        %get3A_731 = arith.constant 3 : i32
        %get3A_732 = arith.index_cast %get3A_730 : i32 to index
        %get3A_733 = arith.index_cast %get3A_731 : i32 to index
        %get3A_734 = arith.index_cast %scan3A_656 : i32 to index
        %get3A_735 = arith.constant 16 : index
        %get3A_736 = tpu.vector_load %arg9[%get3A_732, %get3A_733, %get3A_734, %get3A_735] {strides = array<i32>} : memref<4x8x8x128xf32, #tpu.memory_space<vmem>>, vector<16xf32>,
        %mul3A_737 = arith.mulf %get3A_267, %get3A_736 : vector<16xf32>
        %get3A_738 = arith.constant 0 : i32
        %get3A_739 = arith.constant 0 : i32
        %get3A_740 = arith.index_cast %get3A_738 : i32 to index
        %get3A_741 = arith.index_cast %get3A_739 : i32 to index
        %get3A_742 = arith.index_cast %scan3A_656 : i32 to index
        %get3A_743 = arith.constant 16 : index
        %get3A_744 = tpu.vector_load %arg10[%get3A_740, %get3A_741, %get3A_742, %get3A_743] {strides = array<i32>} : memref<4x2x8x128xf32, #tpu.memory_space<vmem>>, vector<16xf32>,
        %add3A_745 = arith.addf %mul3A_713, %mul3A_721 : vector<16xf32>
        %add3A_746 = arith.addf %mul3A_729, %mul3A_737 : vector<16xf32>
        %add3A_747 = arith.addf %add3A_745, %add3A_746 : vector<16xf32>
        %add3A_748 = arith.addf %add3A_747, %get3A_744 : vector<16xf32>
        %swap3A_749 = arith.constant 0 : i32
        %swap3A_750 = arith.constant 0 : i32
        %swap3A_751 = arith.index_cast %swap3A_749 : i32 to index
        %swap3A_752 = arith.index_cast %swap3A_750 : i32 to index
        %swap3A_753 = arith.index_cast %scan3A_656 : i32 to index
        %swap3A_754 = arith.constant 16 : index
        %swap3A_755 = tpu.vector_load %arg11[%swap3A_751, %swap3A_752, %swap3A_753, %swap3A_754] {strides = array<i32>} : memref<4x2x8x128xf32, #tpu.memory_space<vmem>>, vector<16xf32>,
        tpu.vector_store %arg11[%swap3A_751, %swap3A_752, %swap3A_753, %swap3A_754], %add3A_748 {strides = array<i32>} : memref<4x2x8x128xf32, #tpu.memory_space<vmem>>, vector<16xf32>,
        %get3A_756 = arith.constant 0 : i32
        %get3A_757 = arith.constant 0 : i32
        %get3A_758 = arith.index_cast %get3A_756 : i32 to index
        %get3A_759 = arith.index_cast %get3A_757 : i32 to index
        %get3A_760 = arith.index_cast %scan3A_656 : i32 to index
        %get3A_761 = arith.constant 32 : index
        %get3A_762 = tpu.vector_load %arg9[%get3A_758, %get3A_759, %get3A_760, %get3A_761] {strides = array<i32>} : memref<4x8x8x128xf32, #tpu.memory_space<vmem>>, vector<16xf32>,
        %mul3A_763 = arith.mulf %get3A_258, %get3A_762 : vector<16xf32>
        %get3A_764 = arith.constant 0 : i32
        %get3A_765 = arith.constant 1 : i32
        %get3A_766 = arith.index_cast %get3A_764 : i32 to index
        %get3A_767 = arith.index_cast %get3A_765 : i32 to index
        %get3A_768 = arith.index_cast %scan3A_656 : i32 to index
        %get3A_769 = arith.constant 32 : index
        %get3A_770 = tpu.vector_load %arg9[%get3A_766, %get3A_767, %get3A_768, %get3A_769] {strides = array<i32>} : memref<4x8x8x128xf32, #tpu.memory_space<vmem>>, vector<16xf32>,
        %mul3A_771 = arith.mulf %get3A_261, %get3A_770 : vector<16xf32>
        %get3A_772 = arith.constant 0 : i32
        %get3A_773 = arith.constant 2 : i32
        %get3A_774 = arith.index_cast %get3A_772 : i32 to index
        %get3A_775 = arith.index_cast %get3A_773 : i32 to index
        %get3A_776 = arith.index_cast %scan3A_656 : i32 to index
        %get3A_777 = arith.constant 32 : index
        %get3A_778 = tpu.vector_load %arg9[%get3A_774, %get3A_775, %get3A_776, %get3A_777] {strides = array<i32>} : memref<4x8x8x128xf32, #tpu.memory_space<vmem>>, vector<16xf32>,
        %mul3A_779 = arith.mulf %get3A_264, %get3A_778 : vector<16xf32>
        %get3A_780 = arith.constant 0 : i32
        %get3A_781 = arith.constant 3 : i32
        %get3A_782 = arith.index_cast %get3A_780 : i32 to index
        %get3A_783 = arith.index_cast %get3A_781 : i32 to index
        %get3A_784 = arith.index_cast %scan3A_656 : i32 to index
        %get3A_785 = arith.constant 32 : index
        %get3A_786 = tpu.vector_load %arg9[%get3A_782, %get3A_783, %get3A_784, %get3A_785] {strides = array<i32>} : memref<4x8x8x128xf32, #tpu.memory_space<vmem>>, vector<16xf32>,
        %mul3A_787 = arith.mulf %get3A_267, %get3A_786 : vector<16xf32>
        %get3A_788 = arith.constant 0 : i32
        %get3A_789 = arith.constant 0 : i32
        %get3A_790 = arith.index_cast %get3A_788 : i32 to index
        %get3A_791 = arith.index_cast %get3A_789 : i32 to index
        %get3A_792 = arith.index_cast %scan3A_656 : i32 to index
        %get3A_793 = arith.constant 32 : index
        %get3A_794 = tpu.vector_load %arg10[%get3A_790, %get3A_791, %get3A_792, %get3A_793] {strides = array<i32>} : memref<4x2x8x128xf32, #tpu.memory_space<vmem>>, vector<16xf32>,
        %add3A_795 = arith.addf %mul3A_763, %mul3A_771 : vector<16xf32>
        %add3A_796 = arith.addf %mul3A_779, %mul3A_787 : vector<16xf32>
        %add3A_797 = arith.addf %add3A_795, %add3A_796 : vector<16xf32>
        %add3A_798 = arith.addf %add3A_797, %get3A_794 : vector<16xf32>
        %swap3A_799 = arith.constant 0 : i32
        %swap3A_800 = arith.constant 0 : i32
        %swap3A_801 = arith.index_cast %swap3A_799 : i32 to index
        %swap3A_802 = arith.index_cast %swap3A_800 : i32 to index
        %swap3A_803 = arith.index_cast %scan3A_656 : i32 to index
        %swap3A_804 = arith.constant 32 : index
        %swap3A_805 = tpu.vector_load %arg11[%swap3A_801, %swap3A_802, %swap3A_803, %swap3A_804] {strides = array<i32>} : memref<4x2x8x128xf32, #tpu.memory_space<vmem>>, vector<16xf32>,
        tpu.vector_store %arg11[%swap3A_801, %swap3A_802, %swap3A_803, %swap3A_804], %add3A_798 {strides = array<i32>} : memref<4x2x8x128xf32, #tpu.memory_space<vmem>>, vector<16xf32>,
        %get3A_806 = arith.constant 0 : i32
        %get3A_807 = arith.constant 0 : i32
        %get3A_808 = arith.index_cast %get3A_806 : i32 to index
        %get3A_809 = arith.index_cast %get3A_807 : i32 to index
        %get3A_810 = arith.index_cast %scan3A_656 : i32 to index
        %get3A_811 = arith.constant 48 : index
        %get3A_812 = tpu.vector_load %arg9[%get3A_808, %get3A_809, %get3A_810, %get3A_811] {strides = array<i32>} : memref<4x8x8x128xf32, #tpu.memory_space<vmem>>, vector<16xf32>,
        %mul3A_813 = arith.mulf %get3A_258, %get3A_812 : vector<16xf32>
        %get3A_814 = arith.constant 0 : i32
        %get3A_815 = arith.constant 1 : i32
        %get3A_816 = arith.index_cast %get3A_814 : i32 to index
        %get3A_817 = arith.index_cast %get3A_815 : i32 to index
        %get3A_818 = arith.index_cast %scan3A_656 : i32 to index
        %get3A_819 = arith.constant 48 : index
        %get3A_820 = tpu.vector_load %arg9[%get3A_816, %get3A_817, %get3A_818, %get3A_819] {strides = array<i32>} : memref<4x8x8x128xf32, #tpu.memory_space<vmem>>, vector<16xf32>,
        %mul3A_821 = arith.mulf %get3A_261, %get3A_820 : vector<16xf32>
        %get3A_822 = arith.constant 0 : i32
        %get3A_823 = arith.constant 2 : i32
        %get3A_824 = arith.index_cast %get3A_822 : i32 to index
        %get3A_825 = arith.index_cast %get3A_823 : i32 to index
        %get3A_826 = arith.index_cast %scan3A_656 : i32 to index
        %get3A_827 = arith.constant 48 : index
        %get3A_828 = tpu.vector_load %arg9[%get3A_824, %get3A_825, %get3A_826, %get3A_827] {strides = array<i32>} : memref<4x8x8x128xf32, #tpu.memory_space<vmem>>, vector<16xf32>,
        %mul3A_829 = arith.mulf %get3A_264, %get3A_828 : vector<16xf32>
        %get3A_830 = arith.constant 0 : i32
        %get3A_831 = arith.constant 3 : i32
        %get3A_832 = arith.index_cast %get3A_830 : i32 to index
        %get3A_833 = arith.index_cast %get3A_831 : i32 to index
        %get3A_834 = arith.index_cast %scan3A_656 : i32 to index
        %get3A_835 = arith.constant 48 : index
        %get3A_836 = tpu.vector_load %arg9[%get3A_832, %get3A_833, %get3A_834, %get3A_835] {strides = array<i32>} : memref<4x8x8x128xf32, #tpu.memory_space<vmem>>, vector<16xf32>,
        %mul3A_837 = arith.mulf %get3A_267, %get3A_836 : vector<16xf32>
        %get3A_838 = arith.constant 0 : i32
        %get3A_839 = arith.constant 0 : i32
        %get3A_840 = arith.index_cast %get3A_838 : i32 to index
        %get3A_841 = arith.index_cast %get3A_839 : i32 to index
        %get3A_842 = arith.index_cast %scan3A_656 : i32 to index
        %get3A_843 = arith.constant 48 : index
        %get3A_844 = tpu.vector_load %arg10[%get3A_840, %get3A_841, %get3A_842, %get3A_843] {strides = array<i32>} : memref<4x2x8x128xf32, #tpu.memory_space<vmem>>, vector<16xf32>,
        %add3A_845 = arith.addf %mul3A_813, %mul3A_821 : vector<16xf32>
        %add3A_846 = arith.addf %mul3A_829, %mul3A_837 : vector<16xf32>
        %add3A_847 = arith.addf %add3A_845, %add3A_846 : vector<16xf32>
        %add3A_848 = arith.addf %add3A_847, %get3A_844 : vector<16xf32>
        %swap3A_849 = arith.constant 0 : i32
        %swap3A_850 = arith.constant 0 : i32
        %swap3A_851 = arith.index_cast %swap3A_849 : i32 to index
        %swap3A_852 = arith.index_cast %swap3A_850 : i32 to index
        %swap3A_853 = arith.index_cast %scan3A_656 : i32 to index
        %swap3A_854 = arith.constant 48 : index
        %swap3A_855 = tpu.vector_load %arg11[%swap3A_851, %swap3A_852, %swap3A_853, %swap3A_854] {strides = array<i32>} : memref<4x2x8x128xf32, #tpu.memory_space<vmem>>, vector<16xf32>,
        tpu.vector_store %arg11[%swap3A_851, %swap3A_852, %swap3A_853, %swap3A_854], %add3A_848 {strides = array<i32>} : memref<4x2x8x128xf32, #tpu.memory_space<vmem>>, vector<16xf32>,
        %get3A_856 = arith.constant 0 : i32
        %get3A_857 = arith.constant 0 : i32
        %get3A_858 = arith.index_cast %get3A_856 : i32 to index
        %get3A_859 = arith.index_cast %get3A_857 : i32 to index
        %get3A_860 = arith.index_cast %scan3A_656 : i32 to index
        %get3A_861 = arith.constant 64 : index
        %get3A_862 = tpu.vector_load %arg9[%get3A_858, %get3A_859, %get3A_860, %get3A_861] {strides = array<i32>} : memref<4x8x8x128xf32, #tpu.memory_space<vmem>>, vector<16xf32>,
        %mul3A_863 = arith.mulf %get3A_258, %get3A_862 : vector<16xf32>
        %get3A_864 = arith.constant 0 : i32
        %get3A_865 = arith.constant 1 : i32
        %get3A_866 = arith.index_cast %get3A_864 : i32 to index
        %get3A_867 = arith.index_cast %get3A_865 : i32 to index
        %get3A_868 = arith.index_cast %scan3A_656 : i32 to index
        %get3A_869 = arith.constant 64 : index
        %get3A_870 = tpu.vector_load %arg9[%get3A_866, %get3A_867, %get3A_868, %get3A_869] {strides = array<i32>} : memref<4x8x8x128xf32, #tpu.memory_space<vmem>>, vector<16xf32>,
        %mul3A_871 = arith.mulf %get3A_261, %get3A_870 : vector<16xf32>
        %get3A_872 = arith.constant 0 : i32
        %get3A_873 = arith.constant 2 : i32
        %get3A_874 = arith.index_cast %get3A_872 : i32 to index
        %get3A_875 = arith.index_cast %get3A_873 : i32 to index
        %get3A_876 = arith.index_cast %scan3A_656 : i32 to index
        %get3A_877 = arith.constant 64 : index
        %get3A_878 = tpu.vector_load %arg9[%get3A_874, %get3A_875, %get3A_876, %get3A_877] {strides = array<i32>} : memref<4x8x8x128xf32, #tpu.memory_space<vmem>>, vector<16xf32>,
        %mul3A_879 = arith.mulf %get3A_264, %get3A_878 : vector<16xf32>
        %get3A_880 = arith.constant 0 : i32
        %get3A_881 = arith.constant 3 : i32
        %get3A_882 = arith.index_cast %get3A_880 : i32 to index
        %get3A_883 = arith.index_cast %get3A_881 : i32 to index
        %get3A_884 = arith.index_cast %scan3A_656 : i32 to index
        %get3A_885 = arith.constant 64 : index
        %get3A_886 = tpu.vector_load %arg9[%get3A_882, %get3A_883, %get3A_884, %get3A_885] {strides = array<i32>} : memref<4x8x8x128xf32, #tpu.memory_space<vmem>>, vector<16xf32>,
        %mul3A_887 = arith.mulf %get3A_267, %get3A_886 : vector<16xf32>
        %get3A_888 = arith.constant 0 : i32
        %get3A_889 = arith.constant 0 : i32
        %get3A_890 = arith.index_cast %get3A_888 : i32 to index
        %get3A_891 = arith.index_cast %get3A_889 : i32 to index
        %get3A_892 = arith.index_cast %scan3A_656 : i32 to index
        %get3A_893 = arith.constant 64 : index
        %get3A_894 = tpu.vector_load %arg10[%get3A_890, %get3A_891, %get3A_892, %get3A_893] {strides = array<i32>} : memref<4x2x8x128xf32, #tpu.memory_space<vmem>>, vector<16xf32>,
        %add3A_895 = arith.addf %mul3A_863, %mul3A_871 : vector<16xf32>
        %add3A_896 = arith.addf %mul3A_879, %mul3A_887 : vector<16xf32>
        %add3A_897 = arith.addf %add3A_895, %add3A_896 : vector<16xf32>
        %add3A_898 = arith.addf %add3A_897, %get3A_894 : vector<16xf32>
        %swap3A_899 = arith.constant 0 : i32
        %swap3A_900 = arith.constant 0 : i32
        %swap3A_901 = arith.index_cast %swap3A_899 : i32 to index
        %swap3A_902 = arith.index_cast %swap3A_900 : i32 to index
        %swap3A_903 = arith.index_cast %scan3A_656 : i32 to index
        %swap3A_904 = arith.constant 64 : index
        %swap3A_905 = tpu.vector_load %arg11[%swap3A_901, %swap3A_902, %swap3A_903, %swap3A_904] {strides = array<i32>} : memref<4x2x8x128xf32, #tpu.memory_space<vmem>>, vector<16xf32>,
        tpu.vector_store %arg11[%swap3A_901, %swap3A_902, %swap3A_903, %swap3A_904], %add3A_898 {strides = array<i32>} : memref<4x2x8x128xf32, #tpu.memory_space<vmem>>, vector<16xf32>,
        %get3A_906 = arith.constant 0 : i32
        %get3A_907 = arith.constant 0 : i32
        %get3A_908 = arith.index_cast %get3A_906 : i32 to index
        %get3A_909 = arith.index_cast %get3A_907 : i32 to index
        %get3A_910 = arith.index_cast %scan3A_656 : i32 to index
        %get3A_911 = arith.constant 80 : index
        %get3A_912 = tpu.vector_load %arg9[%get3A_908, %get3A_909, %get3A_910, %get3A_911] {strides = array<i32>} : memref<4x8x8x128xf32, #tpu.memory_space<vmem>>, vector<16xf32>,
        %mul3A_913 = arith.mulf %get3A_258, %get3A_912 : vector<16xf32>
        %get3A_914 = arith.constant 0 : i32
        %get3A_915 = arith.constant 1 : i32
        %get3A_916 = arith.index_cast %get3A_914 : i32 to index
        %get3A_917 = arith.index_cast %get3A_915 : i32 to index
        %get3A_918 = arith.index_cast %scan3A_656 : i32 to index
        %get3A_919 = arith.constant 80 : index
        %get3A_920 = tpu.vector_load %arg9[%get3A_916, %get3A_917, %get3A_918, %get3A_919] {strides = array<i32>} : memref<4x8x8x128xf32, #tpu.memory_space<vmem>>, vector<16xf32>,
        %mul3A_921 = arith.mulf %get3A_261, %get3A_920 : vector<16xf32>
        %get3A_922 = arith.constant 0 : i32
        %get3A_923 = arith.constant 2 : i32
        %get3A_924 = arith.index_cast %get3A_922 : i32 to index
        %get3A_925 = arith.index_cast %get3A_923 : i32 to index
        %get3A_926 = arith.index_cast %scan3A_656 : i32 to index
        %get3A_927 = arith.constant 80 : index
        %get3A_928 = tpu.vector_load %arg9[%get3A_924, %get3A_925, %get3A_926, %get3A_927] {strides = array<i32>} : memref<4x8x8x128xf32, #tpu.memory_space<vmem>>, vector<16xf32>,
        %mul3A_929 = arith.mulf %get3A_264, %get3A_928 : vector<16xf32>
        %get3A_930 = arith.constant 0 : i32
        %get3A_931 = arith.constant 3 : i32
        %get3A_932 = arith.index_cast %get3A_930 : i32 to index
        %get3A_933 = arith.index_cast %get3A_931 : i32 to index
        %get3A_934 = arith.index_cast %scan3A_656 : i32 to index
        %get3A_935 = arith.constant 80 : index
        %get3A_936 = tpu.vector_load %arg9[%get3A_932, %get3A_933, %get3A_934, %get3A_935] {strides = array<i32>} : memref<4x8x8x128xf32, #tpu.memory_space<vmem>>, vector<16xf32>,
        %mul3A_937 = arith.mulf %get3A_267, %get3A_936 : vector<16xf32>
        %get3A_938 = arith.constant 0 : i32
        %get3A_939 = arith.constant 0 : i32
        %get3A_940 = arith.index_cast %get3A_938 : i32 to index
        %get3A_941 = arith.index_cast %get3A_939 : i32 to index
        %get3A_942 = arith.index_cast %scan3A_656 : i32 to index
        %get3A_943 = arith.constant 80 : index
        %get3A_944 = tpu.vector_load %arg10[%get3A_940, %get3A_941, %get3A_942, %get3A_943] {strides = array<i32>} : memref<4x2x8x128xf32, #tpu.memory_space<vmem>>, vector<16xf32>,
        %add3A_945 = arith.addf %mul3A_913, %mul3A_921 : vector<16xf32>
        %add3A_946 = arith.addf %mul3A_929, %mul3A_937 : vector<16xf32>
        %add3A_947 = arith.addf %add3A_945, %add3A_946 : vector<16xf32>
        %add3A_948 = arith.addf %add3A_947, %get3A_944 : vector<16xf32>
        %swap3A_949 = arith.constant 0 : i32
        %swap3A_950 = arith.constant 0 : i32
        %swap3A_951 = arith.index_cast %swap3A_949 : i32 to index
        %swap3A_952 = arith.index_cast %swap3A_950 : i32 to index
        %swap3A_953 = arith.index_cast %scan3A_656 : i32 to index
        %swap3A_954 = arith.constant 80 : index
        %swap3A_955 = tpu.vector_load %arg11[%swap3A_951, %swap3A_952, %swap3A_953, %swap3A_954] {strides = array<i32>} : memref<4x2x8x128xf32, #tpu.memory_space<vmem>>, vector<16xf32>,
        tpu.vector_store %arg11[%swap3A_951, %swap3A_952, %swap3A_953, %swap3A_954], %add3A_948 {strides = array<i32>} : memref<4x2x8x128xf32, #tpu.memory_space<vmem>>, vector<16xf32>,
        %get3A_956 = arith.constant 0 : i32
        %get3A_957 = arith.constant 0 : i32
        %get3A_958 = arith.index_cast %get3A_956 : i32 to index
        %get3A_959 = arith.index_cast %get3A_957 : i32 to index
        %get3A_960 = arith.index_cast %scan3A_656 : i32 to index
        %get3A_961 = arith.constant 96 : index
        %get3A_962 = tpu.vector_load %arg9[%get3A_958, %get3A_959, %get3A_960, %get3A_961] {strides = array<i32>} : memref<4x8x8x128xf32, #tpu.memory_space<vmem>>, vector<16xf32>,
        %mul3A_963 = arith.mulf %get3A_258, %get3A_962 : vector<16xf32>
        %get3A_964 = arith.constant 0 : i32
        %get3A_965 = arith.constant 1 : i32
        %get3A_966 = arith.index_cast %get3A_964 : i32 to index
        %get3A_967 = arith.index_cast %get3A_965 : i32 to index
        %get3A_968 = arith.index_cast %scan3A_656 : i32 to index
        %get3A_969 = arith.constant 96 : index
        %get3A_970 = tpu.vector_load %arg9[%get3A_966, %get3A_967, %get3A_968, %get3A_969] {strides = array<i32>} : memref<4x8x8x128xf32, #tpu.memory_space<vmem>>, vector<16xf32>,
        %mul3A_971 = arith.mulf %get3A_261, %get3A_970 : vector<16xf32>
        %get3A_972 = arith.constant 0 : i32
        %get3A_973 = arith.constant 2 : i32
        %get3A_974 = arith.index_cast %get3A_972 : i32 to index
        %get3A_975 = arith.index_cast %get3A_973 : i32 to index
        %get3A_976 = arith.index_cast %scan3A_656 : i32 to index
        %get3A_977 = arith.constant 96 : index
        %get3A_978 = tpu.vector_load %arg9[%get3A_974, %get3A_975, %get3A_976, %get3A_977] {strides = array<i32>} : memref<4x8x8x128xf32, #tpu.memory_space<vmem>>, vector<16xf32>,
        %mul3A_979 = arith.mulf %get3A_264, %get3A_978 : vector<16xf32>
        %get3A_980 = arith.constant 0 : i32
        %get3A_981 = arith.constant 3 : i32
        %get3A_982 = arith.index_cast %get3A_980 : i32 to index
        %get3A_983 = arith.index_cast %get3A_981 : i32 to index
        %get3A_984 = arith.index_cast %scan3A_656 : i32 to index
        %get3A_985 = arith.constant 96 : index
        %get3A_986 = tpu.vector_load %arg9[%get3A_982, %get3A_983, %get3A_984, %get3A_985] {strides = array<i32>} : memref<4x8x8x128xf32, #tpu.memory_space<vmem>>, vector<16xf32>,
        %mul3A_987 = arith.mulf %get3A_267, %get3A_986 : vector<16xf32>
        %get3A_988 = arith.constant 0 : i32
        %get3A_989 = arith.constant 0 : i32
        %get3A_990 = arith.index_cast %get3A_988 : i32 to index
        %get3A_991 = arith.index_cast %get3A_989 : i32 to index
        %get3A_992 = arith.index_cast %scan3A_656 : i32 to index
        %get3A_993 = arith.constant 96 : index
        %get3A_994 = tpu.vector_load %arg10[%get3A_990, %get3A_991, %get3A_992, %get3A_993] {strides = array<i32>} : memref<4x2x8x128xf32, #tpu.memory_space<vmem>>, vector<16xf32>,
        %add3A_995 = arith.addf %mul3A_963, %mul3A_971 : vector<16xf32>
        %add3A_996 = arith.addf %mul3A_979, %mul3A_987 : vector<16xf32>
        %add3A_997 = arith.addf %add3A_995, %add3A_996 : vector<16xf32>
        %add3A_998 = arith.addf %add3A_997, %get3A_994 : vector<16xf32>
        %swap3A_999 = arith.constant 0 : i32
        %swap3A_1000 = arith.constant 0 : i32
        %swap3A_1001 = arith.index_cast %swap3A_999 : i32 to index
        %swap3A_1002 = arith.index_cast %swap3A_1000 : i32 to index
        %swap3A_1003 = arith.index_cast %scan3A_656 : i32 to index
        %swap3A_1004 = arith.constant 96 : index
        %swap3A_1005 = tpu.vector_load %arg11[%swap3A_1001, %swap3A_1002, %swap3A_1003, %swap3A_1004] {strides = array<i32>} : memref<4x2x8x128xf32, #tpu.memory_space<vmem>>, vector<16xf32>,
        tpu.vector_store %arg11[%swap3A_1001, %swap3A_1002, %swap3A_1003, %swap3A_1004], %add3A_998 {strides = array<i32>} : memref<4x2x8x128xf32, #tpu.memory_space<vmem>>, vector<16xf32>,
        %get3A_1006 = arith.constant 0 : i32
        %get3A_1007 = arith.constant 0 : i32
        %get3A_1008 = arith.index_cast %get3A_1006 : i32 to index
        %get3A_1009 = arith.index_cast %get3A_1007 : i32 to index
        %get3A_1010 = arith.index_cast %scan3A_656 : i32 to index
        %get3A_1011 = arith.constant 112 : index
        %get3A_1012 = tpu.vector_load %arg9[%get3A_1008, %get3A_1009, %get3A_1010, %get3A_1011] {strides = array<i32>} : memref<4x8x8x128xf32, #tpu.memory_space<vmem>>, vector<16xf32>,
        %mul3A_1013 = arith.mulf %get3A_258, %get3A_1012 : vector<16xf32>
        %get3A_1014 = arith.constant 0 : i32
        %get3A_1015 = arith.constant 1 : i32
        %get3A_1016 = arith.index_cast %get3A_1014 : i32 to index
        %get3A_1017 = arith.index_cast %get3A_1015 : i32 to index
        %get3A_1018 = arith.index_cast %scan3A_656 : i32 to index
        %get3A_1019 = arith.constant 112 : index
        %get3A_1020 = tpu.vector_load %arg9[%get3A_1016, %get3A_1017, %get3A_1018, %get3A_1019] {strides = array<i32>} : memref<4x8x8x128xf32, #tpu.memory_space<vmem>>, vector<16xf32>,
        %mul3A_1021 = arith.mulf %get3A_261, %get3A_1020 : vector<16xf32>
        %get3A_1022 = arith.constant 0 : i32
        %get3A_1023 = arith.constant 2 : i32
        %get3A_1024 = arith.index_cast %get3A_1022 : i32 to index
        %get3A_1025 = arith.index_cast %get3A_1023 : i32 to index
        %get3A_1026 = arith.index_cast %scan3A_656 : i32 to index
        %get3A_1027 = arith.constant 112 : index
        %get3A_1028 = tpu.vector_load %arg9[%get3A_1024, %get3A_1025, %get3A_1026, %get3A_1027] {strides = array<i32>} : memref<4x8x8x128xf32, #tpu.memory_space<vmem>>, vector<16xf32>,
        %mul3A_1029 = arith.mulf %get3A_264, %get3A_1028 : vector<16xf32>
        %get3A_1030 = arith.constant 0 : i32
        %get3A_1031 = arith.constant 3 : i32
        %get3A_1032 = arith.index_cast %get3A_1030 : i32 to index
        %get3A_1033 = arith.index_cast %get3A_1031 : i32 to index
        %get3A_1034 = arith.index_cast %scan3A_656 : i32 to index
        %get3A_1035 = arith.constant 112 : index
        %get3A_1036 = tpu.vector_load %arg9[%get3A_1032, %get3A_1033, %get3A_1034, %get3A_1035] {strides = array<i32>} : memref<4x8x8x128xf32, #tpu.memory_space<vmem>>, vector<16xf32>,
        %mul3A_1037 = arith.mulf %get3A_267, %get3A_1036 : vector<16xf32>
        %get3A_1038 = arith.constant 0 : i32
        %get3A_1039 = arith.constant 0 : i32
        %get3A_1040 = arith.index_cast %get3A_1038 : i32 to index
        %get3A_1041 = arith.index_cast %get3A_1039 : i32 to index
        %get3A_1042 = arith.index_cast %scan3A_656 : i32 to index
        %get3A_1043 = arith.constant 112 : index
        %get3A_1044 = tpu.vector_load %arg10[%get3A_1040, %get3A_1041, %get3A_1042, %get3A_1043] {strides = array<i32>} : memref<4x2x8x128xf32, #tpu.memory_space<vmem>>, vector<16xf32>,
        %add3A_1045 = arith.addf %mul3A_1013, %mul3A_1021 : vector<16xf32>
        %add3A_1046 = arith.addf %mul3A_1029, %mul3A_1037 : vector<16xf32>
        %add3A_1047 = arith.addf %add3A_1045, %add3A_1046 : vector<16xf32>
        %add3A_1048 = arith.addf %add3A_1047, %get3A_1044 : vector<16xf32>
        %swap3A_1049 = arith.constant 0 : i32
        %swap3A_1050 = arith.constant 0 : i32
        %swap3A_1051 = arith.index_cast %swap3A_1049 : i32 to index
        %swap3A_1052 = arith.index_cast %swap3A_1050 : i32 to index
        %swap3A_1053 = arith.index_cast %scan3A_656 : i32 to index
        %swap3A_1054 = arith.constant 112 : index
        %swap3A_1055 = tpu.vector_load %arg11[%swap3A_1051, %swap3A_1052, %swap3A_1053, %swap3A_1054] {strides = array<i32>} : memref<4x2x8x128xf32, #tpu.memory_space<vmem>>, vector<16xf32>,
        tpu.vector_store %arg11[%swap3A_1051, %swap3A_1052, %swap3A_1053, %swap3A_1054], %add3A_1048 {strides = array<i32>} : memref<4x2x8x128xf32, #tpu.memory_space<vmem>>, vector<16xf32>,
      }
      %scan3A_273 = arith.constant 8 : i32
      %mul3A_274 = arith.constant 2 : i32
      %mul3A_275 = arith.muli %add3A_216, %mul3A_274 : i32
      %add3A_276 = arith.constant 1 : i32
      %add3A_277 = arith.addi %mul3A_275, %add3A_276 : i32
      %get3A_278 = arith.index_cast %add3A_277 : i32 to index
      %get3A_279 = arith.constant 0 : index
      %get3A_280 = tpu.vector_load %arg8[%get3A_278, %get3A_279] {strides = array<i32>} : memref<256x64xf32, #tpu.memory_space<vmem>>, vector<16xf32>,
      %get3A_281 = arith.index_cast %add3A_277 : i32 to index
      %get3A_282 = arith.constant 16 : index
      %get3A_283 = tpu.vector_load %arg8[%get3A_281, %get3A_282] {strides = array<i32>} : memref<256x64xf32, #tpu.memory_space<vmem>>, vector<16xf32>,
      %get3A_284 = arith.index_cast %add3A_277 : i32 to index
      %get3A_285 = arith.constant 32 : index
      %get3A_286 = tpu.vector_load %arg8[%get3A_284, %get3A_285] {strides = array<i32>} : memref<256x64xf32, #tpu.memory_space<vmem>>, vector<16xf32>,
      %get3A_287 = arith.index_cast %add3A_277 : i32 to index
      %get3A_288 = arith.constant 48 : index
      %get3A_289 = tpu.vector_load %arg8[%get3A_287, %get3A_288] {strides = array<i32>} : memref<256x64xf32, #tpu.memory_space<vmem>>, vector<16xf32>,
      %scan3A_290 = arith.constant 0 : i32
      %scan3A_291 = arith.constant 0 : i32
      %scan3A_292 = arith.constant 8 : i32
      %scan3A_293 = arith.addi %scan3A_291, %scan3A_292 : i32
      %scan3A_294 = arith.constant 1 : i32
      scf.for %scan3A_656 = %scan3A_291 to %scan3A_293 step %scan3A_294  : i32 {
        %get3A_657 = arith.constant 0 : i32
        %get3A_658 = arith.constant 4 : i32
        %get3A_659 = arith.index_cast %get3A_657 : i32 to index
        %get3A_660 = arith.index_cast %get3A_658 : i32 to index
        %get3A_661 = arith.index_cast %scan3A_656 : i32 to index
        %get3A_662 = arith.constant 0 : index
        %get3A_663 = tpu.vector_load %arg9[%get3A_659, %get3A_660, %get3A_661, %get3A_662] {strides = array<i32>} : memref<4x8x8x128xf32, #tpu.memory_space<vmem>>, vector<16xf32>,
        %mul3A_664 = arith.mulf %get3A_280, %get3A_663 : vector<16xf32>
        %get3A_665 = arith.constant 0 : i32
        %get3A_666 = arith.constant 5 : i32
        %get3A_667 = arith.index_cast %get3A_665 : i32 to index
        %get3A_668 = arith.index_cast %get3A_666 : i32 to index
        %get3A_669 = arith.index_cast %scan3A_656 : i32 to index
        %get3A_670 = arith.constant 0 : index
        %get3A_671 = tpu.vector_load %arg9[%get3A_667, %get3A_668, %get3A_669, %get3A_670] {strides = array<i32>} : memref<4x8x8x128xf32, #tpu.memory_space<vmem>>, vector<16xf32>,
        %mul3A_672 = arith.mulf %get3A_283, %get3A_671 : vector<16xf32>
        %get3A_673 = arith.constant 0 : i32
        %get3A_674 = arith.constant 6 : i32
        %get3A_675 = arith.index_cast %get3A_673 : i32 to index
        %get3A_676 = arith.index_cast %get3A_674 : i32 to index
        %get3A_677 = arith.index_cast %scan3A_656 : i32 to index
        %get3A_678 = arith.constant 0 : index
        %get3A_679 = tpu.vector_load %arg9[%get3A_675, %get3A_676, %get3A_677, %get3A_678] {strides = array<i32>} : memref<4x8x8x128xf32, #tpu.memory_space<vmem>>, vector<16xf32>,
        %mul3A_680 = arith.mulf %get3A_286, %get3A_679 : vector<16xf32>
        %get3A_681 = arith.constant 0 : i32
        %get3A_682 = arith.constant 7 : i32
        %get3A_683 = arith.index_cast %get3A_681 : i32 to index
        %get3A_684 = arith.index_cast %get3A_682 : i32 to index
        %get3A_685 = arith.index_cast %scan3A_656 : i32 to index
        %get3A_686 = arith.constant 0 : index
        %get3A_687 = tpu.vector_load %arg9[%get3A_683, %get3A_684, %get3A_685, %get3A_686] {strides = array<i32>} : memref<4x8x8x128xf32, #tpu.memory_space<vmem>>, vector<16xf32>,
        %mul3A_688 = arith.mulf %get3A_289, %get3A_687 : vector<16xf32>
        %get3A_689 = arith.constant 0 : i32
        %get3A_690 = arith.constant 1 : i32
        %get3A_691 = arith.index_cast %get3A_689 : i32 to index
        %get3A_692 = arith.index_cast %get3A_690 : i32 to index
        %get3A_693 = arith.index_cast %scan3A_656 : i32 to index
        %get3A_694 = arith.constant 0 : index
        %get3A_695 = tpu.vector_load %arg10[%get3A_691, %get3A_692, %get3A_693, %get3A_694] {strides = array<i32>} : memref<4x2x8x128xf32, #tpu.memory_space<vmem>>, vector<16xf32>,
        %add3A_696 = arith.addf %mul3A_664, %mul3A_672 : vector<16xf32>
        %add3A_697 = arith.addf %mul3A_680, %mul3A_688 : vector<16xf32>
        %add3A_698 = arith.addf %add3A_696, %add3A_697 : vector<16xf32>
        %add3A_699 = arith.addf %add3A_698, %get3A_695 : vector<16xf32>
        %swap3A = arith.constant 0 : i32
        %swap3A_700 = arith.constant 1 : i32
        %swap3A_701 = arith.index_cast %swap3A : i32 to index
        %swap3A_702 = arith.index_cast %swap3A_700 : i32 to index
        %swap3A_703 = arith.index_cast %scan3A_656 : i32 to index
        %swap3A_704 = arith.constant 0 : index
        %swap3A_705 = tpu.vector_load %arg11[%swap3A_701, %swap3A_702, %swap3A_703, %swap3A_704] {strides = array<i32>} : memref<4x2x8x128xf32, #tpu.memory_space<vmem>>, vector<16xf32>,
        tpu.vector_store %arg11[%swap3A_701, %swap3A_702, %swap3A_703, %swap3A_704], %add3A_699 {strides = array<i32>} : memref<4x2x8x128xf32, #tpu.memory_space<vmem>>, vector<16xf32>,
        %get3A_706 = arith.constant 0 : i32
        %get3A_707 = arith.constant 4 : i32
        %get3A_708 = arith.index_cast %get3A_706 : i32 to index
        %get3A_709 = arith.index_cast %get3A_707 : i32 to index
        %get3A_710 = arith.index_cast %scan3A_656 : i32 to index
        %get3A_711 = arith.constant 16 : index
        %get3A_712 = tpu.vector_load %arg9[%get3A_708, %get3A_709, %get3A_710, %get3A_711] {strides = array<i32>} : memref<4x8x8x128xf32, #tpu.memory_space<vmem>>, vector<16xf32>,
        %mul3A_713 = arith.mulf %get3A_280, %get3A_712 : vector<16xf32>
        %get3A_714 = arith.constant 0 : i32
        %get3A_715 = arith.constant 5 : i32
        %get3A_716 = arith.index_cast %get3A_714 : i32 to index
        %get3A_717 = arith.index_cast %get3A_715 : i32 to index
        %get3A_718 = arith.index_cast %scan3A_656 : i32 to index
        %get3A_719 = arith.constant 16 : index
        %get3A_720 = tpu.vector_load %arg9[%get3A_716, %get3A_717, %get3A_718, %get3A_719] {strides = array<i32>} : memref<4x8x8x128xf32, #tpu.memory_space<vmem>>, vector<16xf32>,
        %mul3A_721 = arith.mulf %get3A_283, %get3A_720 : vector<16xf32>
        %get3A_722 = arith.constant 0 : i32
        %get3A_723 = arith.constant 6 : i32
        %get3A_724 = arith.index_cast %get3A_722 : i32 to index
        %get3A_725 = arith.index_cast %get3A_723 : i32 to index
        %get3A_726 = arith.index_cast %scan3A_656 : i32 to index
        %get3A_727 = arith.constant 16 : index
        %get3A_728 = tpu.vector_load %arg9[%get3A_724, %get3A_725, %get3A_726, %get3A_727] {strides = array<i32>} : memref<4x8x8x128xf32, #tpu.memory_space<vmem>>, vector<16xf32>,
        %mul3A_729 = arith.mulf %get3A_286, %get3A_728 : vector<16xf32>
        %get3A_730 = arith.constant 0 : i32
        %get3A_731 = arith.constant 7 : i32
        %get3A_732 = arith.index_cast %get3A_730 : i32 to index
        %get3A_733 = arith.index_cast %get3A_731 : i32 to index
        %get3A_734 = arith.index_cast %scan3A_656 : i32 to index
        %get3A_735 = arith.constant 16 : index
        %get3A_736 = tpu.vector_load %arg9[%get3A_732, %get3A_733, %get3A_734, %get3A_735] {strides = array<i32>} : memref<4x8x8x128xf32, #tpu.memory_space<vmem>>, vector<16xf32>,
        %mul3A_737 = arith.mulf %get3A_289, %get3A_736 : vector<16xf32>
        %get3A_738 = arith.constant 0 : i32
        %get3A_739 = arith.constant 1 : i32
        %get3A_740 = arith.index_cast %get3A_738 : i32 to index
        %get3A_741 = arith.index_cast %get3A_739 : i32 to index
        %get3A_742 = arith.index_cast %scan3A_656 : i32 to index
        %get3A_743 = arith.constant 16 : index
        %get3A_744 = tpu.vector_load %arg10[%get3A_740, %get3A_741, %get3A_742, %get3A_743] {strides = array<i32>} : memref<4x2x8x128xf32, #tpu.memory_space<vmem>>, vector<16xf32>,
        %add3A_745 = arith.addf %mul3A_713, %mul3A_721 : vector<16xf32>
        %add3A_746 = arith.addf %mul3A_729, %mul3A_737 : vector<16xf32>
        %add3A_747 = arith.addf %add3A_745, %add3A_746 : vector<16xf32>
        %add3A_748 = arith.addf %add3A_747, %get3A_744 : vector<16xf32>
        %swap3A_749 = arith.constant 0 : i32
        %swap3A_750 = arith.constant 1 : i32
        %swap3A_751 = arith.index_cast %swap3A_749 : i32 to index
        %swap3A_752 = arith.index_cast %swap3A_750 : i32 to index
        %swap3A_753 = arith.index_cast %scan3A_656 : i32 to index
        %swap3A_754 = arith.constant 16 : index
        %swap3A_755 = tpu.vector_load %arg11[%swap3A_751, %swap3A_752, %swap3A_753, %swap3A_754] {strides = array<i32>} : memref<4x2x8x128xf32, #tpu.memory_space<vmem>>, vector<16xf32>,
        tpu.vector_store %arg11[%swap3A_751, %swap3A_752, %swap3A_753, %swap3A_754], %add3A_748 {strides = array<i32>} : memref<4x2x8x128xf32, #tpu.memory_space<vmem>>, vector<16xf32>,
        %get3A_756 = arith.constant 0 : i32
        %get3A_757 = arith.constant 4 : i32
        %get3A_758 = arith.index_cast %get3A_756 : i32 to index
        %get3A_759 = arith.index_cast %get3A_757 : i32 to index
        %get3A_760 = arith.index_cast %scan3A_656 : i32 to index
        %get3A_761 = arith.constant 32 : index
        %get3A_762 = tpu.vector_load %arg9[%get3A_758, %get3A_759, %get3A_760, %get3A_761] {strides = array<i32>} : memref<4x8x8x128xf32, #tpu.memory_space<vmem>>, vector<16xf32>,
        %mul3A_763 = arith.mulf %get3A_280, %get3A_762 : vector<16xf32>
        %get3A_764 = arith.constant 0 : i32
        %get3A_765 = arith.constant 5 : i32
        %get3A_766 = arith.index_cast %get3A_764 : i32 to index
        %get3A_767 = arith.index_cast %get3A_765 : i32 to index
        %get3A_768 = arith.index_cast %scan3A_656 : i32 to index
        %get3A_769 = arith.constant 32 : index
        %get3A_770 = tpu.vector_load %arg9[%get3A_766, %get3A_767, %get3A_768, %get3A_769] {strides = array<i32>} : memref<4x8x8x128xf32, #tpu.memory_space<vmem>>, vector<16xf32>,
        %mul3A_771 = arith.mulf %get3A_283, %get3A_770 : vector<16xf32>
        %get3A_772 = arith.constant 0 : i32
        %get3A_773 = arith.constant 6 : i32
        %get3A_774 = arith.index_cast %get3A_772 : i32 to index
        %get3A_775 = arith.index_cast %get3A_773 : i32 to index
        %get3A_776 = arith.index_cast %scan3A_656 : i32 to index
        %get3A_777 = arith.constant 32 : index
        %get3A_778 = tpu.vector_load %arg9[%get3A_774, %get3A_775, %get3A_776, %get3A_777] {strides = array<i32>} : memref<4x8x8x128xf32, #tpu.memory_space<vmem>>, vector<16xf32>,
        %mul3A_779 = arith.mulf %get3A_286, %get3A_778 : vector<16xf32>
        %get3A_780 = arith.constant 0 : i32
        %get3A_781 = arith.constant 7 : i32
        %get3A_782 = arith.index_cast %get3A_780 : i32 to index
        %get3A_783 = arith.index_cast %get3A_781 : i32 to index
        %get3A_784 = arith.index_cast %scan3A_656 : i32 to index
        %get3A_785 = arith.constant 32 : index
        %get3A_786 = tpu.vector_load %arg9[%get3A_782, %get3A_783, %get3A_784, %get3A_785] {strides = array<i32>} : memref<4x8x8x128xf32, #tpu.memory_space<vmem>>, vector<16xf32>,
        %mul3A_787 = arith.mulf %get3A_289, %get3A_786 : vector<16xf32>
        %get3A_788 = arith.constant 0 : i32
        %get3A_789 = arith.constant 1 : i32
        %get3A_790 = arith.index_cast %get3A_788 : i32 to index
        %get3A_791 = arith.index_cast %get3A_789 : i32 to index
        %get3A_792 = arith.index_cast %scan3A_656 : i32 to index
        %get3A_793 = arith.constant 32 : index
        %get3A_794 = tpu.vector_load %arg10[%get3A_790, %get3A_791, %get3A_792, %get3A_793] {strides = array<i32>} : memref<4x2x8x128xf32, #tpu.memory_space<vmem>>, vector<16xf32>,
        %add3A_795 = arith.addf %mul3A_763, %mul3A_771 : vector<16xf32>
        %add3A_796 = arith.addf %mul3A_779, %mul3A_787 : vector<16xf32>
        %add3A_797 = arith.addf %add3A_795, %add3A_796 : vector<16xf32>
        %add3A_798 = arith.addf %add3A_797, %get3A_794 : vector<16xf32>
        %swap3A_799 = arith.constant 0 : i32
        %swap3A_800 = arith.constant 1 : i32
        %swap3A_801 = arith.index_cast %swap3A_799 : i32 to index
        %swap3A_802 = arith.index_cast %swap3A_800 : i32 to index
        %swap3A_803 = arith.index_cast %scan3A_656 : i32 to index
        %swap3A_804 = arith.constant 32 : index
        %swap3A_805 = tpu.vector_load %arg11[%swap3A_801, %swap3A_802, %swap3A_803, %swap3A_804] {strides = array<i32>} : memref<4x2x8x128xf32, #tpu.memory_space<vmem>>, vector<16xf32>,
        tpu.vector_store %arg11[%swap3A_801, %swap3A_802, %swap3A_803, %swap3A_804], %add3A_798 {strides = array<i32>} : memref<4x2x8x128xf32, #tpu.memory_space<vmem>>, vector<16xf32>,
        %get3A_806 = arith.constant 0 : i32
        %get3A_807 = arith.constant 4 : i32
        %get3A_808 = arith.index_cast %get3A_806 : i32 to index
        %get3A_809 = arith.index_cast %get3A_807 : i32 to index
        %get3A_810 = arith.index_cast %scan3A_656 : i32 to index
        %get3A_811 = arith.constant 48 : index
        %get3A_812 = tpu.vector_load %arg9[%get3A_808, %get3A_809, %get3A_810, %get3A_811] {strides = array<i32>} : memref<4x8x8x128xf32, #tpu.memory_space<vmem>>, vector<16xf32>,
        %mul3A_813 = arith.mulf %get3A_280, %get3A_812 : vector<16xf32>
        %get3A_814 = arith.constant 0 : i32
        %get3A_815 = arith.constant 5 : i32
        %get3A_816 = arith.index_cast %get3A_814 : i32 to index
        %get3A_817 = arith.index_cast %get3A_815 : i32 to index
        %get3A_818 = arith.index_cast %scan3A_656 : i32 to index
        %get3A_819 = arith.constant 48 : index
        %get3A_820 = tpu.vector_load %arg9[%get3A_816, %get3A_817, %get3A_818, %get3A_819] {strides = array<i32>} : memref<4x8x8x128xf32, #tpu.memory_space<vmem>>, vector<16xf32>,
        %mul3A_821 = arith.mulf %get3A_283, %get3A_820 : vector<16xf32>
        %get3A_822 = arith.constant 0 : i32
        %get3A_823 = arith.constant 6 : i32
        %get3A_824 = arith.index_cast %get3A_822 : i32 to index
        %get3A_825 = arith.index_cast %get3A_823 : i32 to index
        %get3A_826 = arith.index_cast %scan3A_656 : i32 to index
        %get3A_827 = arith.constant 48 : index
        %get3A_828 = tpu.vector_load %arg9[%get3A_824, %get3A_825, %get3A_826, %get3A_827] {strides = array<i32>} : memref<4x8x8x128xf32, #tpu.memory_space<vmem>>, vector<16xf32>,
        %mul3A_829 = arith.mulf %get3A_286, %get3A_828 : vector<16xf32>
        %get3A_830 = arith.constant 0 : i32
        %get3A_831 = arith.constant 7 : i32
        %get3A_832 = arith.index_cast %get3A_830 : i32 to index
        %get3A_833 = arith.index_cast %get3A_831 : i32 to index
        %get3A_834 = arith.index_cast %scan3A_656 : i32 to index
        %get3A_835 = arith.constant 48 : index
        %get3A_836 = tpu.vector_load %arg9[%get3A_832, %get3A_833, %get3A_834, %get3A_835] {strides = array<i32>} : memref<4x8x8x128xf32, #tpu.memory_space<vmem>>, vector<16xf32>,
        %mul3A_837 = arith.mulf %get3A_289, %get3A_836 : vector<16xf32>
        %get3A_838 = arith.constant 0 : i32
        %get3A_839 = arith.constant 1 : i32
        %get3A_840 = arith.index_cast %get3A_838 : i32 to index
        %get3A_841 = arith.index_cast %get3A_839 : i32 to index
        %get3A_842 = arith.index_cast %scan3A_656 : i32 to index
        %get3A_843 = arith.constant 48 : index
        %get3A_844 = tpu.vector_load %arg10[%get3A_840, %get3A_841, %get3A_842, %get3A_843] {strides = array<i32>} : memref<4x2x8x128xf32, #tpu.memory_space<vmem>>, vector<16xf32>,
        %add3A_845 = arith.addf %mul3A_813, %mul3A_821 : vector<16xf32>
        %add3A_846 = arith.addf %mul3A_829, %mul3A_837 : vector<16xf32>
        %add3A_847 = arith.addf %add3A_845, %add3A_846 : vector<16xf32>
        %add3A_848 = arith.addf %add3A_847, %get3A_844 : vector<16xf32>
        %swap3A_849 = arith.constant 0 : i32
        %swap3A_850 = arith.constant 1 : i32
        %swap3A_851 = arith.index_cast %swap3A_849 : i32 to index
        %swap3A_852 = arith.index_cast %swap3A_850 : i32 to index
        %swap3A_853 = arith.index_cast %scan3A_656 : i32 to index
        %swap3A_854 = arith.constant 48 : index
        %swap3A_855 = tpu.vector_load %arg11[%swap3A_851, %swap3A_852, %swap3A_853, %swap3A_854] {strides = array<i32>} : memref<4x2x8x128xf32, #tpu.memory_space<vmem>>, vector<16xf32>,
        tpu.vector_store %arg11[%swap3A_851, %swap3A_852, %swap3A_853, %swap3A_854], %add3A_848 {strides = array<i32>} : memref<4x2x8x128xf32, #tpu.memory_space<vmem>>, vector<16xf32>,
        %get3A_856 = arith.constant 0 : i32
        %get3A_857 = arith.constant 4 : i32
        %get3A_858 = arith.index_cast %get3A_856 : i32 to index
        %get3A_859 = arith.index_cast %get3A_857 : i32 to index
        %get3A_860 = arith.index_cast %scan3A_656 : i32 to index
        %get3A_861 = arith.constant 64 : index
        %get3A_862 = tpu.vector_load %arg9[%get3A_858, %get3A_859, %get3A_860, %get3A_861] {strides = array<i32>} : memref<4x8x8x128xf32, #tpu.memory_space<vmem>>, vector<16xf32>,
        %mul3A_863 = arith.mulf %get3A_280, %get3A_862 : vector<16xf32>
        %get3A_864 = arith.constant 0 : i32
        %get3A_865 = arith.constant 5 : i32
        %get3A_866 = arith.index_cast %get3A_864 : i32 to index
        %get3A_867 = arith.index_cast %get3A_865 : i32 to index
        %get3A_868 = arith.index_cast %scan3A_656 : i32 to index
        %get3A_869 = arith.constant 64 : index
        %get3A_870 = tpu.vector_load %arg9[%get3A_866, %get3A_867, %get3A_868, %get3A_869] {strides = array<i32>} : memref<4x8x8x128xf32, #tpu.memory_space<vmem>>, vector<16xf32>,
        %mul3A_871 = arith.mulf %get3A_283, %get3A_870 : vector<16xf32>
        %get3A_872 = arith.constant 0 : i32
        %get3A_873 = arith.constant 6 : i32
        %get3A_874 = arith.index_cast %get3A_872 : i32 to index
        %get3A_875 = arith.index_cast %get3A_873 : i32 to index
        %get3A_876 = arith.index_cast %scan3A_656 : i32 to index
        %get3A_877 = arith.constant 64 : index
        %get3A_878 = tpu.vector_load %arg9[%get3A_874, %get3A_875, %get3A_876, %get3A_877] {strides = array<i32>} : memref<4x8x8x128xf32, #tpu.memory_space<vmem>>, vector<16xf32>,
        %mul3A_879 = arith.mulf %get3A_286, %get3A_878 : vector<16xf32>
        %get3A_880 = arith.constant 0 : i32
        %get3A_881 = arith.constant 7 : i32
        %get3A_882 = arith.index_cast %get3A_880 : i32 to index
        %get3A_883 = arith.index_cast %get3A_881 : i32 to index
        %get3A_884 = arith.index_cast %scan3A_656 : i32 to index
        %get3A_885 = arith.constant 64 : index
        %get3A_886 = tpu.vector_load %arg9[%get3A_882, %get3A_883, %get3A_884, %get3A_885] {strides = array<i32>} : memref<4x8x8x128xf32, #tpu.memory_space<vmem>>, vector<16xf32>,
        %mul3A_887 = arith.mulf %get3A_289, %get3A_886 : vector<16xf32>
        %get3A_888 = arith.constant 0 : i32
        %get3A_889 = arith.constant 1 : i32
        %get3A_890 = arith.index_cast %get3A_888 : i32 to index
        %get3A_891 = arith.index_cast %get3A_889 : i32 to index
        %get3A_892 = arith.index_cast %scan3A_656 : i32 to index
        %get3A_893 = arith.constant 64 : index
        %get3A_894 = tpu.vector_load %arg10[%get3A_890, %get3A_891, %get3A_892, %get3A_893] {strides = array<i32>} : memref<4x2x8x128xf32, #tpu.memory_space<vmem>>, vector<16xf32>,
        %add3A_895 = arith.addf %mul3A_863, %mul3A_871 : vector<16xf32>
        %add3A_896 = arith.addf %mul3A_879, %mul3A_887 : vector<16xf32>
        %add3A_897 = arith.addf %add3A_895, %add3A_896 : vector<16xf32>
        %add3A_898 = arith.addf %add3A_897, %get3A_894 : vector<16xf32>
        %swap3A_899 = arith.constant 0 : i32
        %swap3A_900 = arith.constant 1 : i32
        %swap3A_901 = arith.index_cast %swap3A_899 : i32 to index
        %swap3A_902 = arith.index_cast %swap3A_900 : i32 to index
        %swap3A_903 = arith.index_cast %scan3A_656 : i32 to index
        %swap3A_904 = arith.constant 64 : index
        %swap3A_905 = tpu.vector_load %arg11[%swap3A_901, %swap3A_902, %swap3A_903, %swap3A_904] {strides = array<i32>} : memref<4x2x8x128xf32, #tpu.memory_space<vmem>>, vector<16xf32>,
        tpu.vector_store %arg11[%swap3A_901, %swap3A_902, %swap3A_903, %swap3A_904], %add3A_898 {strides = array<i32>} : memref<4x2x8x128xf32, #tpu.memory_space<vmem>>, vector<16xf32>,
        %get3A_906 = arith.constant 0 : i32
        %get3A_907 = arith.constant 4 : i32
        %get3A_908 = arith.index_cast %get3A_906 : i32 to index
        %get3A_909 = arith.index_cast %get3A_907 : i32 to index
        %get3A_910 = arith.index_cast %scan3A_656 : i32 to index
        %get3A_911 = arith.constant 80 : index
        %get3A_912 = tpu.vector_load %arg9[%get3A_908, %get3A_909, %get3A_910, %get3A_911] {strides = array<i32>} : memref<4x8x8x128xf32, #tpu.memory_space<vmem>>, vector<16xf32>,
        %mul3A_913 = arith.mulf %get3A_280, %get3A_912 : vector<16xf32>
        %get3A_914 = arith.constant 0 : i32
        %get3A_915 = arith.constant 5 : i32
        %get3A_916 = arith.index_cast %get3A_914 : i32 to index
        %get3A_917 = arith.index_cast %get3A_915 : i32 to index
        %get3A_918 = arith.index_cast %scan3A_656 : i32 to index
        %get3A_919 = arith.constant 80 : index
        %get3A_920 = tpu.vector_load %arg9[%get3A_916, %get3A_917, %get3A_918, %get3A_919] {strides = array<i32>} : memref<4x8x8x128xf32, #tpu.memory_space<vmem>>, vector<16xf32>,
        %mul3A_921 = arith.mulf %get3A_283, %get3A_920 : vector<16xf32>
        %get3A_922 = arith.constant 0 : i32
        %get3A_923 = arith.constant 6 : i32
        %get3A_924 = arith.index_cast %get3A_922 : i32 to index
        %get3A_925 = arith.index_cast %get3A_923 : i32 to index
        %get3A_926 = arith.index_cast %scan3A_656 : i32 to index
        %get3A_927 = arith.constant 80 : index
        %get3A_928 = tpu.vector_load %arg9[%get3A_924, %get3A_925, %get3A_926, %get3A_927] {strides = array<i32>} : memref<4x8x8x128xf32, #tpu.memory_space<vmem>>, vector<16xf32>,
        %mul3A_929 = arith.mulf %get3A_286, %get3A_928 : vector<16xf32>
        %get3A_930 = arith.constant 0 : i32
        %get3A_931 = arith.constant 7 : i32
        %get3A_932 = arith.index_cast %get3A_930 : i32 to index
        %get3A_933 = arith.index_cast %get3A_931 : i32 to index
        %get3A_934 = arith.index_cast %scan3A_656 : i32 to index
        %get3A_935 = arith.constant 80 : index
        %get3A_936 = tpu.vector_load %arg9[%get3A_932, %get3A_933, %get3A_934, %get3A_935] {strides = array<i32>} : memref<4x8x8x128xf32, #tpu.memory_space<vmem>>, vector<16xf32>,
        %mul3A_937 = arith.mulf %get3A_289, %get3A_936 : vector<16xf32>
        %get3A_938 = arith.constant 0 : i32
        %get3A_939 = arith.constant 1 : i32
        %get3A_940 = arith.index_cast %get3A_938 : i32 to index
        %get3A_941 = arith.index_cast %get3A_939 : i32 to index
        %get3A_942 = arith.index_cast %scan3A_656 : i32 to index
        %get3A_943 = arith.constant 80 : index
        %get3A_944 = tpu.vector_load %arg10[%get3A_940, %get3A_941, %get3A_942, %get3A_943] {strides = array<i32>} : memref<4x2x8x128xf32, #tpu.memory_space<vmem>>, vector<16xf32>,
        %add3A_945 = arith.addf %mul3A_913, %mul3A_921 : vector<16xf32>
        %add3A_946 = arith.addf %mul3A_929, %mul3A_937 : vector<16xf32>
        %add3A_947 = arith.addf %add3A_945, %add3A_946 : vector<16xf32>
        %add3A_948 = arith.addf %add3A_947, %get3A_944 : vector<16xf32>
        %swap3A_949 = arith.constant 0 : i32
        %swap3A_950 = arith.constant 1 : i32
        %swap3A_951 = arith.index_cast %swap3A_949 : i32 to index
        %swap3A_952 = arith.index_cast %swap3A_950 : i32 to index
        %swap3A_953 = arith.index_cast %scan3A_656 : i32 to index
        %swap3A_954 = arith.constant 80 : index
        %swap3A_955 = tpu.vector_load %arg11[%swap3A_951, %swap3A_952, %swap3A_953, %swap3A_954] {strides = array<i32>} : memref<4x2x8x128xf32, #tpu.memory_space<vmem>>, vector<16xf32>,
        tpu.vector_store %arg11[%swap3A_951, %swap3A_952, %swap3A_953, %swap3A_954], %add3A_948 {strides = array<i32>} : memref<4x2x8x128xf32, #tpu.memory_space<vmem>>, vector<16xf32>,
        %get3A_956 = arith.constant 0 : i32
        %get3A_957 = arith.constant 4 : i32
        %get3A_958 = arith.index_cast %get3A_956 : i32 to index
        %get3A_959 = arith.index_cast %get3A_957 : i32 to index
        %get3A_960 = arith.index_cast %scan3A_656 : i32 to index
        %get3A_961 = arith.constant 96 : index
        %get3A_962 = tpu.vector_load %arg9[%get3A_958, %get3A_959, %get3A_960, %get3A_961] {strides = array<i32>} : memref<4x8x8x128xf32, #tpu.memory_space<vmem>>, vector<16xf32>,
        %mul3A_963 = arith.mulf %get3A_280, %get3A_962 : vector<16xf32>
        %get3A_964 = arith.constant 0 : i32
        %get3A_965 = arith.constant 5 : i32
        %get3A_966 = arith.index_cast %get3A_964 : i32 to index
        %get3A_967 = arith.index_cast %get3A_965 : i32 to index
        %get3A_968 = arith.index_cast %scan3A_656 : i32 to index
        %get3A_969 = arith.constant 96 : index
        %get3A_970 = tpu.vector_load %arg9[%get3A_966, %get3A_967, %get3A_968, %get3A_969] {strides = array<i32>} : memref<4x8x8x128xf32, #tpu.memory_space<vmem>>, vector<16xf32>,
        %mul3A_971 = arith.mulf %get3A_283, %get3A_970 : vector<16xf32>
        %get3A_972 = arith.constant 0 : i32
        %get3A_973 = arith.constant 6 : i32
        %get3A_974 = arith.index_cast %get3A_972 : i32 to index
        %get3A_975 = arith.index_cast %get3A_973 : i32 to index
        %get3A_976 = arith.index_cast %scan3A_656 : i32 to index
        %get3A_977 = arith.constant 96 : index
        %get3A_978 = tpu.vector_load %arg9[%get3A_974, %get3A_975, %get3A_976, %get3A_977] {strides = array<i32>} : memref<4x8x8x128xf32, #tpu.memory_space<vmem>>, vector<16xf32>,
        %mul3A_979 = arith.mulf %get3A_286, %get3A_978 : vector<16xf32>
        %get3A_980 = arith.constant 0 : i32
        %get3A_981 = arith.constant 7 : i32
        %get3A_982 = arith.index_cast %get3A_980 : i32 to index
        %get3A_983 = arith.index_cast %get3A_981 : i32 to index
        %get3A_984 = arith.index_cast %scan3A_656 : i32 to index
        %get3A_985 = arith.constant 96 : index
        %get3A_986 = tpu.vector_load %arg9[%get3A_982, %get3A_983, %get3A_984, %get3A_985] {strides = array<i32>} : memref<4x8x8x128xf32, #tpu.memory_space<vmem>>, vector<16xf32>,
        %mul3A_987 = arith.mulf %get3A_289, %get3A_986 : vector<16xf32>
        %get3A_988 = arith.constant 0 : i32
        %get3A_989 = arith.constant 1 : i32
        %get3A_990 = arith.index_cast %get3A_988 : i32 to index
        %get3A_991 = arith.index_cast %get3A_989 : i32 to index
        %get3A_992 = arith.index_cast %scan3A_656 : i32 to index
        %get3A_993 = arith.constant 96 : index
        %get3A_994 = tpu.vector_load %arg10[%get3A_990, %get3A_991, %get3A_992, %get3A_993] {strides = array<i32>} : memref<4x2x8x128xf32, #tpu.memory_space<vmem>>, vector<16xf32>,
        %add3A_995 = arith.addf %mul3A_963, %mul3A_971 : vector<16xf32>
        %add3A_996 = arith.addf %mul3A_979, %mul3A_987 : vector<16xf32>
        %add3A_997 = arith.addf %add3A_995, %add3A_996 : vector<16xf32>
        %add3A_998 = arith.addf %add3A_997, %get3A_994 : vector<16xf32>
        %swap3A_999 = arith.constant 0 : i32
        %swap3A_1000 = arith.constant 1 : i32
        %swap3A_1001 = arith.index_cast %swap3A_999 : i32 to index
        %swap3A_1002 = arith.index_cast %swap3A_1000 : i32 to index
        %swap3A_1003 = arith.index_cast %scan3A_656 : i32 to index
        %swap3A_1004 = arith.constant 96 : index
        %swap3A_1005 = tpu.vector_load %arg11[%swap3A_1001, %swap3A_1002, %swap3A_1003, %swap3A_1004] {strides = array<i32>} : memref<4x2x8x128xf32, #tpu.memory_space<vmem>>, vector<16xf32>,
        tpu.vector_store %arg11[%swap3A_1001, %swap3A_1002, %swap3A_1003, %swap3A_1004], %add3A_998 {strides = array<i32>} : memref<4x2x8x128xf32, #tpu.memory_space<vmem>>, vector<16xf32>,
        %get3A_1006 = arith.constant 0 : i32
        %get3A_1007 = arith.constant 4 : i32
        %get3A_1008 = arith.index_cast %get3A_1006 : i32 to index
        %get3A_1009 = arith.index_cast %get3A_1007 : i32 to index
        %get3A_1010 = arith.index_cast %scan3A_656 : i32 to index
        %get3A_1011 = arith.constant 112 : index
        %get3A_1012 = tpu.vector_load %arg9[%get3A_1008, %get3A_1009, %get3A_1010, %get3A_1011] {strides = array<i32>} : memref<4x8x8x128xf32, #tpu.memory_space<vmem>>, vector<16xf32>,
        %mul3A_1013 = arith.mulf %get3A_280, %get3A_1012 : vector<16xf32>
        %get3A_1014 = arith.constant 0 : i32
        %get3A_1015 = arith.constant 5 : i32
        %get3A_1016 = arith.index_cast %get3A_1014 : i32 to index
        %get3A_1017 = arith.index_cast %get3A_1015 : i32 to index
        %get3A_1018 = arith.index_cast %scan3A_656 : i32 to index
        %get3A_1019 = arith.constant 112 : index
        %get3A_1020 = tpu.vector_load %arg9[%get3A_1016, %get3A_1017, %get3A_1018, %get3A_1019] {strides = array<i32>} : memref<4x8x8x128xf32, #tpu.memory_space<vmem>>, vector<16xf32>,
        %mul3A_1021 = arith.mulf %get3A_283, %get3A_1020 : vector<16xf32>
        %get3A_1022 = arith.constant 0 : i32
        %get3A_1023 = arith.constant 6 : i32
        %get3A_1024 = arith.index_cast %get3A_1022 : i32 to index
        %get3A_1025 = arith.index_cast %get3A_1023 : i32 to index
        %get3A_1026 = arith.index_cast %scan3A_656 : i32 to index
        %get3A_1027 = arith.constant 112 : index
        %get3A_1028 = tpu.vector_load %arg9[%get3A_1024, %get3A_1025, %get3A_1026, %get3A_1027] {strides = array<i32>} : memref<4x8x8x128xf32, #tpu.memory_space<vmem>>, vector<16xf32>,
        %mul3A_1029 = arith.mulf %get3A_286, %get3A_1028 : vector<16xf32>
        %get3A_1030 = arith.constant 0 : i32
        %get3A_1031 = arith.constant 7 : i32
        %get3A_1032 = arith.index_cast %get3A_1030 : i32 to index
        %get3A_1033 = arith.index_cast %get3A_1031 : i32 to index
        %get3A_1034 = arith.index_cast %scan3A_656 : i32 to index
        %get3A_1035 = arith.constant 112 : index
        %get3A_1036 = tpu.vector_load %arg9[%get3A_1032, %get3A_1033, %get3A_1034, %get3A_1035] {strides = array<i32>} : memref<4x8x8x128xf32, #tpu.memory_space<vmem>>, vector<16xf32>,
        %mul3A_1037 = arith.mulf %get3A_289, %get3A_1036 : vector<16xf32>
        %get3A_1038 = arith.constant 0 : i32
        %get3A_1039 = arith.constant 1 : i32
        %get3A_1040 = arith.index_cast %get3A_1038 : i32 to index
        %get3A_1041 = arith.index_cast %get3A_1039 : i32 to index
        %get3A_1042 = arith.index_cast %scan3A_656 : i32 to index
        %get3A_1043 = arith.constant 112 : index
        %get3A_1044 = tpu.vector_load %arg10[%get3A_1040, %get3A_1041, %get3A_1042, %get3A_1043] {strides = array<i32>} : memref<4x2x8x128xf32, #tpu.memory_space<vmem>>, vector<16xf32>,
        %add3A_1045 = arith.addf %mul3A_1013, %mul3A_1021 : vector<16xf32>
        %add3A_1046 = arith.addf %mul3A_1029, %mul3A_1037 : vector<16xf32>
        %add3A_1047 = arith.addf %add3A_1045, %add3A_1046 : vector<16xf32>
        %add3A_1048 = arith.addf %add3A_1047, %get3A_1044 : vector<16xf32>
        %swap3A_1049 = arith.constant 0 : i32
        %swap3A_1050 = arith.constant 1 : i32
        %swap3A_1051 = arith.index_cast %swap3A_1049 : i32 to index
        %swap3A_1052 = arith.index_cast %swap3A_1050 : i32 to index
        %swap3A_1053 = arith.index_cast %scan3A_656 : i32 to index
        %swap3A_1054 = arith.constant 112 : index
        %swap3A_1055 = tpu.vector_load %arg11[%swap3A_1051, %swap3A_1052, %swap3A_1053, %swap3A_1054] {strides = array<i32>} : memref<4x2x8x128xf32, #tpu.memory_space<vmem>>, vector<16xf32>,
        tpu.vector_store %arg11[%swap3A_1051, %swap3A_1052, %swap3A_1053, %swap3A_1054], %add3A_1048 {strides = array<i32>} : memref<4x2x8x128xf32, #tpu.memory_space<vmem>>, vector<16xf32>,
      }
      %scan3A_295 = arith.constant 8 : i32
      %mul3A_296 = arith.constant 2 : i32
      %mul3A_297 = arith.muli %add3A_216, %mul3A_296 : i32
      %add3A_298 = arith.addi %mul3A_2, %mul3A_297 : i32
      %dma_start3A_299 = arith.constant 0 : i32
      %dma_start3A_300 = arith.constant 0 : i32
      %dma_start3A_301 = arith.constant 0 : i32
      %dma_start3A_302 = arith.constant 0 : i32
      %dma_start3A_303 = tpu.memref_slice %arg11[%dma_start3A_299, %dma_start3A_300, %dma_start3A_301, %dma_start3A_302] : memref<4x2x8x128xf32, #tpu.memory_space<vmem>> -> memref<1x2x8x128xf32, #tpu.memory_space<vmem>>
      %dma_start3A_304 = tpu.memref_squeeze %dma_start3A_303 : memref<1x2x8x128xf32, #tpu.memory_space<vmem>> -> memref<2x8x128xf32, #tpu.memory_space<vmem>>
      %dma_start3A_305 = arith.constant 0 : i32
      %dma_start3A_306 = arith.constant 0 : i32
      %dma_start3A_307 = tpu.memref_slice %arg6[%add3A_298, %dma_start3A_305, %dma_start3A_306] : memref<8192x8x128xf32, #tpu.memory_space<hbm>> -> memref<2x8x128xf32, #tpu.memory_space<hbm>>
      %dma_start3A_308 = arith.constant 0 : i32
      %dma_start3A_309 = arith.constant 0 : i32
      %dma_start3A_310 = tpu.memref_slice %arg6[%add3A_298, %dma_start3A_308, %dma_start3A_309] : memref<8192x8x128xf32, #tpu.memory_space<hbm>> -> memref<2x8x128xf32, #tpu.memory_space<hbm>>
      %dma_start3A_311 = arith.constant 0 : i32
      %dma_start3A_312 = arith.constant 0 : i32
      %dma_start3A_313 = arith.constant 0 : i32
      %dma_start3A_314 = tpu.memref_slice %arg11[%dma_start3A_299, %dma_start3A_311, %dma_start3A_312, %dma_start3A_313] : memref<4x2x8x128xf32, #tpu.memory_space<vmem>> -> memref<1x2x8x128xf32, #tpu.memory_space<vmem>>
      %dma_start3A_315 = tpu.memref_squeeze %dma_start3A_314 : memref<1x2x8x128xf32, #tpu.memory_space<vmem>> -> memref<2x8x128xf32, #tpu.memory_space<vmem>>
      tpu.enqueue_dma source(%dma_start3A_315 : memref<2x8x128xf32, #tpu.memory_space<vmem>>) target(%dma_start3A_310 : memref<2x8x128xf32, #tpu.memory_space<hbm>>) target_semaphore(%arg20 : memref<!tpu.dma_semaphore, #tpu.memory_space<semaphore_mem>>)
      %lt3A = arith.constant 31 : i32
      %lt3A_316 = arith.cmpi slt, %scan3A_212, %lt3A : i32
      %convert_element_type3A_317 = arith.extui %lt3A_316 : i1 to i32
      %cond3A_318 = arith.constant 0 : i32
      %cond3A_319 = arith.cmpi ne, %convert_element_type3A_317, %cond3A_318 : i32
      scf.if %cond3A_319 {
        %add3A_656 = arith.constant 4 : i32
        %add3A_657 = arith.addi %add3A_216, %add3A_656 : i32
        %mul3A_658 = arith.constant 8 : i32
        %mul3A_659 = arith.muli %add3A_657, %mul3A_658 : i32
        %multiple_of3A_660 = tpu.assume_multiple %mul3A_659, 8 : i32
        %dma_start3A_661 = arith.constant 0 : i32
        %dma_start3A_662 = arith.constant 0 : i32
        %dma_start3A_663 = arith.constant 0 : i32
        %dma_start3A_664 = arith.constant 0 : i32
        %dma_start3A_665 = tpu.memref_slice %arg9[%dma_start3A_661, %dma_start3A_662, %dma_start3A_663, %dma_start3A_664] : memref<4x8x8x128xf32, #tpu.memory_space<vmem>> -> memref<1x8x8x128xf32, #tpu.memory_space<vmem>>
        %dma_start3A_666 = tpu.memref_squeeze %dma_start3A_665 : memref<1x8x8x128xf32, #tpu.memory_space<vmem>> -> memref<8x8x128xf32, #tpu.memory_space<vmem>>
        %dma_start3A_667 = tpu.memref_slice %arg7[%multiple_of3A_660] : memref<1024xi32, #tpu.memory_space<vmem>> -> memref<8xi32, #tpu.memory_space<vmem>>
        %dma_start3A_668 = arith.constant 0 : i32
        %dma_start3A_669 = arith.constant 0 : i32
        %dma_start3A_670 = arith.constant 0 : i32
        %dma_start3A_671 = tpu.memref_slice %arg2[%dma_start3A_668, %dma_start3A_669, %dma_start3A_670] : memref<512x8x128xf32, #tpu.memory_space<hbm>> -> memref<512x8x128xf32, #tpu.memory_space<hbm>>
        tpu.enqueue_indirect_dma source(%dma_start3A_671 : memref<512x8x128xf32, #tpu.memory_space<hbm>>) target(%dma_start3A_666 : memref<8x8x128xf32, #tpu.memory_space<vmem>>) offsets(%dma_start3A_667 : memref<8xi32, #tpu.memory_space<vmem>>) semaphore(%arg12 : memref<!tpu.dma_semaphore, #tpu.memory_space<semaphore_mem>>)
        %add3A_672 = arith.constant 4 : i32
        %add3A_673 = arith.addi %add3A_216, %add3A_672 : i32
        %mul3A_674 = arith.constant 2 : i32
        %mul3A_675 = arith.muli %add3A_673, %mul3A_674 : i32
        %add3A_676 = arith.addi %mul3A_2, %mul3A_675 : i32
        %dma_start3A_677 = arith.constant 0 : i32
        %dma_start3A_678 = arith.constant 0 : i32
        %dma_start3A_679 = arith.constant 0 : i32
        %dma_start3A_680 = arith.constant 0 : i32
        %dma_start3A_681 = tpu.memref_slice %arg10[%dma_start3A_677, %dma_start3A_678, %dma_start3A_679, %dma_start3A_680] : memref<4x2x8x128xf32, #tpu.memory_space<vmem>> -> memref<1x2x8x128xf32, #tpu.memory_space<vmem>>
        %dma_start3A_682 = tpu.memref_squeeze %dma_start3A_681 : memref<1x2x8x128xf32, #tpu.memory_space<vmem>> -> memref<2x8x128xf32, #tpu.memory_space<vmem>>
        %dma_start3A_683 = arith.constant 0 : i32
        %dma_start3A_684 = arith.constant 0 : i32
        %dma_start3A_685 = tpu.memref_slice %arg5[%add3A_676, %dma_start3A_683, %dma_start3A_684] : memref<8192x8x128xf32, #tpu.memory_space<hbm>> -> memref<2x8x128xf32, #tpu.memory_space<hbm>>
        %dma_start3A_686 = arith.constant 0 : i32
        %dma_start3A_687 = arith.constant 0 : i32
        %dma_start3A_688 = arith.constant 0 : i32
        %dma_start3A_689 = tpu.memref_slice %arg10[%dma_start3A_677, %dma_start3A_686, %dma_start3A_687, %dma_start3A_688] : memref<4x2x8x128xf32, #tpu.memory_space<vmem>> -> memref<1x2x8x128xf32, #tpu.memory_space<vmem>>
        %dma_start3A_690 = tpu.memref_squeeze %dma_start3A_689 : memref<1x2x8x128xf32, #tpu.memory_space<vmem>> -> memref<2x8x128xf32, #tpu.memory_space<vmem>>
        %dma_start3A_691 = arith.constant 0 : i32
        %dma_start3A_692 = arith.constant 0 : i32
        %dma_start3A_693 = tpu.memref_slice %arg5[%add3A_676, %dma_start3A_691, %dma_start3A_692] : memref<8192x8x128xf32, #tpu.memory_space<hbm>> -> memref<2x8x128xf32, #tpu.memory_space<hbm>>
        tpu.enqueue_dma source(%dma_start3A_693 : memref<2x8x128xf32, #tpu.memory_space<hbm>>) target(%dma_start3A_690 : memref<2x8x128xf32, #tpu.memory_space<vmem>>) target_semaphore(%arg16 : memref<!tpu.dma_semaphore, #tpu.memory_space<semaphore_mem>>)
      } else {
      }
      %mul3A_320 = arith.constant 4 : i32
      %mul3A_321 = arith.muli %scan3A_212, %mul3A_320 : i32
      %add3A_322 = arith.constant 1 : i32
      %add3A_323 = arith.addi %mul3A_321, %add3A_322 : i32
      %mul3A_324 = arith.constant 8 : i32
      %mul3A_325 = arith.muli %add3A_323, %mul3A_324 : i32
      %multiple_of3A_326 = tpu.assume_multiple %mul3A_325, 8 : i32
      %dma_wait3A_327 = arith.constant 1 : i32
      %dma_wait3A_328 = arith.constant 0 : i32
      %dma_wait3A_329 = arith.constant 0 : i32
      %dma_wait3A_330 = arith.constant 0 : i32
      %dma_wait3A_331 = tpu.memref_slice %arg9[%dma_wait3A_327, %dma_wait3A_328, %dma_wait3A_329, %dma_wait3A_330] : memref<4x8x8x128xf32, #tpu.memory_space<vmem>> -> memref<1x8x8x128xf32, #tpu.memory_space<vmem>>
      %dma_wait3A_332 = tpu.memref_squeeze %dma_wait3A_331 : memref<1x8x8x128xf32, #tpu.memory_space<vmem>> -> memref<8x8x128xf32, #tpu.memory_space<vmem>>
      %dma_wait3A_333 = tpu.memref_slice %arg7[%multiple_of3A_326] : memref<1024xi32, #tpu.memory_space<vmem>> -> memref<8xi32, #tpu.memory_space<vmem>>
      %dma_wait3A_334 = arith.constant 0 : i32
      %dma_wait3A_335 = arith.constant 0 : i32
      %dma_wait3A_336 = arith.constant 0 : i32
      %dma_wait3A_337 = tpu.memref_slice %arg2[%dma_wait3A_334, %dma_wait3A_335, %dma_wait3A_336] : memref<512x8x128xf32, #tpu.memory_space<hbm>> -> memref<512x8x128xf32, #tpu.memory_space<hbm>>
      tpu.wait_indirect_dma semaphore(%arg13 : memref<!tpu.dma_semaphore, #tpu.memory_space<semaphore_mem>>) src(%dma_wait3A_337 : memref<512x8x128xf32, #tpu.memory_space<hbm>>) dst(%dma_wait3A_332 : memref<8x8x128xf32, #tpu.memory_space<vmem>>)
      %mul3A_338 = arith.constant 2 : i32
      %mul3A_339 = arith.muli %add3A_323, %mul3A_338 : i32
      %add3A_340 = arith.addi %mul3A_2, %mul3A_339 : i32
      %dma_wait3A_341 = arith.constant 1 : i32
      %dma_wait3A_342 = arith.constant 0 : i32
      %dma_wait3A_343 = arith.constant 0 : i32
      %dma_wait3A_344 = arith.constant 0 : i32
      %dma_wait3A_345 = tpu.memref_slice %arg10[%dma_wait3A_341, %dma_wait3A_342, %dma_wait3A_343, %dma_wait3A_344] : memref<4x2x8x128xf32, #tpu.memory_space<vmem>> -> memref<1x2x8x128xf32, #tpu.memory_space<vmem>>
      %dma_wait3A_346 = tpu.memref_squeeze %dma_wait3A_345 : memref<1x2x8x128xf32, #tpu.memory_space<vmem>> -> memref<2x8x128xf32, #tpu.memory_space<vmem>>
      %dma_wait3A_347 = arith.constant 0 : i32
      %dma_wait3A_348 = arith.constant 0 : i32
      %dma_wait3A_349 = tpu.memref_slice %arg5[%add3A_340, %dma_wait3A_347, %dma_wait3A_348] : memref<8192x8x128xf32, #tpu.memory_space<hbm>> -> memref<2x8x128xf32, #tpu.memory_space<hbm>>
      %dma_wait3A_350 = arith.constant 0 : i32
      %dma_wait3A_351 = arith.constant 0 : i32
      %dma_wait3A_352 = arith.constant 0 : i32
      %dma_wait3A_353 = tpu.memref_slice %arg10[%dma_wait3A_341, %dma_wait3A_350, %dma_wait3A_351, %dma_wait3A_352] : memref<4x2x8x128xf32, #tpu.memory_space<vmem>> -> memref<1x2x8x128xf32, #tpu.memory_space<vmem>>
      %dma_wait3A_354 = tpu.memref_squeeze %dma_wait3A_353 : memref<1x2x8x128xf32, #tpu.memory_space<vmem>> -> memref<2x8x128xf32, #tpu.memory_space<vmem>>
      %dma_wait3A_355 = arith.constant 0 : i32
      %dma_wait3A_356 = arith.constant 0 : i32
      %dma_wait3A_357 = tpu.memref_slice %arg5[%add3A_340, %dma_wait3A_355, %dma_wait3A_356] : memref<8192x8x128xf32, #tpu.memory_space<hbm>> -> memref<2x8x128xf32, #tpu.memory_space<hbm>>
      tpu.wait_dma2 semaphore(%arg17 : memref<!tpu.dma_semaphore, #tpu.memory_space<semaphore_mem>>) src(%dma_wait3A_357 : memref<2x8x128xf32, #tpu.memory_space<hbm>>) dst(%dma_wait3A_354 : memref<2x8x128xf32, #tpu.memory_space<vmem>>)
      %ge3A_358 = arith.constant 1 : i32
      %ge3A_359 = arith.cmpi sge, %scan3A_212, %ge3A_358 : i32
      %convert_element_type3A_360 = arith.extui %ge3A_359 : i1 to i32
      %cond3A_361 = arith.constant 0 : i32
      %cond3A_362 = arith.cmpi ne, %convert_element_type3A_360, %cond3A_361 : i32
      scf.if %cond3A_362 {
        %sub3A = arith.constant 4 : i32
        %sub3A_656 = arith.subi %add3A_323, %sub3A : i32
        %mul3A_657 = arith.constant 2 : i32
        %mul3A_658 = arith.muli %sub3A_656, %mul3A_657 : i32
        %add3A_659 = arith.addi %mul3A_2, %mul3A_658 : i32
        %dma_wait3A_660 = arith.constant 1 : i32
        %dma_wait3A_661 = arith.constant 0 : i32
        %dma_wait3A_662 = arith.constant 0 : i32
        %dma_wait3A_663 = arith.constant 0 : i32
        %dma_wait3A_664 = tpu.memref_slice %arg11[%dma_wait3A_660, %dma_wait3A_661, %dma_wait3A_662, %dma_wait3A_663] : memref<4x2x8x128xf32, #tpu.memory_space<vmem>> -> memref<1x2x8x128xf32, #tpu.memory_space<vmem>>
        %dma_wait3A_665 = tpu.memref_squeeze %dma_wait3A_664 : memref<1x2x8x128xf32, #tpu.memory_space<vmem>> -> memref<2x8x128xf32, #tpu.memory_space<vmem>>
        %dma_wait3A_666 = arith.constant 0 : i32
        %dma_wait3A_667 = arith.constant 0 : i32
        %dma_wait3A_668 = tpu.memref_slice %arg6[%add3A_659, %dma_wait3A_666, %dma_wait3A_667] : memref<8192x8x128xf32, #tpu.memory_space<hbm>> -> memref<2x8x128xf32, #tpu.memory_space<hbm>>
        %dma_wait3A_669 = arith.constant 0 : i32
        %dma_wait3A_670 = arith.constant 0 : i32
        %dma_wait3A_671 = tpu.memref_slice %arg6[%add3A_659, %dma_wait3A_669, %dma_wait3A_670] : memref<8192x8x128xf32, #tpu.memory_space<hbm>> -> memref<2x8x128xf32, #tpu.memory_space<hbm>>
        %dma_wait3A_672 = arith.constant 0 : i32
        %dma_wait3A_673 = arith.constant 0 : i32
        %dma_wait3A_674 = arith.constant 0 : i32
        %dma_wait3A_675 = tpu.memref_slice %arg11[%dma_wait3A_660, %dma_wait3A_672, %dma_wait3A_673, %dma_wait3A_674] : memref<4x2x8x128xf32, #tpu.memory_space<vmem>> -> memref<1x2x8x128xf32, #tpu.memory_space<vmem>>
        %dma_wait3A_676 = tpu.memref_squeeze %dma_wait3A_675 : memref<1x2x8x128xf32, #tpu.memory_space<vmem>> -> memref<2x8x128xf32, #tpu.memory_space<vmem>>
        tpu.wait_dma2 semaphore(%arg21 : memref<!tpu.dma_semaphore, #tpu.memory_space<semaphore_mem>>) src(%dma_wait3A_676 : memref<2x8x128xf32, #tpu.memory_space<vmem>>) dst(%dma_wait3A_671 : memref<2x8x128xf32, #tpu.memory_space<hbm>>)
      } else {
      }
      %mul3A_363 = arith.constant 2 : i32
      %mul3A_364 = arith.muli %add3A_323, %mul3A_363 : i32
      %add3A_365 = arith.constant 0 : i32
      %add3A_366 = arith.addi %mul3A_364, %add3A_365 : i32
      %get3A_367 = arith.index_cast %add3A_366 : i32 to index
      %get3A_368 = arith.constant 0 : index
      %get3A_369 = tpu.vector_load %arg8[%get3A_367, %get3A_368] {strides = array<i32>} : memref<256x64xf32, #tpu.memory_space<vmem>>, vector<16xf32>,
      %get3A_370 = arith.index_cast %add3A_366 : i32 to index
      %get3A_371 = arith.constant 16 : index
      %get3A_372 = tpu.vector_load %arg8[%get3A_370, %get3A_371] {strides = array<i32>} : memref<256x64xf32, #tpu.memory_space<vmem>>, vector<16xf32>,
      %get3A_373 = arith.index_cast %add3A_366 : i32 to index
      %get3A_374 = arith.constant 32 : index
      %get3A_375 = tpu.vector_load %arg8[%get3A_373, %get3A_374] {strides = array<i32>} : memref<256x64xf32, #tpu.memory_space<vmem>>, vector<16xf32>,
      %get3A_376 = arith.index_cast %add3A_366 : i32 to index
      %get3A_377 = arith.constant 48 : index
      %get3A_378 = tpu.vector_load %arg8[%get3A_376, %get3A_377] {strides = array<i32>} : memref<256x64xf32, #tpu.memory_space<vmem>>, vector<16xf32>,
      %scan3A_379 = arith.constant 0 : i32
      %scan3A_380 = arith.constant 0 : i32
      %scan3A_381 = arith.constant 8 : i32
      %scan3A_382 = arith.addi %scan3A_380, %scan3A_381 : i32
      %scan3A_383 = arith.constant 1 : i32
      scf.for %scan3A_656 = %scan3A_380 to %scan3A_382 step %scan3A_383  : i32 {
        %get3A_657 = arith.constant 1 : i32
        %get3A_658 = arith.constant 0 : i32
        %get3A_659 = arith.index_cast %get3A_657 : i32 to index
        %get3A_660 = arith.index_cast %get3A_658 : i32 to index
        %get3A_661 = arith.index_cast %scan3A_656 : i32 to index
        %get3A_662 = arith.constant 0 : index
        %get3A_663 = tpu.vector_load %arg9[%get3A_659, %get3A_660, %get3A_661, %get3A_662] {strides = array<i32>} : memref<4x8x8x128xf32, #tpu.memory_space<vmem>>, vector<16xf32>,
        %mul3A_664 = arith.mulf %get3A_369, %get3A_663 : vector<16xf32>
        %get3A_665 = arith.constant 1 : i32
        %get3A_666 = arith.constant 1 : i32
        %get3A_667 = arith.index_cast %get3A_665 : i32 to index
        %get3A_668 = arith.index_cast %get3A_666 : i32 to index
        %get3A_669 = arith.index_cast %scan3A_656 : i32 to index
        %get3A_670 = arith.constant 0 : index
        %get3A_671 = tpu.vector_load %arg9[%get3A_667, %get3A_668, %get3A_669, %get3A_670] {strides = array<i32>} : memref<4x8x8x128xf32, #tpu.memory_space<vmem>>, vector<16xf32>,
        %mul3A_672 = arith.mulf %get3A_372, %get3A_671 : vector<16xf32>
        %get3A_673 = arith.constant 1 : i32
        %get3A_674 = arith.constant 2 : i32
        %get3A_675 = arith.index_cast %get3A_673 : i32 to index
        %get3A_676 = arith.index_cast %get3A_674 : i32 to index
        %get3A_677 = arith.index_cast %scan3A_656 : i32 to index
        %get3A_678 = arith.constant 0 : index
        %get3A_679 = tpu.vector_load %arg9[%get3A_675, %get3A_676, %get3A_677, %get3A_678] {strides = array<i32>} : memref<4x8x8x128xf32, #tpu.memory_space<vmem>>, vector<16xf32>,
        %mul3A_680 = arith.mulf %get3A_375, %get3A_679 : vector<16xf32>
        %get3A_681 = arith.constant 1 : i32
        %get3A_682 = arith.constant 3 : i32
        %get3A_683 = arith.index_cast %get3A_681 : i32 to index
        %get3A_684 = arith.index_cast %get3A_682 : i32 to index
        %get3A_685 = arith.index_cast %scan3A_656 : i32 to index
        %get3A_686 = arith.constant 0 : index
        %get3A_687 = tpu.vector_load %arg9[%get3A_683, %get3A_684, %get3A_685, %get3A_686] {strides = array<i32>} : memref<4x8x8x128xf32, #tpu.memory_space<vmem>>, vector<16xf32>,
        %mul3A_688 = arith.mulf %get3A_378, %get3A_687 : vector<16xf32>
        %get3A_689 = arith.constant 1 : i32
        %get3A_690 = arith.constant 0 : i32
        %get3A_691 = arith.index_cast %get3A_689 : i32 to index
        %get3A_692 = arith.index_cast %get3A_690 : i32 to index
        %get3A_693 = arith.index_cast %scan3A_656 : i32 to index
        %get3A_694 = arith.constant 0 : index
        %get3A_695 = tpu.vector_load %arg10[%get3A_691, %get3A_692, %get3A_693, %get3A_694] {strides = array<i32>} : memref<4x2x8x128xf32, #tpu.memory_space<vmem>>, vector<16xf32>,
        %add3A_696 = arith.addf %mul3A_664, %mul3A_672 : vector<16xf32>
        %add3A_697 = arith.addf %mul3A_680, %mul3A_688 : vector<16xf32>
        %add3A_698 = arith.addf %add3A_696, %add3A_697 : vector<16xf32>
        %add3A_699 = arith.addf %add3A_698, %get3A_695 : vector<16xf32>
        %swap3A = arith.constant 1 : i32
        %swap3A_700 = arith.constant 0 : i32
        %swap3A_701 = arith.index_cast %swap3A : i32 to index
        %swap3A_702 = arith.index_cast %swap3A_700 : i32 to index
        %swap3A_703 = arith.index_cast %scan3A_656 : i32 to index
        %swap3A_704 = arith.constant 0 : index
        %swap3A_705 = tpu.vector_load %arg11[%swap3A_701, %swap3A_702, %swap3A_703, %swap3A_704] {strides = array<i32>} : memref<4x2x8x128xf32, #tpu.memory_space<vmem>>, vector<16xf32>,
        tpu.vector_store %arg11[%swap3A_701, %swap3A_702, %swap3A_703, %swap3A_704], %add3A_699 {strides = array<i32>} : memref<4x2x8x128xf32, #tpu.memory_space<vmem>>, vector<16xf32>,
        %get3A_706 = arith.constant 1 : i32
        %get3A_707 = arith.constant 0 : i32
        %get3A_708 = arith.index_cast %get3A_706 : i32 to index
        %get3A_709 = arith.index_cast %get3A_707 : i32 to index
        %get3A_710 = arith.index_cast %scan3A_656 : i32 to index
        %get3A_711 = arith.constant 16 : index
        %get3A_712 = tpu.vector_load %arg9[%get3A_708, %get3A_709, %get3A_710, %get3A_711] {strides = array<i32>} : memref<4x8x8x128xf32, #tpu.memory_space<vmem>>, vector<16xf32>,
        %mul3A_713 = arith.mulf %get3A_369, %get3A_712 : vector<16xf32>
        %get3A_714 = arith.constant 1 : i32
        %get3A_715 = arith.constant 1 : i32
        %get3A_716 = arith.index_cast %get3A_714 : i32 to index
        %get3A_717 = arith.index_cast %get3A_715 : i32 to index
        %get3A_718 = arith.index_cast %scan3A_656 : i32 to index
        %get3A_719 = arith.constant 16 : index
        %get3A_720 = tpu.vector_load %arg9[%get3A_716, %get3A_717, %get3A_718, %get3A_719] {strides = array<i32>} : memref<4x8x8x128xf32, #tpu.memory_space<vmem>>, vector<16xf32>,
        %mul3A_721 = arith.mulf %get3A_372, %get3A_720 : vector<16xf32>
        %get3A_722 = arith.constant 1 : i32
        %get3A_723 = arith.constant 2 : i32
        %get3A_724 = arith.index_cast %get3A_722 : i32 to index
        %get3A_725 = arith.index_cast %get3A_723 : i32 to index
        %get3A_726 = arith.index_cast %scan3A_656 : i32 to index
        %get3A_727 = arith.constant 16 : index
        %get3A_728 = tpu.vector_load %arg9[%get3A_724, %get3A_725, %get3A_726, %get3A_727] {strides = array<i32>} : memref<4x8x8x128xf32, #tpu.memory_space<vmem>>, vector<16xf32>,
        %mul3A_729 = arith.mulf %get3A_375, %get3A_728 : vector<16xf32>
        %get3A_730 = arith.constant 1 : i32
        %get3A_731 = arith.constant 3 : i32
        %get3A_732 = arith.index_cast %get3A_730 : i32 to index
        %get3A_733 = arith.index_cast %get3A_731 : i32 to index
        %get3A_734 = arith.index_cast %scan3A_656 : i32 to index
        %get3A_735 = arith.constant 16 : index
        %get3A_736 = tpu.vector_load %arg9[%get3A_732, %get3A_733, %get3A_734, %get3A_735] {strides = array<i32>} : memref<4x8x8x128xf32, #tpu.memory_space<vmem>>, vector<16xf32>,
        %mul3A_737 = arith.mulf %get3A_378, %get3A_736 : vector<16xf32>
        %get3A_738 = arith.constant 1 : i32
        %get3A_739 = arith.constant 0 : i32
        %get3A_740 = arith.index_cast %get3A_738 : i32 to index
        %get3A_741 = arith.index_cast %get3A_739 : i32 to index
        %get3A_742 = arith.index_cast %scan3A_656 : i32 to index
        %get3A_743 = arith.constant 16 : index
        %get3A_744 = tpu.vector_load %arg10[%get3A_740, %get3A_741, %get3A_742, %get3A_743] {strides = array<i32>} : memref<4x2x8x128xf32, #tpu.memory_space<vmem>>, vector<16xf32>,
        %add3A_745 = arith.addf %mul3A_713, %mul3A_721 : vector<16xf32>
        %add3A_746 = arith.addf %mul3A_729, %mul3A_737 : vector<16xf32>
        %add3A_747 = arith.addf %add3A_745, %add3A_746 : vector<16xf32>
        %add3A_748 = arith.addf %add3A_747, %get3A_744 : vector<16xf32>
        %swap3A_749 = arith.constant 1 : i32
        %swap3A_750 = arith.constant 0 : i32
        %swap3A_751 = arith.index_cast %swap3A_749 : i32 to index
        %swap3A_752 = arith.index_cast %swap3A_750 : i32 to index
        %swap3A_753 = arith.index_cast %scan3A_656 : i32 to index
        %swap3A_754 = arith.constant 16 : index
        %swap3A_755 = tpu.vector_load %arg11[%swap3A_751, %swap3A_752, %swap3A_753, %swap3A_754] {strides = array<i32>} : memref<4x2x8x128xf32, #tpu.memory_space<vmem>>, vector<16xf32>,
        tpu.vector_store %arg11[%swap3A_751, %swap3A_752, %swap3A_753, %swap3A_754], %add3A_748 {strides = array<i32>} : memref<4x2x8x128xf32, #tpu.memory_space<vmem>>, vector<16xf32>,
        %get3A_756 = arith.constant 1 : i32
        %get3A_757 = arith.constant 0 : i32
        %get3A_758 = arith.index_cast %get3A_756 : i32 to index
        %get3A_759 = arith.index_cast %get3A_757 : i32 to index
        %get3A_760 = arith.index_cast %scan3A_656 : i32 to index
        %get3A_761 = arith.constant 32 : index
        %get3A_762 = tpu.vector_load %arg9[%get3A_758, %get3A_759, %get3A_760, %get3A_761] {strides = array<i32>} : memref<4x8x8x128xf32, #tpu.memory_space<vmem>>, vector<16xf32>,
        %mul3A_763 = arith.mulf %get3A_369, %get3A_762 : vector<16xf32>
        %get3A_764 = arith.constant 1 : i32
        %get3A_765 = arith.constant 1 : i32
        %get3A_766 = arith.index_cast %get3A_764 : i32 to index
        %get3A_767 = arith.index_cast %get3A_765 : i32 to index
        %get3A_768 = arith.index_cast %scan3A_656 : i32 to index
        %get3A_769 = arith.constant 32 : index
        %get3A_770 = tpu.vector_load %arg9[%get3A_766, %get3A_767, %get3A_768, %get3A_769] {strides = array<i32>} : memref<4x8x8x128xf32, #tpu.memory_space<vmem>>, vector<16xf32>,
        %mul3A_771 = arith.mulf %get3A_372, %get3A_770 : vector<16xf32>
        %get3A_772 = arith.constant 1 : i32
        %get3A_773 = arith.constant 2 : i32
        %get3A_774 = arith.index_cast %get3A_772 : i32 to index
        %get3A_775 = arith.index_cast %get3A_773 : i32 to index
        %get3A_776 = arith.index_cast %scan3A_656 : i32 to index
        %get3A_777 = arith.constant 32 : index
        %get3A_778 = tpu.vector_load %arg9[%get3A_774, %get3A_775, %get3A_776, %get3A_777] {strides = array<i32>} : memref<4x8x8x128xf32, #tpu.memory_space<vmem>>, vector<16xf32>,
        %mul3A_779 = arith.mulf %get3A_375, %get3A_778 : vector<16xf32>
        %get3A_780 = arith.constant 1 : i32
        %get3A_781 = arith.constant 3 : i32
        %get3A_782 = arith.index_cast %get3A_780 : i32 to index
        %get3A_783 = arith.index_cast %get3A_781 : i32 to index
        %get3A_784 = arith.index_cast %scan3A_656 : i32 to index
        %get3A_785 = arith.constant 32 : index
        %get3A_786 = tpu.vector_load %arg9[%get3A_782, %get3A_783, %get3A_784, %get3A_785] {strides = array<i32>} : memref<4x8x8x128xf32, #tpu.memory_space<vmem>>, vector<16xf32>,
        %mul3A_787 = arith.mulf %get3A_378, %get3A_786 : vector<16xf32>
        %get3A_788 = arith.constant 1 : i32
        %get3A_789 = arith.constant 0 : i32
        %get3A_790 = arith.index_cast %get3A_788 : i32 to index
        %get3A_791 = arith.index_cast %get3A_789 : i32 to index
        %get3A_792 = arith.index_cast %scan3A_656 : i32 to index
        %get3A_793 = arith.constant 32 : index
        %get3A_794 = tpu.vector_load %arg10[%get3A_790, %get3A_791, %get3A_792, %get3A_793] {strides = array<i32>} : memref<4x2x8x128xf32, #tpu.memory_space<vmem>>, vector<16xf32>,
        %add3A_795 = arith.addf %mul3A_763, %mul3A_771 : vector<16xf32>
        %add3A_796 = arith.addf %mul3A_779, %mul3A_787 : vector<16xf32>
        %add3A_797 = arith.addf %add3A_795, %add3A_796 : vector<16xf32>
        %add3A_798 = arith.addf %add3A_797, %get3A_794 : vector<16xf32>
        %swap3A_799 = arith.constant 1 : i32
        %swap3A_800 = arith.constant 0 : i32
        %swap3A_801 = arith.index_cast %swap3A_799 : i32 to index
        %swap3A_802 = arith.index_cast %swap3A_800 : i32 to index
        %swap3A_803 = arith.index_cast %scan3A_656 : i32 to index
        %swap3A_804 = arith.constant 32 : index
        %swap3A_805 = tpu.vector_load %arg11[%swap3A_801, %swap3A_802, %swap3A_803, %swap3A_804] {strides = array<i32>} : memref<4x2x8x128xf32, #tpu.memory_space<vmem>>, vector<16xf32>,
        tpu.vector_store %arg11[%swap3A_801, %swap3A_802, %swap3A_803, %swap3A_804], %add3A_798 {strides = array<i32>} : memref<4x2x8x128xf32, #tpu.memory_space<vmem>>, vector<16xf32>,
        %get3A_806 = arith.constant 1 : i32
        %get3A_807 = arith.constant 0 : i32
        %get3A_808 = arith.index_cast %get3A_806 : i32 to index
        %get3A_809 = arith.index_cast %get3A_807 : i32 to index
        %get3A_810 = arith.index_cast %scan3A_656 : i32 to index
        %get3A_811 = arith.constant 48 : index
        %get3A_812 = tpu.vector_load %arg9[%get3A_808, %get3A_809, %get3A_810, %get3A_811] {strides = array<i32>} : memref<4x8x8x128xf32, #tpu.memory_space<vmem>>, vector<16xf32>,
        %mul3A_813 = arith.mulf %get3A_369, %get3A_812 : vector<16xf32>
        %get3A_814 = arith.constant 1 : i32
        %get3A_815 = arith.constant 1 : i32
        %get3A_816 = arith.index_cast %get3A_814 : i32 to index
        %get3A_817 = arith.index_cast %get3A_815 : i32 to index
        %get3A_818 = arith.index_cast %scan3A_656 : i32 to index
        %get3A_819 = arith.constant 48 : index
        %get3A_820 = tpu.vector_load %arg9[%get3A_816, %get3A_817, %get3A_818, %get3A_819] {strides = array<i32>} : memref<4x8x8x128xf32, #tpu.memory_space<vmem>>, vector<16xf32>,
        %mul3A_821 = arith.mulf %get3A_372, %get3A_820 : vector<16xf32>
        %get3A_822 = arith.constant 1 : i32
        %get3A_823 = arith.constant 2 : i32
        %get3A_824 = arith.index_cast %get3A_822 : i32 to index
        %get3A_825 = arith.index_cast %get3A_823 : i32 to index
        %get3A_826 = arith.index_cast %scan3A_656 : i32 to index
        %get3A_827 = arith.constant 48 : index
        %get3A_828 = tpu.vector_load %arg9[%get3A_824, %get3A_825, %get3A_826, %get3A_827] {strides = array<i32>} : memref<4x8x8x128xf32, #tpu.memory_space<vmem>>, vector<16xf32>,
        %mul3A_829 = arith.mulf %get3A_375, %get3A_828 : vector<16xf32>
        %get3A_830 = arith.constant 1 : i32
        %get3A_831 = arith.constant 3 : i32
        %get3A_832 = arith.index_cast %get3A_830 : i32 to index
        %get3A_833 = arith.index_cast %get3A_831 : i32 to index
        %get3A_834 = arith.index_cast %scan3A_656 : i32 to index
        %get3A_835 = arith.constant 48 : index
        %get3A_836 = tpu.vector_load %arg9[%get3A_832, %get3A_833, %get3A_834, %get3A_835] {strides = array<i32>} : memref<4x8x8x128xf32, #tpu.memory_space<vmem>>, vector<16xf32>,
        %mul3A_837 = arith.mulf %get3A_378, %get3A_836 : vector<16xf32>
        %get3A_838 = arith.constant 1 : i32
        %get3A_839 = arith.constant 0 : i32
        %get3A_840 = arith.index_cast %get3A_838 : i32 to index
        %get3A_841 = arith.index_cast %get3A_839 : i32 to index
        %get3A_842 = arith.index_cast %scan3A_656 : i32 to index
        %get3A_843 = arith.constant 48 : index
        %get3A_844 = tpu.vector_load %arg10[%get3A_840, %get3A_841, %get3A_842, %get3A_843] {strides = array<i32>} : memref<4x2x8x128xf32, #tpu.memory_space<vmem>>, vector<16xf32>,
        %add3A_845 = arith.addf %mul3A_813, %mul3A_821 : vector<16xf32>
        %add3A_846 = arith.addf %mul3A_829, %mul3A_837 : vector<16xf32>
        %add3A_847 = arith.addf %add3A_845, %add3A_846 : vector<16xf32>
        %add3A_848 = arith.addf %add3A_847, %get3A_844 : vector<16xf32>
        %swap3A_849 = arith.constant 1 : i32
        %swap3A_850 = arith.constant 0 : i32
        %swap3A_851 = arith.index_cast %swap3A_849 : i32 to index
        %swap3A_852 = arith.index_cast %swap3A_850 : i32 to index
        %swap3A_853 = arith.index_cast %scan3A_656 : i32 to index
        %swap3A_854 = arith.constant 48 : index
        %swap3A_855 = tpu.vector_load %arg11[%swap3A_851, %swap3A_852, %swap3A_853, %swap3A_854] {strides = array<i32>} : memref<4x2x8x128xf32, #tpu.memory_space<vmem>>, vector<16xf32>,
        tpu.vector_store %arg11[%swap3A_851, %swap3A_852, %swap3A_853, %swap3A_854], %add3A_848 {strides = array<i32>} : memref<4x2x8x128xf32, #tpu.memory_space<vmem>>, vector<16xf32>,
        %get3A_856 = arith.constant 1 : i32
        %get3A_857 = arith.constant 0 : i32
        %get3A_858 = arith.index_cast %get3A_856 : i32 to index
        %get3A_859 = arith.index_cast %get3A_857 : i32 to index
        %get3A_860 = arith.index_cast %scan3A_656 : i32 to index
        %get3A_861 = arith.constant 64 : index
        %get3A_862 = tpu.vector_load %arg9[%get3A_858, %get3A_859, %get3A_860, %get3A_861] {strides = array<i32>} : memref<4x8x8x128xf32, #tpu.memory_space<vmem>>, vector<16xf32>,
        %mul3A_863 = arith.mulf %get3A_369, %get3A_862 : vector<16xf32>
        %get3A_864 = arith.constant 1 : i32
        %get3A_865 = arith.constant 1 : i32
        %get3A_866 = arith.index_cast %get3A_864 : i32 to index
        %get3A_867 = arith.index_cast %get3A_865 : i32 to index
        %get3A_868 = arith.index_cast %scan3A_656 : i32 to index
        %get3A_869 = arith.constant 64 : index
        %get3A_870 = tpu.vector_load %arg9[%get3A_866, %get3A_867, %get3A_868, %get3A_869] {strides = array<i32>} : memref<4x8x8x128xf32, #tpu.memory_space<vmem>>, vector<16xf32>,
        %mul3A_871 = arith.mulf %get3A_372, %get3A_870 : vector<16xf32>
        %get3A_872 = arith.constant 1 : i32
        %get3A_873 = arith.constant 2 : i32
        %get3A_874 = arith.index_cast %get3A_872 : i32 to index
        %get3A_875 = arith.index_cast %get3A_873 : i32 to index
        %get3A_876 = arith.index_cast %scan3A_656 : i32 to index
        %get3A_877 = arith.constant 64 : index
        %get3A_878 = tpu.vector_load %arg9[%get3A_874, %get3A_875, %get3A_876, %get3A_877] {strides = array<i32>} : memref<4x8x8x128xf32, #tpu.memory_space<vmem>>, vector<16xf32>,
        %mul3A_879 = arith.mulf %get3A_375, %get3A_878 : vector<16xf32>
        %get3A_880 = arith.constant 1 : i32
        %get3A_881 = arith.constant 3 : i32
        %get3A_882 = arith.index_cast %get3A_880 : i32 to index
        %get3A_883 = arith.index_cast %get3A_881 : i32 to index
        %get3A_884 = arith.index_cast %scan3A_656 : i32 to index
        %get3A_885 = arith.constant 64 : index
        %get3A_886 = tpu.vector_load %arg9[%get3A_882, %get3A_883, %get3A_884, %get3A_885] {strides = array<i32>} : memref<4x8x8x128xf32, #tpu.memory_space<vmem>>, vector<16xf32>,
        %mul3A_887 = arith.mulf %get3A_378, %get3A_886 : vector<16xf32>
        %get3A_888 = arith.constant 1 : i32
        %get3A_889 = arith.constant 0 : i32
        %get3A_890 = arith.index_cast %get3A_888 : i32 to index
        %get3A_891 = arith.index_cast %get3A_889 : i32 to index
        %get3A_892 = arith.index_cast %scan3A_656 : i32 to index
        %get3A_893 = arith.constant 64 : index
        %get3A_894 = tpu.vector_load %arg10[%get3A_890, %get3A_891, %get3A_892, %get3A_893] {strides = array<i32>} : memref<4x2x8x128xf32, #tpu.memory_space<vmem>>, vector<16xf32>,
        %add3A_895 = arith.addf %mul3A_863, %mul3A_871 : vector<16xf32>
        %add3A_896 = arith.addf %mul3A_879, %mul3A_887 : vector<16xf32>
        %add3A_897 = arith.addf %add3A_895, %add3A_896 : vector<16xf32>
        %add3A_898 = arith.addf %add3A_897, %get3A_894 : vector<16xf32>
        %swap3A_899 = arith.constant 1 : i32
        %swap3A_900 = arith.constant 0 : i32
        %swap3A_901 = arith.index_cast %swap3A_899 : i32 to index
        %swap3A_902 = arith.index_cast %swap3A_900 : i32 to index
        %swap3A_903 = arith.index_cast %scan3A_656 : i32 to index
        %swap3A_904 = arith.constant 64 : index
        %swap3A_905 = tpu.vector_load %arg11[%swap3A_901, %swap3A_902, %swap3A_903, %swap3A_904] {strides = array<i32>} : memref<4x2x8x128xf32, #tpu.memory_space<vmem>>, vector<16xf32>,
        tpu.vector_store %arg11[%swap3A_901, %swap3A_902, %swap3A_903, %swap3A_904], %add3A_898 {strides = array<i32>} : memref<4x2x8x128xf32, #tpu.memory_space<vmem>>, vector<16xf32>,
        %get3A_906 = arith.constant 1 : i32
        %get3A_907 = arith.constant 0 : i32
        %get3A_908 = arith.index_cast %get3A_906 : i32 to index
        %get3A_909 = arith.index_cast %get3A_907 : i32 to index
        %get3A_910 = arith.index_cast %scan3A_656 : i32 to index
        %get3A_911 = arith.constant 80 : index
        %get3A_912 = tpu.vector_load %arg9[%get3A_908, %get3A_909, %get3A_910, %get3A_911] {strides = array<i32>} : memref<4x8x8x128xf32, #tpu.memory_space<vmem>>, vector<16xf32>,
        %mul3A_913 = arith.mulf %get3A_369, %get3A_912 : vector<16xf32>
        %get3A_914 = arith.constant 1 : i32
        %get3A_915 = arith.constant 1 : i32
        %get3A_916 = arith.index_cast %get3A_914 : i32 to index
        %get3A_917 = arith.index_cast %get3A_915 : i32 to index
        %get3A_918 = arith.index_cast %scan3A_656 : i32 to index
        %get3A_919 = arith.constant 80 : index
        %get3A_920 = tpu.vector_load %arg9[%get3A_916, %get3A_917, %get3A_918, %get3A_919] {strides = array<i32>} : memref<4x8x8x128xf32, #tpu.memory_space<vmem>>, vector<16xf32>,
        %mul3A_921 = arith.mulf %get3A_372, %get3A_920 : vector<16xf32>
        %get3A_922 = arith.constant 1 : i32
        %get3A_923 = arith.constant 2 : i32
        %get3A_924 = arith.index_cast %get3A_922 : i32 to index
        %get3A_925 = arith.index_cast %get3A_923 : i32 to index
        %get3A_926 = arith.index_cast %scan3A_656 : i32 to index
        %get3A_927 = arith.constant 80 : index
        %get3A_928 = tpu.vector_load %arg9[%get3A_924, %get3A_925, %get3A_926, %get3A_927] {strides = array<i32>} : memref<4x8x8x128xf32, #tpu.memory_space<vmem>>, vector<16xf32>,
        %mul3A_929 = arith.mulf %get3A_375, %get3A_928 : vector<16xf32>
        %get3A_930 = arith.constant 1 : i32
        %get3A_931 = arith.constant 3 : i32
        %get3A_932 = arith.index_cast %get3A_930 : i32 to index
        %get3A_933 = arith.index_cast %get3A_931 : i32 to index
        %get3A_934 = arith.index_cast %scan3A_656 : i32 to index
        %get3A_935 = arith.constant 80 : index
        %get3A_936 = tpu.vector_load %arg9[%get3A_932, %get3A_933, %get3A_934, %get3A_935] {strides = array<i32>} : memref<4x8x8x128xf32, #tpu.memory_space<vmem>>, vector<16xf32>,
        %mul3A_937 = arith.mulf %get3A_378, %get3A_936 : vector<16xf32>
        %get3A_938 = arith.constant 1 : i32
        %get3A_939 = arith.constant 0 : i32
        %get3A_940 = arith.index_cast %get3A_938 : i32 to index
        %get3A_941 = arith.index_cast %get3A_939 : i32 to index
        %get3A_942 = arith.index_cast %scan3A_656 : i32 to index
        %get3A_943 = arith.constant 80 : index
        %get3A_944 = tpu.vector_load %arg10[%get3A_940, %get3A_941, %get3A_942, %get3A_943] {strides = array<i32>} : memref<4x2x8x128xf32, #tpu.memory_space<vmem>>, vector<16xf32>,
        %add3A_945 = arith.addf %mul3A_913, %mul3A_921 : vector<16xf32>
        %add3A_946 = arith.addf %mul3A_929, %mul3A_937 : vector<16xf32>
        %add3A_947 = arith.addf %add3A_945, %add3A_946 : vector<16xf32>
        %add3A_948 = arith.addf %add3A_947, %get3A_944 : vector<16xf32>
        %swap3A_949 = arith.constant 1 : i32
        %swap3A_950 = arith.constant 0 : i32
        %swap3A_951 = arith.index_cast %swap3A_949 : i32 to index
        %swap3A_952 = arith.index_cast %swap3A_950 : i32 to index
        %swap3A_953 = arith.index_cast %scan3A_656 : i32 to index
        %swap3A_954 = arith.constant 80 : index
        %swap3A_955 = tpu.vector_load %arg11[%swap3A_951, %swap3A_952, %swap3A_953, %swap3A_954] {strides = array<i32>} : memref<4x2x8x128xf32, #tpu.memory_space<vmem>>, vector<16xf32>,
        tpu.vector_store %arg11[%swap3A_951, %swap3A_952, %swap3A_953, %swap3A_954], %add3A_948 {strides = array<i32>} : memref<4x2x8x128xf32, #tpu.memory_space<vmem>>, vector<16xf32>,
        %get3A_956 = arith.constant 1 : i32
        %get3A_957 = arith.constant 0 : i32
        %get3A_958 = arith.index_cast %get3A_956 : i32 to index
        %get3A_959 = arith.index_cast %get3A_957 : i32 to index
        %get3A_960 = arith.index_cast %scan3A_656 : i32 to index
        %get3A_961 = arith.constant 96 : index
        %get3A_962 = tpu.vector_load %arg9[%get3A_958, %get3A_959, %get3A_960, %get3A_961] {strides = array<i32>} : memref<4x8x8x128xf32, #tpu.memory_space<vmem>>, vector<16xf32>,
        %mul3A_963 = arith.mulf %get3A_369, %get3A_962 : vector<16xf32>
        %get3A_964 = arith.constant 1 : i32
        %get3A_965 = arith.constant 1 : i32
        %get3A_966 = arith.index_cast %get3A_964 : i32 to index
        %get3A_967 = arith.index_cast %get3A_965 : i32 to index
        %get3A_968 = arith.index_cast %scan3A_656 : i32 to index
        %get3A_969 = arith.constant 96 : index
        %get3A_970 = tpu.vector_load %arg9[%get3A_966, %get3A_967, %get3A_968, %get3A_969] {strides = array<i32>} : memref<4x8x8x128xf32, #tpu.memory_space<vmem>>, vector<16xf32>,
        %mul3A_971 = arith.mulf %get3A_372, %get3A_970 : vector<16xf32>
        %get3A_972 = arith.constant 1 : i32
        %get3A_973 = arith.constant 2 : i32
        %get3A_974 = arith.index_cast %get3A_972 : i32 to index
        %get3A_975 = arith.index_cast %get3A_973 : i32 to index
        %get3A_976 = arith.index_cast %scan3A_656 : i32 to index
        %get3A_977 = arith.constant 96 : index
        %get3A_978 = tpu.vector_load %arg9[%get3A_974, %get3A_975, %get3A_976, %get3A_977] {strides = array<i32>} : memref<4x8x8x128xf32, #tpu.memory_space<vmem>>, vector<16xf32>,
        %mul3A_979 = arith.mulf %get3A_375, %get3A_978 : vector<16xf32>
        %get3A_980 = arith.constant 1 : i32
        %get3A_981 = arith.constant 3 : i32
        %get3A_982 = arith.index_cast %get3A_980 : i32 to index
        %get3A_983 = arith.index_cast %get3A_981 : i32 to index
        %get3A_984 = arith.index_cast %scan3A_656 : i32 to index
        %get3A_985 = arith.constant 96 : index
        %get3A_986 = tpu.vector_load %arg9[%get3A_982, %get3A_983, %get3A_984, %get3A_985] {strides = array<i32>} : memref<4x8x8x128xf32, #tpu.memory_space<vmem>>, vector<16xf32>,
        %mul3A_987 = arith.mulf %get3A_378, %get3A_986 : vector<16xf32>
        %get3A_988 = arith.constant 1 : i32
        %get3A_989 = arith.constant 0 : i32
        %get3A_990 = arith.index_cast %get3A_988 : i32 to index
        %get3A_991 = arith.index_cast %get3A_989 : i32 to index
        %get3A_992 = arith.index_cast %scan3A_656 : i32 to index
        %get3A_993 = arith.constant 96 : index
        %get3A_994 = tpu.vector_load %arg10[%get3A_990, %get3A_991, %get3A_992, %get3A_993] {strides = array<i32>} : memref<4x2x8x128xf32, #tpu.memory_space<vmem>>, vector<16xf32>,
        %add3A_995 = arith.addf %mul3A_963, %mul3A_971 : vector<16xf32>
        %add3A_996 = arith.addf %mul3A_979, %mul3A_987 : vector<16xf32>
        %add3A_997 = arith.addf %add3A_995, %add3A_996 : vector<16xf32>
        %add3A_998 = arith.addf %add3A_997, %get3A_994 : vector<16xf32>
        %swap3A_999 = arith.constant 1 : i32
        %swap3A_1000 = arith.constant 0 : i32
        %swap3A_1001 = arith.index_cast %swap3A_999 : i32 to index
        %swap3A_1002 = arith.index_cast %swap3A_1000 : i32 to index
        %swap3A_1003 = arith.index_cast %scan3A_656 : i32 to index
        %swap3A_1004 = arith.constant 96 : index
        %swap3A_1005 = tpu.vector_load %arg11[%swap3A_1001, %swap3A_1002, %swap3A_1003, %swap3A_1004] {strides = array<i32>} : memref<4x2x8x128xf32, #tpu.memory_space<vmem>>, vector<16xf32>,
        tpu.vector_store %arg11[%swap3A_1001, %swap3A_1002, %swap3A_1003, %swap3A_1004], %add3A_998 {strides = array<i32>} : memref<4x2x8x128xf32, #tpu.memory_space<vmem>>, vector<16xf32>,
        %get3A_1006 = arith.constant 1 : i32
        %get3A_1007 = arith.constant 0 : i32
        %get3A_1008 = arith.index_cast %get3A_1006 : i32 to index
        %get3A_1009 = arith.index_cast %get3A_1007 : i32 to index
        %get3A_1010 = arith.index_cast %scan3A_656 : i32 to index
        %get3A_1011 = arith.constant 112 : index
        %get3A_1012 = tpu.vector_load %arg9[%get3A_1008, %get3A_1009, %get3A_1010, %get3A_1011] {strides = array<i32>} : memref<4x8x8x128xf32, #tpu.memory_space<vmem>>, vector<16xf32>,
        %mul3A_1013 = arith.mulf %get3A_369, %get3A_1012 : vector<16xf32>
        %get3A_1014 = arith.constant 1 : i32
        %get3A_1015 = arith.constant 1 : i32
        %get3A_1016 = arith.index_cast %get3A_1014 : i32 to index
        %get3A_1017 = arith.index_cast %get3A_1015 : i32 to index
        %get3A_1018 = arith.index_cast %scan3A_656 : i32 to index
        %get3A_1019 = arith.constant 112 : index
        %get3A_1020 = tpu.vector_load %arg9[%get3A_1016, %get3A_1017, %get3A_1018, %get3A_1019] {strides = array<i32>} : memref<4x8x8x128xf32, #tpu.memory_space<vmem>>, vector<16xf32>,
        %mul3A_1021 = arith.mulf %get3A_372, %get3A_1020 : vector<16xf32>
        %get3A_1022 = arith.constant 1 : i32
        %get3A_1023 = arith.constant 2 : i32
        %get3A_1024 = arith.index_cast %get3A_1022 : i32 to index
        %get3A_1025 = arith.index_cast %get3A_1023 : i32 to index
        %get3A_1026 = arith.index_cast %scan3A_656 : i32 to index
        %get3A_1027 = arith.constant 112 : index
        %get3A_1028 = tpu.vector_load %arg9[%get3A_1024, %get3A_1025, %get3A_1026, %get3A_1027] {strides = array<i32>} : memref<4x8x8x128xf32, #tpu.memory_space<vmem>>, vector<16xf32>,
        %mul3A_1029 = arith.mulf %get3A_375, %get3A_1028 : vector<16xf32>
        %get3A_1030 = arith.constant 1 : i32
        %get3A_1031 = arith.constant 3 : i32
        %get3A_1032 = arith.index_cast %get3A_1030 : i32 to index
        %get3A_1033 = arith.index_cast %get3A_1031 : i32 to index
        %get3A_1034 = arith.index_cast %scan3A_656 : i32 to index
        %get3A_1035 = arith.constant 112 : index
        %get3A_1036 = tpu.vector_load %arg9[%get3A_1032, %get3A_1033, %get3A_1034, %get3A_1035] {strides = array<i32>} : memref<4x8x8x128xf32, #tpu.memory_space<vmem>>, vector<16xf32>,
        %mul3A_1037 = arith.mulf %get3A_378, %get3A_1036 : vector<16xf32>
        %get3A_1038 = arith.constant 1 : i32
        %get3A_1039 = arith.constant 0 : i32
        %get3A_1040 = arith.index_cast %get3A_1038 : i32 to index
        %get3A_1041 = arith.index_cast %get3A_1039 : i32 to index
        %get3A_1042 = arith.index_cast %scan3A_656 : i32 to index
        %get3A_1043 = arith.constant 112 : index
        %get3A_1044 = tpu.vector_load %arg10[%get3A_1040, %get3A_1041, %get3A_1042, %get3A_1043] {strides = array<i32>} : memref<4x2x8x128xf32, #tpu.memory_space<vmem>>, vector<16xf32>,
        %add3A_1045 = arith.addf %mul3A_1013, %mul3A_1021 : vector<16xf32>
        %add3A_1046 = arith.addf %mul3A_1029, %mul3A_1037 : vector<16xf32>
        %add3A_1047 = arith.addf %add3A_1045, %add3A_1046 : vector<16xf32>
        %add3A_1048 = arith.addf %add3A_1047, %get3A_1044 : vector<16xf32>
        %swap3A_1049 = arith.constant 1 : i32
        %swap3A_1050 = arith.constant 0 : i32
        %swap3A_1051 = arith.index_cast %swap3A_1049 : i32 to index
        %swap3A_1052 = arith.index_cast %swap3A_1050 : i32 to index
        %swap3A_1053 = arith.index_cast %scan3A_656 : i32 to index
        %swap3A_1054 = arith.constant 112 : index
        %swap3A_1055 = tpu.vector_load %arg11[%swap3A_1051, %swap3A_1052, %swap3A_1053, %swap3A_1054] {strides = array<i32>} : memref<4x2x8x128xf32, #tpu.memory_space<vmem>>, vector<16xf32>,
        tpu.vector_store %arg11[%swap3A_1051, %swap3A_1052, %swap3A_1053, %swap3A_1054], %add3A_1048 {strides = array<i32>} : memref<4x2x8x128xf32, #tpu.memory_space<vmem>>, vector<16xf32>,
      }
      %scan3A_384 = arith.constant 8 : i32
      %mul3A_385 = arith.constant 2 : i32
      %mul3A_386 = arith.muli %add3A_323, %mul3A_385 : i32
      %add3A_387 = arith.constant 1 : i32
      %add3A_388 = arith.addi %mul3A_386, %add3A_387 : i32
      %get3A_389 = arith.index_cast %add3A_388 : i32 to index
      %get3A_390 = arith.constant 0 : index
      %get3A_391 = tpu.vector_load %arg8[%get3A_389, %get3A_390] {strides = array<i32>} : memref<256x64xf32, #tpu.memory_space<vmem>>, vector<16xf32>,
      %get3A_392 = arith.index_cast %add3A_388 : i32 to index
      %get3A_393 = arith.constant 16 : index
      %get3A_394 = tpu.vector_load %arg8[%get3A_392, %get3A_393] {strides = array<i32>} : memref<256x64xf32, #tpu.memory_space<vmem>>, vector<16xf32>,
      %get3A_395 = arith.index_cast %add3A_388 : i32 to index
      %get3A_396 = arith.constant 32 : index
      %get3A_397 = tpu.vector_load %arg8[%get3A_395, %get3A_396] {strides = array<i32>} : memref<256x64xf32, #tpu.memory_space<vmem>>, vector<16xf32>,
      %get3A_398 = arith.index_cast %add3A_388 : i32 to index
      %get3A_399 = arith.constant 48 : index
      %get3A_400 = tpu.vector_load %arg8[%get3A_398, %get3A_399] {strides = array<i32>} : memref<256x64xf32, #tpu.memory_space<vmem>>, vector<16xf32>,
      %scan3A_401 = arith.constant 0 : i32
      %scan3A_402 = arith.constant 0 : i32
      %scan3A_403 = arith.constant 8 : i32
      %scan3A_404 = arith.addi %scan3A_402, %scan3A_403 : i32
      %scan3A_405 = arith.constant 1 : i32
      scf.for %scan3A_656 = %scan3A_402 to %scan3A_404 step %scan3A_405  : i32 {
        %get3A_657 = arith.constant 1 : i32
        %get3A_658 = arith.constant 4 : i32
        %get3A_659 = arith.index_cast %get3A_657 : i32 to index
        %get3A_660 = arith.index_cast %get3A_658 : i32 to index
        %get3A_661 = arith.index_cast %scan3A_656 : i32 to index
        %get3A_662 = arith.constant 0 : index
        %get3A_663 = tpu.vector_load %arg9[%get3A_659, %get3A_660, %get3A_661, %get3A_662] {strides = array<i32>} : memref<4x8x8x128xf32, #tpu.memory_space<vmem>>, vector<16xf32>,
        %mul3A_664 = arith.mulf %get3A_391, %get3A_663 : vector<16xf32>
        %get3A_665 = arith.constant 1 : i32
        %get3A_666 = arith.constant 5 : i32
        %get3A_667 = arith.index_cast %get3A_665 : i32 to index
        %get3A_668 = arith.index_cast %get3A_666 : i32 to index
        %get3A_669 = arith.index_cast %scan3A_656 : i32 to index
        %get3A_670 = arith.constant 0 : index
        %get3A_671 = tpu.vector_load %arg9[%get3A_667, %get3A_668, %get3A_669, %get3A_670] {strides = array<i32>} : memref<4x8x8x128xf32, #tpu.memory_space<vmem>>, vector<16xf32>,
        %mul3A_672 = arith.mulf %get3A_394, %get3A_671 : vector<16xf32>
        %get3A_673 = arith.constant 1 : i32
        %get3A_674 = arith.constant 6 : i32
        %get3A_675 = arith.index_cast %get3A_673 : i32 to index
        %get3A_676 = arith.index_cast %get3A_674 : i32 to index
        %get3A_677 = arith.index_cast %scan3A_656 : i32 to index
        %get3A_678 = arith.constant 0 : index
        %get3A_679 = tpu.vector_load %arg9[%get3A_675, %get3A_676, %get3A_677, %get3A_678] {strides = array<i32>} : memref<4x8x8x128xf32, #tpu.memory_space<vmem>>, vector<16xf32>,
        %mul3A_680 = arith.mulf %get3A_397, %get3A_679 : vector<16xf32>
        %get3A_681 = arith.constant 1 : i32
        %get3A_682 = arith.constant 7 : i32
        %get3A_683 = arith.index_cast %get3A_681 : i32 to index
        %get3A_684 = arith.index_cast %get3A_682 : i32 to index
        %get3A_685 = arith.index_cast %scan3A_656 : i32 to index
        %get3A_686 = arith.constant 0 : index
        %get3A_687 = tpu.vector_load %arg9[%get3A_683, %get3A_684, %get3A_685, %get3A_686] {strides = array<i32>} : memref<4x8x8x128xf32, #tpu.memory_space<vmem>>, vector<16xf32>,
        %mul3A_688 = arith.mulf %get3A_400, %get3A_687 : vector<16xf32>
        %get3A_689 = arith.constant 1 : i32
        %get3A_690 = arith.constant 1 : i32
        %get3A_691 = arith.index_cast %get3A_689 : i32 to index
        %get3A_692 = arith.index_cast %get3A_690 : i32 to index
        %get3A_693 = arith.index_cast %scan3A_656 : i32 to index
        %get3A_694 = arith.constant 0 : index
        %get3A_695 = tpu.vector_load %arg10[%get3A_691, %get3A_692, %get3A_693, %get3A_694] {strides = array<i32>} : memref<4x2x8x128xf32, #tpu.memory_space<vmem>>, vector<16xf32>,
        %add3A_696 = arith.addf %mul3A_664, %mul3A_672 : vector<16xf32>
        %add3A_697 = arith.addf %mul3A_680, %mul3A_688 : vector<16xf32>
        %add3A_698 = arith.addf %add3A_696, %add3A_697 : vector<16xf32>
        %add3A_699 = arith.addf %add3A_698, %get3A_695 : vector<16xf32>
        %swap3A = arith.constant 1 : i32
        %swap3A_700 = arith.constant 1 : i32
        %swap3A_701 = arith.index_cast %swap3A : i32 to index
        %swap3A_702 = arith.index_cast %swap3A_700 : i32 to index
        %swap3A_703 = arith.index_cast %scan3A_656 : i32 to index
        %swap3A_704 = arith.constant 0 : index
        %swap3A_705 = tpu.vector_load %arg11[%swap3A_701, %swap3A_702, %swap3A_703, %swap3A_704] {strides = array<i32>} : memref<4x2x8x128xf32, #tpu.memory_space<vmem>>, vector<16xf32>,
        tpu.vector_store %arg11[%swap3A_701, %swap3A_702, %swap3A_703, %swap3A_704], %add3A_699 {strides = array<i32>} : memref<4x2x8x128xf32, #tpu.memory_space<vmem>>, vector<16xf32>,
        %get3A_706 = arith.constant 1 : i32
        %get3A_707 = arith.constant 4 : i32
        %get3A_708 = arith.index_cast %get3A_706 : i32 to index
        %get3A_709 = arith.index_cast %get3A_707 : i32 to index
        %get3A_710 = arith.index_cast %scan3A_656 : i32 to index
        %get3A_711 = arith.constant 16 : index
        %get3A_712 = tpu.vector_load %arg9[%get3A_708, %get3A_709, %get3A_710, %get3A_711] {strides = array<i32>} : memref<4x8x8x128xf32, #tpu.memory_space<vmem>>, vector<16xf32>,
        %mul3A_713 = arith.mulf %get3A_391, %get3A_712 : vector<16xf32>
        %get3A_714 = arith.constant 1 : i32
        %get3A_715 = arith.constant 5 : i32
        %get3A_716 = arith.index_cast %get3A_714 : i32 to index
        %get3A_717 = arith.index_cast %get3A_715 : i32 to index
        %get3A_718 = arith.index_cast %scan3A_656 : i32 to index
        %get3A_719 = arith.constant 16 : index
        %get3A_720 = tpu.vector_load %arg9[%get3A_716, %get3A_717, %get3A_718, %get3A_719] {strides = array<i32>} : memref<4x8x8x128xf32, #tpu.memory_space<vmem>>, vector<16xf32>,
        %mul3A_721 = arith.mulf %get3A_394, %get3A_720 : vector<16xf32>
        %get3A_722 = arith.constant 1 : i32
        %get3A_723 = arith.constant 6 : i32
        %get3A_724 = arith.index_cast %get3A_722 : i32 to index
        %get3A_725 = arith.index_cast %get3A_723 : i32 to index
        %get3A_726 = arith.index_cast %scan3A_656 : i32 to index
        %get3A_727 = arith.constant 16 : index
        %get3A_728 = tpu.vector_load %arg9[%get3A_724, %get3A_725, %get3A_726, %get3A_727] {strides = array<i32>} : memref<4x8x8x128xf32, #tpu.memory_space<vmem>>, vector<16xf32>,
        %mul3A_729 = arith.mulf %get3A_397, %get3A_728 : vector<16xf32>
        %get3A_730 = arith.constant 1 : i32
        %get3A_731 = arith.constant 7 : i32
        %get3A_732 = arith.index_cast %get3A_730 : i32 to index
        %get3A_733 = arith.index_cast %get3A_731 : i32 to index
        %get3A_734 = arith.index_cast %scan3A_656 : i32 to index
        %get3A_735 = arith.constant 16 : index
        %get3A_736 = tpu.vector_load %arg9[%get3A_732, %get3A_733, %get3A_734, %get3A_735] {strides = array<i32>} : memref<4x8x8x128xf32, #tpu.memory_space<vmem>>, vector<16xf32>,
        %mul3A_737 = arith.mulf %get3A_400, %get3A_736 : vector<16xf32>
        %get3A_738 = arith.constant 1 : i32
        %get3A_739 = arith.constant 1 : i32
        %get3A_740 = arith.index_cast %get3A_738 : i32 to index
        %get3A_741 = arith.index_cast %get3A_739 : i32 to index
        %get3A_742 = arith.index_cast %scan3A_656 : i32 to index
        %get3A_743 = arith.constant 16 : index
        %get3A_744 = tpu.vector_load %arg10[%get3A_740, %get3A_741, %get3A_742, %get3A_743] {strides = array<i32>} : memref<4x2x8x128xf32, #tpu.memory_space<vmem>>, vector<16xf32>,
        %add3A_745 = arith.addf %mul3A_713, %mul3A_721 : vector<16xf32>
        %add3A_746 = arith.addf %mul3A_729, %mul3A_737 : vector<16xf32>
        %add3A_747 = arith.addf %add3A_745, %add3A_746 : vector<16xf32>
        %add3A_748 = arith.addf %add3A_747, %get3A_744 : vector<16xf32>
        %swap3A_749 = arith.constant 1 : i32
        %swap3A_750 = arith.constant 1 : i32
        %swap3A_751 = arith.index_cast %swap3A_749 : i32 to index
        %swap3A_752 = arith.index_cast %swap3A_750 : i32 to index
        %swap3A_753 = arith.index_cast %scan3A_656 : i32 to index
        %swap3A_754 = arith.constant 16 : index
        %swap3A_755 = tpu.vector_load %arg11[%swap3A_751, %swap3A_752, %swap3A_753, %swap3A_754] {strides = array<i32>} : memref<4x2x8x128xf32, #tpu.memory_space<vmem>>, vector<16xf32>,
        tpu.vector_store %arg11[%swap3A_751, %swap3A_752, %swap3A_753, %swap3A_754], %add3A_748 {strides = array<i32>} : memref<4x2x8x128xf32, #tpu.memory_space<vmem>>, vector<16xf32>,
        %get3A_756 = arith.constant 1 : i32
        %get3A_757 = arith.constant 4 : i32
        %get3A_758 = arith.index_cast %get3A_756 : i32 to index
        %get3A_759 = arith.index_cast %get3A_757 : i32 to index
        %get3A_760 = arith.index_cast %scan3A_656 : i32 to index
        %get3A_761 = arith.constant 32 : index
        %get3A_762 = tpu.vector_load %arg9[%get3A_758, %get3A_759, %get3A_760, %get3A_761] {strides = array<i32>} : memref<4x8x8x128xf32, #tpu.memory_space<vmem>>, vector<16xf32>,
        %mul3A_763 = arith.mulf %get3A_391, %get3A_762 : vector<16xf32>
        %get3A_764 = arith.constant 1 : i32
        %get3A_765 = arith.constant 5 : i32
        %get3A_766 = arith.index_cast %get3A_764 : i32 to index
        %get3A_767 = arith.index_cast %get3A_765 : i32 to index
        %get3A_768 = arith.index_cast %scan3A_656 : i32 to index
        %get3A_769 = arith.constant 32 : index
        %get3A_770 = tpu.vector_load %arg9[%get3A_766, %get3A_767, %get3A_768, %get3A_769] {strides = array<i32>} : memref<4x8x8x128xf32, #tpu.memory_space<vmem>>, vector<16xf32>,
        %mul3A_771 = arith.mulf %get3A_394, %get3A_770 : vector<16xf32>
        %get3A_772 = arith.constant 1 : i32
        %get3A_773 = arith.constant 6 : i32
        %get3A_774 = arith.index_cast %get3A_772 : i32 to index
        %get3A_775 = arith.index_cast %get3A_773 : i32 to index
        %get3A_776 = arith.index_cast %scan3A_656 : i32 to index
        %get3A_777 = arith.constant 32 : index
        %get3A_778 = tpu.vector_load %arg9[%get3A_774, %get3A_775, %get3A_776, %get3A_777] {strides = array<i32>} : memref<4x8x8x128xf32, #tpu.memory_space<vmem>>, vector<16xf32>,
        %mul3A_779 = arith.mulf %get3A_397, %get3A_778 : vector<16xf32>
        %get3A_780 = arith.constant 1 : i32
        %get3A_781 = arith.constant 7 : i32
        %get3A_782 = arith.index_cast %get3A_780 : i32 to index
        %get3A_783 = arith.index_cast %get3A_781 : i32 to index
        %get3A_784 = arith.index_cast %scan3A_656 : i32 to index
        %get3A_785 = arith.constant 32 : index
        %get3A_786 = tpu.vector_load %arg9[%get3A_782, %get3A_783, %get3A_784, %get3A_785] {strides = array<i32>} : memref<4x8x8x128xf32, #tpu.memory_space<vmem>>, vector<16xf32>,
        %mul3A_787 = arith.mulf %get3A_400, %get3A_786 : vector<16xf32>
        %get3A_788 = arith.constant 1 : i32
        %get3A_789 = arith.constant 1 : i32
        %get3A_790 = arith.index_cast %get3A_788 : i32 to index
        %get3A_791 = arith.index_cast %get3A_789 : i32 to index
        %get3A_792 = arith.index_cast %scan3A_656 : i32 to index
        %get3A_793 = arith.constant 32 : index
        %get3A_794 = tpu.vector_load %arg10[%get3A_790, %get3A_791, %get3A_792, %get3A_793] {strides = array<i32>} : memref<4x2x8x128xf32, #tpu.memory_space<vmem>>, vector<16xf32>,
        %add3A_795 = arith.addf %mul3A_763, %mul3A_771 : vector<16xf32>
        %add3A_796 = arith.addf %mul3A_779, %mul3A_787 : vector<16xf32>
        %add3A_797 = arith.addf %add3A_795, %add3A_796 : vector<16xf32>
        %add3A_798 = arith.addf %add3A_797, %get3A_794 : vector<16xf32>
        %swap3A_799 = arith.constant 1 : i32
        %swap3A_800 = arith.constant 1 : i32
        %swap3A_801 = arith.index_cast %swap3A_799 : i32 to index
        %swap3A_802 = arith.index_cast %swap3A_800 : i32 to index
        %swap3A_803 = arith.index_cast %scan3A_656 : i32 to index
        %swap3A_804 = arith.constant 32 : index
        %swap3A_805 = tpu.vector_load %arg11[%swap3A_801, %swap3A_802, %swap3A_803, %swap3A_804] {strides = array<i32>} : memref<4x2x8x128xf32, #tpu.memory_space<vmem>>, vector<16xf32>,
        tpu.vector_store %arg11[%swap3A_801, %swap3A_802, %swap3A_803, %swap3A_804], %add3A_798 {strides = array<i32>} : memref<4x2x8x128xf32, #tpu.memory_space<vmem>>, vector<16xf32>,
        %get3A_806 = arith.constant 1 : i32
        %get3A_807 = arith.constant 4 : i32
        %get3A_808 = arith.index_cast %get3A_806 : i32 to index
        %get3A_809 = arith.index_cast %get3A_807 : i32 to index
        %get3A_810 = arith.index_cast %scan3A_656 : i32 to index
        %get3A_811 = arith.constant 48 : index
        %get3A_812 = tpu.vector_load %arg9[%get3A_808, %get3A_809, %get3A_810, %get3A_811] {strides = array<i32>} : memref<4x8x8x128xf32, #tpu.memory_space<vmem>>, vector<16xf32>,
        %mul3A_813 = arith.mulf %get3A_391, %get3A_812 : vector<16xf32>
        %get3A_814 = arith.constant 1 : i32
        %get3A_815 = arith.constant 5 : i32
        %get3A_816 = arith.index_cast %get3A_814 : i32 to index
        %get3A_817 = arith.index_cast %get3A_815 : i32 to index
        %get3A_818 = arith.index_cast %scan3A_656 : i32 to index
        %get3A_819 = arith.constant 48 : index
        %get3A_820 = tpu.vector_load %arg9[%get3A_816, %get3A_817, %get3A_818, %get3A_819] {strides = array<i32>} : memref<4x8x8x128xf32, #tpu.memory_space<vmem>>, vector<16xf32>,
        %mul3A_821 = arith.mulf %get3A_394, %get3A_820 : vector<16xf32>
        %get3A_822 = arith.constant 1 : i32
        %get3A_823 = arith.constant 6 : i32
        %get3A_824 = arith.index_cast %get3A_822 : i32 to index
        %get3A_825 = arith.index_cast %get3A_823 : i32 to index
        %get3A_826 = arith.index_cast %scan3A_656 : i32 to index
        %get3A_827 = arith.constant 48 : index
        %get3A_828 = tpu.vector_load %arg9[%get3A_824, %get3A_825, %get3A_826, %get3A_827] {strides = array<i32>} : memref<4x8x8x128xf32, #tpu.memory_space<vmem>>, vector<16xf32>,
        %mul3A_829 = arith.mulf %get3A_397, %get3A_828 : vector<16xf32>
        %get3A_830 = arith.constant 1 : i32
        %get3A_831 = arith.constant 7 : i32
        %get3A_832 = arith.index_cast %get3A_830 : i32 to index
        %get3A_833 = arith.index_cast %get3A_831 : i32 to index
        %get3A_834 = arith.index_cast %scan3A_656 : i32 to index
        %get3A_835 = arith.constant 48 : index
        %get3A_836 = tpu.vector_load %arg9[%get3A_832, %get3A_833, %get3A_834, %get3A_835] {strides = array<i32>} : memref<4x8x8x128xf32, #tpu.memory_space<vmem>>, vector<16xf32>,
        %mul3A_837 = arith.mulf %get3A_400, %get3A_836 : vector<16xf32>
        %get3A_838 = arith.constant 1 : i32
        %get3A_839 = arith.constant 1 : i32
        %get3A_840 = arith.index_cast %get3A_838 : i32 to index
        %get3A_841 = arith.index_cast %get3A_839 : i32 to index
        %get3A_842 = arith.index_cast %scan3A_656 : i32 to index
        %get3A_843 = arith.constant 48 : index
        %get3A_844 = tpu.vector_load %arg10[%get3A_840, %get3A_841, %get3A_842, %get3A_843] {strides = array<i32>} : memref<4x2x8x128xf32, #tpu.memory_space<vmem>>, vector<16xf32>,
        %add3A_845 = arith.addf %mul3A_813, %mul3A_821 : vector<16xf32>
        %add3A_846 = arith.addf %mul3A_829, %mul3A_837 : vector<16xf32>
        %add3A_847 = arith.addf %add3A_845, %add3A_846 : vector<16xf32>
        %add3A_848 = arith.addf %add3A_847, %get3A_844 : vector<16xf32>
        %swap3A_849 = arith.constant 1 : i32
        %swap3A_850 = arith.constant 1 : i32
        %swap3A_851 = arith.index_cast %swap3A_849 : i32 to index
        %swap3A_852 = arith.index_cast %swap3A_850 : i32 to index
        %swap3A_853 = arith.index_cast %scan3A_656 : i32 to index
        %swap3A_854 = arith.constant 48 : index
        %swap3A_855 = tpu.vector_load %arg11[%swap3A_851, %swap3A_852, %swap3A_853, %swap3A_854] {strides = array<i32>} : memref<4x2x8x128xf32, #tpu.memory_space<vmem>>, vector<16xf32>,
        tpu.vector_store %arg11[%swap3A_851, %swap3A_852, %swap3A_853, %swap3A_854], %add3A_848 {strides = array<i32>} : memref<4x2x8x128xf32, #tpu.memory_space<vmem>>, vector<16xf32>,
        %get3A_856 = arith.constant 1 : i32
        %get3A_857 = arith.constant 4 : i32
        %get3A_858 = arith.index_cast %get3A_856 : i32 to index
        %get3A_859 = arith.index_cast %get3A_857 : i32 to index
        %get3A_860 = arith.index_cast %scan3A_656 : i32 to index
        %get3A_861 = arith.constant 64 : index
        %get3A_862 = tpu.vector_load %arg9[%get3A_858, %get3A_859, %get3A_860, %get3A_861] {strides = array<i32>} : memref<4x8x8x128xf32, #tpu.memory_space<vmem>>, vector<16xf32>,
        %mul3A_863 = arith.mulf %get3A_391, %get3A_862 : vector<16xf32>
        %get3A_864 = arith.constant 1 : i32
        %get3A_865 = arith.constant 5 : i32
        %get3A_866 = arith.index_cast %get3A_864 : i32 to index
        %get3A_867 = arith.index_cast %get3A_865 : i32 to index
        %get3A_868 = arith.index_cast %scan3A_656 : i32 to index
        %get3A_869 = arith.constant 64 : index
        %get3A_870 = tpu.vector_load %arg9[%get3A_866, %get3A_867, %get3A_868, %get3A_869] {strides = array<i32>} : memref<4x8x8x128xf32, #tpu.memory_space<vmem>>, vector<16xf32>,
        %mul3A_871 = arith.mulf %get3A_394, %get3A_870 : vector<16xf32>
        %get3A_872 = arith.constant 1 : i32
        %get3A_873 = arith.constant 6 : i32
        %get3A_874 = arith.index_cast %get3A_872 : i32 to index
        %get3A_875 = arith.index_cast %get3A_873 : i32 to index
        %get3A_876 = arith.index_cast %scan3A_656 : i32 to index
        %get3A_877 = arith.constant 64 : index
        %get3A_878 = tpu.vector_load %arg9[%get3A_874, %get3A_875, %get3A_876, %get3A_877] {strides = array<i32>} : memref<4x8x8x128xf32, #tpu.memory_space<vmem>>, vector<16xf32>,
        %mul3A_879 = arith.mulf %get3A_397, %get3A_878 : vector<16xf32>
        %get3A_880 = arith.constant 1 : i32
        %get3A_881 = arith.constant 7 : i32
        %get3A_882 = arith.index_cast %get3A_880 : i32 to index
        %get3A_883 = arith.index_cast %get3A_881 : i32 to index
        %get3A_884 = arith.index_cast %scan3A_656 : i32 to index
        %get3A_885 = arith.constant 64 : index
        %get3A_886 = tpu.vector_load %arg9[%get3A_882, %get3A_883, %get3A_884, %get3A_885] {strides = array<i32>} : memref<4x8x8x128xf32, #tpu.memory_space<vmem>>, vector<16xf32>,
        %mul3A_887 = arith.mulf %get3A_400, %get3A_886 : vector<16xf32>
        %get3A_888 = arith.constant 1 : i32
        %get3A_889 = arith.constant 1 : i32
        %get3A_890 = arith.index_cast %get3A_888 : i32 to index
        %get3A_891 = arith.index_cast %get3A_889 : i32 to index
        %get3A_892 = arith.index_cast %scan3A_656 : i32 to index
        %get3A_893 = arith.constant 64 : index
        %get3A_894 = tpu.vector_load %arg10[%get3A_890, %get3A_891, %get3A_892, %get3A_893] {strides = array<i32>} : memref<4x2x8x128xf32, #tpu.memory_space<vmem>>, vector<16xf32>,
        %add3A_895 = arith.addf %mul3A_863, %mul3A_871 : vector<16xf32>
        %add3A_896 = arith.addf %mul3A_879, %mul3A_887 : vector<16xf32>
        %add3A_897 = arith.addf %add3A_895, %add3A_896 : vector<16xf32>
        %add3A_898 = arith.addf %add3A_897, %get3A_894 : vector<16xf32>
        %swap3A_899 = arith.constant 1 : i32
        %swap3A_900 = arith.constant 1 : i32
        %swap3A_901 = arith.index_cast %swap3A_899 : i32 to index
        %swap3A_902 = arith.index_cast %swap3A_900 : i32 to index
        %swap3A_903 = arith.index_cast %scan3A_656 : i32 to index
        %swap3A_904 = arith.constant 64 : index
        %swap3A_905 = tpu.vector_load %arg11[%swap3A_901, %swap3A_902, %swap3A_903, %swap3A_904] {strides = array<i32>} : memref<4x2x8x128xf32, #tpu.memory_space<vmem>>, vector<16xf32>,
        tpu.vector_store %arg11[%swap3A_901, %swap3A_902, %swap3A_903, %swap3A_904], %add3A_898 {strides = array<i32>} : memref<4x2x8x128xf32, #tpu.memory_space<vmem>>, vector<16xf32>,
        %get3A_906 = arith.constant 1 : i32
        %get3A_907 = arith.constant 4 : i32
        %get3A_908 = arith.index_cast %get3A_906 : i32 to index
        %get3A_909 = arith.index_cast %get3A_907 : i32 to index
        %get3A_910 = arith.index_cast %scan3A_656 : i32 to index
        %get3A_911 = arith.constant 80 : index
        %get3A_912 = tpu.vector_load %arg9[%get3A_908, %get3A_909, %get3A_910, %get3A_911] {strides = array<i32>} : memref<4x8x8x128xf32, #tpu.memory_space<vmem>>, vector<16xf32>,
        %mul3A_913 = arith.mulf %get3A_391, %get3A_912 : vector<16xf32>
        %get3A_914 = arith.constant 1 : i32
        %get3A_915 = arith.constant 5 : i32
        %get3A_916 = arith.index_cast %get3A_914 : i32 to index
        %get3A_917 = arith.index_cast %get3A_915 : i32 to index
        %get3A_918 = arith.index_cast %scan3A_656 : i32 to index
        %get3A_919 = arith.constant 80 : index
        %get3A_920 = tpu.vector_load %arg9[%get3A_916, %get3A_917, %get3A_918, %get3A_919] {strides = array<i32>} : memref<4x8x8x128xf32, #tpu.memory_space<vmem>>, vector<16xf32>,
        %mul3A_921 = arith.mulf %get3A_394, %get3A_920 : vector<16xf32>
        %get3A_922 = arith.constant 1 : i32
        %get3A_923 = arith.constant 6 : i32
        %get3A_924 = arith.index_cast %get3A_922 : i32 to index
        %get3A_925 = arith.index_cast %get3A_923 : i32 to index
        %get3A_926 = arith.index_cast %scan3A_656 : i32 to index
        %get3A_927 = arith.constant 80 : index
        %get3A_928 = tpu.vector_load %arg9[%get3A_924, %get3A_925, %get3A_926, %get3A_927] {strides = array<i32>} : memref<4x8x8x128xf32, #tpu.memory_space<vmem>>, vector<16xf32>,
        %mul3A_929 = arith.mulf %get3A_397, %get3A_928 : vector<16xf32>
        %get3A_930 = arith.constant 1 : i32
        %get3A_931 = arith.constant 7 : i32
        %get3A_932 = arith.index_cast %get3A_930 : i32 to index
        %get3A_933 = arith.index_cast %get3A_931 : i32 to index
        %get3A_934 = arith.index_cast %scan3A_656 : i32 to index
        %get3A_935 = arith.constant 80 : index
        %get3A_936 = tpu.vector_load %arg9[%get3A_932, %get3A_933, %get3A_934, %get3A_935] {strides = array<i32>} : memref<4x8x8x128xf32, #tpu.memory_space<vmem>>, vector<16xf32>,
        %mul3A_937 = arith.mulf %get3A_400, %get3A_936 : vector<16xf32>
        %get3A_938 = arith.constant 1 : i32
        %get3A_939 = arith.constant 1 : i32
        %get3A_940 = arith.index_cast %get3A_938 : i32 to index
        %get3A_941 = arith.index_cast %get3A_939 : i32 to index
        %get3A_942 = arith.index_cast %scan3A_656 : i32 to index
        %get3A_943 = arith.constant 80 : index
        %get3A_944 = tpu.vector_load %arg10[%get3A_940, %get3A_941, %get3A_942, %get3A_943] {strides = array<i32>} : memref<4x2x8x128xf32, #tpu.memory_space<vmem>>, vector<16xf32>,
        %add3A_945 = arith.addf %mul3A_913, %mul3A_921 : vector<16xf32>
        %add3A_946 = arith.addf %mul3A_929, %mul3A_937 : vector<16xf32>
        %add3A_947 = arith.addf %add3A_945, %add3A_946 : vector<16xf32>
        %add3A_948 = arith.addf %add3A_947, %get3A_944 : vector<16xf32>
        %swap3A_949 = arith.constant 1 : i32
        %swap3A_950 = arith.constant 1 : i32
        %swap3A_951 = arith.index_cast %swap3A_949 : i32 to index
        %swap3A_952 = arith.index_cast %swap3A_950 : i32 to index
        %swap3A_953 = arith.index_cast %scan3A_656 : i32 to index
        %swap3A_954 = arith.constant 80 : index
        %swap3A_955 = tpu.vector_load %arg11[%swap3A_951, %swap3A_952, %swap3A_953, %swap3A_954] {strides = array<i32>} : memref<4x2x8x128xf32, #tpu.memory_space<vmem>>, vector<16xf32>,
        tpu.vector_store %arg11[%swap3A_951, %swap3A_952, %swap3A_953, %swap3A_954], %add3A_948 {strides = array<i32>} : memref<4x2x8x128xf32, #tpu.memory_space<vmem>>, vector<16xf32>,
        %get3A_956 = arith.constant 1 : i32
        %get3A_957 = arith.constant 4 : i32
        %get3A_958 = arith.index_cast %get3A_956 : i32 to index
        %get3A_959 = arith.index_cast %get3A_957 : i32 to index
        %get3A_960 = arith.index_cast %scan3A_656 : i32 to index
        %get3A_961 = arith.constant 96 : index
        %get3A_962 = tpu.vector_load %arg9[%get3A_958, %get3A_959, %get3A_960, %get3A_961] {strides = array<i32>} : memref<4x8x8x128xf32, #tpu.memory_space<vmem>>, vector<16xf32>,
        %mul3A_963 = arith.mulf %get3A_391, %get3A_962 : vector<16xf32>
        %get3A_964 = arith.constant 1 : i32
        %get3A_965 = arith.constant 5 : i32
        %get3A_966 = arith.index_cast %get3A_964 : i32 to index
        %get3A_967 = arith.index_cast %get3A_965 : i32 to index
        %get3A_968 = arith.index_cast %scan3A_656 : i32 to index
        %get3A_969 = arith.constant 96 : index
        %get3A_970 = tpu.vector_load %arg9[%get3A_966, %get3A_967, %get3A_968, %get3A_969] {strides = array<i32>} : memref<4x8x8x128xf32, #tpu.memory_space<vmem>>, vector<16xf32>,
        %mul3A_971 = arith.mulf %get3A_394, %get3A_970 : vector<16xf32>
        %get3A_972 = arith.constant 1 : i32
        %get3A_973 = arith.constant 6 : i32
        %get3A_974 = arith.index_cast %get3A_972 : i32 to index
        %get3A_975 = arith.index_cast %get3A_973 : i32 to index
        %get3A_976 = arith.index_cast %scan3A_656 : i32 to index
        %get3A_977 = arith.constant 96 : index
        %get3A_978 = tpu.vector_load %arg9[%get3A_974, %get3A_975, %get3A_976, %get3A_977] {strides = array<i32>} : memref<4x8x8x128xf32, #tpu.memory_space<vmem>>, vector<16xf32>,
        %mul3A_979 = arith.mulf %get3A_397, %get3A_978 : vector<16xf32>
        %get3A_980 = arith.constant 1 : i32
        %get3A_981 = arith.constant 7 : i32
        %get3A_982 = arith.index_cast %get3A_980 : i32 to index
        %get3A_983 = arith.index_cast %get3A_981 : i32 to index
        %get3A_984 = arith.index_cast %scan3A_656 : i32 to index
        %get3A_985 = arith.constant 96 : index
        %get3A_986 = tpu.vector_load %arg9[%get3A_982, %get3A_983, %get3A_984, %get3A_985] {strides = array<i32>} : memref<4x8x8x128xf32, #tpu.memory_space<vmem>>, vector<16xf32>,
        %mul3A_987 = arith.mulf %get3A_400, %get3A_986 : vector<16xf32>
        %get3A_988 = arith.constant 1 : i32
        %get3A_989 = arith.constant 1 : i32
        %get3A_990 = arith.index_cast %get3A_988 : i32 to index
        %get3A_991 = arith.index_cast %get3A_989 : i32 to index
        %get3A_992 = arith.index_cast %scan3A_656 : i32 to index
        %get3A_993 = arith.constant 96 : index
        %get3A_994 = tpu.vector_load %arg10[%get3A_990, %get3A_991, %get3A_992, %get3A_993] {strides = array<i32>} : memref<4x2x8x128xf32, #tpu.memory_space<vmem>>, vector<16xf32>,
        %add3A_995 = arith.addf %mul3A_963, %mul3A_971 : vector<16xf32>
        %add3A_996 = arith.addf %mul3A_979, %mul3A_987 : vector<16xf32>
        %add3A_997 = arith.addf %add3A_995, %add3A_996 : vector<16xf32>
        %add3A_998 = arith.addf %add3A_997, %get3A_994 : vector<16xf32>
        %swap3A_999 = arith.constant 1 : i32
        %swap3A_1000 = arith.constant 1 : i32
        %swap3A_1001 = arith.index_cast %swap3A_999 : i32 to index
        %swap3A_1002 = arith.index_cast %swap3A_1000 : i32 to index
        %swap3A_1003 = arith.index_cast %scan3A_656 : i32 to index
        %swap3A_1004 = arith.constant 96 : index
        %swap3A_1005 = tpu.vector_load %arg11[%swap3A_1001, %swap3A_1002, %swap3A_1003, %swap3A_1004] {strides = array<i32>} : memref<4x2x8x128xf32, #tpu.memory_space<vmem>>, vector<16xf32>,
        tpu.vector_store %arg11[%swap3A_1001, %swap3A_1002, %swap3A_1003, %swap3A_1004], %add3A_998 {strides = array<i32>} : memref<4x2x8x128xf32, #tpu.memory_space<vmem>>, vector<16xf32>,
        %get3A_1006 = arith.constant 1 : i32
        %get3A_1007 = arith.constant 4 : i32
        %get3A_1008 = arith.index_cast %get3A_1006 : i32 to index
        %get3A_1009 = arith.index_cast %get3A_1007 : i32 to index
        %get3A_1010 = arith.index_cast %scan3A_656 : i32 to index
        %get3A_1011 = arith.constant 112 : index
        %get3A_1012 = tpu.vector_load %arg9[%get3A_1008, %get3A_1009, %get3A_1010, %get3A_1011] {strides = array<i32>} : memref<4x8x8x128xf32, #tpu.memory_space<vmem>>, vector<16xf32>,
        %mul3A_1013 = arith.mulf %get3A_391, %get3A_1012 : vector<16xf32>
        %get3A_1014 = arith.constant 1 : i32
        %get3A_1015 = arith.constant 5 : i32
        %get3A_1016 = arith.index_cast %get3A_1014 : i32 to index
        %get3A_1017 = arith.index_cast %get3A_1015 : i32 to index
        %get3A_1018 = arith.index_cast %scan3A_656 : i32 to index
        %get3A_1019 = arith.constant 112 : index
        %get3A_1020 = tpu.vector_load %arg9[%get3A_1016, %get3A_1017, %get3A_1018, %get3A_1019] {strides = array<i32>} : memref<4x8x8x128xf32, #tpu.memory_space<vmem>>, vector<16xf32>,
        %mul3A_1021 = arith.mulf %get3A_394, %get3A_1020 : vector<16xf32>
        %get3A_1022 = arith.constant 1 : i32
        %get3A_1023 = arith.constant 6 : i32
        %get3A_1024 = arith.index_cast %get3A_1022 : i32 to index
        %get3A_1025 = arith.index_cast %get3A_1023 : i32 to index
        %get3A_1026 = arith.index_cast %scan3A_656 : i32 to index
        %get3A_1027 = arith.constant 112 : index
        %get3A_1028 = tpu.vector_load %arg9[%get3A_1024, %get3A_1025, %get3A_1026, %get3A_1027] {strides = array<i32>} : memref<4x8x8x128xf32, #tpu.memory_space<vmem>>, vector<16xf32>,
        %mul3A_1029 = arith.mulf %get3A_397, %get3A_1028 : vector<16xf32>
        %get3A_1030 = arith.constant 1 : i32
        %get3A_1031 = arith.constant 7 : i32
        %get3A_1032 = arith.index_cast %get3A_1030 : i32 to index
        %get3A_1033 = arith.index_cast %get3A_1031 : i32 to index
        %get3A_1034 = arith.index_cast %scan3A_656 : i32 to index
        %get3A_1035 = arith.constant 112 : index
        %get3A_1036 = tpu.vector_load %arg9[%get3A_1032, %get3A_1033, %get3A_1034, %get3A_1035] {strides = array<i32>} : memref<4x8x8x128xf32, #tpu.memory_space<vmem>>, vector<16xf32>,
        %mul3A_1037 = arith.mulf %get3A_400, %get3A_1036 : vector<16xf32>
        %get3A_1038 = arith.constant 1 : i32
        %get3A_1039 = arith.constant 1 : i32
        %get3A_1040 = arith.index_cast %get3A_1038 : i32 to index
        %get3A_1041 = arith.index_cast %get3A_1039 : i32 to index
        %get3A_1042 = arith.index_cast %scan3A_656 : i32 to index
        %get3A_1043 = arith.constant 112 : index
        %get3A_1044 = tpu.vector_load %arg10[%get3A_1040, %get3A_1041, %get3A_1042, %get3A_1043] {strides = array<i32>} : memref<4x2x8x128xf32, #tpu.memory_space<vmem>>, vector<16xf32>,
        %add3A_1045 = arith.addf %mul3A_1013, %mul3A_1021 : vector<16xf32>
        %add3A_1046 = arith.addf %mul3A_1029, %mul3A_1037 : vector<16xf32>
        %add3A_1047 = arith.addf %add3A_1045, %add3A_1046 : vector<16xf32>
        %add3A_1048 = arith.addf %add3A_1047, %get3A_1044 : vector<16xf32>
        %swap3A_1049 = arith.constant 1 : i32
        %swap3A_1050 = arith.constant 1 : i32
        %swap3A_1051 = arith.index_cast %swap3A_1049 : i32 to index
        %swap3A_1052 = arith.index_cast %swap3A_1050 : i32 to index
        %swap3A_1053 = arith.index_cast %scan3A_656 : i32 to index
        %swap3A_1054 = arith.constant 112 : index
        %swap3A_1055 = tpu.vector_load %arg11[%swap3A_1051, %swap3A_1052, %swap3A_1053, %swap3A_1054] {strides = array<i32>} : memref<4x2x8x128xf32, #tpu.memory_space<vmem>>, vector<16xf32>,
        tpu.vector_store %arg11[%swap3A_1051, %swap3A_1052, %swap3A_1053, %swap3A_1054], %add3A_1048 {strides = array<i32>} : memref<4x2x8x128xf32, #tpu.memory_space<vmem>>, vector<16xf32>,
      }
      %scan3A_406 = arith.constant 8 : i32
      %mul3A_407 = arith.constant 2 : i32
      %mul3A_408 = arith.muli %add3A_323, %mul3A_407 : i32
      %add3A_409 = arith.addi %mul3A_2, %mul3A_408 : i32
      %dma_start3A_410 = arith.constant 1 : i32
      %dma_start3A_411 = arith.constant 0 : i32
      %dma_start3A_412 = arith.constant 0 : i32
      %dma_start3A_413 = arith.constant 0 : i32
      %dma_start3A_414 = tpu.memref_slice %arg11[%dma_start3A_410, %dma_start3A_411, %dma_start3A_412, %dma_start3A_413] : memref<4x2x8x128xf32, #tpu.memory_space<vmem>> -> memref<1x2x8x128xf32, #tpu.memory_space<vmem>>
      %dma_start3A_415 = tpu.memref_squeeze %dma_start3A_414 : memref<1x2x8x128xf32, #tpu.memory_space<vmem>> -> memref<2x8x128xf32, #tpu.memory_space<vmem>>
      %dma_start3A_416 = arith.constant 0 : i32
      %dma_start3A_417 = arith.constant 0 : i32
      %dma_start3A_418 = tpu.memref_slice %arg6[%add3A_409, %dma_start3A_416, %dma_start3A_417] : memref<8192x8x128xf32, #tpu.memory_space<hbm>> -> memref<2x8x128xf32, #tpu.memory_space<hbm>>
      %dma_start3A_419 = arith.constant 0 : i32
      %dma_start3A_420 = arith.constant 0 : i32
      %dma_start3A_421 = tpu.memref_slice %arg6[%add3A_409, %dma_start3A_419, %dma_start3A_420] : memref<8192x8x128xf32, #tpu.memory_space<hbm>> -> memref<2x8x128xf32, #tpu.memory_space<hbm>>
      %dma_start3A_422 = arith.constant 0 : i32
      %dma_start3A_423 = arith.constant 0 : i32
      %dma_start3A_424 = arith.constant 0 : i32
      %dma_start3A_425 = tpu.memref_slice %arg11[%dma_start3A_410, %dma_start3A_422, %dma_start3A_423, %dma_start3A_424] : memref<4x2x8x128xf32, #tpu.memory_space<vmem>> -> memref<1x2x8x128xf32, #tpu.memory_space<vmem>>
      %dma_start3A_426 = tpu.memref_squeeze %dma_start3A_425 : memref<1x2x8x128xf32, #tpu.memory_space<vmem>> -> memref<2x8x128xf32, #tpu.memory_space<vmem>>
      tpu.enqueue_dma source(%dma_start3A_426 : memref<2x8x128xf32, #tpu.memory_space<vmem>>) target(%dma_start3A_421 : memref<2x8x128xf32, #tpu.memory_space<hbm>>) target_semaphore(%arg21 : memref<!tpu.dma_semaphore, #tpu.memory_space<semaphore_mem>>)
      %lt3A_427 = arith.constant 31 : i32
      %lt3A_428 = arith.cmpi slt, %scan3A_212, %lt3A_427 : i32
      %convert_element_type3A_429 = arith.extui %lt3A_428 : i1 to i32
      %cond3A_430 = arith.constant 0 : i32
      %cond3A_431 = arith.cmpi ne, %convert_element_type3A_429, %cond3A_430 : i32
      scf.if %cond3A_431 {
        %add3A_656 = arith.constant 4 : i32
        %add3A_657 = arith.addi %add3A_323, %add3A_656 : i32
        %mul3A_658 = arith.constant 8 : i32
        %mul3A_659 = arith.muli %add3A_657, %mul3A_658 : i32
        %multiple_of3A_660 = tpu.assume_multiple %mul3A_659, 8 : i32
        %dma_start3A_661 = arith.constant 1 : i32
        %dma_start3A_662 = arith.constant 0 : i32
        %dma_start3A_663 = arith.constant 0 : i32
        %dma_start3A_664 = arith.constant 0 : i32
        %dma_start3A_665 = tpu.memref_slice %arg9[%dma_start3A_661, %dma_start3A_662, %dma_start3A_663, %dma_start3A_664] : memref<4x8x8x128xf32, #tpu.memory_space<vmem>> -> memref<1x8x8x128xf32, #tpu.memory_space<vmem>>
        %dma_start3A_666 = tpu.memref_squeeze %dma_start3A_665 : memref<1x8x8x128xf32, #tpu.memory_space<vmem>> -> memref<8x8x128xf32, #tpu.memory_space<vmem>>
        %dma_start3A_667 = tpu.memref_slice %arg7[%multiple_of3A_660] : memref<1024xi32, #tpu.memory_space<vmem>> -> memref<8xi32, #tpu.memory_space<vmem>>
        %dma_start3A_668 = arith.constant 0 : i32
        %dma_start3A_669 = arith.constant 0 : i32
        %dma_start3A_670 = arith.constant 0 : i32
        %dma_start3A_671 = tpu.memref_slice %arg2[%dma_start3A_668, %dma_start3A_669, %dma_start3A_670] : memref<512x8x128xf32, #tpu.memory_space<hbm>> -> memref<512x8x128xf32, #tpu.memory_space<hbm>>
        tpu.enqueue_indirect_dma source(%dma_start3A_671 : memref<512x8x128xf32, #tpu.memory_space<hbm>>) target(%dma_start3A_666 : memref<8x8x128xf32, #tpu.memory_space<vmem>>) offsets(%dma_start3A_667 : memref<8xi32, #tpu.memory_space<vmem>>) semaphore(%arg13 : memref<!tpu.dma_semaphore, #tpu.memory_space<semaphore_mem>>)
        %add3A_672 = arith.constant 4 : i32
        %add3A_673 = arith.addi %add3A_323, %add3A_672 : i32
        %mul3A_674 = arith.constant 2 : i32
        %mul3A_675 = arith.muli %add3A_673, %mul3A_674 : i32
        %add3A_676 = arith.addi %mul3A_2, %mul3A_675 : i32
        %dma_start3A_677 = arith.constant 1 : i32
        %dma_start3A_678 = arith.constant 0 : i32
        %dma_start3A_679 = arith.constant 0 : i32
        %dma_start3A_680 = arith.constant 0 : i32
        %dma_start3A_681 = tpu.memref_slice %arg10[%dma_start3A_677, %dma_start3A_678, %dma_start3A_679, %dma_start3A_680] : memref<4x2x8x128xf32, #tpu.memory_space<vmem>> -> memref<1x2x8x128xf32, #tpu.memory_space<vmem>>
        %dma_start3A_682 = tpu.memref_squeeze %dma_start3A_681 : memref<1x2x8x128xf32, #tpu.memory_space<vmem>> -> memref<2x8x128xf32, #tpu.memory_space<vmem>>
        %dma_start3A_683 = arith.constant 0 : i32
        %dma_start3A_684 = arith.constant 0 : i32
        %dma_start3A_685 = tpu.memref_slice %arg5[%add3A_676, %dma_start3A_683, %dma_start3A_684] : memref<8192x8x128xf32, #tpu.memory_space<hbm>> -> memref<2x8x128xf32, #tpu.memory_space<hbm>>
        %dma_start3A_686 = arith.constant 0 : i32
        %dma_start3A_687 = arith.constant 0 : i32
        %dma_start3A_688 = arith.constant 0 : i32
        %dma_start3A_689 = tpu.memref_slice %arg10[%dma_start3A_677, %dma_start3A_686, %dma_start3A_687, %dma_start3A_688] : memref<4x2x8x128xf32, #tpu.memory_space<vmem>> -> memref<1x2x8x128xf32, #tpu.memory_space<vmem>>
        %dma_start3A_690 = tpu.memref_squeeze %dma_start3A_689 : memref<1x2x8x128xf32, #tpu.memory_space<vmem>> -> memref<2x8x128xf32, #tpu.memory_space<vmem>>
        %dma_start3A_691 = arith.constant 0 : i32
        %dma_start3A_692 = arith.constant 0 : i32
        %dma_start3A_693 = tpu.memref_slice %arg5[%add3A_676, %dma_start3A_691, %dma_start3A_692] : memref<8192x8x128xf32, #tpu.memory_space<hbm>> -> memref<2x8x128xf32, #tpu.memory_space<hbm>>
        tpu.enqueue_dma source(%dma_start3A_693 : memref<2x8x128xf32, #tpu.memory_space<hbm>>) target(%dma_start3A_690 : memref<2x8x128xf32, #tpu.memory_space<vmem>>) target_semaphore(%arg17 : memref<!tpu.dma_semaphore, #tpu.memory_space<semaphore_mem>>)
      } else {
      }
      %mul3A_432 = arith.constant 4 : i32
      %mul3A_433 = arith.muli %scan3A_212, %mul3A_432 : i32
      %add3A_434 = arith.constant 2 : i32
      %add3A_435 = arith.addi %mul3A_433, %add3A_434 : i32
      %mul3A_436 = arith.constant 8 : i32
      %mul3A_437 = arith.muli %add3A_435, %mul3A_436 : i32
      %multiple_of3A_438 = tpu.assume_multiple %mul3A_437, 8 : i32
      %dma_wait3A_439 = arith.constant 2 : i32
      %dma_wait3A_440 = arith.constant 0 : i32
      %dma_wait3A_441 = arith.constant 0 : i32
      %dma_wait3A_442 = arith.constant 0 : i32
      %dma_wait3A_443 = tpu.memref_slice %arg9[%dma_wait3A_439, %dma_wait3A_440, %dma_wait3A_441, %dma_wait3A_442] : memref<4x8x8x128xf32, #tpu.memory_space<vmem>> -> memref<1x8x8x128xf32, #tpu.memory_space<vmem>>
      %dma_wait3A_444 = tpu.memref_squeeze %dma_wait3A_443 : memref<1x8x8x128xf32, #tpu.memory_space<vmem>> -> memref<8x8x128xf32, #tpu.memory_space<vmem>>
      %dma_wait3A_445 = tpu.memref_slice %arg7[%multiple_of3A_438] : memref<1024xi32, #tpu.memory_space<vmem>> -> memref<8xi32, #tpu.memory_space<vmem>>
      %dma_wait3A_446 = arith.constant 0 : i32
      %dma_wait3A_447 = arith.constant 0 : i32
      %dma_wait3A_448 = arith.constant 0 : i32
      %dma_wait3A_449 = tpu.memref_slice %arg2[%dma_wait3A_446, %dma_wait3A_447, %dma_wait3A_448] : memref<512x8x128xf32, #tpu.memory_space<hbm>> -> memref<512x8x128xf32, #tpu.memory_space<hbm>>
      tpu.wait_indirect_dma semaphore(%arg14 : memref<!tpu.dma_semaphore, #tpu.memory_space<semaphore_mem>>) src(%dma_wait3A_449 : memref<512x8x128xf32, #tpu.memory_space<hbm>>) dst(%dma_wait3A_444 : memref<8x8x128xf32, #tpu.memory_space<vmem>>)
      %mul3A_450 = arith.constant 2 : i32
      %mul3A_451 = arith.muli %add3A_435, %mul3A_450 : i32
      %add3A_452 = arith.addi %mul3A_2, %mul3A_451 : i32
      %dma_wait3A_453 = arith.constant 2 : i32
      %dma_wait3A_454 = arith.constant 0 : i32
      %dma_wait3A_455 = arith.constant 0 : i32
      %dma_wait3A_456 = arith.constant 0 : i32
      %dma_wait3A_457 = tpu.memref_slice %arg10[%dma_wait3A_453, %dma_wait3A_454, %dma_wait3A_455, %dma_wait3A_456] : memref<4x2x8x128xf32, #tpu.memory_space<vmem>> -> memref<1x2x8x128xf32, #tpu.memory_space<vmem>>
      %dma_wait3A_458 = tpu.memref_squeeze %dma_wait3A_457 : memref<1x2x8x128xf32, #tpu.memory_space<vmem>> -> memref<2x8x128xf32, #tpu.memory_space<vmem>>
      %dma_wait3A_459 = arith.constant 0 : i32
      %dma_wait3A_460 = arith.constant 0 : i32
      %dma_wait3A_461 = tpu.memref_slice %arg5[%add3A_452, %dma_wait3A_459, %dma_wait3A_460] : memref<8192x8x128xf32, #tpu.memory_space<hbm>> -> memref<2x8x128xf32, #tpu.memory_space<hbm>>
      %dma_wait3A_462 = arith.constant 0 : i32
      %dma_wait3A_463 = arith.constant 0 : i32
      %dma_wait3A_464 = arith.constant 0 : i32
      %dma_wait3A_465 = tpu.memref_slice %arg10[%dma_wait3A_453, %dma_wait3A_462, %dma_wait3A_463, %dma_wait3A_464] : memref<4x2x8x128xf32, #tpu.memory_space<vmem>> -> memref<1x2x8x128xf32, #tpu.memory_space<vmem>>
      %dma_wait3A_466 = tpu.memref_squeeze %dma_wait3A_465 : memref<1x2x8x128xf32, #tpu.memory_space<vmem>> -> memref<2x8x128xf32, #tpu.memory_space<vmem>>
      %dma_wait3A_467 = arith.constant 0 : i32
      %dma_wait3A_468 = arith.constant 0 : i32
      %dma_wait3A_469 = tpu.memref_slice %arg5[%add3A_452, %dma_wait3A_467, %dma_wait3A_468] : memref<8192x8x128xf32, #tpu.memory_space<hbm>> -> memref<2x8x128xf32, #tpu.memory_space<hbm>>
      tpu.wait_dma2 semaphore(%arg18 : memref<!tpu.dma_semaphore, #tpu.memory_space<semaphore_mem>>) src(%dma_wait3A_469 : memref<2x8x128xf32, #tpu.memory_space<hbm>>) dst(%dma_wait3A_466 : memref<2x8x128xf32, #tpu.memory_space<vmem>>)
      %ge3A_470 = arith.constant 1 : i32
      %ge3A_471 = arith.cmpi sge, %scan3A_212, %ge3A_470 : i32
      %convert_element_type3A_472 = arith.extui %ge3A_471 : i1 to i32
      %cond3A_473 = arith.constant 0 : i32
      %cond3A_474 = arith.cmpi ne, %convert_element_type3A_472, %cond3A_473 : i32
      scf.if %cond3A_474 {
        %sub3A = arith.constant 4 : i32
        %sub3A_656 = arith.subi %add3A_435, %sub3A : i32
        %mul3A_657 = arith.constant 2 : i32
        %mul3A_658 = arith.muli %sub3A_656, %mul3A_657 : i32
        %add3A_659 = arith.addi %mul3A_2, %mul3A_658 : i32
        %dma_wait3A_660 = arith.constant 2 : i32
        %dma_wait3A_661 = arith.constant 0 : i32
        %dma_wait3A_662 = arith.constant 0 : i32
        %dma_wait3A_663 = arith.constant 0 : i32
        %dma_wait3A_664 = tpu.memref_slice %arg11[%dma_wait3A_660, %dma_wait3A_661, %dma_wait3A_662, %dma_wait3A_663] : memref<4x2x8x128xf32, #tpu.memory_space<vmem>> -> memref<1x2x8x128xf32, #tpu.memory_space<vmem>>
        %dma_wait3A_665 = tpu.memref_squeeze %dma_wait3A_664 : memref<1x2x8x128xf32, #tpu.memory_space<vmem>> -> memref<2x8x128xf32, #tpu.memory_space<vmem>>
        %dma_wait3A_666 = arith.constant 0 : i32
        %dma_wait3A_667 = arith.constant 0 : i32
        %dma_wait3A_668 = tpu.memref_slice %arg6[%add3A_659, %dma_wait3A_666, %dma_wait3A_667] : memref<8192x8x128xf32, #tpu.memory_space<hbm>> -> memref<2x8x128xf32, #tpu.memory_space<hbm>>
        %dma_wait3A_669 = arith.constant 0 : i32
        %dma_wait3A_670 = arith.constant 0 : i32
        %dma_wait3A_671 = tpu.memref_slice %arg6[%add3A_659, %dma_wait3A_669, %dma_wait3A_670] : memref<8192x8x128xf32, #tpu.memory_space<hbm>> -> memref<2x8x128xf32, #tpu.memory_space<hbm>>
        %dma_wait3A_672 = arith.constant 0 : i32
        %dma_wait3A_673 = arith.constant 0 : i32
        %dma_wait3A_674 = arith.constant 0 : i32
        %dma_wait3A_675 = tpu.memref_slice %arg11[%dma_wait3A_660, %dma_wait3A_672, %dma_wait3A_673, %dma_wait3A_674] : memref<4x2x8x128xf32, #tpu.memory_space<vmem>> -> memref<1x2x8x128xf32, #tpu.memory_space<vmem>>
        %dma_wait3A_676 = tpu.memref_squeeze %dma_wait3A_675 : memref<1x2x8x128xf32, #tpu.memory_space<vmem>> -> memref<2x8x128xf32, #tpu.memory_space<vmem>>
        tpu.wait_dma2 semaphore(%arg22 : memref<!tpu.dma_semaphore, #tpu.memory_space<semaphore_mem>>) src(%dma_wait3A_676 : memref<2x8x128xf32, #tpu.memory_space<vmem>>) dst(%dma_wait3A_671 : memref<2x8x128xf32, #tpu.memory_space<hbm>>)
      } else {
      }
      %mul3A_475 = arith.constant 2 : i32
      %mul3A_476 = arith.muli %add3A_435, %mul3A_475 : i32
      %add3A_477 = arith.constant 0 : i32
      %add3A_478 = arith.addi %mul3A_476, %add3A_477 : i32
      %get3A_479 = arith.index_cast %add3A_478 : i32 to index
      %get3A_480 = arith.constant 0 : index
      %get3A_481 = tpu.vector_load %arg8[%get3A_479, %get3A_480] {strides = array<i32>} : memref<256x64xf32, #tpu.memory_space<vmem>>, vector<16xf32>,
      %get3A_482 = arith.index_cast %add3A_478 : i32 to index
      %get3A_483 = arith.constant 16 : index
      %get3A_484 = tpu.vector_load %arg8[%get3A_482, %get3A_483] {strides = array<i32>} : memref<256x64xf32, #tpu.memory_space<vmem>>, vector<16xf32>,
      %get3A_485 = arith.index_cast %add3A_478 : i32 to index
      %get3A_486 = arith.constant 32 : index
      %get3A_487 = tpu.vector_load %arg8[%get3A_485, %get3A_486] {strides = array<i32>} : memref<256x64xf32, #tpu.memory_space<vmem>>, vector<16xf32>,
      %get3A_488 = arith.index_cast %add3A_478 : i32 to index
      %get3A_489 = arith.constant 48 : index
      %get3A_490 = tpu.vector_load %arg8[%get3A_488, %get3A_489] {strides = array<i32>} : memref<256x64xf32, #tpu.memory_space<vmem>>, vector<16xf32>,
      %scan3A_491 = arith.constant 0 : i32
      %scan3A_492 = arith.constant 0 : i32
      %scan3A_493 = arith.constant 8 : i32
      %scan3A_494 = arith.addi %scan3A_492, %scan3A_493 : i32
      %scan3A_495 = arith.constant 1 : i32
      scf.for %scan3A_656 = %scan3A_492 to %scan3A_494 step %scan3A_495  : i32 {
        %get3A_657 = arith.constant 2 : i32
        %get3A_658 = arith.constant 0 : i32
        %get3A_659 = arith.index_cast %get3A_657 : i32 to index
        %get3A_660 = arith.index_cast %get3A_658 : i32 to index
        %get3A_661 = arith.index_cast %scan3A_656 : i32 to index
        %get3A_662 = arith.constant 0 : index
        %get3A_663 = tpu.vector_load %arg9[%get3A_659, %get3A_660, %get3A_661, %get3A_662] {strides = array<i32>} : memref<4x8x8x128xf32, #tpu.memory_space<vmem>>, vector<16xf32>,
        %mul3A_664 = arith.mulf %get3A_481, %get3A_663 : vector<16xf32>
        %get3A_665 = arith.constant 2 : i32
        %get3A_666 = arith.constant 1 : i32
        %get3A_667 = arith.index_cast %get3A_665 : i32 to index
        %get3A_668 = arith.index_cast %get3A_666 : i32 to index
        %get3A_669 = arith.index_cast %scan3A_656 : i32 to index
        %get3A_670 = arith.constant 0 : index
        %get3A_671 = tpu.vector_load %arg9[%get3A_667, %get3A_668, %get3A_669, %get3A_670] {strides = array<i32>} : memref<4x8x8x128xf32, #tpu.memory_space<vmem>>, vector<16xf32>,
        %mul3A_672 = arith.mulf %get3A_484, %get3A_671 : vector<16xf32>
        %get3A_673 = arith.constant 2 : i32
        %get3A_674 = arith.constant 2 : i32
        %get3A_675 = arith.index_cast %get3A_673 : i32 to index
        %get3A_676 = arith.index_cast %get3A_674 : i32 to index
        %get3A_677 = arith.index_cast %scan3A_656 : i32 to index
        %get3A_678 = arith.constant 0 : index
        %get3A_679 = tpu.vector_load %arg9[%get3A_675, %get3A_676, %get3A_677, %get3A_678] {strides = array<i32>} : memref<4x8x8x128xf32, #tpu.memory_space<vmem>>, vector<16xf32>,
        %mul3A_680 = arith.mulf %get3A_487, %get3A_679 : vector<16xf32>
        %get3A_681 = arith.constant 2 : i32
        %get3A_682 = arith.constant 3 : i32
        %get3A_683 = arith.index_cast %get3A_681 : i32 to index
        %get3A_684 = arith.index_cast %get3A_682 : i32 to index
        %get3A_685 = arith.index_cast %scan3A_656 : i32 to index
        %get3A_686 = arith.constant 0 : index
        %get3A_687 = tpu.vector_load %arg9[%get3A_683, %get3A_684, %get3A_685, %get3A_686] {strides = array<i32>} : memref<4x8x8x128xf32, #tpu.memory_space<vmem>>, vector<16xf32>,
        %mul3A_688 = arith.mulf %get3A_490, %get3A_687 : vector<16xf32>
        %get3A_689 = arith.constant 2 : i32
        %get3A_690 = arith.constant 0 : i32
        %get3A_691 = arith.index_cast %get3A_689 : i32 to index
        %get3A_692 = arith.index_cast %get3A_690 : i32 to index
        %get3A_693 = arith.index_cast %scan3A_656 : i32 to index
        %get3A_694 = arith.constant 0 : index
        %get3A_695 = tpu.vector_load %arg10[%get3A_691, %get3A_692, %get3A_693, %get3A_694] {strides = array<i32>} : memref<4x2x8x128xf32, #tpu.memory_space<vmem>>, vector<16xf32>,
        %add3A_696 = arith.addf %mul3A_664, %mul3A_672 : vector<16xf32>
        %add3A_697 = arith.addf %mul3A_680, %mul3A_688 : vector<16xf32>
        %add3A_698 = arith.addf %add3A_696, %add3A_697 : vector<16xf32>
        %add3A_699 = arith.addf %add3A_698, %get3A_695 : vector<16xf32>
        %swap3A = arith.constant 2 : i32
        %swap3A_700 = arith.constant 0 : i32
        %swap3A_701 = arith.index_cast %swap3A : i32 to index
        %swap3A_702 = arith.index_cast %swap3A_700 : i32 to index
        %swap3A_703 = arith.index_cast %scan3A_656 : i32 to index
        %swap3A_704 = arith.constant 0 : index
        %swap3A_705 = tpu.vector_load %arg11[%swap3A_701, %swap3A_702, %swap3A_703, %swap3A_704] {strides = array<i32>} : memref<4x2x8x128xf32, #tpu.memory_space<vmem>>, vector<16xf32>,
        tpu.vector_store %arg11[%swap3A_701, %swap3A_702, %swap3A_703, %swap3A_704], %add3A_699 {strides = array<i32>} : memref<4x2x8x128xf32, #tpu.memory_space<vmem>>, vector<16xf32>,
        %get3A_706 = arith.constant 2 : i32
        %get3A_707 = arith.constant 0 : i32
        %get3A_708 = arith.index_cast %get3A_706 : i32 to index
        %get3A_709 = arith.index_cast %get3A_707 : i32 to index
        %get3A_710 = arith.index_cast %scan3A_656 : i32 to index
        %get3A_711 = arith.constant 16 : index
        %get3A_712 = tpu.vector_load %arg9[%get3A_708, %get3A_709, %get3A_710, %get3A_711] {strides = array<i32>} : memref<4x8x8x128xf32, #tpu.memory_space<vmem>>, vector<16xf32>,
        %mul3A_713 = arith.mulf %get3A_481, %get3A_712 : vector<16xf32>
        %get3A_714 = arith.constant 2 : i32
        %get3A_715 = arith.constant 1 : i32
        %get3A_716 = arith.index_cast %get3A_714 : i32 to index
        %get3A_717 = arith.index_cast %get3A_715 : i32 to index
        %get3A_718 = arith.index_cast %scan3A_656 : i32 to index
        %get3A_719 = arith.constant 16 : index
        %get3A_720 = tpu.vector_load %arg9[%get3A_716, %get3A_717, %get3A_718, %get3A_719] {strides = array<i32>} : memref<4x8x8x128xf32, #tpu.memory_space<vmem>>, vector<16xf32>,
        %mul3A_721 = arith.mulf %get3A_484, %get3A_720 : vector<16xf32>
        %get3A_722 = arith.constant 2 : i32
        %get3A_723 = arith.constant 2 : i32
        %get3A_724 = arith.index_cast %get3A_722 : i32 to index
        %get3A_725 = arith.index_cast %get3A_723 : i32 to index
        %get3A_726 = arith.index_cast %scan3A_656 : i32 to index
        %get3A_727 = arith.constant 16 : index
        %get3A_728 = tpu.vector_load %arg9[%get3A_724, %get3A_725, %get3A_726, %get3A_727] {strides = array<i32>} : memref<4x8x8x128xf32, #tpu.memory_space<vmem>>, vector<16xf32>,
        %mul3A_729 = arith.mulf %get3A_487, %get3A_728 : vector<16xf32>
        %get3A_730 = arith.constant 2 : i32
        %get3A_731 = arith.constant 3 : i32
        %get3A_732 = arith.index_cast %get3A_730 : i32 to index
        %get3A_733 = arith.index_cast %get3A_731 : i32 to index
        %get3A_734 = arith.index_cast %scan3A_656 : i32 to index
        %get3A_735 = arith.constant 16 : index
        %get3A_736 = tpu.vector_load %arg9[%get3A_732, %get3A_733, %get3A_734, %get3A_735] {strides = array<i32>} : memref<4x8x8x128xf32, #tpu.memory_space<vmem>>, vector<16xf32>,
        %mul3A_737 = arith.mulf %get3A_490, %get3A_736 : vector<16xf32>
        %get3A_738 = arith.constant 2 : i32
        %get3A_739 = arith.constant 0 : i32
        %get3A_740 = arith.index_cast %get3A_738 : i32 to index
        %get3A_741 = arith.index_cast %get3A_739 : i32 to index
        %get3A_742 = arith.index_cast %scan3A_656 : i32 to index
        %get3A_743 = arith.constant 16 : index
        %get3A_744 = tpu.vector_load %arg10[%get3A_740, %get3A_741, %get3A_742, %get3A_743] {strides = array<i32>} : memref<4x2x8x128xf32, #tpu.memory_space<vmem>>, vector<16xf32>,
        %add3A_745 = arith.addf %mul3A_713, %mul3A_721 : vector<16xf32>
        %add3A_746 = arith.addf %mul3A_729, %mul3A_737 : vector<16xf32>
        %add3A_747 = arith.addf %add3A_745, %add3A_746 : vector<16xf32>
        %add3A_748 = arith.addf %add3A_747, %get3A_744 : vector<16xf32>
        %swap3A_749 = arith.constant 2 : i32
        %swap3A_750 = arith.constant 0 : i32
        %swap3A_751 = arith.index_cast %swap3A_749 : i32 to index
        %swap3A_752 = arith.index_cast %swap3A_750 : i32 to index
        %swap3A_753 = arith.index_cast %scan3A_656 : i32 to index
        %swap3A_754 = arith.constant 16 : index
        %swap3A_755 = tpu.vector_load %arg11[%swap3A_751, %swap3A_752, %swap3A_753, %swap3A_754] {strides = array<i32>} : memref<4x2x8x128xf32, #tpu.memory_space<vmem>>, vector<16xf32>,
        tpu.vector_store %arg11[%swap3A_751, %swap3A_752, %swap3A_753, %swap3A_754], %add3A_748 {strides = array<i32>} : memref<4x2x8x128xf32, #tpu.memory_space<vmem>>, vector<16xf32>,
        %get3A_756 = arith.constant 2 : i32
        %get3A_757 = arith.constant 0 : i32
        %get3A_758 = arith.index_cast %get3A_756 : i32 to index
        %get3A_759 = arith.index_cast %get3A_757 : i32 to index
        %get3A_760 = arith.index_cast %scan3A_656 : i32 to index
        %get3A_761 = arith.constant 32 : index
        %get3A_762 = tpu.vector_load %arg9[%get3A_758, %get3A_759, %get3A_760, %get3A_761] {strides = array<i32>} : memref<4x8x8x128xf32, #tpu.memory_space<vmem>>, vector<16xf32>,
        %mul3A_763 = arith.mulf %get3A_481, %get3A_762 : vector<16xf32>
        %get3A_764 = arith.constant 2 : i32
        %get3A_765 = arith.constant 1 : i32
        %get3A_766 = arith.index_cast %get3A_764 : i32 to index
        %get3A_767 = arith.index_cast %get3A_765 : i32 to index
        %get3A_768 = arith.index_cast %scan3A_656 : i32 to index
        %get3A_769 = arith.constant 32 : index
        %get3A_770 = tpu.vector_load %arg9[%get3A_766, %get3A_767, %get3A_768, %get3A_769] {strides = array<i32>} : memref<4x8x8x128xf32, #tpu.memory_space<vmem>>, vector<16xf32>,
        %mul3A_771 = arith.mulf %get3A_484, %get3A_770 : vector<16xf32>
        %get3A_772 = arith.constant 2 : i32
        %get3A_773 = arith.constant 2 : i32
        %get3A_774 = arith.index_cast %get3A_772 : i32 to index
        %get3A_775 = arith.index_cast %get3A_773 : i32 to index
        %get3A_776 = arith.index_cast %scan3A_656 : i32 to index
        %get3A_777 = arith.constant 32 : index
        %get3A_778 = tpu.vector_load %arg9[%get3A_774, %get3A_775, %get3A_776, %get3A_777] {strides = array<i32>} : memref<4x8x8x128xf32, #tpu.memory_space<vmem>>, vector<16xf32>,
        %mul3A_779 = arith.mulf %get3A_487, %get3A_778 : vector<16xf32>
        %get3A_780 = arith.constant 2 : i32
        %get3A_781 = arith.constant 3 : i32
        %get3A_782 = arith.index_cast %get3A_780 : i32 to index
        %get3A_783 = arith.index_cast %get3A_781 : i32 to index
        %get3A_784 = arith.index_cast %scan3A_656 : i32 to index
        %get3A_785 = arith.constant 32 : index
        %get3A_786 = tpu.vector_load %arg9[%get3A_782, %get3A_783, %get3A_784, %get3A_785] {strides = array<i32>} : memref<4x8x8x128xf32, #tpu.memory_space<vmem>>, vector<16xf32>,
        %mul3A_787 = arith.mulf %get3A_490, %get3A_786 : vector<16xf32>
        %get3A_788 = arith.constant 2 : i32
        %get3A_789 = arith.constant 0 : i32
        %get3A_790 = arith.index_cast %get3A_788 : i32 to index
        %get3A_791 = arith.index_cast %get3A_789 : i32 to index
        %get3A_792 = arith.index_cast %scan3A_656 : i32 to index
        %get3A_793 = arith.constant 32 : index
        %get3A_794 = tpu.vector_load %arg10[%get3A_790, %get3A_791, %get3A_792, %get3A_793] {strides = array<i32>} : memref<4x2x8x128xf32, #tpu.memory_space<vmem>>, vector<16xf32>,
        %add3A_795 = arith.addf %mul3A_763, %mul3A_771 : vector<16xf32>
        %add3A_796 = arith.addf %mul3A_779, %mul3A_787 : vector<16xf32>
        %add3A_797 = arith.addf %add3A_795, %add3A_796 : vector<16xf32>
        %add3A_798 = arith.addf %add3A_797, %get3A_794 : vector<16xf32>
        %swap3A_799 = arith.constant 2 : i32
        %swap3A_800 = arith.constant 0 : i32
        %swap3A_801 = arith.index_cast %swap3A_799 : i32 to index
        %swap3A_802 = arith.index_cast %swap3A_800 : i32 to index
        %swap3A_803 = arith.index_cast %scan3A_656 : i32 to index
        %swap3A_804 = arith.constant 32 : index
        %swap3A_805 = tpu.vector_load %arg11[%swap3A_801, %swap3A_802, %swap3A_803, %swap3A_804] {strides = array<i32>} : memref<4x2x8x128xf32, #tpu.memory_space<vmem>>, vector<16xf32>,
        tpu.vector_store %arg11[%swap3A_801, %swap3A_802, %swap3A_803, %swap3A_804], %add3A_798 {strides = array<i32>} : memref<4x2x8x128xf32, #tpu.memory_space<vmem>>, vector<16xf32>,
        %get3A_806 = arith.constant 2 : i32
        %get3A_807 = arith.constant 0 : i32
        %get3A_808 = arith.index_cast %get3A_806 : i32 to index
        %get3A_809 = arith.index_cast %get3A_807 : i32 to index
        %get3A_810 = arith.index_cast %scan3A_656 : i32 to index
        %get3A_811 = arith.constant 48 : index
        %get3A_812 = tpu.vector_load %arg9[%get3A_808, %get3A_809, %get3A_810, %get3A_811] {strides = array<i32>} : memref<4x8x8x128xf32, #tpu.memory_space<vmem>>, vector<16xf32>,
        %mul3A_813 = arith.mulf %get3A_481, %get3A_812 : vector<16xf32>
        %get3A_814 = arith.constant 2 : i32
        %get3A_815 = arith.constant 1 : i32
        %get3A_816 = arith.index_cast %get3A_814 : i32 to index
        %get3A_817 = arith.index_cast %get3A_815 : i32 to index
        %get3A_818 = arith.index_cast %scan3A_656 : i32 to index
        %get3A_819 = arith.constant 48 : index
        %get3A_820 = tpu.vector_load %arg9[%get3A_816, %get3A_817, %get3A_818, %get3A_819] {strides = array<i32>} : memref<4x8x8x128xf32, #tpu.memory_space<vmem>>, vector<16xf32>,
        %mul3A_821 = arith.mulf %get3A_484, %get3A_820 : vector<16xf32>
        %get3A_822 = arith.constant 2 : i32
        %get3A_823 = arith.constant 2 : i32
        %get3A_824 = arith.index_cast %get3A_822 : i32 to index
        %get3A_825 = arith.index_cast %get3A_823 : i32 to index
        %get3A_826 = arith.index_cast %scan3A_656 : i32 to index
        %get3A_827 = arith.constant 48 : index
        %get3A_828 = tpu.vector_load %arg9[%get3A_824, %get3A_825, %get3A_826, %get3A_827] {strides = array<i32>} : memref<4x8x8x128xf32, #tpu.memory_space<vmem>>, vector<16xf32>,
        %mul3A_829 = arith.mulf %get3A_487, %get3A_828 : vector<16xf32>
        %get3A_830 = arith.constant 2 : i32
        %get3A_831 = arith.constant 3 : i32
        %get3A_832 = arith.index_cast %get3A_830 : i32 to index
        %get3A_833 = arith.index_cast %get3A_831 : i32 to index
        %get3A_834 = arith.index_cast %scan3A_656 : i32 to index
        %get3A_835 = arith.constant 48 : index
        %get3A_836 = tpu.vector_load %arg9[%get3A_832, %get3A_833, %get3A_834, %get3A_835] {strides = array<i32>} : memref<4x8x8x128xf32, #tpu.memory_space<vmem>>, vector<16xf32>,
        %mul3A_837 = arith.mulf %get3A_490, %get3A_836 : vector<16xf32>
        %get3A_838 = arith.constant 2 : i32
        %get3A_839 = arith.constant 0 : i32
        %get3A_840 = arith.index_cast %get3A_838 : i32 to index
        %get3A_841 = arith.index_cast %get3A_839 : i32 to index
        %get3A_842 = arith.index_cast %scan3A_656 : i32 to index
        %get3A_843 = arith.constant 48 : index
        %get3A_844 = tpu.vector_load %arg10[%get3A_840, %get3A_841, %get3A_842, %get3A_843] {strides = array<i32>} : memref<4x2x8x128xf32, #tpu.memory_space<vmem>>, vector<16xf32>,
        %add3A_845 = arith.addf %mul3A_813, %mul3A_821 : vector<16xf32>
        %add3A_846 = arith.addf %mul3A_829, %mul3A_837 : vector<16xf32>
        %add3A_847 = arith.addf %add3A_845, %add3A_846 : vector<16xf32>
        %add3A_848 = arith.addf %add3A_847, %get3A_844 : vector<16xf32>
        %swap3A_849 = arith.constant 2 : i32
        %swap3A_850 = arith.constant 0 : i32
        %swap3A_851 = arith.index_cast %swap3A_849 : i32 to index
        %swap3A_852 = arith.index_cast %swap3A_850 : i32 to index
        %swap3A_853 = arith.index_cast %scan3A_656 : i32 to index
        %swap3A_854 = arith.constant 48 : index
        %swap3A_855 = tpu.vector_load %arg11[%swap3A_851, %swap3A_852, %swap3A_853, %swap3A_854] {strides = array<i32>} : memref<4x2x8x128xf32, #tpu.memory_space<vmem>>, vector<16xf32>,
        tpu.vector_store %arg11[%swap3A_851, %swap3A_852, %swap3A_853, %swap3A_854], %add3A_848 {strides = array<i32>} : memref<4x2x8x128xf32, #tpu.memory_space<vmem>>, vector<16xf32>,
        %get3A_856 = arith.constant 2 : i32
        %get3A_857 = arith.constant 0 : i32
        %get3A_858 = arith.index_cast %get3A_856 : i32 to index
        %get3A_859 = arith.index_cast %get3A_857 : i32 to index
        %get3A_860 = arith.index_cast %scan3A_656 : i32 to index
        %get3A_861 = arith.constant 64 : index
        %get3A_862 = tpu.vector_load %arg9[%get3A_858, %get3A_859, %get3A_860, %get3A_861] {strides = array<i32>} : memref<4x8x8x128xf32, #tpu.memory_space<vmem>>, vector<16xf32>,
        %mul3A_863 = arith.mulf %get3A_481, %get3A_862 : vector<16xf32>
        %get3A_864 = arith.constant 2 : i32
        %get3A_865 = arith.constant 1 : i32
        %get3A_866 = arith.index_cast %get3A_864 : i32 to index
        %get3A_867 = arith.index_cast %get3A_865 : i32 to index
        %get3A_868 = arith.index_cast %scan3A_656 : i32 to index
        %get3A_869 = arith.constant 64 : index
        %get3A_870 = tpu.vector_load %arg9[%get3A_866, %get3A_867, %get3A_868, %get3A_869] {strides = array<i32>} : memref<4x8x8x128xf32, #tpu.memory_space<vmem>>, vector<16xf32>,
        %mul3A_871 = arith.mulf %get3A_484, %get3A_870 : vector<16xf32>
        %get3A_872 = arith.constant 2 : i32
        %get3A_873 = arith.constant 2 : i32
        %get3A_874 = arith.index_cast %get3A_872 : i32 to index
        %get3A_875 = arith.index_cast %get3A_873 : i32 to index
        %get3A_876 = arith.index_cast %scan3A_656 : i32 to index
        %get3A_877 = arith.constant 64 : index
        %get3A_878 = tpu.vector_load %arg9[%get3A_874, %get3A_875, %get3A_876, %get3A_877] {strides = array<i32>} : memref<4x8x8x128xf32, #tpu.memory_space<vmem>>, vector<16xf32>,
        %mul3A_879 = arith.mulf %get3A_487, %get3A_878 : vector<16xf32>
        %get3A_880 = arith.constant 2 : i32
        %get3A_881 = arith.constant 3 : i32
        %get3A_882 = arith.index_cast %get3A_880 : i32 to index
        %get3A_883 = arith.index_cast %get3A_881 : i32 to index
        %get3A_884 = arith.index_cast %scan3A_656 : i32 to index
        %get3A_885 = arith.constant 64 : index
        %get3A_886 = tpu.vector_load %arg9[%get3A_882, %get3A_883, %get3A_884, %get3A_885] {strides = array<i32>} : memref<4x8x8x128xf32, #tpu.memory_space<vmem>>, vector<16xf32>,
        %mul3A_887 = arith.mulf %get3A_490, %get3A_886 : vector<16xf32>
        %get3A_888 = arith.constant 2 : i32
        %get3A_889 = arith.constant 0 : i32
        %get3A_890 = arith.index_cast %get3A_888 : i32 to index
        %get3A_891 = arith.index_cast %get3A_889 : i32 to index
        %get3A_892 = arith.index_cast %scan3A_656 : i32 to index
        %get3A_893 = arith.constant 64 : index
        %get3A_894 = tpu.vector_load %arg10[%get3A_890, %get3A_891, %get3A_892, %get3A_893] {strides = array<i32>} : memref<4x2x8x128xf32, #tpu.memory_space<vmem>>, vector<16xf32>,
        %add3A_895 = arith.addf %mul3A_863, %mul3A_871 : vector<16xf32>
        %add3A_896 = arith.addf %mul3A_879, %mul3A_887 : vector<16xf32>
        %add3A_897 = arith.addf %add3A_895, %add3A_896 : vector<16xf32>
        %add3A_898 = arith.addf %add3A_897, %get3A_894 : vector<16xf32>
        %swap3A_899 = arith.constant 2 : i32
        %swap3A_900 = arith.constant 0 : i32
        %swap3A_901 = arith.index_cast %swap3A_899 : i32 to index
        %swap3A_902 = arith.index_cast %swap3A_900 : i32 to index
        %swap3A_903 = arith.index_cast %scan3A_656 : i32 to index
        %swap3A_904 = arith.constant 64 : index
        %swap3A_905 = tpu.vector_load %arg11[%swap3A_901, %swap3A_902, %swap3A_903, %swap3A_904] {strides = array<i32>} : memref<4x2x8x128xf32, #tpu.memory_space<vmem>>, vector<16xf32>,
        tpu.vector_store %arg11[%swap3A_901, %swap3A_902, %swap3A_903, %swap3A_904], %add3A_898 {strides = array<i32>} : memref<4x2x8x128xf32, #tpu.memory_space<vmem>>, vector<16xf32>,
        %get3A_906 = arith.constant 2 : i32
        %get3A_907 = arith.constant 0 : i32
        %get3A_908 = arith.index_cast %get3A_906 : i32 to index
        %get3A_909 = arith.index_cast %get3A_907 : i32 to index
        %get3A_910 = arith.index_cast %scan3A_656 : i32 to index
        %get3A_911 = arith.constant 80 : index
        %get3A_912 = tpu.vector_load %arg9[%get3A_908, %get3A_909, %get3A_910, %get3A_911] {strides = array<i32>} : memref<4x8x8x128xf32, #tpu.memory_space<vmem>>, vector<16xf32>,
        %mul3A_913 = arith.mulf %get3A_481, %get3A_912 : vector<16xf32>
        %get3A_914 = arith.constant 2 : i32
        %get3A_915 = arith.constant 1 : i32
        %get3A_916 = arith.index_cast %get3A_914 : i32 to index
        %get3A_917 = arith.index_cast %get3A_915 : i32 to index
        %get3A_918 = arith.index_cast %scan3A_656 : i32 to index
        %get3A_919 = arith.constant 80 : index
        %get3A_920 = tpu.vector_load %arg9[%get3A_916, %get3A_917, %get3A_918, %get3A_919] {strides = array<i32>} : memref<4x8x8x128xf32, #tpu.memory_space<vmem>>, vector<16xf32>,
        %mul3A_921 = arith.mulf %get3A_484, %get3A_920 : vector<16xf32>
        %get3A_922 = arith.constant 2 : i32
        %get3A_923 = arith.constant 2 : i32
        %get3A_924 = arith.index_cast %get3A_922 : i32 to index
        %get3A_925 = arith.index_cast %get3A_923 : i32 to index
        %get3A_926 = arith.index_cast %scan3A_656 : i32 to index
        %get3A_927 = arith.constant 80 : index
        %get3A_928 = tpu.vector_load %arg9[%get3A_924, %get3A_925, %get3A_926, %get3A_927] {strides = array<i32>} : memref<4x8x8x128xf32, #tpu.memory_space<vmem>>, vector<16xf32>,
        %mul3A_929 = arith.mulf %get3A_487, %get3A_928 : vector<16xf32>
        %get3A_930 = arith.constant 2 : i32
        %get3A_931 = arith.constant 3 : i32
        %get3A_932 = arith.index_cast %get3A_930 : i32 to index
        %get3A_933 = arith.index_cast %get3A_931 : i32 to index
        %get3A_934 = arith.index_cast %scan3A_656 : i32 to index
        %get3A_935 = arith.constant 80 : index
        %get3A_936 = tpu.vector_load %arg9[%get3A_932, %get3A_933, %get3A_934, %get3A_935] {strides = array<i32>} : memref<4x8x8x128xf32, #tpu.memory_space<vmem>>, vector<16xf32>,
        %mul3A_937 = arith.mulf %get3A_490, %get3A_936 : vector<16xf32>
        %get3A_938 = arith.constant 2 : i32
        %get3A_939 = arith.constant 0 : i32
        %get3A_940 = arith.index_cast %get3A_938 : i32 to index
        %get3A_941 = arith.index_cast %get3A_939 : i32 to index
        %get3A_942 = arith.index_cast %scan3A_656 : i32 to index
        %get3A_943 = arith.constant 80 : index
        %get3A_944 = tpu.vector_load %arg10[%get3A_940, %get3A_941, %get3A_942, %get3A_943] {strides = array<i32>} : memref<4x2x8x128xf32, #tpu.memory_space<vmem>>, vector<16xf32>,
        %add3A_945 = arith.addf %mul3A_913, %mul3A_921 : vector<16xf32>
        %add3A_946 = arith.addf %mul3A_929, %mul3A_937 : vector<16xf32>
        %add3A_947 = arith.addf %add3A_945, %add3A_946 : vector<16xf32>
        %add3A_948 = arith.addf %add3A_947, %get3A_944 : vector<16xf32>
        %swap3A_949 = arith.constant 2 : i32
        %swap3A_950 = arith.constant 0 : i32
        %swap3A_951 = arith.index_cast %swap3A_949 : i32 to index
        %swap3A_952 = arith.index_cast %swap3A_950 : i32 to index
        %swap3A_953 = arith.index_cast %scan3A_656 : i32 to index
        %swap3A_954 = arith.constant 80 : index
        %swap3A_955 = tpu.vector_load %arg11[%swap3A_951, %swap3A_952, %swap3A_953, %swap3A_954] {strides = array<i32>} : memref<4x2x8x128xf32, #tpu.memory_space<vmem>>, vector<16xf32>,
        tpu.vector_store %arg11[%swap3A_951, %swap3A_952, %swap3A_953, %swap3A_954], %add3A_948 {strides = array<i32>} : memref<4x2x8x128xf32, #tpu.memory_space<vmem>>, vector<16xf32>,
        %get3A_956 = arith.constant 2 : i32
        %get3A_957 = arith.constant 0 : i32
        %get3A_958 = arith.index_cast %get3A_956 : i32 to index
        %get3A_959 = arith.index_cast %get3A_957 : i32 to index
        %get3A_960 = arith.index_cast %scan3A_656 : i32 to index
        %get3A_961 = arith.constant 96 : index
        %get3A_962 = tpu.vector_load %arg9[%get3A_958, %get3A_959, %get3A_960, %get3A_961] {strides = array<i32>} : memref<4x8x8x128xf32, #tpu.memory_space<vmem>>, vector<16xf32>,
        %mul3A_963 = arith.mulf %get3A_481, %get3A_962 : vector<16xf32>
        %get3A_964 = arith.constant 2 : i32
        %get3A_965 = arith.constant 1 : i32
        %get3A_966 = arith.index_cast %get3A_964 : i32 to index
        %get3A_967 = arith.index_cast %get3A_965 : i32 to index
        %get3A_968 = arith.index_cast %scan3A_656 : i32 to index
        %get3A_969 = arith.constant 96 : index
        %get3A_970 = tpu.vector_load %arg9[%get3A_966, %get3A_967, %get3A_968, %get3A_969] {strides = array<i32>} : memref<4x8x8x128xf32, #tpu.memory_space<vmem>>, vector<16xf32>,
        %mul3A_971 = arith.mulf %get3A_484, %get3A_970 : vector<16xf32>
        %get3A_972 = arith.constant 2 : i32
        %get3A_973 = arith.constant 2 : i32
        %get3A_974 = arith.index_cast %get3A_972 : i32 to index
        %get3A_975 = arith.index_cast %get3A_973 : i32 to index
        %get3A_976 = arith.index_cast %scan3A_656 : i32 to index
        %get3A_977 = arith.constant 96 : index
        %get3A_978 = tpu.vector_load %arg9[%get3A_974, %get3A_975, %get3A_976, %get3A_977] {strides = array<i32>} : memref<4x8x8x128xf32, #tpu.memory_space<vmem>>, vector<16xf32>,
        %mul3A_979 = arith.mulf %get3A_487, %get3A_978 : vector<16xf32>
        %get3A_980 = arith.constant 2 : i32
        %get3A_981 = arith.constant 3 : i32
        %get3A_982 = arith.index_cast %get3A_980 : i32 to index
        %get3A_983 = arith.index_cast %get3A_981 : i32 to index
        %get3A_984 = arith.index_cast %scan3A_656 : i32 to index
        %get3A_985 = arith.constant 96 : index
        %get3A_986 = tpu.vector_load %arg9[%get3A_982, %get3A_983, %get3A_984, %get3A_985] {strides = array<i32>} : memref<4x8x8x128xf32, #tpu.memory_space<vmem>>, vector<16xf32>,
        %mul3A_987 = arith.mulf %get3A_490, %get3A_986 : vector<16xf32>
        %get3A_988 = arith.constant 2 : i32
        %get3A_989 = arith.constant 0 : i32
        %get3A_990 = arith.index_cast %get3A_988 : i32 to index
        %get3A_991 = arith.index_cast %get3A_989 : i32 to index
        %get3A_992 = arith.index_cast %scan3A_656 : i32 to index
        %get3A_993 = arith.constant 96 : index
        %get3A_994 = tpu.vector_load %arg10[%get3A_990, %get3A_991, %get3A_992, %get3A_993] {strides = array<i32>} : memref<4x2x8x128xf32, #tpu.memory_space<vmem>>, vector<16xf32>,
        %add3A_995 = arith.addf %mul3A_963, %mul3A_971 : vector<16xf32>
        %add3A_996 = arith.addf %mul3A_979, %mul3A_987 : vector<16xf32>
        %add3A_997 = arith.addf %add3A_995, %add3A_996 : vector<16xf32>
        %add3A_998 = arith.addf %add3A_997, %get3A_994 : vector<16xf32>
        %swap3A_999 = arith.constant 2 : i32
        %swap3A_1000 = arith.constant 0 : i32
        %swap3A_1001 = arith.index_cast %swap3A_999 : i32 to index
        %swap3A_1002 = arith.index_cast %swap3A_1000 : i32 to index
        %swap3A_1003 = arith.index_cast %scan3A_656 : i32 to index
        %swap3A_1004 = arith.constant 96 : index
        %swap3A_1005 = tpu.vector_load %arg11[%swap3A_1001, %swap3A_1002, %swap3A_1003, %swap3A_1004] {strides = array<i32>} : memref<4x2x8x128xf32, #tpu.memory_space<vmem>>, vector<16xf32>,
        tpu.vector_store %arg11[%swap3A_1001, %swap3A_1002, %swap3A_1003, %swap3A_1004], %add3A_998 {strides = array<i32>} : memref<4x2x8x128xf32, #tpu.memory_space<vmem>>, vector<16xf32>,
        %get3A_1006 = arith.constant 2 : i32
        %get3A_1007 = arith.constant 0 : i32
        %get3A_1008 = arith.index_cast %get3A_1006 : i32 to index
        %get3A_1009 = arith.index_cast %get3A_1007 : i32 to index
        %get3A_1010 = arith.index_cast %scan3A_656 : i32 to index
        %get3A_1011 = arith.constant 112 : index
        %get3A_1012 = tpu.vector_load %arg9[%get3A_1008, %get3A_1009, %get3A_1010, %get3A_1011] {strides = array<i32>} : memref<4x8x8x128xf32, #tpu.memory_space<vmem>>, vector<16xf32>,
        %mul3A_1013 = arith.mulf %get3A_481, %get3A_1012 : vector<16xf32>
        %get3A_1014 = arith.constant 2 : i32
        %get3A_1015 = arith.constant 1 : i32
        %get3A_1016 = arith.index_cast %get3A_1014 : i32 to index
        %get3A_1017 = arith.index_cast %get3A_1015 : i32 to index
        %get3A_1018 = arith.index_cast %scan3A_656 : i32 to index
        %get3A_1019 = arith.constant 112 : index
        %get3A_1020 = tpu.vector_load %arg9[%get3A_1016, %get3A_1017, %get3A_1018, %get3A_1019] {strides = array<i32>} : memref<4x8x8x128xf32, #tpu.memory_space<vmem>>, vector<16xf32>,
        %mul3A_1021 = arith.mulf %get3A_484, %get3A_1020 : vector<16xf32>
        %get3A_1022 = arith.constant 2 : i32
        %get3A_1023 = arith.constant 2 : i32
        %get3A_1024 = arith.index_cast %get3A_1022 : i32 to index
        %get3A_1025 = arith.index_cast %get3A_1023 : i32 to index
        %get3A_1026 = arith.index_cast %scan3A_656 : i32 to index
        %get3A_1027 = arith.constant 112 : index
        %get3A_1028 = tpu.vector_load %arg9[%get3A_1024, %get3A_1025, %get3A_1026, %get3A_1027] {strides = array<i32>} : memref<4x8x8x128xf32, #tpu.memory_space<vmem>>, vector<16xf32>,
        %mul3A_1029 = arith.mulf %get3A_487, %get3A_1028 : vector<16xf32>
        %get3A_1030 = arith.constant 2 : i32
        %get3A_1031 = arith.constant 3 : i32
        %get3A_1032 = arith.index_cast %get3A_1030 : i32 to index
        %get3A_1033 = arith.index_cast %get3A_1031 : i32 to index
        %get3A_1034 = arith.index_cast %scan3A_656 : i32 to index
        %get3A_1035 = arith.constant 112 : index
        %get3A_1036 = tpu.vector_load %arg9[%get3A_1032, %get3A_1033, %get3A_1034, %get3A_1035] {strides = array<i32>} : memref<4x8x8x128xf32, #tpu.memory_space<vmem>>, vector<16xf32>,
        %mul3A_1037 = arith.mulf %get3A_490, %get3A_1036 : vector<16xf32>
        %get3A_1038 = arith.constant 2 : i32
        %get3A_1039 = arith.constant 0 : i32
        %get3A_1040 = arith.index_cast %get3A_1038 : i32 to index
        %get3A_1041 = arith.index_cast %get3A_1039 : i32 to index
        %get3A_1042 = arith.index_cast %scan3A_656 : i32 to index
        %get3A_1043 = arith.constant 112 : index
        %get3A_1044 = tpu.vector_load %arg10[%get3A_1040, %get3A_1041, %get3A_1042, %get3A_1043] {strides = array<i32>} : memref<4x2x8x128xf32, #tpu.memory_space<vmem>>, vector<16xf32>,
        %add3A_1045 = arith.addf %mul3A_1013, %mul3A_1021 : vector<16xf32>
        %add3A_1046 = arith.addf %mul3A_1029, %mul3A_1037 : vector<16xf32>
        %add3A_1047 = arith.addf %add3A_1045, %add3A_1046 : vector<16xf32>
        %add3A_1048 = arith.addf %add3A_1047, %get3A_1044 : vector<16xf32>
        %swap3A_1049 = arith.constant 2 : i32
        %swap3A_1050 = arith.constant 0 : i32
        %swap3A_1051 = arith.index_cast %swap3A_1049 : i32 to index
        %swap3A_1052 = arith.index_cast %swap3A_1050 : i32 to index
        %swap3A_1053 = arith.index_cast %scan3A_656 : i32 to index
        %swap3A_1054 = arith.constant 112 : index
        %swap3A_1055 = tpu.vector_load %arg11[%swap3A_1051, %swap3A_1052, %swap3A_1053, %swap3A_1054] {strides = array<i32>} : memref<4x2x8x128xf32, #tpu.memory_space<vmem>>, vector<16xf32>,
        tpu.vector_store %arg11[%swap3A_1051, %swap3A_1052, %swap3A_1053, %swap3A_1054], %add3A_1048 {strides = array<i32>} : memref<4x2x8x128xf32, #tpu.memory_space<vmem>>, vector<16xf32>,
      }
      %scan3A_496 = arith.constant 8 : i32
      %mul3A_497 = arith.constant 2 : i32
      %mul3A_498 = arith.muli %add3A_435, %mul3A_497 : i32
      %add3A_499 = arith.constant 1 : i32
      %add3A_500 = arith.addi %mul3A_498, %add3A_499 : i32
      %get3A_501 = arith.index_cast %add3A_500 : i32 to index
      %get3A_502 = arith.constant 0 : index
      %get3A_503 = tpu.vector_load %arg8[%get3A_501, %get3A_502] {strides = array<i32>} : memref<256x64xf32, #tpu.memory_space<vmem>>, vector<16xf32>,
      %get3A_504 = arith.index_cast %add3A_500 : i32 to index
      %get3A_505 = arith.constant 16 : index
      %get3A_506 = tpu.vector_load %arg8[%get3A_504, %get3A_505] {strides = array<i32>} : memref<256x64xf32, #tpu.memory_space<vmem>>, vector<16xf32>,
      %get3A_507 = arith.index_cast %add3A_500 : i32 to index
      %get3A_508 = arith.constant 32 : index
      %get3A_509 = tpu.vector_load %arg8[%get3A_507, %get3A_508] {strides = array<i32>} : memref<256x64xf32, #tpu.memory_space<vmem>>, vector<16xf32>,
      %get3A_510 = arith.index_cast %add3A_500 : i32 to index
      %get3A_511 = arith.constant 48 : index
      %get3A_512 = tpu.vector_load %arg8[%get3A_510, %get3A_511] {strides = array<i32>} : memref<256x64xf32, #tpu.memory_space<vmem>>, vector<16xf32>,
      %scan3A_513 = arith.constant 0 : i32
      %scan3A_514 = arith.constant 0 : i32
      %scan3A_515 = arith.constant 8 : i32
      %scan3A_516 = arith.addi %scan3A_514, %scan3A_515 : i32
      %scan3A_517 = arith.constant 1 : i32
      scf.for %scan3A_656 = %scan3A_514 to %scan3A_516 step %scan3A_517  : i32 {
        %get3A_657 = arith.constant 2 : i32
        %get3A_658 = arith.constant 4 : i32
        %get3A_659 = arith.index_cast %get3A_657 : i32 to index
        %get3A_660 = arith.index_cast %get3A_658 : i32 to index
        %get3A_661 = arith.index_cast %scan3A_656 : i32 to index
        %get3A_662 = arith.constant 0 : index
        %get3A_663 = tpu.vector_load %arg9[%get3A_659, %get3A_660, %get3A_661, %get3A_662] {strides = array<i32>} : memref<4x8x8x128xf32, #tpu.memory_space<vmem>>, vector<16xf32>,
        %mul3A_664 = arith.mulf %get3A_503, %get3A_663 : vector<16xf32>
        %get3A_665 = arith.constant 2 : i32
        %get3A_666 = arith.constant 5 : i32
        %get3A_667 = arith.index_cast %get3A_665 : i32 to index
        %get3A_668 = arith.index_cast %get3A_666 : i32 to index
        %get3A_669 = arith.index_cast %scan3A_656 : i32 to index
        %get3A_670 = arith.constant 0 : index
        %get3A_671 = tpu.vector_load %arg9[%get3A_667, %get3A_668, %get3A_669, %get3A_670] {strides = array<i32>} : memref<4x8x8x128xf32, #tpu.memory_space<vmem>>, vector<16xf32>,
        %mul3A_672 = arith.mulf %get3A_506, %get3A_671 : vector<16xf32>
        %get3A_673 = arith.constant 2 : i32
        %get3A_674 = arith.constant 6 : i32
        %get3A_675 = arith.index_cast %get3A_673 : i32 to index
        %get3A_676 = arith.index_cast %get3A_674 : i32 to index
        %get3A_677 = arith.index_cast %scan3A_656 : i32 to index
        %get3A_678 = arith.constant 0 : index
        %get3A_679 = tpu.vector_load %arg9[%get3A_675, %get3A_676, %get3A_677, %get3A_678] {strides = array<i32>} : memref<4x8x8x128xf32, #tpu.memory_space<vmem>>, vector<16xf32>,
        %mul3A_680 = arith.mulf %get3A_509, %get3A_679 : vector<16xf32>
        %get3A_681 = arith.constant 2 : i32
        %get3A_682 = arith.constant 7 : i32
        %get3A_683 = arith.index_cast %get3A_681 : i32 to index
        %get3A_684 = arith.index_cast %get3A_682 : i32 to index
        %get3A_685 = arith.index_cast %scan3A_656 : i32 to index
        %get3A_686 = arith.constant 0 : index
        %get3A_687 = tpu.vector_load %arg9[%get3A_683, %get3A_684, %get3A_685, %get3A_686] {strides = array<i32>} : memref<4x8x8x128xf32, #tpu.memory_space<vmem>>, vector<16xf32>,
        %mul3A_688 = arith.mulf %get3A_512, %get3A_687 : vector<16xf32>
        %get3A_689 = arith.constant 2 : i32
        %get3A_690 = arith.constant 1 : i32
        %get3A_691 = arith.index_cast %get3A_689 : i32 to index
        %get3A_692 = arith.index_cast %get3A_690 : i32 to index
        %get3A_693 = arith.index_cast %scan3A_656 : i32 to index
        %get3A_694 = arith.constant 0 : index
        %get3A_695 = tpu.vector_load %arg10[%get3A_691, %get3A_692, %get3A_693, %get3A_694] {strides = array<i32>} : memref<4x2x8x128xf32, #tpu.memory_space<vmem>>, vector<16xf32>,
        %add3A_696 = arith.addf %mul3A_664, %mul3A_672 : vector<16xf32>
        %add3A_697 = arith.addf %mul3A_680, %mul3A_688 : vector<16xf32>
        %add3A_698 = arith.addf %add3A_696, %add3A_697 : vector<16xf32>
        %add3A_699 = arith.addf %add3A_698, %get3A_695 : vector<16xf32>
        %swap3A = arith.constant 2 : i32
        %swap3A_700 = arith.constant 1 : i32
        %swap3A_701 = arith.index_cast %swap3A : i32 to index
        %swap3A_702 = arith.index_cast %swap3A_700 : i32 to index
        %swap3A_703 = arith.index_cast %scan3A_656 : i32 to index
        %swap3A_704 = arith.constant 0 : index
        %swap3A_705 = tpu.vector_load %arg11[%swap3A_701, %swap3A_702, %swap3A_703, %swap3A_704] {strides = array<i32>} : memref<4x2x8x128xf32, #tpu.memory_space<vmem>>, vector<16xf32>,
        tpu.vector_store %arg11[%swap3A_701, %swap3A_702, %swap3A_703, %swap3A_704], %add3A_699 {strides = array<i32>} : memref<4x2x8x128xf32, #tpu.memory_space<vmem>>, vector<16xf32>,
        %get3A_706 = arith.constant 2 : i32
        %get3A_707 = arith.constant 4 : i32
        %get3A_708 = arith.index_cast %get3A_706 : i32 to index
        %get3A_709 = arith.index_cast %get3A_707 : i32 to index
        %get3A_710 = arith.index_cast %scan3A_656 : i32 to index
        %get3A_711 = arith.constant 16 : index
        %get3A_712 = tpu.vector_load %arg9[%get3A_708, %get3A_709, %get3A_710, %get3A_711] {strides = array<i32>} : memref<4x8x8x128xf32, #tpu.memory_space<vmem>>, vector<16xf32>,
        %mul3A_713 = arith.mulf %get3A_503, %get3A_712 : vector<16xf32>
        %get3A_714 = arith.constant 2 : i32
        %get3A_715 = arith.constant 5 : i32
        %get3A_716 = arith.index_cast %get3A_714 : i32 to index
        %get3A_717 = arith.index_cast %get3A_715 : i32 to index
        %get3A_718 = arith.index_cast %scan3A_656 : i32 to index
        %get3A_719 = arith.constant 16 : index
        %get3A_720 = tpu.vector_load %arg9[%get3A_716, %get3A_717, %get3A_718, %get3A_719] {strides = array<i32>} : memref<4x8x8x128xf32, #tpu.memory_space<vmem>>, vector<16xf32>,
        %mul3A_721 = arith.mulf %get3A_506, %get3A_720 : vector<16xf32>
        %get3A_722 = arith.constant 2 : i32
        %get3A_723 = arith.constant 6 : i32
        %get3A_724 = arith.index_cast %get3A_722 : i32 to index
        %get3A_725 = arith.index_cast %get3A_723 : i32 to index
        %get3A_726 = arith.index_cast %scan3A_656 : i32 to index
        %get3A_727 = arith.constant 16 : index
        %get3A_728 = tpu.vector_load %arg9[%get3A_724, %get3A_725, %get3A_726, %get3A_727] {strides = array<i32>} : memref<4x8x8x128xf32, #tpu.memory_space<vmem>>, vector<16xf32>,
        %mul3A_729 = arith.mulf %get3A_509, %get3A_728 : vector<16xf32>
        %get3A_730 = arith.constant 2 : i32
        %get3A_731 = arith.constant 7 : i32
        %get3A_732 = arith.index_cast %get3A_730 : i32 to index
        %get3A_733 = arith.index_cast %get3A_731 : i32 to index
        %get3A_734 = arith.index_cast %scan3A_656 : i32 to index
        %get3A_735 = arith.constant 16 : index
        %get3A_736 = tpu.vector_load %arg9[%get3A_732, %get3A_733, %get3A_734, %get3A_735] {strides = array<i32>} : memref<4x8x8x128xf32, #tpu.memory_space<vmem>>, vector<16xf32>,
        %mul3A_737 = arith.mulf %get3A_512, %get3A_736 : vector<16xf32>
        %get3A_738 = arith.constant 2 : i32
        %get3A_739 = arith.constant 1 : i32
        %get3A_740 = arith.index_cast %get3A_738 : i32 to index
        %get3A_741 = arith.index_cast %get3A_739 : i32 to index
        %get3A_742 = arith.index_cast %scan3A_656 : i32 to index
        %get3A_743 = arith.constant 16 : index
        %get3A_744 = tpu.vector_load %arg10[%get3A_740, %get3A_741, %get3A_742, %get3A_743] {strides = array<i32>} : memref<4x2x8x128xf32, #tpu.memory_space<vmem>>, vector<16xf32>,
        %add3A_745 = arith.addf %mul3A_713, %mul3A_721 : vector<16xf32>
        %add3A_746 = arith.addf %mul3A_729, %mul3A_737 : vector<16xf32>
        %add3A_747 = arith.addf %add3A_745, %add3A_746 : vector<16xf32>
        %add3A_748 = arith.addf %add3A_747, %get3A_744 : vector<16xf32>
        %swap3A_749 = arith.constant 2 : i32
        %swap3A_750 = arith.constant 1 : i32
        %swap3A_751 = arith.index_cast %swap3A_749 : i32 to index
        %swap3A_752 = arith.index_cast %swap3A_750 : i32 to index
        %swap3A_753 = arith.index_cast %scan3A_656 : i32 to index
        %swap3A_754 = arith.constant 16 : index
        %swap3A_755 = tpu.vector_load %arg11[%swap3A_751, %swap3A_752, %swap3A_753, %swap3A_754] {strides = array<i32>} : memref<4x2x8x128xf32, #tpu.memory_space<vmem>>, vector<16xf32>,
        tpu.vector_store %arg11[%swap3A_751, %swap3A_752, %swap3A_753, %swap3A_754], %add3A_748 {strides = array<i32>} : memref<4x2x8x128xf32, #tpu.memory_space<vmem>>, vector<16xf32>,
        %get3A_756 = arith.constant 2 : i32
        %get3A_757 = arith.constant 4 : i32
        %get3A_758 = arith.index_cast %get3A_756 : i32 to index
        %get3A_759 = arith.index_cast %get3A_757 : i32 to index
        %get3A_760 = arith.index_cast %scan3A_656 : i32 to index
        %get3A_761 = arith.constant 32 : index
        %get3A_762 = tpu.vector_load %arg9[%get3A_758, %get3A_759, %get3A_760, %get3A_761] {strides = array<i32>} : memref<4x8x8x128xf32, #tpu.memory_space<vmem>>, vector<16xf32>,
        %mul3A_763 = arith.mulf %get3A_503, %get3A_762 : vector<16xf32>
        %get3A_764 = arith.constant 2 : i32
        %get3A_765 = arith.constant 5 : i32
        %get3A_766 = arith.index_cast %get3A_764 : i32 to index
        %get3A_767 = arith.index_cast %get3A_765 : i32 to index
        %get3A_768 = arith.index_cast %scan3A_656 : i32 to index
        %get3A_769 = arith.constant 32 : index
        %get3A_770 = tpu.vector_load %arg9[%get3A_766, %get3A_767, %get3A_768, %get3A_769] {strides = array<i32>} : memref<4x8x8x128xf32, #tpu.memory_space<vmem>>, vector<16xf32>,
        %mul3A_771 = arith.mulf %get3A_506, %get3A_770 : vector<16xf32>
        %get3A_772 = arith.constant 2 : i32
        %get3A_773 = arith.constant 6 : i32
        %get3A_774 = arith.index_cast %get3A_772 : i32 to index
        %get3A_775 = arith.index_cast %get3A_773 : i32 to index
        %get3A_776 = arith.index_cast %scan3A_656 : i32 to index
        %get3A_777 = arith.constant 32 : index
        %get3A_778 = tpu.vector_load %arg9[%get3A_774, %get3A_775, %get3A_776, %get3A_777] {strides = array<i32>} : memref<4x8x8x128xf32, #tpu.memory_space<vmem>>, vector<16xf32>,
        %mul3A_779 = arith.mulf %get3A_509, %get3A_778 : vector<16xf32>
        %get3A_780 = arith.constant 2 : i32
        %get3A_781 = arith.constant 7 : i32
        %get3A_782 = arith.index_cast %get3A_780 : i32 to index
        %get3A_783 = arith.index_cast %get3A_781 : i32 to index
        %get3A_784 = arith.index_cast %scan3A_656 : i32 to index
        %get3A_785 = arith.constant 32 : index
        %get3A_786 = tpu.vector_load %arg9[%get3A_782, %get3A_783, %get3A_784, %get3A_785] {strides = array<i32>} : memref<4x8x8x128xf32, #tpu.memory_space<vmem>>, vector<16xf32>,
        %mul3A_787 = arith.mulf %get3A_512, %get3A_786 : vector<16xf32>
        %get3A_788 = arith.constant 2 : i32
        %get3A_789 = arith.constant 1 : i32
        %get3A_790 = arith.index_cast %get3A_788 : i32 to index
        %get3A_791 = arith.index_cast %get3A_789 : i32 to index
        %get3A_792 = arith.index_cast %scan3A_656 : i32 to index
        %get3A_793 = arith.constant 32 : index
        %get3A_794 = tpu.vector_load %arg10[%get3A_790, %get3A_791, %get3A_792, %get3A_793] {strides = array<i32>} : memref<4x2x8x128xf32, #tpu.memory_space<vmem>>, vector<16xf32>,
        %add3A_795 = arith.addf %mul3A_763, %mul3A_771 : vector<16xf32>
        %add3A_796 = arith.addf %mul3A_779, %mul3A_787 : vector<16xf32>
        %add3A_797 = arith.addf %add3A_795, %add3A_796 : vector<16xf32>
        %add3A_798 = arith.addf %add3A_797, %get3A_794 : vector<16xf32>
        %swap3A_799 = arith.constant 2 : i32
        %swap3A_800 = arith.constant 1 : i32
        %swap3A_801 = arith.index_cast %swap3A_799 : i32 to index
        %swap3A_802 = arith.index_cast %swap3A_800 : i32 to index
        %swap3A_803 = arith.index_cast %scan3A_656 : i32 to index
        %swap3A_804 = arith.constant 32 : index
        %swap3A_805 = tpu.vector_load %arg11[%swap3A_801, %swap3A_802, %swap3A_803, %swap3A_804] {strides = array<i32>} : memref<4x2x8x128xf32, #tpu.memory_space<vmem>>, vector<16xf32>,
        tpu.vector_store %arg11[%swap3A_801, %swap3A_802, %swap3A_803, %swap3A_804], %add3A_798 {strides = array<i32>} : memref<4x2x8x128xf32, #tpu.memory_space<vmem>>, vector<16xf32>,
        %get3A_806 = arith.constant 2 : i32
        %get3A_807 = arith.constant 4 : i32
        %get3A_808 = arith.index_cast %get3A_806 : i32 to index
        %get3A_809 = arith.index_cast %get3A_807 : i32 to index
        %get3A_810 = arith.index_cast %scan3A_656 : i32 to index
        %get3A_811 = arith.constant 48 : index
        %get3A_812 = tpu.vector_load %arg9[%get3A_808, %get3A_809, %get3A_810, %get3A_811] {strides = array<i32>} : memref<4x8x8x128xf32, #tpu.memory_space<vmem>>, vector<16xf32>,
        %mul3A_813 = arith.mulf %get3A_503, %get3A_812 : vector<16xf32>
        %get3A_814 = arith.constant 2 : i32
        %get3A_815 = arith.constant 5 : i32
        %get3A_816 = arith.index_cast %get3A_814 : i32 to index
        %get3A_817 = arith.index_cast %get3A_815 : i32 to index
        %get3A_818 = arith.index_cast %scan3A_656 : i32 to index
        %get3A_819 = arith.constant 48 : index
        %get3A_820 = tpu.vector_load %arg9[%get3A_816, %get3A_817, %get3A_818, %get3A_819] {strides = array<i32>} : memref<4x8x8x128xf32, #tpu.memory_space<vmem>>, vector<16xf32>,
        %mul3A_821 = arith.mulf %get3A_506, %get3A_820 : vector<16xf32>
        %get3A_822 = arith.constant 2 : i32
        %get3A_823 = arith.constant 6 : i32
        %get3A_824 = arith.index_cast %get3A_822 : i32 to index
        %get3A_825 = arith.index_cast %get3A_823 : i32 to index
        %get3A_826 = arith.index_cast %scan3A_656 : i32 to index
        %get3A_827 = arith.constant 48 : index
        %get3A_828 = tpu.vector_load %arg9[%get3A_824, %get3A_825, %get3A_826, %get3A_827] {strides = array<i32>} : memref<4x8x8x128xf32, #tpu.memory_space<vmem>>, vector<16xf32>,
        %mul3A_829 = arith.mulf %get3A_509, %get3A_828 : vector<16xf32>
        %get3A_830 = arith.constant 2 : i32
        %get3A_831 = arith.constant 7 : i32
        %get3A_832 = arith.index_cast %get3A_830 : i32 to index
        %get3A_833 = arith.index_cast %get3A_831 : i32 to index
        %get3A_834 = arith.index_cast %scan3A_656 : i32 to index
        %get3A_835 = arith.constant 48 : index
        %get3A_836 = tpu.vector_load %arg9[%get3A_832, %get3A_833, %get3A_834, %get3A_835] {strides = array<i32>} : memref<4x8x8x128xf32, #tpu.memory_space<vmem>>, vector<16xf32>,
        %mul3A_837 = arith.mulf %get3A_512, %get3A_836 : vector<16xf32>
        %get3A_838 = arith.constant 2 : i32
        %get3A_839 = arith.constant 1 : i32
        %get3A_840 = arith.index_cast %get3A_838 : i32 to index
        %get3A_841 = arith.index_cast %get3A_839 : i32 to index
        %get3A_842 = arith.index_cast %scan3A_656 : i32 to index
        %get3A_843 = arith.constant 48 : index
        %get3A_844 = tpu.vector_load %arg10[%get3A_840, %get3A_841, %get3A_842, %get3A_843] {strides = array<i32>} : memref<4x2x8x128xf32, #tpu.memory_space<vmem>>, vector<16xf32>,
        %add3A_845 = arith.addf %mul3A_813, %mul3A_821 : vector<16xf32>
        %add3A_846 = arith.addf %mul3A_829, %mul3A_837 : vector<16xf32>
        %add3A_847 = arith.addf %add3A_845, %add3A_846 : vector<16xf32>
        %add3A_848 = arith.addf %add3A_847, %get3A_844 : vector<16xf32>
        %swap3A_849 = arith.constant 2 : i32
        %swap3A_850 = arith.constant 1 : i32
        %swap3A_851 = arith.index_cast %swap3A_849 : i32 to index
        %swap3A_852 = arith.index_cast %swap3A_850 : i32 to index
        %swap3A_853 = arith.index_cast %scan3A_656 : i32 to index
        %swap3A_854 = arith.constant 48 : index
        %swap3A_855 = tpu.vector_load %arg11[%swap3A_851, %swap3A_852, %swap3A_853, %swap3A_854] {strides = array<i32>} : memref<4x2x8x128xf32, #tpu.memory_space<vmem>>, vector<16xf32>,
        tpu.vector_store %arg11[%swap3A_851, %swap3A_852, %swap3A_853, %swap3A_854], %add3A_848 {strides = array<i32>} : memref<4x2x8x128xf32, #tpu.memory_space<vmem>>, vector<16xf32>,
        %get3A_856 = arith.constant 2 : i32
        %get3A_857 = arith.constant 4 : i32
        %get3A_858 = arith.index_cast %get3A_856 : i32 to index
        %get3A_859 = arith.index_cast %get3A_857 : i32 to index
        %get3A_860 = arith.index_cast %scan3A_656 : i32 to index
        %get3A_861 = arith.constant 64 : index
        %get3A_862 = tpu.vector_load %arg9[%get3A_858, %get3A_859, %get3A_860, %get3A_861] {strides = array<i32>} : memref<4x8x8x128xf32, #tpu.memory_space<vmem>>, vector<16xf32>,
        %mul3A_863 = arith.mulf %get3A_503, %get3A_862 : vector<16xf32>
        %get3A_864 = arith.constant 2 : i32
        %get3A_865 = arith.constant 5 : i32
        %get3A_866 = arith.index_cast %get3A_864 : i32 to index
        %get3A_867 = arith.index_cast %get3A_865 : i32 to index
        %get3A_868 = arith.index_cast %scan3A_656 : i32 to index
        %get3A_869 = arith.constant 64 : index
        %get3A_870 = tpu.vector_load %arg9[%get3A_866, %get3A_867, %get3A_868, %get3A_869] {strides = array<i32>} : memref<4x8x8x128xf32, #tpu.memory_space<vmem>>, vector<16xf32>,
        %mul3A_871 = arith.mulf %get3A_506, %get3A_870 : vector<16xf32>
        %get3A_872 = arith.constant 2 : i32
        %get3A_873 = arith.constant 6 : i32
        %get3A_874 = arith.index_cast %get3A_872 : i32 to index
        %get3A_875 = arith.index_cast %get3A_873 : i32 to index
        %get3A_876 = arith.index_cast %scan3A_656 : i32 to index
        %get3A_877 = arith.constant 64 : index
        %get3A_878 = tpu.vector_load %arg9[%get3A_874, %get3A_875, %get3A_876, %get3A_877] {strides = array<i32>} : memref<4x8x8x128xf32, #tpu.memory_space<vmem>>, vector<16xf32>,
        %mul3A_879 = arith.mulf %get3A_509, %get3A_878 : vector<16xf32>
        %get3A_880 = arith.constant 2 : i32
        %get3A_881 = arith.constant 7 : i32
        %get3A_882 = arith.index_cast %get3A_880 : i32 to index
        %get3A_883 = arith.index_cast %get3A_881 : i32 to index
        %get3A_884 = arith.index_cast %scan3A_656 : i32 to index
        %get3A_885 = arith.constant 64 : index
        %get3A_886 = tpu.vector_load %arg9[%get3A_882, %get3A_883, %get3A_884, %get3A_885] {strides = array<i32>} : memref<4x8x8x128xf32, #tpu.memory_space<vmem>>, vector<16xf32>,
        %mul3A_887 = arith.mulf %get3A_512, %get3A_886 : vector<16xf32>
        %get3A_888 = arith.constant 2 : i32
        %get3A_889 = arith.constant 1 : i32
        %get3A_890 = arith.index_cast %get3A_888 : i32 to index
        %get3A_891 = arith.index_cast %get3A_889 : i32 to index
        %get3A_892 = arith.index_cast %scan3A_656 : i32 to index
        %get3A_893 = arith.constant 64 : index
        %get3A_894 = tpu.vector_load %arg10[%get3A_890, %get3A_891, %get3A_892, %get3A_893] {strides = array<i32>} : memref<4x2x8x128xf32, #tpu.memory_space<vmem>>, vector<16xf32>,
        %add3A_895 = arith.addf %mul3A_863, %mul3A_871 : vector<16xf32>
        %add3A_896 = arith.addf %mul3A_879, %mul3A_887 : vector<16xf32>
        %add3A_897 = arith.addf %add3A_895, %add3A_896 : vector<16xf32>
        %add3A_898 = arith.addf %add3A_897, %get3A_894 : vector<16xf32>
        %swap3A_899 = arith.constant 2 : i32
        %swap3A_900 = arith.constant 1 : i32
        %swap3A_901 = arith.index_cast %swap3A_899 : i32 to index
        %swap3A_902 = arith.index_cast %swap3A_900 : i32 to index
        %swap3A_903 = arith.index_cast %scan3A_656 : i32 to index
        %swap3A_904 = arith.constant 64 : index
        %swap3A_905 = tpu.vector_load %arg11[%swap3A_901, %swap3A_902, %swap3A_903, %swap3A_904] {strides = array<i32>} : memref<4x2x8x128xf32, #tpu.memory_space<vmem>>, vector<16xf32>,
        tpu.vector_store %arg11[%swap3A_901, %swap3A_902, %swap3A_903, %swap3A_904], %add3A_898 {strides = array<i32>} : memref<4x2x8x128xf32, #tpu.memory_space<vmem>>, vector<16xf32>,
        %get3A_906 = arith.constant 2 : i32
        %get3A_907 = arith.constant 4 : i32
        %get3A_908 = arith.index_cast %get3A_906 : i32 to index
        %get3A_909 = arith.index_cast %get3A_907 : i32 to index
        %get3A_910 = arith.index_cast %scan3A_656 : i32 to index
        %get3A_911 = arith.constant 80 : index
        %get3A_912 = tpu.vector_load %arg9[%get3A_908, %get3A_909, %get3A_910, %get3A_911] {strides = array<i32>} : memref<4x8x8x128xf32, #tpu.memory_space<vmem>>, vector<16xf32>,
        %mul3A_913 = arith.mulf %get3A_503, %get3A_912 : vector<16xf32>
        %get3A_914 = arith.constant 2 : i32
        %get3A_915 = arith.constant 5 : i32
        %get3A_916 = arith.index_cast %get3A_914 : i32 to index
        %get3A_917 = arith.index_cast %get3A_915 : i32 to index
        %get3A_918 = arith.index_cast %scan3A_656 : i32 to index
        %get3A_919 = arith.constant 80 : index
        %get3A_920 = tpu.vector_load %arg9[%get3A_916, %get3A_917, %get3A_918, %get3A_919] {strides = array<i32>} : memref<4x8x8x128xf32, #tpu.memory_space<vmem>>, vector<16xf32>,
        %mul3A_921 = arith.mulf %get3A_506, %get3A_920 : vector<16xf32>
        %get3A_922 = arith.constant 2 : i32
        %get3A_923 = arith.constant 6 : i32
        %get3A_924 = arith.index_cast %get3A_922 : i32 to index
        %get3A_925 = arith.index_cast %get3A_923 : i32 to index
        %get3A_926 = arith.index_cast %scan3A_656 : i32 to index
        %get3A_927 = arith.constant 80 : index
        %get3A_928 = tpu.vector_load %arg9[%get3A_924, %get3A_925, %get3A_926, %get3A_927] {strides = array<i32>} : memref<4x8x8x128xf32, #tpu.memory_space<vmem>>, vector<16xf32>,
        %mul3A_929 = arith.mulf %get3A_509, %get3A_928 : vector<16xf32>
        %get3A_930 = arith.constant 2 : i32
        %get3A_931 = arith.constant 7 : i32
        %get3A_932 = arith.index_cast %get3A_930 : i32 to index
        %get3A_933 = arith.index_cast %get3A_931 : i32 to index
        %get3A_934 = arith.index_cast %scan3A_656 : i32 to index
        %get3A_935 = arith.constant 80 : index
        %get3A_936 = tpu.vector_load %arg9[%get3A_932, %get3A_933, %get3A_934, %get3A_935] {strides = array<i32>} : memref<4x8x8x128xf32, #tpu.memory_space<vmem>>, vector<16xf32>,
        %mul3A_937 = arith.mulf %get3A_512, %get3A_936 : vector<16xf32>
        %get3A_938 = arith.constant 2 : i32
        %get3A_939 = arith.constant 1 : i32
        %get3A_940 = arith.index_cast %get3A_938 : i32 to index
        %get3A_941 = arith.index_cast %get3A_939 : i32 to index
        %get3A_942 = arith.index_cast %scan3A_656 : i32 to index
        %get3A_943 = arith.constant 80 : index
        %get3A_944 = tpu.vector_load %arg10[%get3A_940, %get3A_941, %get3A_942, %get3A_943] {strides = array<i32>} : memref<4x2x8x128xf32, #tpu.memory_space<vmem>>, vector<16xf32>,
        %add3A_945 = arith.addf %mul3A_913, %mul3A_921 : vector<16xf32>
        %add3A_946 = arith.addf %mul3A_929, %mul3A_937 : vector<16xf32>
        %add3A_947 = arith.addf %add3A_945, %add3A_946 : vector<16xf32>
        %add3A_948 = arith.addf %add3A_947, %get3A_944 : vector<16xf32>
        %swap3A_949 = arith.constant 2 : i32
        %swap3A_950 = arith.constant 1 : i32
        %swap3A_951 = arith.index_cast %swap3A_949 : i32 to index
        %swap3A_952 = arith.index_cast %swap3A_950 : i32 to index
        %swap3A_953 = arith.index_cast %scan3A_656 : i32 to index
        %swap3A_954 = arith.constant 80 : index
        %swap3A_955 = tpu.vector_load %arg11[%swap3A_951, %swap3A_952, %swap3A_953, %swap3A_954] {strides = array<i32>} : memref<4x2x8x128xf32, #tpu.memory_space<vmem>>, vector<16xf32>,
        tpu.vector_store %arg11[%swap3A_951, %swap3A_952, %swap3A_953, %swap3A_954], %add3A_948 {strides = array<i32>} : memref<4x2x8x128xf32, #tpu.memory_space<vmem>>, vector<16xf32>,
        %get3A_956 = arith.constant 2 : i32
        %get3A_957 = arith.constant 4 : i32
        %get3A_958 = arith.index_cast %get3A_956 : i32 to index
        %get3A_959 = arith.index_cast %get3A_957 : i32 to index
        %get3A_960 = arith.index_cast %scan3A_656 : i32 to index
        %get3A_961 = arith.constant 96 : index
        %get3A_962 = tpu.vector_load %arg9[%get3A_958, %get3A_959, %get3A_960, %get3A_961] {strides = array<i32>} : memref<4x8x8x128xf32, #tpu.memory_space<vmem>>, vector<16xf32>,
        %mul3A_963 = arith.mulf %get3A_503, %get3A_962 : vector<16xf32>
        %get3A_964 = arith.constant 2 : i32
        %get3A_965 = arith.constant 5 : i32
        %get3A_966 = arith.index_cast %get3A_964 : i32 to index
        %get3A_967 = arith.index_cast %get3A_965 : i32 to index
        %get3A_968 = arith.index_cast %scan3A_656 : i32 to index
        %get3A_969 = arith.constant 96 : index
        %get3A_970 = tpu.vector_load %arg9[%get3A_966, %get3A_967, %get3A_968, %get3A_969] {strides = array<i32>} : memref<4x8x8x128xf32, #tpu.memory_space<vmem>>, vector<16xf32>,
        %mul3A_971 = arith.mulf %get3A_506, %get3A_970 : vector<16xf32>
        %get3A_972 = arith.constant 2 : i32
        %get3A_973 = arith.constant 6 : i32
        %get3A_974 = arith.index_cast %get3A_972 : i32 to index
        %get3A_975 = arith.index_cast %get3A_973 : i32 to index
        %get3A_976 = arith.index_cast %scan3A_656 : i32 to index
        %get3A_977 = arith.constant 96 : index
        %get3A_978 = tpu.vector_load %arg9[%get3A_974, %get3A_975, %get3A_976, %get3A_977] {strides = array<i32>} : memref<4x8x8x128xf32, #tpu.memory_space<vmem>>, vector<16xf32>,
        %mul3A_979 = arith.mulf %get3A_509, %get3A_978 : vector<16xf32>
        %get3A_980 = arith.constant 2 : i32
        %get3A_981 = arith.constant 7 : i32
        %get3A_982 = arith.index_cast %get3A_980 : i32 to index
        %get3A_983 = arith.index_cast %get3A_981 : i32 to index
        %get3A_984 = arith.index_cast %scan3A_656 : i32 to index
        %get3A_985 = arith.constant 96 : index
        %get3A_986 = tpu.vector_load %arg9[%get3A_982, %get3A_983, %get3A_984, %get3A_985] {strides = array<i32>} : memref<4x8x8x128xf32, #tpu.memory_space<vmem>>, vector<16xf32>,
        %mul3A_987 = arith.mulf %get3A_512, %get3A_986 : vector<16xf32>
        %get3A_988 = arith.constant 2 : i32
        %get3A_989 = arith.constant 1 : i32
        %get3A_990 = arith.index_cast %get3A_988 : i32 to index
        %get3A_991 = arith.index_cast %get3A_989 : i32 to index
        %get3A_992 = arith.index_cast %scan3A_656 : i32 to index
        %get3A_993 = arith.constant 96 : index
        %get3A_994 = tpu.vector_load %arg10[%get3A_990, %get3A_991, %get3A_992, %get3A_993] {strides = array<i32>} : memref<4x2x8x128xf32, #tpu.memory_space<vmem>>, vector<16xf32>,
        %add3A_995 = arith.addf %mul3A_963, %mul3A_971 : vector<16xf32>
        %add3A_996 = arith.addf %mul3A_979, %mul3A_987 : vector<16xf32>
        %add3A_997 = arith.addf %add3A_995, %add3A_996 : vector<16xf32>
        %add3A_998 = arith.addf %add3A_997, %get3A_994 : vector<16xf32>
        %swap3A_999 = arith.constant 2 : i32
        %swap3A_1000 = arith.constant 1 : i32
        %swap3A_1001 = arith.index_cast %swap3A_999 : i32 to index
        %swap3A_1002 = arith.index_cast %swap3A_1000 : i32 to index
        %swap3A_1003 = arith.index_cast %scan3A_656 : i32 to index
        %swap3A_1004 = arith.constant 96 : index
        %swap3A_1005 = tpu.vector_load %arg11[%swap3A_1001, %swap3A_1002, %swap3A_1003, %swap3A_1004] {strides = array<i32>} : memref<4x2x8x128xf32, #tpu.memory_space<vmem>>, vector<16xf32>,
        tpu.vector_store %arg11[%swap3A_1001, %swap3A_1002, %swap3A_1003, %swap3A_1004], %add3A_998 {strides = array<i32>} : memref<4x2x8x128xf32, #tpu.memory_space<vmem>>, vector<16xf32>,
        %get3A_1006 = arith.constant 2 : i32
        %get3A_1007 = arith.constant 4 : i32
        %get3A_1008 = arith.index_cast %get3A_1006 : i32 to index
        %get3A_1009 = arith.index_cast %get3A_1007 : i32 to index
        %get3A_1010 = arith.index_cast %scan3A_656 : i32 to index
        %get3A_1011 = arith.constant 112 : index
        %get3A_1012 = tpu.vector_load %arg9[%get3A_1008, %get3A_1009, %get3A_1010, %get3A_1011] {strides = array<i32>} : memref<4x8x8x128xf32, #tpu.memory_space<vmem>>, vector<16xf32>,
        %mul3A_1013 = arith.mulf %get3A_503, %get3A_1012 : vector<16xf32>
        %get3A_1014 = arith.constant 2 : i32
        %get3A_1015 = arith.constant 5 : i32
        %get3A_1016 = arith.index_cast %get3A_1014 : i32 to index
        %get3A_1017 = arith.index_cast %get3A_1015 : i32 to index
        %get3A_1018 = arith.index_cast %scan3A_656 : i32 to index
        %get3A_1019 = arith.constant 112 : index
        %get3A_1020 = tpu.vector_load %arg9[%get3A_1016, %get3A_1017, %get3A_1018, %get3A_1019] {strides = array<i32>} : memref<4x8x8x128xf32, #tpu.memory_space<vmem>>, vector<16xf32>,
        %mul3A_1021 = arith.mulf %get3A_506, %get3A_1020 : vector<16xf32>
        %get3A_1022 = arith.constant 2 : i32
        %get3A_1023 = arith.constant 6 : i32
        %get3A_1024 = arith.index_cast %get3A_1022 : i32 to index
        %get3A_1025 = arith.index_cast %get3A_1023 : i32 to index
        %get3A_1026 = arith.index_cast %scan3A_656 : i32 to index
        %get3A_1027 = arith.constant 112 : index
        %get3A_1028 = tpu.vector_load %arg9[%get3A_1024, %get3A_1025, %get3A_1026, %get3A_1027] {strides = array<i32>} : memref<4x8x8x128xf32, #tpu.memory_space<vmem>>, vector<16xf32>,
        %mul3A_1029 = arith.mulf %get3A_509, %get3A_1028 : vector<16xf32>
        %get3A_1030 = arith.constant 2 : i32
        %get3A_1031 = arith.constant 7 : i32
        %get3A_1032 = arith.index_cast %get3A_1030 : i32 to index
        %get3A_1033 = arith.index_cast %get3A_1031 : i32 to index
        %get3A_1034 = arith.index_cast %scan3A_656 : i32 to index
        %get3A_1035 = arith.constant 112 : index
        %get3A_1036 = tpu.vector_load %arg9[%get3A_1032, %get3A_1033, %get3A_1034, %get3A_1035] {strides = array<i32>} : memref<4x8x8x128xf32, #tpu.memory_space<vmem>>, vector<16xf32>,
        %mul3A_1037 = arith.mulf %get3A_512, %get3A_1036 : vector<16xf32>
        %get3A_1038 = arith.constant 2 : i32
        %get3A_1039 = arith.constant 1 : i32
        %get3A_1040 = arith.index_cast %get3A_1038 : i32 to index
        %get3A_1041 = arith.index_cast %get3A_1039 : i32 to index
        %get3A_1042 = arith.index_cast %scan3A_656 : i32 to index
        %get3A_1043 = arith.constant 112 : index
        %get3A_1044 = tpu.vector_load %arg10[%get3A_1040, %get3A_1041, %get3A_1042, %get3A_1043] {strides = array<i32>} : memref<4x2x8x128xf32, #tpu.memory_space<vmem>>, vector<16xf32>,
        %add3A_1045 = arith.addf %mul3A_1013, %mul3A_1021 : vector<16xf32>
        %add3A_1046 = arith.addf %mul3A_1029, %mul3A_1037 : vector<16xf32>
        %add3A_1047 = arith.addf %add3A_1045, %add3A_1046 : vector<16xf32>
        %add3A_1048 = arith.addf %add3A_1047, %get3A_1044 : vector<16xf32>
        %swap3A_1049 = arith.constant 2 : i32
        %swap3A_1050 = arith.constant 1 : i32
        %swap3A_1051 = arith.index_cast %swap3A_1049 : i32 to index
        %swap3A_1052 = arith.index_cast %swap3A_1050 : i32 to index
        %swap3A_1053 = arith.index_cast %scan3A_656 : i32 to index
        %swap3A_1054 = arith.constant 112 : index
        %swap3A_1055 = tpu.vector_load %arg11[%swap3A_1051, %swap3A_1052, %swap3A_1053, %swap3A_1054] {strides = array<i32>} : memref<4x2x8x128xf32, #tpu.memory_space<vmem>>, vector<16xf32>,
        tpu.vector_store %arg11[%swap3A_1051, %swap3A_1052, %swap3A_1053, %swap3A_1054], %add3A_1048 {strides = array<i32>} : memref<4x2x8x128xf32, #tpu.memory_space<vmem>>, vector<16xf32>,
      }
      %scan3A_518 = arith.constant 8 : i32
      %mul3A_519 = arith.constant 2 : i32
      %mul3A_520 = arith.muli %add3A_435, %mul3A_519 : i32
      %add3A_521 = arith.addi %mul3A_2, %mul3A_520 : i32
      %dma_start3A_522 = arith.constant 2 : i32
      %dma_start3A_523 = arith.constant 0 : i32
      %dma_start3A_524 = arith.constant 0 : i32
      %dma_start3A_525 = arith.constant 0 : i32
      %dma_start3A_526 = tpu.memref_slice %arg11[%dma_start3A_522, %dma_start3A_523, %dma_start3A_524, %dma_start3A_525] : memref<4x2x8x128xf32, #tpu.memory_space<vmem>> -> memref<1x2x8x128xf32, #tpu.memory_space<vmem>>
      %dma_start3A_527 = tpu.memref_squeeze %dma_start3A_526 : memref<1x2x8x128xf32, #tpu.memory_space<vmem>> -> memref<2x8x128xf32, #tpu.memory_space<vmem>>
      %dma_start3A_528 = arith.constant 0 : i32
      %dma_start3A_529 = arith.constant 0 : i32
      %dma_start3A_530 = tpu.memref_slice %arg6[%add3A_521, %dma_start3A_528, %dma_start3A_529] : memref<8192x8x128xf32, #tpu.memory_space<hbm>> -> memref<2x8x128xf32, #tpu.memory_space<hbm>>
      %dma_start3A_531 = arith.constant 0 : i32
      %dma_start3A_532 = arith.constant 0 : i32
      %dma_start3A_533 = tpu.memref_slice %arg6[%add3A_521, %dma_start3A_531, %dma_start3A_532] : memref<8192x8x128xf32, #tpu.memory_space<hbm>> -> memref<2x8x128xf32, #tpu.memory_space<hbm>>
      %dma_start3A_534 = arith.constant 0 : i32
      %dma_start3A_535 = arith.constant 0 : i32
      %dma_start3A_536 = arith.constant 0 : i32
      %dma_start3A_537 = tpu.memref_slice %arg11[%dma_start3A_522, %dma_start3A_534, %dma_start3A_535, %dma_start3A_536] : memref<4x2x8x128xf32, #tpu.memory_space<vmem>> -> memref<1x2x8x128xf32, #tpu.memory_space<vmem>>
      %dma_start3A_538 = tpu.memref_squeeze %dma_start3A_537 : memref<1x2x8x128xf32, #tpu.memory_space<vmem>> -> memref<2x8x128xf32, #tpu.memory_space<vmem>>
      tpu.enqueue_dma source(%dma_start3A_538 : memref<2x8x128xf32, #tpu.memory_space<vmem>>) target(%dma_start3A_533 : memref<2x8x128xf32, #tpu.memory_space<hbm>>) target_semaphore(%arg22 : memref<!tpu.dma_semaphore, #tpu.memory_space<semaphore_mem>>)
      %lt3A_539 = arith.constant 31 : i32
      %lt3A_540 = arith.cmpi slt, %scan3A_212, %lt3A_539 : i32
      %convert_element_type3A_541 = arith.extui %lt3A_540 : i1 to i32
      %cond3A_542 = arith.constant 0 : i32
      %cond3A_543 = arith.cmpi ne, %convert_element_type3A_541, %cond3A_542 : i32
      scf.if %cond3A_543 {
        %add3A_656 = arith.constant 4 : i32
        %add3A_657 = arith.addi %add3A_435, %add3A_656 : i32
        %mul3A_658 = arith.constant 8 : i32
        %mul3A_659 = arith.muli %add3A_657, %mul3A_658 : i32
        %multiple_of3A_660 = tpu.assume_multiple %mul3A_659, 8 : i32
        %dma_start3A_661 = arith.constant 2 : i32
        %dma_start3A_662 = arith.constant 0 : i32
        %dma_start3A_663 = arith.constant 0 : i32
        %dma_start3A_664 = arith.constant 0 : i32
        %dma_start3A_665 = tpu.memref_slice %arg9[%dma_start3A_661, %dma_start3A_662, %dma_start3A_663, %dma_start3A_664] : memref<4x8x8x128xf32, #tpu.memory_space<vmem>> -> memref<1x8x8x128xf32, #tpu.memory_space<vmem>>
        %dma_start3A_666 = tpu.memref_squeeze %dma_start3A_665 : memref<1x8x8x128xf32, #tpu.memory_space<vmem>> -> memref<8x8x128xf32, #tpu.memory_space<vmem>>
        %dma_start3A_667 = tpu.memref_slice %arg7[%multiple_of3A_660] : memref<1024xi32, #tpu.memory_space<vmem>> -> memref<8xi32, #tpu.memory_space<vmem>>
        %dma_start3A_668 = arith.constant 0 : i32
        %dma_start3A_669 = arith.constant 0 : i32
        %dma_start3A_670 = arith.constant 0 : i32
        %dma_start3A_671 = tpu.memref_slice %arg2[%dma_start3A_668, %dma_start3A_669, %dma_start3A_670] : memref<512x8x128xf32, #tpu.memory_space<hbm>> -> memref<512x8x128xf32, #tpu.memory_space<hbm>>
        tpu.enqueue_indirect_dma source(%dma_start3A_671 : memref<512x8x128xf32, #tpu.memory_space<hbm>>) target(%dma_start3A_666 : memref<8x8x128xf32, #tpu.memory_space<vmem>>) offsets(%dma_start3A_667 : memref<8xi32, #tpu.memory_space<vmem>>) semaphore(%arg14 : memref<!tpu.dma_semaphore, #tpu.memory_space<semaphore_mem>>)
        %add3A_672 = arith.constant 4 : i32
        %add3A_673 = arith.addi %add3A_435, %add3A_672 : i32
        %mul3A_674 = arith.constant 2 : i32
        %mul3A_675 = arith.muli %add3A_673, %mul3A_674 : i32
        %add3A_676 = arith.addi %mul3A_2, %mul3A_675 : i32
        %dma_start3A_677 = arith.constant 2 : i32
        %dma_start3A_678 = arith.constant 0 : i32
        %dma_start3A_679 = arith.constant 0 : i32
        %dma_start3A_680 = arith.constant 0 : i32
        %dma_start3A_681 = tpu.memref_slice %arg10[%dma_start3A_677, %dma_start3A_678, %dma_start3A_679, %dma_start3A_680] : memref<4x2x8x128xf32, #tpu.memory_space<vmem>> -> memref<1x2x8x128xf32, #tpu.memory_space<vmem>>
        %dma_start3A_682 = tpu.memref_squeeze %dma_start3A_681 : memref<1x2x8x128xf32, #tpu.memory_space<vmem>> -> memref<2x8x128xf32, #tpu.memory_space<vmem>>
        %dma_start3A_683 = arith.constant 0 : i32
        %dma_start3A_684 = arith.constant 0 : i32
        %dma_start3A_685 = tpu.memref_slice %arg5[%add3A_676, %dma_start3A_683, %dma_start3A_684] : memref<8192x8x128xf32, #tpu.memory_space<hbm>> -> memref<2x8x128xf32, #tpu.memory_space<hbm>>
        %dma_start3A_686 = arith.constant 0 : i32
        %dma_start3A_687 = arith.constant 0 : i32
        %dma_start3A_688 = arith.constant 0 : i32
        %dma_start3A_689 = tpu.memref_slice %arg10[%dma_start3A_677, %dma_start3A_686, %dma_start3A_687, %dma_start3A_688] : memref<4x2x8x128xf32, #tpu.memory_space<vmem>> -> memref<1x2x8x128xf32, #tpu.memory_space<vmem>>
        %dma_start3A_690 = tpu.memref_squeeze %dma_start3A_689 : memref<1x2x8x128xf32, #tpu.memory_space<vmem>> -> memref<2x8x128xf32, #tpu.memory_space<vmem>>
        %dma_start3A_691 = arith.constant 0 : i32
        %dma_start3A_692 = arith.constant 0 : i32
        %dma_start3A_693 = tpu.memref_slice %arg5[%add3A_676, %dma_start3A_691, %dma_start3A_692] : memref<8192x8x128xf32, #tpu.memory_space<hbm>> -> memref<2x8x128xf32, #tpu.memory_space<hbm>>
        tpu.enqueue_dma source(%dma_start3A_693 : memref<2x8x128xf32, #tpu.memory_space<hbm>>) target(%dma_start3A_690 : memref<2x8x128xf32, #tpu.memory_space<vmem>>) target_semaphore(%arg18 : memref<!tpu.dma_semaphore, #tpu.memory_space<semaphore_mem>>)
      } else {
      }
      %mul3A_544 = arith.constant 4 : i32
      %mul3A_545 = arith.muli %scan3A_212, %mul3A_544 : i32
      %add3A_546 = arith.constant 3 : i32
      %add3A_547 = arith.addi %mul3A_545, %add3A_546 : i32
      %mul3A_548 = arith.constant 8 : i32
      %mul3A_549 = arith.muli %add3A_547, %mul3A_548 : i32
      %multiple_of3A_550 = tpu.assume_multiple %mul3A_549, 8 : i32
      %dma_wait3A_551 = arith.constant 3 : i32
      %dma_wait3A_552 = arith.constant 0 : i32
      %dma_wait3A_553 = arith.constant 0 : i32
      %dma_wait3A_554 = arith.constant 0 : i32
      %dma_wait3A_555 = tpu.memref_slice %arg9[%dma_wait3A_551, %dma_wait3A_552, %dma_wait3A_553, %dma_wait3A_554] : memref<4x8x8x128xf32, #tpu.memory_space<vmem>> -> memref<1x8x8x128xf32, #tpu.memory_space<vmem>>
      %dma_wait3A_556 = tpu.memref_squeeze %dma_wait3A_555 : memref<1x8x8x128xf32, #tpu.memory_space<vmem>> -> memref<8x8x128xf32, #tpu.memory_space<vmem>>
      %dma_wait3A_557 = tpu.memref_slice %arg7[%multiple_of3A_550] : memref<1024xi32, #tpu.memory_space<vmem>> -> memref<8xi32, #tpu.memory_space<vmem>>
      %dma_wait3A_558 = arith.constant 0 : i32
      %dma_wait3A_559 = arith.constant 0 : i32
      %dma_wait3A_560 = arith.constant 0 : i32
      %dma_wait3A_561 = tpu.memref_slice %arg2[%dma_wait3A_558, %dma_wait3A_559, %dma_wait3A_560] : memref<512x8x128xf32, #tpu.memory_space<hbm>> -> memref<512x8x128xf32, #tpu.memory_space<hbm>>
      tpu.wait_indirect_dma semaphore(%arg15 : memref<!tpu.dma_semaphore, #tpu.memory_space<semaphore_mem>>) src(%dma_wait3A_561 : memref<512x8x128xf32, #tpu.memory_space<hbm>>) dst(%dma_wait3A_556 : memref<8x8x128xf32, #tpu.memory_space<vmem>>)
      %mul3A_562 = arith.constant 2 : i32
      %mul3A_563 = arith.muli %add3A_547, %mul3A_562 : i32
      %add3A_564 = arith.addi %mul3A_2, %mul3A_563 : i32
      %dma_wait3A_565 = arith.constant 3 : i32
      %dma_wait3A_566 = arith.constant 0 : i32
      %dma_wait3A_567 = arith.constant 0 : i32
      %dma_wait3A_568 = arith.constant 0 : i32
      %dma_wait3A_569 = tpu.memref_slice %arg10[%dma_wait3A_565, %dma_wait3A_566, %dma_wait3A_567, %dma_wait3A_568] : memref<4x2x8x128xf32, #tpu.memory_space<vmem>> -> memref<1x2x8x128xf32, #tpu.memory_space<vmem>>
      %dma_wait3A_570 = tpu.memref_squeeze %dma_wait3A_569 : memref<1x2x8x128xf32, #tpu.memory_space<vmem>> -> memref<2x8x128xf32, #tpu.memory_space<vmem>>
      %dma_wait3A_571 = arith.constant 0 : i32
      %dma_wait3A_572 = arith.constant 0 : i32
      %dma_wait3A_573 = tpu.memref_slice %arg5[%add3A_564, %dma_wait3A_571, %dma_wait3A_572] : memref<8192x8x128xf32, #tpu.memory_space<hbm>> -> memref<2x8x128xf32, #tpu.memory_space<hbm>>
      %dma_wait3A_574 = arith.constant 0 : i32
      %dma_wait3A_575 = arith.constant 0 : i32
      %dma_wait3A_576 = arith.constant 0 : i32
      %dma_wait3A_577 = tpu.memref_slice %arg10[%dma_wait3A_565, %dma_wait3A_574, %dma_wait3A_575, %dma_wait3A_576] : memref<4x2x8x128xf32, #tpu.memory_space<vmem>> -> memref<1x2x8x128xf32, #tpu.memory_space<vmem>>
      %dma_wait3A_578 = tpu.memref_squeeze %dma_wait3A_577 : memref<1x2x8x128xf32, #tpu.memory_space<vmem>> -> memref<2x8x128xf32, #tpu.memory_space<vmem>>
      %dma_wait3A_579 = arith.constant 0 : i32
      %dma_wait3A_580 = arith.constant 0 : i32
      %dma_wait3A_581 = tpu.memref_slice %arg5[%add3A_564, %dma_wait3A_579, %dma_wait3A_580] : memref<8192x8x128xf32, #tpu.memory_space<hbm>> -> memref<2x8x128xf32, #tpu.memory_space<hbm>>
      tpu.wait_dma2 semaphore(%arg19 : memref<!tpu.dma_semaphore, #tpu.memory_space<semaphore_mem>>) src(%dma_wait3A_581 : memref<2x8x128xf32, #tpu.memory_space<hbm>>) dst(%dma_wait3A_578 : memref<2x8x128xf32, #tpu.memory_space<vmem>>)
      %ge3A_582 = arith.constant 1 : i32
      %ge3A_583 = arith.cmpi sge, %scan3A_212, %ge3A_582 : i32
      %convert_element_type3A_584 = arith.extui %ge3A_583 : i1 to i32
      %cond3A_585 = arith.constant 0 : i32
      %cond3A_586 = arith.cmpi ne, %convert_element_type3A_584, %cond3A_585 : i32
      scf.if %cond3A_586 {
        %sub3A = arith.constant 4 : i32
        %sub3A_656 = arith.subi %add3A_547, %sub3A : i32
        %mul3A_657 = arith.constant 2 : i32
        %mul3A_658 = arith.muli %sub3A_656, %mul3A_657 : i32
        %add3A_659 = arith.addi %mul3A_2, %mul3A_658 : i32
        %dma_wait3A_660 = arith.constant 3 : i32
        %dma_wait3A_661 = arith.constant 0 : i32
        %dma_wait3A_662 = arith.constant 0 : i32
        %dma_wait3A_663 = arith.constant 0 : i32
        %dma_wait3A_664 = tpu.memref_slice %arg11[%dma_wait3A_660, %dma_wait3A_661, %dma_wait3A_662, %dma_wait3A_663] : memref<4x2x8x128xf32, #tpu.memory_space<vmem>> -> memref<1x2x8x128xf32, #tpu.memory_space<vmem>>
        %dma_wait3A_665 = tpu.memref_squeeze %dma_wait3A_664 : memref<1x2x8x128xf32, #tpu.memory_space<vmem>> -> memref<2x8x128xf32, #tpu.memory_space<vmem>>
        %dma_wait3A_666 = arith.constant 0 : i32
        %dma_wait3A_667 = arith.constant 0 : i32
        %dma_wait3A_668 = tpu.memref_slice %arg6[%add3A_659, %dma_wait3A_666, %dma_wait3A_667] : memref<8192x8x128xf32, #tpu.memory_space<hbm>> -> memref<2x8x128xf32, #tpu.memory_space<hbm>>
        %dma_wait3A_669 = arith.constant 0 : i32
        %dma_wait3A_670 = arith.constant 0 : i32
        %dma_wait3A_671 = tpu.memref_slice %arg6[%add3A_659, %dma_wait3A_669, %dma_wait3A_670] : memref<8192x8x128xf32, #tpu.memory_space<hbm>> -> memref<2x8x128xf32, #tpu.memory_space<hbm>>
        %dma_wait3A_672 = arith.constant 0 : i32
        %dma_wait3A_673 = arith.constant 0 : i32
        %dma_wait3A_674 = arith.constant 0 : i32
        %dma_wait3A_675 = tpu.memref_slice %arg11[%dma_wait3A_660, %dma_wait3A_672, %dma_wait3A_673, %dma_wait3A_674] : memref<4x2x8x128xf32, #tpu.memory_space<vmem>> -> memref<1x2x8x128xf32, #tpu.memory_space<vmem>>
        %dma_wait3A_676 = tpu.memref_squeeze %dma_wait3A_675 : memref<1x2x8x128xf32, #tpu.memory_space<vmem>> -> memref<2x8x128xf32, #tpu.memory_space<vmem>>
        tpu.wait_dma2 semaphore(%arg23 : memref<!tpu.dma_semaphore, #tpu.memory_space<semaphore_mem>>) src(%dma_wait3A_676 : memref<2x8x128xf32, #tpu.memory_space<vmem>>) dst(%dma_wait3A_671 : memref<2x8x128xf32, #tpu.memory_space<hbm>>)
      } else {
      }
      %mul3A_587 = arith.constant 2 : i32
      %mul3A_588 = arith.muli %add3A_547, %mul3A_587 : i32
      %add3A_589 = arith.constant 0 : i32
      %add3A_590 = arith.addi %mul3A_588, %add3A_589 : i32
      %get3A_591 = arith.index_cast %add3A_590 : i32 to index
      %get3A_592 = arith.constant 0 : index
      %get3A_593 = tpu.vector_load %arg8[%get3A_591, %get3A_592] {strides = array<i32>} : memref<256x64xf32, #tpu.memory_space<vmem>>, vector<16xf32>,
      %get3A_594 = arith.index_cast %add3A_590 : i32 to index
      %get3A_595 = arith.constant 16 : index
      %get3A_596 = tpu.vector_load %arg8[%get3A_594, %get3A_595] {strides = array<i32>} : memref<256x64xf32, #tpu.memory_space<vmem>>, vector<16xf32>,
      %get3A_597 = arith.index_cast %add3A_590 : i32 to index
      %get3A_598 = arith.constant 32 : index
      %get3A_599 = tpu.vector_load %arg8[%get3A_597, %get3A_598] {strides = array<i32>} : memref<256x64xf32, #tpu.memory_space<vmem>>, vector<16xf32>,
      %get3A_600 = arith.index_cast %add3A_590 : i32 to index
      %get3A_601 = arith.constant 48 : index
      %get3A_602 = tpu.vector_load %arg8[%get3A_600, %get3A_601] {strides = array<i32>} : memref<256x64xf32, #tpu.memory_space<vmem>>, vector<16xf32>,
      %scan3A_603 = arith.constant 0 : i32
      %scan3A_604 = arith.constant 0 : i32
      %scan3A_605 = arith.constant 8 : i32
      %scan3A_606 = arith.addi %scan3A_604, %scan3A_605 : i32
      %scan3A_607 = arith.constant 1 : i32
      scf.for %scan3A_656 = %scan3A_604 to %scan3A_606 step %scan3A_607  : i32 {
        %get3A_657 = arith.constant 3 : i32
        %get3A_658 = arith.constant 0 : i32
        %get3A_659 = arith.index_cast %get3A_657 : i32 to index
        %get3A_660 = arith.index_cast %get3A_658 : i32 to index
        %get3A_661 = arith.index_cast %scan3A_656 : i32 to index
        %get3A_662 = arith.constant 0 : index
        %get3A_663 = tpu.vector_load %arg9[%get3A_659, %get3A_660, %get3A_661, %get3A_662] {strides = array<i32>} : memref<4x8x8x128xf32, #tpu.memory_space<vmem>>, vector<16xf32>,
        %mul3A_664 = arith.mulf %get3A_593, %get3A_663 : vector<16xf32>
        %get3A_665 = arith.constant 3 : i32
        %get3A_666 = arith.constant 1 : i32
        %get3A_667 = arith.index_cast %get3A_665 : i32 to index
        %get3A_668 = arith.index_cast %get3A_666 : i32 to index
        %get3A_669 = arith.index_cast %scan3A_656 : i32 to index
        %get3A_670 = arith.constant 0 : index
        %get3A_671 = tpu.vector_load %arg9[%get3A_667, %get3A_668, %get3A_669, %get3A_670] {strides = array<i32>} : memref<4x8x8x128xf32, #tpu.memory_space<vmem>>, vector<16xf32>,
        %mul3A_672 = arith.mulf %get3A_596, %get3A_671 : vector<16xf32>
        %get3A_673 = arith.constant 3 : i32
        %get3A_674 = arith.constant 2 : i32
        %get3A_675 = arith.index_cast %get3A_673 : i32 to index
        %get3A_676 = arith.index_cast %get3A_674 : i32 to index
        %get3A_677 = arith.index_cast %scan3A_656 : i32 to index
        %get3A_678 = arith.constant 0 : index
        %get3A_679 = tpu.vector_load %arg9[%get3A_675, %get3A_676, %get3A_677, %get3A_678] {strides = array<i32>} : memref<4x8x8x128xf32, #tpu.memory_space<vmem>>, vector<16xf32>,
        %mul3A_680 = arith.mulf %get3A_599, %get3A_679 : vector<16xf32>
        %get3A_681 = arith.constant 3 : i32
        %get3A_682 = arith.constant 3 : i32
        %get3A_683 = arith.index_cast %get3A_681 : i32 to index
        %get3A_684 = arith.index_cast %get3A_682 : i32 to index
        %get3A_685 = arith.index_cast %scan3A_656 : i32 to index
        %get3A_686 = arith.constant 0 : index
        %get3A_687 = tpu.vector_load %arg9[%get3A_683, %get3A_684, %get3A_685, %get3A_686] {strides = array<i32>} : memref<4x8x8x128xf32, #tpu.memory_space<vmem>>, vector<16xf32>,
        %mul3A_688 = arith.mulf %get3A_602, %get3A_687 : vector<16xf32>
        %get3A_689 = arith.constant 3 : i32
        %get3A_690 = arith.constant 0 : i32
        %get3A_691 = arith.index_cast %get3A_689 : i32 to index
        %get3A_692 = arith.index_cast %get3A_690 : i32 to index
        %get3A_693 = arith.index_cast %scan3A_656 : i32 to index
        %get3A_694 = arith.constant 0 : index
        %get3A_695 = tpu.vector_load %arg10[%get3A_691, %get3A_692, %get3A_693, %get3A_694] {strides = array<i32>} : memref<4x2x8x128xf32, #tpu.memory_space<vmem>>, vector<16xf32>,
        %add3A_696 = arith.addf %mul3A_664, %mul3A_672 : vector<16xf32>
        %add3A_697 = arith.addf %mul3A_680, %mul3A_688 : vector<16xf32>
        %add3A_698 = arith.addf %add3A_696, %add3A_697 : vector<16xf32>
        %add3A_699 = arith.addf %add3A_698, %get3A_695 : vector<16xf32>
        %swap3A = arith.constant 3 : i32
        %swap3A_700 = arith.constant 0 : i32
        %swap3A_701 = arith.index_cast %swap3A : i32 to index
        %swap3A_702 = arith.index_cast %swap3A_700 : i32 to index
        %swap3A_703 = arith.index_cast %scan3A_656 : i32 to index
        %swap3A_704 = arith.constant 0 : index
        %swap3A_705 = tpu.vector_load %arg11[%swap3A_701, %swap3A_702, %swap3A_703, %swap3A_704] {strides = array<i32>} : memref<4x2x8x128xf32, #tpu.memory_space<vmem>>, vector<16xf32>,
        tpu.vector_store %arg11[%swap3A_701, %swap3A_702, %swap3A_703, %swap3A_704], %add3A_699 {strides = array<i32>} : memref<4x2x8x128xf32, #tpu.memory_space<vmem>>, vector<16xf32>,
        %get3A_706 = arith.constant 3 : i32
        %get3A_707 = arith.constant 0 : i32
        %get3A_708 = arith.index_cast %get3A_706 : i32 to index
        %get3A_709 = arith.index_cast %get3A_707 : i32 to index
        %get3A_710 = arith.index_cast %scan3A_656 : i32 to index
        %get3A_711 = arith.constant 16 : index
        %get3A_712 = tpu.vector_load %arg9[%get3A_708, %get3A_709, %get3A_710, %get3A_711] {strides = array<i32>} : memref<4x8x8x128xf32, #tpu.memory_space<vmem>>, vector<16xf32>,
        %mul3A_713 = arith.mulf %get3A_593, %get3A_712 : vector<16xf32>
        %get3A_714 = arith.constant 3 : i32
        %get3A_715 = arith.constant 1 : i32
        %get3A_716 = arith.index_cast %get3A_714 : i32 to index
        %get3A_717 = arith.index_cast %get3A_715 : i32 to index
        %get3A_718 = arith.index_cast %scan3A_656 : i32 to index
        %get3A_719 = arith.constant 16 : index
        %get3A_720 = tpu.vector_load %arg9[%get3A_716, %get3A_717, %get3A_718, %get3A_719] {strides = array<i32>} : memref<4x8x8x128xf32, #tpu.memory_space<vmem>>, vector<16xf32>,
        %mul3A_721 = arith.mulf %get3A_596, %get3A_720 : vector<16xf32>
        %get3A_722 = arith.constant 3 : i32
        %get3A_723 = arith.constant 2 : i32
        %get3A_724 = arith.index_cast %get3A_722 : i32 to index
        %get3A_725 = arith.index_cast %get3A_723 : i32 to index
        %get3A_726 = arith.index_cast %scan3A_656 : i32 to index
        %get3A_727 = arith.constant 16 : index
        %get3A_728 = tpu.vector_load %arg9[%get3A_724, %get3A_725, %get3A_726, %get3A_727] {strides = array<i32>} : memref<4x8x8x128xf32, #tpu.memory_space<vmem>>, vector<16xf32>,
        %mul3A_729 = arith.mulf %get3A_599, %get3A_728 : vector<16xf32>
        %get3A_730 = arith.constant 3 : i32
        %get3A_731 = arith.constant 3 : i32
        %get3A_732 = arith.index_cast %get3A_730 : i32 to index
        %get3A_733 = arith.index_cast %get3A_731 : i32 to index
        %get3A_734 = arith.index_cast %scan3A_656 : i32 to index
        %get3A_735 = arith.constant 16 : index
        %get3A_736 = tpu.vector_load %arg9[%get3A_732, %get3A_733, %get3A_734, %get3A_735] {strides = array<i32>} : memref<4x8x8x128xf32, #tpu.memory_space<vmem>>, vector<16xf32>,
        %mul3A_737 = arith.mulf %get3A_602, %get3A_736 : vector<16xf32>
        %get3A_738 = arith.constant 3 : i32
        %get3A_739 = arith.constant 0 : i32
        %get3A_740 = arith.index_cast %get3A_738 : i32 to index
        %get3A_741 = arith.index_cast %get3A_739 : i32 to index
        %get3A_742 = arith.index_cast %scan3A_656 : i32 to index
        %get3A_743 = arith.constant 16 : index
        %get3A_744 = tpu.vector_load %arg10[%get3A_740, %get3A_741, %get3A_742, %get3A_743] {strides = array<i32>} : memref<4x2x8x128xf32, #tpu.memory_space<vmem>>, vector<16xf32>,
        %add3A_745 = arith.addf %mul3A_713, %mul3A_721 : vector<16xf32>
        %add3A_746 = arith.addf %mul3A_729, %mul3A_737 : vector<16xf32>
        %add3A_747 = arith.addf %add3A_745, %add3A_746 : vector<16xf32>
        %add3A_748 = arith.addf %add3A_747, %get3A_744 : vector<16xf32>
        %swap3A_749 = arith.constant 3 : i32
        %swap3A_750 = arith.constant 0 : i32
        %swap3A_751 = arith.index_cast %swap3A_749 : i32 to index
        %swap3A_752 = arith.index_cast %swap3A_750 : i32 to index
        %swap3A_753 = arith.index_cast %scan3A_656 : i32 to index
        %swap3A_754 = arith.constant 16 : index
        %swap3A_755 = tpu.vector_load %arg11[%swap3A_751, %swap3A_752, %swap3A_753, %swap3A_754] {strides = array<i32>} : memref<4x2x8x128xf32, #tpu.memory_space<vmem>>, vector<16xf32>,
        tpu.vector_store %arg11[%swap3A_751, %swap3A_752, %swap3A_753, %swap3A_754], %add3A_748 {strides = array<i32>} : memref<4x2x8x128xf32, #tpu.memory_space<vmem>>, vector<16xf32>,
        %get3A_756 = arith.constant 3 : i32
        %get3A_757 = arith.constant 0 : i32
        %get3A_758 = arith.index_cast %get3A_756 : i32 to index
        %get3A_759 = arith.index_cast %get3A_757 : i32 to index
        %get3A_760 = arith.index_cast %scan3A_656 : i32 to index
        %get3A_761 = arith.constant 32 : index
        %get3A_762 = tpu.vector_load %arg9[%get3A_758, %get3A_759, %get3A_760, %get3A_761] {strides = array<i32>} : memref<4x8x8x128xf32, #tpu.memory_space<vmem>>, vector<16xf32>,
        %mul3A_763 = arith.mulf %get3A_593, %get3A_762 : vector<16xf32>
        %get3A_764 = arith.constant 3 : i32
        %get3A_765 = arith.constant 1 : i32
        %get3A_766 = arith.index_cast %get3A_764 : i32 to index
        %get3A_767 = arith.index_cast %get3A_765 : i32 to index
        %get3A_768 = arith.index_cast %scan3A_656 : i32 to index
        %get3A_769 = arith.constant 32 : index
        %get3A_770 = tpu.vector_load %arg9[%get3A_766, %get3A_767, %get3A_768, %get3A_769] {strides = array<i32>} : memref<4x8x8x128xf32, #tpu.memory_space<vmem>>, vector<16xf32>,
        %mul3A_771 = arith.mulf %get3A_596, %get3A_770 : vector<16xf32>
        %get3A_772 = arith.constant 3 : i32
        %get3A_773 = arith.constant 2 : i32
        %get3A_774 = arith.index_cast %get3A_772 : i32 to index
        %get3A_775 = arith.index_cast %get3A_773 : i32 to index
        %get3A_776 = arith.index_cast %scan3A_656 : i32 to index
        %get3A_777 = arith.constant 32 : index
        %get3A_778 = tpu.vector_load %arg9[%get3A_774, %get3A_775, %get3A_776, %get3A_777] {strides = array<i32>} : memref<4x8x8x128xf32, #tpu.memory_space<vmem>>, vector<16xf32>,
        %mul3A_779 = arith.mulf %get3A_599, %get3A_778 : vector<16xf32>
        %get3A_780 = arith.constant 3 : i32
        %get3A_781 = arith.constant 3 : i32
        %get3A_782 = arith.index_cast %get3A_780 : i32 to index
        %get3A_783 = arith.index_cast %get3A_781 : i32 to index
        %get3A_784 = arith.index_cast %scan3A_656 : i32 to index
        %get3A_785 = arith.constant 32 : index
        %get3A_786 = tpu.vector_load %arg9[%get3A_782, %get3A_783, %get3A_784, %get3A_785] {strides = array<i32>} : memref<4x8x8x128xf32, #tpu.memory_space<vmem>>, vector<16xf32>,
        %mul3A_787 = arith.mulf %get3A_602, %get3A_786 : vector<16xf32>
        %get3A_788 = arith.constant 3 : i32
        %get3A_789 = arith.constant 0 : i32
        %get3A_790 = arith.index_cast %get3A_788 : i32 to index
        %get3A_791 = arith.index_cast %get3A_789 : i32 to index
        %get3A_792 = arith.index_cast %scan3A_656 : i32 to index
        %get3A_793 = arith.constant 32 : index
        %get3A_794 = tpu.vector_load %arg10[%get3A_790, %get3A_791, %get3A_792, %get3A_793] {strides = array<i32>} : memref<4x2x8x128xf32, #tpu.memory_space<vmem>>, vector<16xf32>,
        %add3A_795 = arith.addf %mul3A_763, %mul3A_771 : vector<16xf32>
        %add3A_796 = arith.addf %mul3A_779, %mul3A_787 : vector<16xf32>
        %add3A_797 = arith.addf %add3A_795, %add3A_796 : vector<16xf32>
        %add3A_798 = arith.addf %add3A_797, %get3A_794 : vector<16xf32>
        %swap3A_799 = arith.constant 3 : i32
        %swap3A_800 = arith.constant 0 : i32
        %swap3A_801 = arith.index_cast %swap3A_799 : i32 to index
        %swap3A_802 = arith.index_cast %swap3A_800 : i32 to index
        %swap3A_803 = arith.index_cast %scan3A_656 : i32 to index
        %swap3A_804 = arith.constant 32 : index
        %swap3A_805 = tpu.vector_load %arg11[%swap3A_801, %swap3A_802, %swap3A_803, %swap3A_804] {strides = array<i32>} : memref<4x2x8x128xf32, #tpu.memory_space<vmem>>, vector<16xf32>,
        tpu.vector_store %arg11[%swap3A_801, %swap3A_802, %swap3A_803, %swap3A_804], %add3A_798 {strides = array<i32>} : memref<4x2x8x128xf32, #tpu.memory_space<vmem>>, vector<16xf32>,
        %get3A_806 = arith.constant 3 : i32
        %get3A_807 = arith.constant 0 : i32
        %get3A_808 = arith.index_cast %get3A_806 : i32 to index
        %get3A_809 = arith.index_cast %get3A_807 : i32 to index
        %get3A_810 = arith.index_cast %scan3A_656 : i32 to index
        %get3A_811 = arith.constant 48 : index
        %get3A_812 = tpu.vector_load %arg9[%get3A_808, %get3A_809, %get3A_810, %get3A_811] {strides = array<i32>} : memref<4x8x8x128xf32, #tpu.memory_space<vmem>>, vector<16xf32>,
        %mul3A_813 = arith.mulf %get3A_593, %get3A_812 : vector<16xf32>
        %get3A_814 = arith.constant 3 : i32
        %get3A_815 = arith.constant 1 : i32
        %get3A_816 = arith.index_cast %get3A_814 : i32 to index
        %get3A_817 = arith.index_cast %get3A_815 : i32 to index
        %get3A_818 = arith.index_cast %scan3A_656 : i32 to index
        %get3A_819 = arith.constant 48 : index
        %get3A_820 = tpu.vector_load %arg9[%get3A_816, %get3A_817, %get3A_818, %get3A_819] {strides = array<i32>} : memref<4x8x8x128xf32, #tpu.memory_space<vmem>>, vector<16xf32>,
        %mul3A_821 = arith.mulf %get3A_596, %get3A_820 : vector<16xf32>
        %get3A_822 = arith.constant 3 : i32
        %get3A_823 = arith.constant 2 : i32
        %get3A_824 = arith.index_cast %get3A_822 : i32 to index
        %get3A_825 = arith.index_cast %get3A_823 : i32 to index
        %get3A_826 = arith.index_cast %scan3A_656 : i32 to index
        %get3A_827 = arith.constant 48 : index
        %get3A_828 = tpu.vector_load %arg9[%get3A_824, %get3A_825, %get3A_826, %get3A_827] {strides = array<i32>} : memref<4x8x8x128xf32, #tpu.memory_space<vmem>>, vector<16xf32>,
        %mul3A_829 = arith.mulf %get3A_599, %get3A_828 : vector<16xf32>
        %get3A_830 = arith.constant 3 : i32
        %get3A_831 = arith.constant 3 : i32
        %get3A_832 = arith.index_cast %get3A_830 : i32 to index
        %get3A_833 = arith.index_cast %get3A_831 : i32 to index
        %get3A_834 = arith.index_cast %scan3A_656 : i32 to index
        %get3A_835 = arith.constant 48 : index
        %get3A_836 = tpu.vector_load %arg9[%get3A_832, %get3A_833, %get3A_834, %get3A_835] {strides = array<i32>} : memref<4x8x8x128xf32, #tpu.memory_space<vmem>>, vector<16xf32>,
        %mul3A_837 = arith.mulf %get3A_602, %get3A_836 : vector<16xf32>
        %get3A_838 = arith.constant 3 : i32
        %get3A_839 = arith.constant 0 : i32
        %get3A_840 = arith.index_cast %get3A_838 : i32 to index
        %get3A_841 = arith.index_cast %get3A_839 : i32 to index
        %get3A_842 = arith.index_cast %scan3A_656 : i32 to index
        %get3A_843 = arith.constant 48 : index
        %get3A_844 = tpu.vector_load %arg10[%get3A_840, %get3A_841, %get3A_842, %get3A_843] {strides = array<i32>} : memref<4x2x8x128xf32, #tpu.memory_space<vmem>>, vector<16xf32>,
        %add3A_845 = arith.addf %mul3A_813, %mul3A_821 : vector<16xf32>
        %add3A_846 = arith.addf %mul3A_829, %mul3A_837 : vector<16xf32>
        %add3A_847 = arith.addf %add3A_845, %add3A_846 : vector<16xf32>
        %add3A_848 = arith.addf %add3A_847, %get3A_844 : vector<16xf32>
        %swap3A_849 = arith.constant 3 : i32
        %swap3A_850 = arith.constant 0 : i32
        %swap3A_851 = arith.index_cast %swap3A_849 : i32 to index
        %swap3A_852 = arith.index_cast %swap3A_850 : i32 to index
        %swap3A_853 = arith.index_cast %scan3A_656 : i32 to index
        %swap3A_854 = arith.constant 48 : index
        %swap3A_855 = tpu.vector_load %arg11[%swap3A_851, %swap3A_852, %swap3A_853, %swap3A_854] {strides = array<i32>} : memref<4x2x8x128xf32, #tpu.memory_space<vmem>>, vector<16xf32>,
        tpu.vector_store %arg11[%swap3A_851, %swap3A_852, %swap3A_853, %swap3A_854], %add3A_848 {strides = array<i32>} : memref<4x2x8x128xf32, #tpu.memory_space<vmem>>, vector<16xf32>,
        %get3A_856 = arith.constant 3 : i32
        %get3A_857 = arith.constant 0 : i32
        %get3A_858 = arith.index_cast %get3A_856 : i32 to index
        %get3A_859 = arith.index_cast %get3A_857 : i32 to index
        %get3A_860 = arith.index_cast %scan3A_656 : i32 to index
        %get3A_861 = arith.constant 64 : index
        %get3A_862 = tpu.vector_load %arg9[%get3A_858, %get3A_859, %get3A_860, %get3A_861] {strides = array<i32>} : memref<4x8x8x128xf32, #tpu.memory_space<vmem>>, vector<16xf32>,
        %mul3A_863 = arith.mulf %get3A_593, %get3A_862 : vector<16xf32>
        %get3A_864 = arith.constant 3 : i32
        %get3A_865 = arith.constant 1 : i32
        %get3A_866 = arith.index_cast %get3A_864 : i32 to index
        %get3A_867 = arith.index_cast %get3A_865 : i32 to index
        %get3A_868 = arith.index_cast %scan3A_656 : i32 to index
        %get3A_869 = arith.constant 64 : index
        %get3A_870 = tpu.vector_load %arg9[%get3A_866, %get3A_867, %get3A_868, %get3A_869] {strides = array<i32>} : memref<4x8x8x128xf32, #tpu.memory_space<vmem>>, vector<16xf32>,
        %mul3A_871 = arith.mulf %get3A_596, %get3A_870 : vector<16xf32>
        %get3A_872 = arith.constant 3 : i32
        %get3A_873 = arith.constant 2 : i32
        %get3A_874 = arith.index_cast %get3A_872 : i32 to index
        %get3A_875 = arith.index_cast %get3A_873 : i32 to index
        %get3A_876 = arith.index_cast %scan3A_656 : i32 to index
        %get3A_877 = arith.constant 64 : index
        %get3A_878 = tpu.vector_load %arg9[%get3A_874, %get3A_875, %get3A_876, %get3A_877] {strides = array<i32>} : memref<4x8x8x128xf32, #tpu.memory_space<vmem>>, vector<16xf32>,
        %mul3A_879 = arith.mulf %get3A_599, %get3A_878 : vector<16xf32>
        %get3A_880 = arith.constant 3 : i32
        %get3A_881 = arith.constant 3 : i32
        %get3A_882 = arith.index_cast %get3A_880 : i32 to index
        %get3A_883 = arith.index_cast %get3A_881 : i32 to index
        %get3A_884 = arith.index_cast %scan3A_656 : i32 to index
        %get3A_885 = arith.constant 64 : index
        %get3A_886 = tpu.vector_load %arg9[%get3A_882, %get3A_883, %get3A_884, %get3A_885] {strides = array<i32>} : memref<4x8x8x128xf32, #tpu.memory_space<vmem>>, vector<16xf32>,
        %mul3A_887 = arith.mulf %get3A_602, %get3A_886 : vector<16xf32>
        %get3A_888 = arith.constant 3 : i32
        %get3A_889 = arith.constant 0 : i32
        %get3A_890 = arith.index_cast %get3A_888 : i32 to index
        %get3A_891 = arith.index_cast %get3A_889 : i32 to index
        %get3A_892 = arith.index_cast %scan3A_656 : i32 to index
        %get3A_893 = arith.constant 64 : index
        %get3A_894 = tpu.vector_load %arg10[%get3A_890, %get3A_891, %get3A_892, %get3A_893] {strides = array<i32>} : memref<4x2x8x128xf32, #tpu.memory_space<vmem>>, vector<16xf32>,
        %add3A_895 = arith.addf %mul3A_863, %mul3A_871 : vector<16xf32>
        %add3A_896 = arith.addf %mul3A_879, %mul3A_887 : vector<16xf32>
        %add3A_897 = arith.addf %add3A_895, %add3A_896 : vector<16xf32>
        %add3A_898 = arith.addf %add3A_897, %get3A_894 : vector<16xf32>
        %swap3A_899 = arith.constant 3 : i32
        %swap3A_900 = arith.constant 0 : i32
        %swap3A_901 = arith.index_cast %swap3A_899 : i32 to index
        %swap3A_902 = arith.index_cast %swap3A_900 : i32 to index
        %swap3A_903 = arith.index_cast %scan3A_656 : i32 to index
        %swap3A_904 = arith.constant 64 : index
        %swap3A_905 = tpu.vector_load %arg11[%swap3A_901, %swap3A_902, %swap3A_903, %swap3A_904] {strides = array<i32>} : memref<4x2x8x128xf32, #tpu.memory_space<vmem>>, vector<16xf32>,
        tpu.vector_store %arg11[%swap3A_901, %swap3A_902, %swap3A_903, %swap3A_904], %add3A_898 {strides = array<i32>} : memref<4x2x8x128xf32, #tpu.memory_space<vmem>>, vector<16xf32>,
        %get3A_906 = arith.constant 3 : i32
        %get3A_907 = arith.constant 0 : i32
        %get3A_908 = arith.index_cast %get3A_906 : i32 to index
        %get3A_909 = arith.index_cast %get3A_907 : i32 to index
        %get3A_910 = arith.index_cast %scan3A_656 : i32 to index
        %get3A_911 = arith.constant 80 : index
        %get3A_912 = tpu.vector_load %arg9[%get3A_908, %get3A_909, %get3A_910, %get3A_911] {strides = array<i32>} : memref<4x8x8x128xf32, #tpu.memory_space<vmem>>, vector<16xf32>,
        %mul3A_913 = arith.mulf %get3A_593, %get3A_912 : vector<16xf32>
        %get3A_914 = arith.constant 3 : i32
        %get3A_915 = arith.constant 1 : i32
        %get3A_916 = arith.index_cast %get3A_914 : i32 to index
        %get3A_917 = arith.index_cast %get3A_915 : i32 to index
        %get3A_918 = arith.index_cast %scan3A_656 : i32 to index
        %get3A_919 = arith.constant 80 : index
        %get3A_920 = tpu.vector_load %arg9[%get3A_916, %get3A_917, %get3A_918, %get3A_919] {strides = array<i32>} : memref<4x8x8x128xf32, #tpu.memory_space<vmem>>, vector<16xf32>,
        %mul3A_921 = arith.mulf %get3A_596, %get3A_920 : vector<16xf32>
        %get3A_922 = arith.constant 3 : i32
        %get3A_923 = arith.constant 2 : i32
        %get3A_924 = arith.index_cast %get3A_922 : i32 to index
        %get3A_925 = arith.index_cast %get3A_923 : i32 to index
        %get3A_926 = arith.index_cast %scan3A_656 : i32 to index
        %get3A_927 = arith.constant 80 : index
        %get3A_928 = tpu.vector_load %arg9[%get3A_924, %get3A_925, %get3A_926, %get3A_927] {strides = array<i32>} : memref<4x8x8x128xf32, #tpu.memory_space<vmem>>, vector<16xf32>,
        %mul3A_929 = arith.mulf %get3A_599, %get3A_928 : vector<16xf32>
        %get3A_930 = arith.constant 3 : i32
        %get3A_931 = arith.constant 3 : i32
        %get3A_932 = arith.index_cast %get3A_930 : i32 to index
        %get3A_933 = arith.index_cast %get3A_931 : i32 to index
        %get3A_934 = arith.index_cast %scan3A_656 : i32 to index
        %get3A_935 = arith.constant 80 : index
        %get3A_936 = tpu.vector_load %arg9[%get3A_932, %get3A_933, %get3A_934, %get3A_935] {strides = array<i32>} : memref<4x8x8x128xf32, #tpu.memory_space<vmem>>, vector<16xf32>,
        %mul3A_937 = arith.mulf %get3A_602, %get3A_936 : vector<16xf32>
        %get3A_938 = arith.constant 3 : i32
        %get3A_939 = arith.constant 0 : i32
        %get3A_940 = arith.index_cast %get3A_938 : i32 to index
        %get3A_941 = arith.index_cast %get3A_939 : i32 to index
        %get3A_942 = arith.index_cast %scan3A_656 : i32 to index
        %get3A_943 = arith.constant 80 : index
        %get3A_944 = tpu.vector_load %arg10[%get3A_940, %get3A_941, %get3A_942, %get3A_943] {strides = array<i32>} : memref<4x2x8x128xf32, #tpu.memory_space<vmem>>, vector<16xf32>,
        %add3A_945 = arith.addf %mul3A_913, %mul3A_921 : vector<16xf32>
        %add3A_946 = arith.addf %mul3A_929, %mul3A_937 : vector<16xf32>
        %add3A_947 = arith.addf %add3A_945, %add3A_946 : vector<16xf32>
        %add3A_948 = arith.addf %add3A_947, %get3A_944 : vector<16xf32>
        %swap3A_949 = arith.constant 3 : i32
        %swap3A_950 = arith.constant 0 : i32
        %swap3A_951 = arith.index_cast %swap3A_949 : i32 to index
        %swap3A_952 = arith.index_cast %swap3A_950 : i32 to index
        %swap3A_953 = arith.index_cast %scan3A_656 : i32 to index
        %swap3A_954 = arith.constant 80 : index
        %swap3A_955 = tpu.vector_load %arg11[%swap3A_951, %swap3A_952, %swap3A_953, %swap3A_954] {strides = array<i32>} : memref<4x2x8x128xf32, #tpu.memory_space<vmem>>, vector<16xf32>,
        tpu.vector_store %arg11[%swap3A_951, %swap3A_952, %swap3A_953, %swap3A_954], %add3A_948 {strides = array<i32>} : memref<4x2x8x128xf32, #tpu.memory_space<vmem>>, vector<16xf32>,
        %get3A_956 = arith.constant 3 : i32
        %get3A_957 = arith.constant 0 : i32
        %get3A_958 = arith.index_cast %get3A_956 : i32 to index
        %get3A_959 = arith.index_cast %get3A_957 : i32 to index
        %get3A_960 = arith.index_cast %scan3A_656 : i32 to index
        %get3A_961 = arith.constant 96 : index
        %get3A_962 = tpu.vector_load %arg9[%get3A_958, %get3A_959, %get3A_960, %get3A_961] {strides = array<i32>} : memref<4x8x8x128xf32, #tpu.memory_space<vmem>>, vector<16xf32>,
        %mul3A_963 = arith.mulf %get3A_593, %get3A_962 : vector<16xf32>
        %get3A_964 = arith.constant 3 : i32
        %get3A_965 = arith.constant 1 : i32
        %get3A_966 = arith.index_cast %get3A_964 : i32 to index
        %get3A_967 = arith.index_cast %get3A_965 : i32 to index
        %get3A_968 = arith.index_cast %scan3A_656 : i32 to index
        %get3A_969 = arith.constant 96 : index
        %get3A_970 = tpu.vector_load %arg9[%get3A_966, %get3A_967, %get3A_968, %get3A_969] {strides = array<i32>} : memref<4x8x8x128xf32, #tpu.memory_space<vmem>>, vector<16xf32>,
        %mul3A_971 = arith.mulf %get3A_596, %get3A_970 : vector<16xf32>
        %get3A_972 = arith.constant 3 : i32
        %get3A_973 = arith.constant 2 : i32
        %get3A_974 = arith.index_cast %get3A_972 : i32 to index
        %get3A_975 = arith.index_cast %get3A_973 : i32 to index
        %get3A_976 = arith.index_cast %scan3A_656 : i32 to index
        %get3A_977 = arith.constant 96 : index
        %get3A_978 = tpu.vector_load %arg9[%get3A_974, %get3A_975, %get3A_976, %get3A_977] {strides = array<i32>} : memref<4x8x8x128xf32, #tpu.memory_space<vmem>>, vector<16xf32>,
        %mul3A_979 = arith.mulf %get3A_599, %get3A_978 : vector<16xf32>
        %get3A_980 = arith.constant 3 : i32
        %get3A_981 = arith.constant 3 : i32
        %get3A_982 = arith.index_cast %get3A_980 : i32 to index
        %get3A_983 = arith.index_cast %get3A_981 : i32 to index
        %get3A_984 = arith.index_cast %scan3A_656 : i32 to index
        %get3A_985 = arith.constant 96 : index
        %get3A_986 = tpu.vector_load %arg9[%get3A_982, %get3A_983, %get3A_984, %get3A_985] {strides = array<i32>} : memref<4x8x8x128xf32, #tpu.memory_space<vmem>>, vector<16xf32>,
        %mul3A_987 = arith.mulf %get3A_602, %get3A_986 : vector<16xf32>
        %get3A_988 = arith.constant 3 : i32
        %get3A_989 = arith.constant 0 : i32
        %get3A_990 = arith.index_cast %get3A_988 : i32 to index
        %get3A_991 = arith.index_cast %get3A_989 : i32 to index
        %get3A_992 = arith.index_cast %scan3A_656 : i32 to index
        %get3A_993 = arith.constant 96 : index
        %get3A_994 = tpu.vector_load %arg10[%get3A_990, %get3A_991, %get3A_992, %get3A_993] {strides = array<i32>} : memref<4x2x8x128xf32, #tpu.memory_space<vmem>>, vector<16xf32>,
        %add3A_995 = arith.addf %mul3A_963, %mul3A_971 : vector<16xf32>
        %add3A_996 = arith.addf %mul3A_979, %mul3A_987 : vector<16xf32>
        %add3A_997 = arith.addf %add3A_995, %add3A_996 : vector<16xf32>
        %add3A_998 = arith.addf %add3A_997, %get3A_994 : vector<16xf32>
        %swap3A_999 = arith.constant 3 : i32
        %swap3A_1000 = arith.constant 0 : i32
        %swap3A_1001 = arith.index_cast %swap3A_999 : i32 to index
        %swap3A_1002 = arith.index_cast %swap3A_1000 : i32 to index
        %swap3A_1003 = arith.index_cast %scan3A_656 : i32 to index
        %swap3A_1004 = arith.constant 96 : index
        %swap3A_1005 = tpu.vector_load %arg11[%swap3A_1001, %swap3A_1002, %swap3A_1003, %swap3A_1004] {strides = array<i32>} : memref<4x2x8x128xf32, #tpu.memory_space<vmem>>, vector<16xf32>,
        tpu.vector_store %arg11[%swap3A_1001, %swap3A_1002, %swap3A_1003, %swap3A_1004], %add3A_998 {strides = array<i32>} : memref<4x2x8x128xf32, #tpu.memory_space<vmem>>, vector<16xf32>,
        %get3A_1006 = arith.constant 3 : i32
        %get3A_1007 = arith.constant 0 : i32
        %get3A_1008 = arith.index_cast %get3A_1006 : i32 to index
        %get3A_1009 = arith.index_cast %get3A_1007 : i32 to index
        %get3A_1010 = arith.index_cast %scan3A_656 : i32 to index
        %get3A_1011 = arith.constant 112 : index
        %get3A_1012 = tpu.vector_load %arg9[%get3A_1008, %get3A_1009, %get3A_1010, %get3A_1011] {strides = array<i32>} : memref<4x8x8x128xf32, #tpu.memory_space<vmem>>, vector<16xf32>,
        %mul3A_1013 = arith.mulf %get3A_593, %get3A_1012 : vector<16xf32>
        %get3A_1014 = arith.constant 3 : i32
        %get3A_1015 = arith.constant 1 : i32
        %get3A_1016 = arith.index_cast %get3A_1014 : i32 to index
        %get3A_1017 = arith.index_cast %get3A_1015 : i32 to index
        %get3A_1018 = arith.index_cast %scan3A_656 : i32 to index
        %get3A_1019 = arith.constant 112 : index
        %get3A_1020 = tpu.vector_load %arg9[%get3A_1016, %get3A_1017, %get3A_1018, %get3A_1019] {strides = array<i32>} : memref<4x8x8x128xf32, #tpu.memory_space<vmem>>, vector<16xf32>,
        %mul3A_1021 = arith.mulf %get3A_596, %get3A_1020 : vector<16xf32>
        %get3A_1022 = arith.constant 3 : i32
        %get3A_1023 = arith.constant 2 : i32
        %get3A_1024 = arith.index_cast %get3A_1022 : i32 to index
        %get3A_1025 = arith.index_cast %get3A_1023 : i32 to index
        %get3A_1026 = arith.index_cast %scan3A_656 : i32 to index
        %get3A_1027 = arith.constant 112 : index
        %get3A_1028 = tpu.vector_load %arg9[%get3A_1024, %get3A_1025, %get3A_1026, %get3A_1027] {strides = array<i32>} : memref<4x8x8x128xf32, #tpu.memory_space<vmem>>, vector<16xf32>,
        %mul3A_1029 = arith.mulf %get3A_599, %get3A_1028 : vector<16xf32>
        %get3A_1030 = arith.constant 3 : i32
        %get3A_1031 = arith.constant 3 : i32
        %get3A_1032 = arith.index_cast %get3A_1030 : i32 to index
        %get3A_1033 = arith.index_cast %get3A_1031 : i32 to index
        %get3A_1034 = arith.index_cast %scan3A_656 : i32 to index
        %get3A_1035 = arith.constant 112 : index
        %get3A_1036 = tpu.vector_load %arg9[%get3A_1032, %get3A_1033, %get3A_1034, %get3A_1035] {strides = array<i32>} : memref<4x8x8x128xf32, #tpu.memory_space<vmem>>, vector<16xf32>,
        %mul3A_1037 = arith.mulf %get3A_602, %get3A_1036 : vector<16xf32>
        %get3A_1038 = arith.constant 3 : i32
        %get3A_1039 = arith.constant 0 : i32
        %get3A_1040 = arith.index_cast %get3A_1038 : i32 to index
        %get3A_1041 = arith.index_cast %get3A_1039 : i32 to index
        %get3A_1042 = arith.index_cast %scan3A_656 : i32 to index
        %get3A_1043 = arith.constant 112 : index
        %get3A_1044 = tpu.vector_load %arg10[%get3A_1040, %get3A_1041, %get3A_1042, %get3A_1043] {strides = array<i32>} : memref<4x2x8x128xf32, #tpu.memory_space<vmem>>, vector<16xf32>,
        %add3A_1045 = arith.addf %mul3A_1013, %mul3A_1021 : vector<16xf32>
        %add3A_1046 = arith.addf %mul3A_1029, %mul3A_1037 : vector<16xf32>
        %add3A_1047 = arith.addf %add3A_1045, %add3A_1046 : vector<16xf32>
        %add3A_1048 = arith.addf %add3A_1047, %get3A_1044 : vector<16xf32>
        %swap3A_1049 = arith.constant 3 : i32
        %swap3A_1050 = arith.constant 0 : i32
        %swap3A_1051 = arith.index_cast %swap3A_1049 : i32 to index
        %swap3A_1052 = arith.index_cast %swap3A_1050 : i32 to index
        %swap3A_1053 = arith.index_cast %scan3A_656 : i32 to index
        %swap3A_1054 = arith.constant 112 : index
        %swap3A_1055 = tpu.vector_load %arg11[%swap3A_1051, %swap3A_1052, %swap3A_1053, %swap3A_1054] {strides = array<i32>} : memref<4x2x8x128xf32, #tpu.memory_space<vmem>>, vector<16xf32>,
        tpu.vector_store %arg11[%swap3A_1051, %swap3A_1052, %swap3A_1053, %swap3A_1054], %add3A_1048 {strides = array<i32>} : memref<4x2x8x128xf32, #tpu.memory_space<vmem>>, vector<16xf32>,
      }
      %scan3A_608 = arith.constant 8 : i32
      %mul3A_609 = arith.constant 2 : i32
      %mul3A_610 = arith.muli %add3A_547, %mul3A_609 : i32
      %add3A_611 = arith.constant 1 : i32
      %add3A_612 = arith.addi %mul3A_610, %add3A_611 : i32
      %get3A_613 = arith.index_cast %add3A_612 : i32 to index
      %get3A_614 = arith.constant 0 : index
      %get3A_615 = tpu.vector_load %arg8[%get3A_613, %get3A_614] {strides = array<i32>} : memref<256x64xf32, #tpu.memory_space<vmem>>, vector<16xf32>,
      %get3A_616 = arith.index_cast %add3A_612 : i32 to index
      %get3A_617 = arith.constant 16 : index
      %get3A_618 = tpu.vector_load %arg8[%get3A_616, %get3A_617] {strides = array<i32>} : memref<256x64xf32, #tpu.memory_space<vmem>>, vector<16xf32>,
      %get3A_619 = arith.index_cast %add3A_612 : i32 to index
      %get3A_620 = arith.constant 32 : index
      %get3A_621 = tpu.vector_load %arg8[%get3A_619, %get3A_620] {strides = array<i32>} : memref<256x64xf32, #tpu.memory_space<vmem>>, vector<16xf32>,
      %get3A_622 = arith.index_cast %add3A_612 : i32 to index
      %get3A_623 = arith.constant 48 : index
      %get3A_624 = tpu.vector_load %arg8[%get3A_622, %get3A_623] {strides = array<i32>} : memref<256x64xf32, #tpu.memory_space<vmem>>, vector<16xf32>,
      %scan3A_625 = arith.constant 0 : i32
      %scan3A_626 = arith.constant 0 : i32
      %scan3A_627 = arith.constant 8 : i32
      %scan3A_628 = arith.addi %scan3A_626, %scan3A_627 : i32
      %scan3A_629 = arith.constant 1 : i32
      scf.for %scan3A_656 = %scan3A_626 to %scan3A_628 step %scan3A_629  : i32 {
        %get3A_657 = arith.constant 3 : i32
        %get3A_658 = arith.constant 4 : i32
        %get3A_659 = arith.index_cast %get3A_657 : i32 to index
        %get3A_660 = arith.index_cast %get3A_658 : i32 to index
        %get3A_661 = arith.index_cast %scan3A_656 : i32 to index
        %get3A_662 = arith.constant 0 : index
        %get3A_663 = tpu.vector_load %arg9[%get3A_659, %get3A_660, %get3A_661, %get3A_662] {strides = array<i32>} : memref<4x8x8x128xf32, #tpu.memory_space<vmem>>, vector<16xf32>,
        %mul3A_664 = arith.mulf %get3A_615, %get3A_663 : vector<16xf32>
        %get3A_665 = arith.constant 3 : i32
        %get3A_666 = arith.constant 5 : i32
        %get3A_667 = arith.index_cast %get3A_665 : i32 to index
        %get3A_668 = arith.index_cast %get3A_666 : i32 to index
        %get3A_669 = arith.index_cast %scan3A_656 : i32 to index
        %get3A_670 = arith.constant 0 : index
        %get3A_671 = tpu.vector_load %arg9[%get3A_667, %get3A_668, %get3A_669, %get3A_670] {strides = array<i32>} : memref<4x8x8x128xf32, #tpu.memory_space<vmem>>, vector<16xf32>,
        %mul3A_672 = arith.mulf %get3A_618, %get3A_671 : vector<16xf32>
        %get3A_673 = arith.constant 3 : i32
        %get3A_674 = arith.constant 6 : i32
        %get3A_675 = arith.index_cast %get3A_673 : i32 to index
        %get3A_676 = arith.index_cast %get3A_674 : i32 to index
        %get3A_677 = arith.index_cast %scan3A_656 : i32 to index
        %get3A_678 = arith.constant 0 : index
        %get3A_679 = tpu.vector_load %arg9[%get3A_675, %get3A_676, %get3A_677, %get3A_678] {strides = array<i32>} : memref<4x8x8x128xf32, #tpu.memory_space<vmem>>, vector<16xf32>,
        %mul3A_680 = arith.mulf %get3A_621, %get3A_679 : vector<16xf32>
        %get3A_681 = arith.constant 3 : i32
        %get3A_682 = arith.constant 7 : i32
        %get3A_683 = arith.index_cast %get3A_681 : i32 to index
        %get3A_684 = arith.index_cast %get3A_682 : i32 to index
        %get3A_685 = arith.index_cast %scan3A_656 : i32 to index
        %get3A_686 = arith.constant 0 : index
        %get3A_687 = tpu.vector_load %arg9[%get3A_683, %get3A_684, %get3A_685, %get3A_686] {strides = array<i32>} : memref<4x8x8x128xf32, #tpu.memory_space<vmem>>, vector<16xf32>,
        %mul3A_688 = arith.mulf %get3A_624, %get3A_687 : vector<16xf32>
        %get3A_689 = arith.constant 3 : i32
        %get3A_690 = arith.constant 1 : i32
        %get3A_691 = arith.index_cast %get3A_689 : i32 to index
        %get3A_692 = arith.index_cast %get3A_690 : i32 to index
        %get3A_693 = arith.index_cast %scan3A_656 : i32 to index
        %get3A_694 = arith.constant 0 : index
        %get3A_695 = tpu.vector_load %arg10[%get3A_691, %get3A_692, %get3A_693, %get3A_694] {strides = array<i32>} : memref<4x2x8x128xf32, #tpu.memory_space<vmem>>, vector<16xf32>,
        %add3A_696 = arith.addf %mul3A_664, %mul3A_672 : vector<16xf32>
        %add3A_697 = arith.addf %mul3A_680, %mul3A_688 : vector<16xf32>
        %add3A_698 = arith.addf %add3A_696, %add3A_697 : vector<16xf32>
        %add3A_699 = arith.addf %add3A_698, %get3A_695 : vector<16xf32>
        %swap3A = arith.constant 3 : i32
        %swap3A_700 = arith.constant 1 : i32
        %swap3A_701 = arith.index_cast %swap3A : i32 to index
        %swap3A_702 = arith.index_cast %swap3A_700 : i32 to index
        %swap3A_703 = arith.index_cast %scan3A_656 : i32 to index
        %swap3A_704 = arith.constant 0 : index
        %swap3A_705 = tpu.vector_load %arg11[%swap3A_701, %swap3A_702, %swap3A_703, %swap3A_704] {strides = array<i32>} : memref<4x2x8x128xf32, #tpu.memory_space<vmem>>, vector<16xf32>,
        tpu.vector_store %arg11[%swap3A_701, %swap3A_702, %swap3A_703, %swap3A_704], %add3A_699 {strides = array<i32>} : memref<4x2x8x128xf32, #tpu.memory_space<vmem>>, vector<16xf32>,
        %get3A_706 = arith.constant 3 : i32
        %get3A_707 = arith.constant 4 : i32
        %get3A_708 = arith.index_cast %get3A_706 : i32 to index
        %get3A_709 = arith.index_cast %get3A_707 : i32 to index
        %get3A_710 = arith.index_cast %scan3A_656 : i32 to index
        %get3A_711 = arith.constant 16 : index
        %get3A_712 = tpu.vector_load %arg9[%get3A_708, %get3A_709, %get3A_710, %get3A_711] {strides = array<i32>} : memref<4x8x8x128xf32, #tpu.memory_space<vmem>>, vector<16xf32>,
        %mul3A_713 = arith.mulf %get3A_615, %get3A_712 : vector<16xf32>
        %get3A_714 = arith.constant 3 : i32
        %get3A_715 = arith.constant 5 : i32
        %get3A_716 = arith.index_cast %get3A_714 : i32 to index
        %get3A_717 = arith.index_cast %get3A_715 : i32 to index
        %get3A_718 = arith.index_cast %scan3A_656 : i32 to index
        %get3A_719 = arith.constant 16 : index
        %get3A_720 = tpu.vector_load %arg9[%get3A_716, %get3A_717, %get3A_718, %get3A_719] {strides = array<i32>} : memref<4x8x8x128xf32, #tpu.memory_space<vmem>>, vector<16xf32>,
        %mul3A_721 = arith.mulf %get3A_618, %get3A_720 : vector<16xf32>
        %get3A_722 = arith.constant 3 : i32
        %get3A_723 = arith.constant 6 : i32
        %get3A_724 = arith.index_cast %get3A_722 : i32 to index
        %get3A_725 = arith.index_cast %get3A_723 : i32 to index
        %get3A_726 = arith.index_cast %scan3A_656 : i32 to index
        %get3A_727 = arith.constant 16 : index
        %get3A_728 = tpu.vector_load %arg9[%get3A_724, %get3A_725, %get3A_726, %get3A_727] {strides = array<i32>} : memref<4x8x8x128xf32, #tpu.memory_space<vmem>>, vector<16xf32>,
        %mul3A_729 = arith.mulf %get3A_621, %get3A_728 : vector<16xf32>
        %get3A_730 = arith.constant 3 : i32
        %get3A_731 = arith.constant 7 : i32
        %get3A_732 = arith.index_cast %get3A_730 : i32 to index
        %get3A_733 = arith.index_cast %get3A_731 : i32 to index
        %get3A_734 = arith.index_cast %scan3A_656 : i32 to index
        %get3A_735 = arith.constant 16 : index
        %get3A_736 = tpu.vector_load %arg9[%get3A_732, %get3A_733, %get3A_734, %get3A_735] {strides = array<i32>} : memref<4x8x8x128xf32, #tpu.memory_space<vmem>>, vector<16xf32>,
        %mul3A_737 = arith.mulf %get3A_624, %get3A_736 : vector<16xf32>
        %get3A_738 = arith.constant 3 : i32
        %get3A_739 = arith.constant 1 : i32
        %get3A_740 = arith.index_cast %get3A_738 : i32 to index
        %get3A_741 = arith.index_cast %get3A_739 : i32 to index
        %get3A_742 = arith.index_cast %scan3A_656 : i32 to index
        %get3A_743 = arith.constant 16 : index
        %get3A_744 = tpu.vector_load %arg10[%get3A_740, %get3A_741, %get3A_742, %get3A_743] {strides = array<i32>} : memref<4x2x8x128xf32, #tpu.memory_space<vmem>>, vector<16xf32>,
        %add3A_745 = arith.addf %mul3A_713, %mul3A_721 : vector<16xf32>
        %add3A_746 = arith.addf %mul3A_729, %mul3A_737 : vector<16xf32>
        %add3A_747 = arith.addf %add3A_745, %add3A_746 : vector<16xf32>
        %add3A_748 = arith.addf %add3A_747, %get3A_744 : vector<16xf32>
        %swap3A_749 = arith.constant 3 : i32
        %swap3A_750 = arith.constant 1 : i32
        %swap3A_751 = arith.index_cast %swap3A_749 : i32 to index
        %swap3A_752 = arith.index_cast %swap3A_750 : i32 to index
        %swap3A_753 = arith.index_cast %scan3A_656 : i32 to index
        %swap3A_754 = arith.constant 16 : index
        %swap3A_755 = tpu.vector_load %arg11[%swap3A_751, %swap3A_752, %swap3A_753, %swap3A_754] {strides = array<i32>} : memref<4x2x8x128xf32, #tpu.memory_space<vmem>>, vector<16xf32>,
        tpu.vector_store %arg11[%swap3A_751, %swap3A_752, %swap3A_753, %swap3A_754], %add3A_748 {strides = array<i32>} : memref<4x2x8x128xf32, #tpu.memory_space<vmem>>, vector<16xf32>,
        %get3A_756 = arith.constant 3 : i32
        %get3A_757 = arith.constant 4 : i32
        %get3A_758 = arith.index_cast %get3A_756 : i32 to index
        %get3A_759 = arith.index_cast %get3A_757 : i32 to index
        %get3A_760 = arith.index_cast %scan3A_656 : i32 to index
        %get3A_761 = arith.constant 32 : index
        %get3A_762 = tpu.vector_load %arg9[%get3A_758, %get3A_759, %get3A_760, %get3A_761] {strides = array<i32>} : memref<4x8x8x128xf32, #tpu.memory_space<vmem>>, vector<16xf32>,
        %mul3A_763 = arith.mulf %get3A_615, %get3A_762 : vector<16xf32>
        %get3A_764 = arith.constant 3 : i32
        %get3A_765 = arith.constant 5 : i32
        %get3A_766 = arith.index_cast %get3A_764 : i32 to index
        %get3A_767 = arith.index_cast %get3A_765 : i32 to index
        %get3A_768 = arith.index_cast %scan3A_656 : i32 to index
        %get3A_769 = arith.constant 32 : index
        %get3A_770 = tpu.vector_load %arg9[%get3A_766, %get3A_767, %get3A_768, %get3A_769] {strides = array<i32>} : memref<4x8x8x128xf32, #tpu.memory_space<vmem>>, vector<16xf32>,
        %mul3A_771 = arith.mulf %get3A_618, %get3A_770 : vector<16xf32>
        %get3A_772 = arith.constant 3 : i32
        %get3A_773 = arith.constant 6 : i32
        %get3A_774 = arith.index_cast %get3A_772 : i32 to index
        %get3A_775 = arith.index_cast %get3A_773 : i32 to index
        %get3A_776 = arith.index_cast %scan3A_656 : i32 to index
        %get3A_777 = arith.constant 32 : index
        %get3A_778 = tpu.vector_load %arg9[%get3A_774, %get3A_775, %get3A_776, %get3A_777] {strides = array<i32>} : memref<4x8x8x128xf32, #tpu.memory_space<vmem>>, vector<16xf32>,
        %mul3A_779 = arith.mulf %get3A_621, %get3A_778 : vector<16xf32>
        %get3A_780 = arith.constant 3 : i32
        %get3A_781 = arith.constant 7 : i32
        %get3A_782 = arith.index_cast %get3A_780 : i32 to index
        %get3A_783 = arith.index_cast %get3A_781 : i32 to index
        %get3A_784 = arith.index_cast %scan3A_656 : i32 to index
        %get3A_785 = arith.constant 32 : index
        %get3A_786 = tpu.vector_load %arg9[%get3A_782, %get3A_783, %get3A_784, %get3A_785] {strides = array<i32>} : memref<4x8x8x128xf32, #tpu.memory_space<vmem>>, vector<16xf32>,
        %mul3A_787 = arith.mulf %get3A_624, %get3A_786 : vector<16xf32>
        %get3A_788 = arith.constant 3 : i32
        %get3A_789 = arith.constant 1 : i32
        %get3A_790 = arith.index_cast %get3A_788 : i32 to index
        %get3A_791 = arith.index_cast %get3A_789 : i32 to index
        %get3A_792 = arith.index_cast %scan3A_656 : i32 to index
        %get3A_793 = arith.constant 32 : index
        %get3A_794 = tpu.vector_load %arg10[%get3A_790, %get3A_791, %get3A_792, %get3A_793] {strides = array<i32>} : memref<4x2x8x128xf32, #tpu.memory_space<vmem>>, vector<16xf32>,
        %add3A_795 = arith.addf %mul3A_763, %mul3A_771 : vector<16xf32>
        %add3A_796 = arith.addf %mul3A_779, %mul3A_787 : vector<16xf32>
        %add3A_797 = arith.addf %add3A_795, %add3A_796 : vector<16xf32>
        %add3A_798 = arith.addf %add3A_797, %get3A_794 : vector<16xf32>
        %swap3A_799 = arith.constant 3 : i32
        %swap3A_800 = arith.constant 1 : i32
        %swap3A_801 = arith.index_cast %swap3A_799 : i32 to index
        %swap3A_802 = arith.index_cast %swap3A_800 : i32 to index
        %swap3A_803 = arith.index_cast %scan3A_656 : i32 to index
        %swap3A_804 = arith.constant 32 : index
        %swap3A_805 = tpu.vector_load %arg11[%swap3A_801, %swap3A_802, %swap3A_803, %swap3A_804] {strides = array<i32>} : memref<4x2x8x128xf32, #tpu.memory_space<vmem>>, vector<16xf32>,
        tpu.vector_store %arg11[%swap3A_801, %swap3A_802, %swap3A_803, %swap3A_804], %add3A_798 {strides = array<i32>} : memref<4x2x8x128xf32, #tpu.memory_space<vmem>>, vector<16xf32>,
        %get3A_806 = arith.constant 3 : i32
        %get3A_807 = arith.constant 4 : i32
        %get3A_808 = arith.index_cast %get3A_806 : i32 to index
        %get3A_809 = arith.index_cast %get3A_807 : i32 to index
        %get3A_810 = arith.index_cast %scan3A_656 : i32 to index
        %get3A_811 = arith.constant 48 : index
        %get3A_812 = tpu.vector_load %arg9[%get3A_808, %get3A_809, %get3A_810, %get3A_811] {strides = array<i32>} : memref<4x8x8x128xf32, #tpu.memory_space<vmem>>, vector<16xf32>,
        %mul3A_813 = arith.mulf %get3A_615, %get3A_812 : vector<16xf32>
        %get3A_814 = arith.constant 3 : i32
        %get3A_815 = arith.constant 5 : i32
        %get3A_816 = arith.index_cast %get3A_814 : i32 to index
        %get3A_817 = arith.index_cast %get3A_815 : i32 to index
        %get3A_818 = arith.index_cast %scan3A_656 : i32 to index
        %get3A_819 = arith.constant 48 : index
        %get3A_820 = tpu.vector_load %arg9[%get3A_816, %get3A_817, %get3A_818, %get3A_819] {strides = array<i32>} : memref<4x8x8x128xf32, #tpu.memory_space<vmem>>, vector<16xf32>,
        %mul3A_821 = arith.mulf %get3A_618, %get3A_820 : vector<16xf32>
        %get3A_822 = arith.constant 3 : i32
        %get3A_823 = arith.constant 6 : i32
        %get3A_824 = arith.index_cast %get3A_822 : i32 to index
        %get3A_825 = arith.index_cast %get3A_823 : i32 to index
        %get3A_826 = arith.index_cast %scan3A_656 : i32 to index
        %get3A_827 = arith.constant 48 : index
        %get3A_828 = tpu.vector_load %arg9[%get3A_824, %get3A_825, %get3A_826, %get3A_827] {strides = array<i32>} : memref<4x8x8x128xf32, #tpu.memory_space<vmem>>, vector<16xf32>,
        %mul3A_829 = arith.mulf %get3A_621, %get3A_828 : vector<16xf32>
        %get3A_830 = arith.constant 3 : i32
        %get3A_831 = arith.constant 7 : i32
        %get3A_832 = arith.index_cast %get3A_830 : i32 to index
        %get3A_833 = arith.index_cast %get3A_831 : i32 to index
        %get3A_834 = arith.index_cast %scan3A_656 : i32 to index
        %get3A_835 = arith.constant 48 : index
        %get3A_836 = tpu.vector_load %arg9[%get3A_832, %get3A_833, %get3A_834, %get3A_835] {strides = array<i32>} : memref<4x8x8x128xf32, #tpu.memory_space<vmem>>, vector<16xf32>,
        %mul3A_837 = arith.mulf %get3A_624, %get3A_836 : vector<16xf32>
        %get3A_838 = arith.constant 3 : i32
        %get3A_839 = arith.constant 1 : i32
        %get3A_840 = arith.index_cast %get3A_838 : i32 to index
        %get3A_841 = arith.index_cast %get3A_839 : i32 to index
        %get3A_842 = arith.index_cast %scan3A_656 : i32 to index
        %get3A_843 = arith.constant 48 : index
        %get3A_844 = tpu.vector_load %arg10[%get3A_840, %get3A_841, %get3A_842, %get3A_843] {strides = array<i32>} : memref<4x2x8x128xf32, #tpu.memory_space<vmem>>, vector<16xf32>,
        %add3A_845 = arith.addf %mul3A_813, %mul3A_821 : vector<16xf32>
        %add3A_846 = arith.addf %mul3A_829, %mul3A_837 : vector<16xf32>
        %add3A_847 = arith.addf %add3A_845, %add3A_846 : vector<16xf32>
        %add3A_848 = arith.addf %add3A_847, %get3A_844 : vector<16xf32>
        %swap3A_849 = arith.constant 3 : i32
        %swap3A_850 = arith.constant 1 : i32
        %swap3A_851 = arith.index_cast %swap3A_849 : i32 to index
        %swap3A_852 = arith.index_cast %swap3A_850 : i32 to index
        %swap3A_853 = arith.index_cast %scan3A_656 : i32 to index
        %swap3A_854 = arith.constant 48 : index
        %swap3A_855 = tpu.vector_load %arg11[%swap3A_851, %swap3A_852, %swap3A_853, %swap3A_854] {strides = array<i32>} : memref<4x2x8x128xf32, #tpu.memory_space<vmem>>, vector<16xf32>,
        tpu.vector_store %arg11[%swap3A_851, %swap3A_852, %swap3A_853, %swap3A_854], %add3A_848 {strides = array<i32>} : memref<4x2x8x128xf32, #tpu.memory_space<vmem>>, vector<16xf32>,
        %get3A_856 = arith.constant 3 : i32
        %get3A_857 = arith.constant 4 : i32
        %get3A_858 = arith.index_cast %get3A_856 : i32 to index
        %get3A_859 = arith.index_cast %get3A_857 : i32 to index
        %get3A_860 = arith.index_cast %scan3A_656 : i32 to index
        %get3A_861 = arith.constant 64 : index
        %get3A_862 = tpu.vector_load %arg9[%get3A_858, %get3A_859, %get3A_860, %get3A_861] {strides = array<i32>} : memref<4x8x8x128xf32, #tpu.memory_space<vmem>>, vector<16xf32>,
        %mul3A_863 = arith.mulf %get3A_615, %get3A_862 : vector<16xf32>
        %get3A_864 = arith.constant 3 : i32
        %get3A_865 = arith.constant 5 : i32
        %get3A_866 = arith.index_cast %get3A_864 : i32 to index
        %get3A_867 = arith.index_cast %get3A_865 : i32 to index
        %get3A_868 = arith.index_cast %scan3A_656 : i32 to index
        %get3A_869 = arith.constant 64 : index
        %get3A_870 = tpu.vector_load %arg9[%get3A_866, %get3A_867, %get3A_868, %get3A_869] {strides = array<i32>} : memref<4x8x8x128xf32, #tpu.memory_space<vmem>>, vector<16xf32>,
        %mul3A_871 = arith.mulf %get3A_618, %get3A_870 : vector<16xf32>
        %get3A_872 = arith.constant 3 : i32
        %get3A_873 = arith.constant 6 : i32
        %get3A_874 = arith.index_cast %get3A_872 : i32 to index
        %get3A_875 = arith.index_cast %get3A_873 : i32 to index
        %get3A_876 = arith.index_cast %scan3A_656 : i32 to index
        %get3A_877 = arith.constant 64 : index
        %get3A_878 = tpu.vector_load %arg9[%get3A_874, %get3A_875, %get3A_876, %get3A_877] {strides = array<i32>} : memref<4x8x8x128xf32, #tpu.memory_space<vmem>>, vector<16xf32>,
        %mul3A_879 = arith.mulf %get3A_621, %get3A_878 : vector<16xf32>
        %get3A_880 = arith.constant 3 : i32
        %get3A_881 = arith.constant 7 : i32
        %get3A_882 = arith.index_cast %get3A_880 : i32 to index
        %get3A_883 = arith.index_cast %get3A_881 : i32 to index
        %get3A_884 = arith.index_cast %scan3A_656 : i32 to index
        %get3A_885 = arith.constant 64 : index
        %get3A_886 = tpu.vector_load %arg9[%get3A_882, %get3A_883, %get3A_884, %get3A_885] {strides = array<i32>} : memref<4x8x8x128xf32, #tpu.memory_space<vmem>>, vector<16xf32>,
        %mul3A_887 = arith.mulf %get3A_624, %get3A_886 : vector<16xf32>
        %get3A_888 = arith.constant 3 : i32
        %get3A_889 = arith.constant 1 : i32
        %get3A_890 = arith.index_cast %get3A_888 : i32 to index
        %get3A_891 = arith.index_cast %get3A_889 : i32 to index
        %get3A_892 = arith.index_cast %scan3A_656 : i32 to index
        %get3A_893 = arith.constant 64 : index
        %get3A_894 = tpu.vector_load %arg10[%get3A_890, %get3A_891, %get3A_892, %get3A_893] {strides = array<i32>} : memref<4x2x8x128xf32, #tpu.memory_space<vmem>>, vector<16xf32>,
        %add3A_895 = arith.addf %mul3A_863, %mul3A_871 : vector<16xf32>
        %add3A_896 = arith.addf %mul3A_879, %mul3A_887 : vector<16xf32>
        %add3A_897 = arith.addf %add3A_895, %add3A_896 : vector<16xf32>
        %add3A_898 = arith.addf %add3A_897, %get3A_894 : vector<16xf32>
        %swap3A_899 = arith.constant 3 : i32
        %swap3A_900 = arith.constant 1 : i32
        %swap3A_901 = arith.index_cast %swap3A_899 : i32 to index
        %swap3A_902 = arith.index_cast %swap3A_900 : i32 to index
        %swap3A_903 = arith.index_cast %scan3A_656 : i32 to index
        %swap3A_904 = arith.constant 64 : index
        %swap3A_905 = tpu.vector_load %arg11[%swap3A_901, %swap3A_902, %swap3A_903, %swap3A_904] {strides = array<i32>} : memref<4x2x8x128xf32, #tpu.memory_space<vmem>>, vector<16xf32>,
        tpu.vector_store %arg11[%swap3A_901, %swap3A_902, %swap3A_903, %swap3A_904], %add3A_898 {strides = array<i32>} : memref<4x2x8x128xf32, #tpu.memory_space<vmem>>, vector<16xf32>,
        %get3A_906 = arith.constant 3 : i32
        %get3A_907 = arith.constant 4 : i32
        %get3A_908 = arith.index_cast %get3A_906 : i32 to index
        %get3A_909 = arith.index_cast %get3A_907 : i32 to index
        %get3A_910 = arith.index_cast %scan3A_656 : i32 to index
        %get3A_911 = arith.constant 80 : index
        %get3A_912 = tpu.vector_load %arg9[%get3A_908, %get3A_909, %get3A_910, %get3A_911] {strides = array<i32>} : memref<4x8x8x128xf32, #tpu.memory_space<vmem>>, vector<16xf32>,
        %mul3A_913 = arith.mulf %get3A_615, %get3A_912 : vector<16xf32>
        %get3A_914 = arith.constant 3 : i32
        %get3A_915 = arith.constant 5 : i32
        %get3A_916 = arith.index_cast %get3A_914 : i32 to index
        %get3A_917 = arith.index_cast %get3A_915 : i32 to index
        %get3A_918 = arith.index_cast %scan3A_656 : i32 to index
        %get3A_919 = arith.constant 80 : index
        %get3A_920 = tpu.vector_load %arg9[%get3A_916, %get3A_917, %get3A_918, %get3A_919] {strides = array<i32>} : memref<4x8x8x128xf32, #tpu.memory_space<vmem>>, vector<16xf32>,
        %mul3A_921 = arith.mulf %get3A_618, %get3A_920 : vector<16xf32>
        %get3A_922 = arith.constant 3 : i32
        %get3A_923 = arith.constant 6 : i32
        %get3A_924 = arith.index_cast %get3A_922 : i32 to index
        %get3A_925 = arith.index_cast %get3A_923 : i32 to index
        %get3A_926 = arith.index_cast %scan3A_656 : i32 to index
        %get3A_927 = arith.constant 80 : index
        %get3A_928 = tpu.vector_load %arg9[%get3A_924, %get3A_925, %get3A_926, %get3A_927] {strides = array<i32>} : memref<4x8x8x128xf32, #tpu.memory_space<vmem>>, vector<16xf32>,
        %mul3A_929 = arith.mulf %get3A_621, %get3A_928 : vector<16xf32>
        %get3A_930 = arith.constant 3 : i32
        %get3A_931 = arith.constant 7 : i32
        %get3A_932 = arith.index_cast %get3A_930 : i32 to index
        %get3A_933 = arith.index_cast %get3A_931 : i32 to index
        %get3A_934 = arith.index_cast %scan3A_656 : i32 to index
        %get3A_935 = arith.constant 80 : index
        %get3A_936 = tpu.vector_load %arg9[%get3A_932, %get3A_933, %get3A_934, %get3A_935] {strides = array<i32>} : memref<4x8x8x128xf32, #tpu.memory_space<vmem>>, vector<16xf32>,
        %mul3A_937 = arith.mulf %get3A_624, %get3A_936 : vector<16xf32>
        %get3A_938 = arith.constant 3 : i32
        %get3A_939 = arith.constant 1 : i32
        %get3A_940 = arith.index_cast %get3A_938 : i32 to index
        %get3A_941 = arith.index_cast %get3A_939 : i32 to index
        %get3A_942 = arith.index_cast %scan3A_656 : i32 to index
        %get3A_943 = arith.constant 80 : index
        %get3A_944 = tpu.vector_load %arg10[%get3A_940, %get3A_941, %get3A_942, %get3A_943] {strides = array<i32>} : memref<4x2x8x128xf32, #tpu.memory_space<vmem>>, vector<16xf32>,
        %add3A_945 = arith.addf %mul3A_913, %mul3A_921 : vector<16xf32>
        %add3A_946 = arith.addf %mul3A_929, %mul3A_937 : vector<16xf32>
        %add3A_947 = arith.addf %add3A_945, %add3A_946 : vector<16xf32>
        %add3A_948 = arith.addf %add3A_947, %get3A_944 : vector<16xf32>
        %swap3A_949 = arith.constant 3 : i32
        %swap3A_950 = arith.constant 1 : i32
        %swap3A_951 = arith.index_cast %swap3A_949 : i32 to index
        %swap3A_952 = arith.index_cast %swap3A_950 : i32 to index
        %swap3A_953 = arith.index_cast %scan3A_656 : i32 to index
        %swap3A_954 = arith.constant 80 : index
        %swap3A_955 = tpu.vector_load %arg11[%swap3A_951, %swap3A_952, %swap3A_953, %swap3A_954] {strides = array<i32>} : memref<4x2x8x128xf32, #tpu.memory_space<vmem>>, vector<16xf32>,
        tpu.vector_store %arg11[%swap3A_951, %swap3A_952, %swap3A_953, %swap3A_954], %add3A_948 {strides = array<i32>} : memref<4x2x8x128xf32, #tpu.memory_space<vmem>>, vector<16xf32>,
        %get3A_956 = arith.constant 3 : i32
        %get3A_957 = arith.constant 4 : i32
        %get3A_958 = arith.index_cast %get3A_956 : i32 to index
        %get3A_959 = arith.index_cast %get3A_957 : i32 to index
        %get3A_960 = arith.index_cast %scan3A_656 : i32 to index
        %get3A_961 = arith.constant 96 : index
        %get3A_962 = tpu.vector_load %arg9[%get3A_958, %get3A_959, %get3A_960, %get3A_961] {strides = array<i32>} : memref<4x8x8x128xf32, #tpu.memory_space<vmem>>, vector<16xf32>,
        %mul3A_963 = arith.mulf %get3A_615, %get3A_962 : vector<16xf32>
        %get3A_964 = arith.constant 3 : i32
        %get3A_965 = arith.constant 5 : i32
        %get3A_966 = arith.index_cast %get3A_964 : i32 to index
        %get3A_967 = arith.index_cast %get3A_965 : i32 to index
        %get3A_968 = arith.index_cast %scan3A_656 : i32 to index
        %get3A_969 = arith.constant 96 : index
        %get3A_970 = tpu.vector_load %arg9[%get3A_966, %get3A_967, %get3A_968, %get3A_969] {strides = array<i32>} : memref<4x8x8x128xf32, #tpu.memory_space<vmem>>, vector<16xf32>,
        %mul3A_971 = arith.mulf %get3A_618, %get3A_970 : vector<16xf32>
        %get3A_972 = arith.constant 3 : i32
        %get3A_973 = arith.constant 6 : i32
        %get3A_974 = arith.index_cast %get3A_972 : i32 to index
        %get3A_975 = arith.index_cast %get3A_973 : i32 to index
        %get3A_976 = arith.index_cast %scan3A_656 : i32 to index
        %get3A_977 = arith.constant 96 : index
        %get3A_978 = tpu.vector_load %arg9[%get3A_974, %get3A_975, %get3A_976, %get3A_977] {strides = array<i32>} : memref<4x8x8x128xf32, #tpu.memory_space<vmem>>, vector<16xf32>,
        %mul3A_979 = arith.mulf %get3A_621, %get3A_978 : vector<16xf32>
        %get3A_980 = arith.constant 3 : i32
        %get3A_981 = arith.constant 7 : i32
        %get3A_982 = arith.index_cast %get3A_980 : i32 to index
        %get3A_983 = arith.index_cast %get3A_981 : i32 to index
        %get3A_984 = arith.index_cast %scan3A_656 : i32 to index
        %get3A_985 = arith.constant 96 : index
        %get3A_986 = tpu.vector_load %arg9[%get3A_982, %get3A_983, %get3A_984, %get3A_985] {strides = array<i32>} : memref<4x8x8x128xf32, #tpu.memory_space<vmem>>, vector<16xf32>,
        %mul3A_987 = arith.mulf %get3A_624, %get3A_986 : vector<16xf32>
        %get3A_988 = arith.constant 3 : i32
        %get3A_989 = arith.constant 1 : i32
        %get3A_990 = arith.index_cast %get3A_988 : i32 to index
        %get3A_991 = arith.index_cast %get3A_989 : i32 to index
        %get3A_992 = arith.index_cast %scan3A_656 : i32 to index
        %get3A_993 = arith.constant 96 : index
        %get3A_994 = tpu.vector_load %arg10[%get3A_990, %get3A_991, %get3A_992, %get3A_993] {strides = array<i32>} : memref<4x2x8x128xf32, #tpu.memory_space<vmem>>, vector<16xf32>,
        %add3A_995 = arith.addf %mul3A_963, %mul3A_971 : vector<16xf32>
        %add3A_996 = arith.addf %mul3A_979, %mul3A_987 : vector<16xf32>
        %add3A_997 = arith.addf %add3A_995, %add3A_996 : vector<16xf32>
        %add3A_998 = arith.addf %add3A_997, %get3A_994 : vector<16xf32>
        %swap3A_999 = arith.constant 3 : i32
        %swap3A_1000 = arith.constant 1 : i32
        %swap3A_1001 = arith.index_cast %swap3A_999 : i32 to index
        %swap3A_1002 = arith.index_cast %swap3A_1000 : i32 to index
        %swap3A_1003 = arith.index_cast %scan3A_656 : i32 to index
        %swap3A_1004 = arith.constant 96 : index
        %swap3A_1005 = tpu.vector_load %arg11[%swap3A_1001, %swap3A_1002, %swap3A_1003, %swap3A_1004] {strides = array<i32>} : memref<4x2x8x128xf32, #tpu.memory_space<vmem>>, vector<16xf32>,
        tpu.vector_store %arg11[%swap3A_1001, %swap3A_1002, %swap3A_1003, %swap3A_1004], %add3A_998 {strides = array<i32>} : memref<4x2x8x128xf32, #tpu.memory_space<vmem>>, vector<16xf32>,
        %get3A_1006 = arith.constant 3 : i32
        %get3A_1007 = arith.constant 4 : i32
        %get3A_1008 = arith.index_cast %get3A_1006 : i32 to index
        %get3A_1009 = arith.index_cast %get3A_1007 : i32 to index
        %get3A_1010 = arith.index_cast %scan3A_656 : i32 to index
        %get3A_1011 = arith.constant 112 : index
        %get3A_1012 = tpu.vector_load %arg9[%get3A_1008, %get3A_1009, %get3A_1010, %get3A_1011] {strides = array<i32>} : memref<4x8x8x128xf32, #tpu.memory_space<vmem>>, vector<16xf32>,
        %mul3A_1013 = arith.mulf %get3A_615, %get3A_1012 : vector<16xf32>
        %get3A_1014 = arith.constant 3 : i32
        %get3A_1015 = arith.constant 5 : i32
        %get3A_1016 = arith.index_cast %get3A_1014 : i32 to index
        %get3A_1017 = arith.index_cast %get3A_1015 : i32 to index
        %get3A_1018 = arith.index_cast %scan3A_656 : i32 to index
        %get3A_1019 = arith.constant 112 : index
        %get3A_1020 = tpu.vector_load %arg9[%get3A_1016, %get3A_1017, %get3A_1018, %get3A_1019] {strides = array<i32>} : memref<4x8x8x128xf32, #tpu.memory_space<vmem>>, vector<16xf32>,
        %mul3A_1021 = arith.mulf %get3A_618, %get3A_1020 : vector<16xf32>
        %get3A_1022 = arith.constant 3 : i32
        %get3A_1023 = arith.constant 6 : i32
        %get3A_1024 = arith.index_cast %get3A_1022 : i32 to index
        %get3A_1025 = arith.index_cast %get3A_1023 : i32 to index
        %get3A_1026 = arith.index_cast %scan3A_656 : i32 to index
        %get3A_1027 = arith.constant 112 : index
        %get3A_1028 = tpu.vector_load %arg9[%get3A_1024, %get3A_1025, %get3A_1026, %get3A_1027] {strides = array<i32>} : memref<4x8x8x128xf32, #tpu.memory_space<vmem>>, vector<16xf32>,
        %mul3A_1029 = arith.mulf %get3A_621, %get3A_1028 : vector<16xf32>
        %get3A_1030 = arith.constant 3 : i32
        %get3A_1031 = arith.constant 7 : i32
        %get3A_1032 = arith.index_cast %get3A_1030 : i32 to index
        %get3A_1033 = arith.index_cast %get3A_1031 : i32 to index
        %get3A_1034 = arith.index_cast %scan3A_656 : i32 to index
        %get3A_1035 = arith.constant 112 : index
        %get3A_1036 = tpu.vector_load %arg9[%get3A_1032, %get3A_1033, %get3A_1034, %get3A_1035] {strides = array<i32>} : memref<4x8x8x128xf32, #tpu.memory_space<vmem>>, vector<16xf32>,
        %mul3A_1037 = arith.mulf %get3A_624, %get3A_1036 : vector<16xf32>
        %get3A_1038 = arith.constant 3 : i32
        %get3A_1039 = arith.constant 1 : i32
        %get3A_1040 = arith.index_cast %get3A_1038 : i32 to index
        %get3A_1041 = arith.index_cast %get3A_1039 : i32 to index
        %get3A_1042 = arith.index_cast %scan3A_656 : i32 to index
        %get3A_1043 = arith.constant 112 : index
        %get3A_1044 = tpu.vector_load %arg10[%get3A_1040, %get3A_1041, %get3A_1042, %get3A_1043] {strides = array<i32>} : memref<4x2x8x128xf32, #tpu.memory_space<vmem>>, vector<16xf32>,
        %add3A_1045 = arith.addf %mul3A_1013, %mul3A_1021 : vector<16xf32>
        %add3A_1046 = arith.addf %mul3A_1029, %mul3A_1037 : vector<16xf32>
        %add3A_1047 = arith.addf %add3A_1045, %add3A_1046 : vector<16xf32>
        %add3A_1048 = arith.addf %add3A_1047, %get3A_1044 : vector<16xf32>
        %swap3A_1049 = arith.constant 3 : i32
        %swap3A_1050 = arith.constant 1 : i32
        %swap3A_1051 = arith.index_cast %swap3A_1049 : i32 to index
        %swap3A_1052 = arith.index_cast %swap3A_1050 : i32 to index
        %swap3A_1053 = arith.index_cast %scan3A_656 : i32 to index
        %swap3A_1054 = arith.constant 112 : index
        %swap3A_1055 = tpu.vector_load %arg11[%swap3A_1051, %swap3A_1052, %swap3A_1053, %swap3A_1054] {strides = array<i32>} : memref<4x2x8x128xf32, #tpu.memory_space<vmem>>, vector<16xf32>,
        tpu.vector_store %arg11[%swap3A_1051, %swap3A_1052, %swap3A_1053, %swap3A_1054], %add3A_1048 {strides = array<i32>} : memref<4x2x8x128xf32, #tpu.memory_space<vmem>>, vector<16xf32>,
      }
      %scan3A_630 = arith.constant 8 : i32
      %mul3A_631 = arith.constant 2 : i32
      %mul3A_632 = arith.muli %add3A_547, %mul3A_631 : i32
      %add3A_633 = arith.addi %mul3A_2, %mul3A_632 : i32
      %dma_start3A_634 = arith.constant 3 : i32
      %dma_start3A_635 = arith.constant 0 : i32
      %dma_start3A_636 = arith.constant 0 : i32
      %dma_start3A_637 = arith.constant 0 : i32
      %dma_start3A_638 = tpu.memref_slice %arg11[%dma_start3A_634, %dma_start3A_635, %dma_start3A_636, %dma_start3A_637] : memref<4x2x8x128xf32, #tpu.memory_space<vmem>> -> memref<1x2x8x128xf32, #tpu.memory_space<vmem>>
      %dma_start3A_639 = tpu.memref_squeeze %dma_start3A_638 : memref<1x2x8x128xf32, #tpu.memory_space<vmem>> -> memref<2x8x128xf32, #tpu.memory_space<vmem>>
      %dma_start3A_640 = arith.constant 0 : i32
      %dma_start3A_641 = arith.constant 0 : i32
      %dma_start3A_642 = tpu.memref_slice %arg6[%add3A_633, %dma_start3A_640, %dma_start3A_641] : memref<8192x8x128xf32, #tpu.memory_space<hbm>> -> memref<2x8x128xf32, #tpu.memory_space<hbm>>
      %dma_start3A_643 = arith.constant 0 : i32
      %dma_start3A_644 = arith.constant 0 : i32
      %dma_start3A_645 = tpu.memref_slice %arg6[%add3A_633, %dma_start3A_643, %dma_start3A_644] : memref<8192x8x128xf32, #tpu.memory_space<hbm>> -> memref<2x8x128xf32, #tpu.memory_space<hbm>>
      %dma_start3A_646 = arith.constant 0 : i32
      %dma_start3A_647 = arith.constant 0 : i32
      %dma_start3A_648 = arith.constant 0 : i32
      %dma_start3A_649 = tpu.memref_slice %arg11[%dma_start3A_634, %dma_start3A_646, %dma_start3A_647, %dma_start3A_648] : memref<4x2x8x128xf32, #tpu.memory_space<vmem>> -> memref<1x2x8x128xf32, #tpu.memory_space<vmem>>
      %dma_start3A_650 = tpu.memref_squeeze %dma_start3A_649 : memref<1x2x8x128xf32, #tpu.memory_space<vmem>> -> memref<2x8x128xf32, #tpu.memory_space<vmem>>
      tpu.enqueue_dma source(%dma_start3A_650 : memref<2x8x128xf32, #tpu.memory_space<vmem>>) target(%dma_start3A_645 : memref<2x8x128xf32, #tpu.memory_space<hbm>>) target_semaphore(%arg23 : memref<!tpu.dma_semaphore, #tpu.memory_space<semaphore_mem>>)
      %lt3A_651 = arith.constant 31 : i32
      %lt3A_652 = arith.cmpi slt, %scan3A_212, %lt3A_651 : i32
      %convert_element_type3A_653 = arith.extui %lt3A_652 : i1 to i32
      %cond3A_654 = arith.constant 0 : i32
      %cond3A_655 = arith.cmpi ne, %convert_element_type3A_653, %cond3A_654 : i32
      scf.if %cond3A_655 {
        %add3A_656 = arith.constant 4 : i32
        %add3A_657 = arith.addi %add3A_547, %add3A_656 : i32
        %mul3A_658 = arith.constant 8 : i32
        %mul3A_659 = arith.muli %add3A_657, %mul3A_658 : i32
        %multiple_of3A_660 = tpu.assume_multiple %mul3A_659, 8 : i32
        %dma_start3A_661 = arith.constant 3 : i32
        %dma_start3A_662 = arith.constant 0 : i32
        %dma_start3A_663 = arith.constant 0 : i32
        %dma_start3A_664 = arith.constant 0 : i32
        %dma_start3A_665 = tpu.memref_slice %arg9[%dma_start3A_661, %dma_start3A_662, %dma_start3A_663, %dma_start3A_664] : memref<4x8x8x128xf32, #tpu.memory_space<vmem>> -> memref<1x8x8x128xf32, #tpu.memory_space<vmem>>
        %dma_start3A_666 = tpu.memref_squeeze %dma_start3A_665 : memref<1x8x8x128xf32, #tpu.memory_space<vmem>> -> memref<8x8x128xf32, #tpu.memory_space<vmem>>
        %dma_start3A_667 = tpu.memref_slice %arg7[%multiple_of3A_660] : memref<1024xi32, #tpu.memory_space<vmem>> -> memref<8xi32, #tpu.memory_space<vmem>>
        %dma_start3A_668 = arith.constant 0 : i32
        %dma_start3A_669 = arith.constant 0 : i32
        %dma_start3A_670 = arith.constant 0 : i32
        %dma_start3A_671 = tpu.memref_slice %arg2[%dma_start3A_668, %dma_start3A_669, %dma_start3A_670] : memref<512x8x128xf32, #tpu.memory_space<hbm>> -> memref<512x8x128xf32, #tpu.memory_space<hbm>>
        tpu.enqueue_indirect_dma source(%dma_start3A_671 : memref<512x8x128xf32, #tpu.memory_space<hbm>>) target(%dma_start3A_666 : memref<8x8x128xf32, #tpu.memory_space<vmem>>) offsets(%dma_start3A_667 : memref<8xi32, #tpu.memory_space<vmem>>) semaphore(%arg15 : memref<!tpu.dma_semaphore, #tpu.memory_space<semaphore_mem>>)
        %add3A_672 = arith.constant 4 : i32
        %add3A_673 = arith.addi %add3A_547, %add3A_672 : i32
        %mul3A_674 = arith.constant 2 : i32
        %mul3A_675 = arith.muli %add3A_673, %mul3A_674 : i32
        %add3A_676 = arith.addi %mul3A_2, %mul3A_675 : i32
        %dma_start3A_677 = arith.constant 3 : i32
        %dma_start3A_678 = arith.constant 0 : i32
        %dma_start3A_679 = arith.constant 0 : i32
        %dma_start3A_680 = arith.constant 0 : i32
        %dma_start3A_681 = tpu.memref_slice %arg10[%dma_start3A_677, %dma_start3A_678, %dma_start3A_679, %dma_start3A_680] : memref<4x2x8x128xf32, #tpu.memory_space<vmem>> -> memref<1x2x8x128xf32, #tpu.memory_space<vmem>>
        %dma_start3A_682 = tpu.memref_squeeze %dma_start3A_681 : memref<1x2x8x128xf32, #tpu.memory_space<vmem>> -> memref<2x8x128xf32, #tpu.memory_space<vmem>>
        %dma_start3A_683 = arith.constant 0 : i32
        %dma_start3A_684 = arith.constant 0 : i32
        %dma_start3A_685 = tpu.memref_slice %arg5[%add3A_676, %dma_start3A_683, %dma_start3A_684] : memref<8192x8x128xf32, #tpu.memory_space<hbm>> -> memref<2x8x128xf32, #tpu.memory_space<hbm>>
        %dma_start3A_686 = arith.constant 0 : i32
        %dma_start3A_687 = arith.constant 0 : i32
        %dma_start3A_688 = arith.constant 0 : i32
        %dma_start3A_689 = tpu.memref_slice %arg10[%dma_start3A_677, %dma_start3A_686, %dma_start3A_687, %dma_start3A_688] : memref<4x2x8x128xf32, #tpu.memory_space<vmem>> -> memref<1x2x8x128xf32, #tpu.memory_space<vmem>>
        %dma_start3A_690 = tpu.memref_squeeze %dma_start3A_689 : memref<1x2x8x128xf32, #tpu.memory_space<vmem>> -> memref<2x8x128xf32, #tpu.memory_space<vmem>>
        %dma_start3A_691 = arith.constant 0 : i32
        %dma_start3A_692 = arith.constant 0 : i32
        %dma_start3A_693 = tpu.memref_slice %arg5[%add3A_676, %dma_start3A_691, %dma_start3A_692] : memref<8192x8x128xf32, #tpu.memory_space<hbm>> -> memref<2x8x128xf32, #tpu.memory_space<hbm>>
        tpu.enqueue_dma source(%dma_start3A_693 : memref<2x8x128xf32, #tpu.memory_space<hbm>>) target(%dma_start3A_690 : memref<2x8x128xf32, #tpu.memory_space<vmem>>) target_semaphore(%arg19 : memref<!tpu.dma_semaphore, #tpu.memory_space<semaphore_mem>>)
      } else {
      }
    }
    %scan3A_136 = arith.constant 32 : i32
    %add3A_137 = arith.constant 248 : i32
    %add3A_138 = arith.addi %mul3A_2, %add3A_137 : i32
    %dma_wait3A = arith.constant 0 : i32
    %dma_wait3A_139 = arith.constant 0 : i32
    %dma_wait3A_140 = arith.constant 0 : i32
    %dma_wait3A_141 = arith.constant 0 : i32
    %dma_wait3A_142 = tpu.memref_slice %arg11[%dma_wait3A, %dma_wait3A_139, %dma_wait3A_140, %dma_wait3A_141] : memref<4x2x8x128xf32, #tpu.memory_space<vmem>> -> memref<1x2x8x128xf32, #tpu.memory_space<vmem>>
    %dma_wait3A_143 = tpu.memref_squeeze %dma_wait3A_142 : memref<1x2x8x128xf32, #tpu.memory_space<vmem>> -> memref<2x8x128xf32, #tpu.memory_space<vmem>>
    %dma_wait3A_144 = arith.constant 0 : i32
    %dma_wait3A_145 = arith.constant 0 : i32
    %dma_wait3A_146 = tpu.memref_slice %arg6[%add3A_138, %dma_wait3A_144, %dma_wait3A_145] : memref<8192x8x128xf32, #tpu.memory_space<hbm>> -> memref<2x8x128xf32, #tpu.memory_space<hbm>>
    %dma_wait3A_147 = arith.constant 0 : i32
    %dma_wait3A_148 = arith.constant 0 : i32
    %dma_wait3A_149 = tpu.memref_slice %arg6[%add3A_138, %dma_wait3A_147, %dma_wait3A_148] : memref<8192x8x128xf32, #tpu.memory_space<hbm>> -> memref<2x8x128xf32, #tpu.memory_space<hbm>>
    %dma_wait3A_150 = arith.constant 0 : i32
    %dma_wait3A_151 = arith.constant 0 : i32
    %dma_wait3A_152 = arith.constant 0 : i32
    %dma_wait3A_153 = tpu.memref_slice %arg11[%dma_wait3A, %dma_wait3A_150, %dma_wait3A_151, %dma_wait3A_152] : memref<4x2x8x128xf32, #tpu.memory_space<vmem>> -> memref<1x2x8x128xf32, #tpu.memory_space<vmem>>
    %dma_wait3A_154 = tpu.memref_squeeze %dma_wait3A_153 : memref<1x2x8x128xf32, #tpu.memory_space<vmem>> -> memref<2x8x128xf32, #tpu.memory_space<vmem>>
    tpu.wait_dma2 semaphore(%arg20 : memref<!tpu.dma_semaphore, #tpu.memory_space<semaphore_mem>>) src(%dma_wait3A_154 : memref<2x8x128xf32, #tpu.memory_space<vmem>>) dst(%dma_wait3A_149 : memref<2x8x128xf32, #tpu.memory_space<hbm>>)
    %add3A_155 = arith.constant 250 : i32
    %add3A_156 = arith.addi %mul3A_2, %add3A_155 : i32
    %dma_wait3A_157 = arith.constant 1 : i32
    %dma_wait3A_158 = arith.constant 0 : i32
    %dma_wait3A_159 = arith.constant 0 : i32
    %dma_wait3A_160 = arith.constant 0 : i32
    %dma_wait3A_161 = tpu.memref_slice %arg11[%dma_wait3A_157, %dma_wait3A_158, %dma_wait3A_159, %dma_wait3A_160] : memref<4x2x8x128xf32, #tpu.memory_space<vmem>> -> memref<1x2x8x128xf32, #tpu.memory_space<vmem>>
    %dma_wait3A_162 = tpu.memref_squeeze %dma_wait3A_161 : memref<1x2x8x128xf32, #tpu.memory_space<vmem>> -> memref<2x8x128xf32, #tpu.memory_space<vmem>>
    %dma_wait3A_163 = arith.constant 0 : i32
    %dma_wait3A_164 = arith.constant 0 : i32
    %dma_wait3A_165 = tpu.memref_slice %arg6[%add3A_156, %dma_wait3A_163, %dma_wait3A_164] : memref<8192x8x128xf32, #tpu.memory_space<hbm>> -> memref<2x8x128xf32, #tpu.memory_space<hbm>>
    %dma_wait3A_166 = arith.constant 0 : i32
    %dma_wait3A_167 = arith.constant 0 : i32
    %dma_wait3A_168 = tpu.memref_slice %arg6[%add3A_156, %dma_wait3A_166, %dma_wait3A_167] : memref<8192x8x128xf32, #tpu.memory_space<hbm>> -> memref<2x8x128xf32, #tpu.memory_space<hbm>>
    %dma_wait3A_169 = arith.constant 0 : i32
    %dma_wait3A_170 = arith.constant 0 : i32
    %dma_wait3A_171 = arith.constant 0 : i32
    %dma_wait3A_172 = tpu.memref_slice %arg11[%dma_wait3A_157, %dma_wait3A_169, %dma_wait3A_170, %dma_wait3A_171] : memref<4x2x8x128xf32, #tpu.memory_space<vmem>> -> memref<1x2x8x128xf32, #tpu.memory_space<vmem>>
    %dma_wait3A_173 = tpu.memref_squeeze %dma_wait3A_172 : memref<1x2x8x128xf32, #tpu.memory_space<vmem>> -> memref<2x8x128xf32, #tpu.memory_space<vmem>>
    tpu.wait_dma2 semaphore(%arg21 : memref<!tpu.dma_semaphore, #tpu.memory_space<semaphore_mem>>) src(%dma_wait3A_173 : memref<2x8x128xf32, #tpu.memory_space<vmem>>) dst(%dma_wait3A_168 : memref<2x8x128xf32, #tpu.memory_space<hbm>>)
    %add3A_174 = arith.constant 252 : i32
    %add3A_175 = arith.addi %mul3A_2, %add3A_174 : i32
    %dma_wait3A_176 = arith.constant 2 : i32
    %dma_wait3A_177 = arith.constant 0 : i32
    %dma_wait3A_178 = arith.constant 0 : i32
    %dma_wait3A_179 = arith.constant 0 : i32
    %dma_wait3A_180 = tpu.memref_slice %arg11[%dma_wait3A_176, %dma_wait3A_177, %dma_wait3A_178, %dma_wait3A_179] : memref<4x2x8x128xf32, #tpu.memory_space<vmem>> -> memref<1x2x8x128xf32, #tpu.memory_space<vmem>>
    %dma_wait3A_181 = tpu.memref_squeeze %dma_wait3A_180 : memref<1x2x8x128xf32, #tpu.memory_space<vmem>> -> memref<2x8x128xf32, #tpu.memory_space<vmem>>
    %dma_wait3A_182 = arith.constant 0 : i32
    %dma_wait3A_183 = arith.constant 0 : i32
    %dma_wait3A_184 = tpu.memref_slice %arg6[%add3A_175, %dma_wait3A_182, %dma_wait3A_183] : memref<8192x8x128xf32, #tpu.memory_space<hbm>> -> memref<2x8x128xf32, #tpu.memory_space<hbm>>
    %dma_wait3A_185 = arith.constant 0 : i32
    %dma_wait3A_186 = arith.constant 0 : i32
    %dma_wait3A_187 = tpu.memref_slice %arg6[%add3A_175, %dma_wait3A_185, %dma_wait3A_186] : memref<8192x8x128xf32, #tpu.memory_space<hbm>> -> memref<2x8x128xf32, #tpu.memory_space<hbm>>
    %dma_wait3A_188 = arith.constant 0 : i32
    %dma_wait3A_189 = arith.constant 0 : i32
    %dma_wait3A_190 = arith.constant 0 : i32
    %dma_wait3A_191 = tpu.memref_slice %arg11[%dma_wait3A_176, %dma_wait3A_188, %dma_wait3A_189, %dma_wait3A_190] : memref<4x2x8x128xf32, #tpu.memory_space<vmem>> -> memref<1x2x8x128xf32, #tpu.memory_space<vmem>>
    %dma_wait3A_192 = tpu.memref_squeeze %dma_wait3A_191 : memref<1x2x8x128xf32, #tpu.memory_space<vmem>> -> memref<2x8x128xf32, #tpu.memory_space<vmem>>
    tpu.wait_dma2 semaphore(%arg22 : memref<!tpu.dma_semaphore, #tpu.memory_space<semaphore_mem>>) src(%dma_wait3A_192 : memref<2x8x128xf32, #tpu.memory_space<vmem>>) dst(%dma_wait3A_187 : memref<2x8x128xf32, #tpu.memory_space<hbm>>)
    %add3A_193 = arith.constant 254 : i32
    %add3A_194 = arith.addi %mul3A_2, %add3A_193 : i32
    %dma_wait3A_195 = arith.constant 3 : i32
    %dma_wait3A_196 = arith.constant 0 : i32
    %dma_wait3A_197 = arith.constant 0 : i32
    %dma_wait3A_198 = arith.constant 0 : i32
    %dma_wait3A_199 = tpu.memref_slice %arg11[%dma_wait3A_195, %dma_wait3A_196, %dma_wait3A_197, %dma_wait3A_198] : memref<4x2x8x128xf32, #tpu.memory_space<vmem>> -> memref<1x2x8x128xf32, #tpu.memory_space<vmem>>
    %dma_wait3A_200 = tpu.memref_squeeze %dma_wait3A_199 : memref<1x2x8x128xf32, #tpu.memory_space<vmem>> -> memref<2x8x128xf32, #tpu.memory_space<vmem>>
    %dma_wait3A_201 = arith.constant 0 : i32
    %dma_wait3A_202 = arith.constant 0 : i32
    %dma_wait3A_203 = tpu.memref_slice %arg6[%add3A_194, %dma_wait3A_201, %dma_wait3A_202] : memref<8192x8x128xf32, #tpu.memory_space<hbm>> -> memref<2x8x128xf32, #tpu.memory_space<hbm>>
    %dma_wait3A_204 = arith.constant 0 : i32
    %dma_wait3A_205 = arith.constant 0 : i32
    %dma_wait3A_206 = tpu.memref_slice %arg6[%add3A_194, %dma_wait3A_204, %dma_wait3A_205] : memref<8192x8x128xf32, #tpu.memory_space<hbm>> -> memref<2x8x128xf32, #tpu.memory_space<hbm>>
    %dma_wait3A_207 = arith.constant 0 : i32
    %dma_wait3A_208 = arith.constant 0 : i32
    %dma_wait3A_209 = arith.constant 0 : i32
    %dma_wait3A_210 = tpu.memref_slice %arg11[%dma_wait3A_195, %dma_wait3A_207, %dma_wait3A_208, %dma_wait3A_209] : memref<4x2x8x128xf32, #tpu.memory_space<vmem>> -> memref<1x2x8x128xf32, #tpu.memory_space<vmem>>
    %dma_wait3A_211 = tpu.memref_squeeze %dma_wait3A_210 : memref<1x2x8x128xf32, #tpu.memory_space<vmem>> -> memref<2x8x128xf32, #tpu.memory_space<vmem>>
    tpu.wait_dma2 semaphore(%arg23 : memref<!tpu.dma_semaphore, #tpu.memory_space<semaphore_mem>>) src(%dma_wait3A_211 : memref<2x8x128xf32, #tpu.memory_space<vmem>>) dst(%dma_wait3A_206 : memref<2x8x128xf32, #tpu.memory_space<hbm>>)
    return
  }
}

module attributes {stable_mosaic.version = 14 : i64} {
  func.func @_score_topk_body(%arg0: i32, %arg1: memref<256x1024xf32, #tpu.memory_space<vmem>>, %arg2: memref<896x1024xf32, #tpu.memory_space<vmem>>, %arg3: memref<384x1024xf32, #tpu.memory_space<vmem>>, %arg4: memref<1x896xf32, #tpu.memory_space<vmem>>, %arg5: memref<256x4xi32, #tpu.memory_space<vmem>>, %arg6: memref<256x64xf32, #tpu.memory_space<vmem>>, %arg7: memref<256x8x128xf32, #tpu.memory_space<vmem>>) attributes {dimension_semantics = [#tpu.dimension_semantics<arbitrary>], iteration_bounds = array<i64: 32>, scalar_prefetch = 0 : i64, scratch_operands = 0 : i64, tpu.core_type = #tpu.core_type<tc>, window_params = [{transform_indices = @transform_0, window_bounds = array<i64: 256, 1024>}, {pipeline_mode = #tpu.pipeline_mode<synchronous>, transform_indices = @transform_1, window_bounds = array<i64: 896, 1024>}, {pipeline_mode = #tpu.pipeline_mode<synchronous>, transform_indices = @transform_2, window_bounds = array<i64: 384, 1024>}, {pipeline_mode = #tpu.pipeline_mode<synchronous>, transform_indices = @transform_3, window_bounds = array<i64: 1, 896>}, {transform_indices = @transform_4, window_bounds = array<i64: 256, 4>}, {transform_indices = @transform_5, window_bounds = array<i64: 256, 64>}, {transform_indices = @transform_6, window_bounds = array<i64: 256, 8, 128>}]} {
    %get3A = arith.constant 0 : index
    %get3A_0 = arith.constant 0 : index
    %get3A_1 = vector.load %arg1[%get3A, %get3A_0] : memref<256x1024xf32, #tpu.memory_space<vmem>>, vector<256x1024xf32>
    %get3A_2 = arith.constant 0 : index
    %get3A_3 = arith.constant 0 : index
    %get3A_4 = vector.load %arg2[%get3A_2, %get3A_3] : memref<896x1024xf32, #tpu.memory_space<vmem>>, vector<896x1024xf32>
    %dot_general3A = arith.constant dense<0.000000e+00> : vector<256x896xf32>
    %dot_general3A_5 = tpu.matmul %get3A_1, %get3A_4, %dot_general3A {dimension_numbers = #tpu.dot_dimension_numbers<[1], [1], [0], [0], [0, 0, 1, 0], [], []>, transpose_lhs_hint = false} : vector<256x1024xf32>, vector<896x1024xf32>, vector<256x896xf32> -> vector<256x896xf32>
    %mul3A = arith.constant 3.125000e-02 : f32
    %mul3A_6 = vector.broadcast %mul3A : f32 to vector<256x896xf32>
    %mul3A_7 = arith.mulf %dot_general3A_5, %mul3A_6 : vector<256x896xf32>
    %get3A_8 = arith.constant 0 : index
    %get3A_9 = arith.constant 0 : index
    %get3A_10 = vector.load %arg4[%get3A_8, %get3A_9] : memref<1x896xf32, #tpu.memory_space<vmem>>, vector<1x896xf32>
    %add3A = vector.broadcast %get3A_10 : vector<1x896xf32> to vector<256x896xf32>
    %add3A_11 = arith.addf %mul3A_7, %add3A : vector<256x896xf32>
    %slice3A = vector.extract_strided_slice %add3A_11 {offsets = [0, 0], sizes = [256, 512], strides = [1, 1]} : vector<256x896xf32> to vector<256x512xf32>
    %iota3A = tpu.iota {dimensions = array<i32: 1>} : vector<256x512xi32>
    %reduce_max3A = arith.constant dense<0xFF800000> : vector<256xf32>
    %reduce_max3A_12 = vector.multi_reduction <maximumf>, %slice3A, %reduce_max3A [1] : vector<256x512xf32> to vector<256xf32>
    %broadcast_in_dim3A = vector.shape_cast %reduce_max3A_12 : vector<256xf32> to vector<256x1xf32>
    %eq3A = vector.broadcast %broadcast_in_dim3A : vector<256x1xf32> to vector<256x512xf32>
    %eq3A_13 = arith.cmpf oeq, %slice3A, %eq3A : vector<256x512xf32>
    %jit3A = arith.constant 512 : i32
    %broadcast_in_dim3A_14 = vector.broadcast %jit3A : i32 to vector<256x512xi32>
    %select_n3A = arith.select %eq3A_13, %iota3A, %broadcast_in_dim3A_14 : vector<256x512xi1>, vector<256x512xi32>
    %reduce_min3A = arith.constant dense<2147483647> : vector<256xi32>
    %reduce_min3A_15 = vector.multi_reduction <minsi>, %select_n3A, %reduce_min3A [1] : vector<256x512xi32> to vector<256xi32>
    %broadcast_in_dim3A_16 = vector.shape_cast %reduce_min3A_15 : vector<256xi32> to vector<256x1xi32>
    %eq3A_17 = vector.broadcast %broadcast_in_dim3A_16 : vector<256x1xi32> to vector<256x512xi32>
    %eq3A_18 = arith.cmpi eq, %iota3A, %eq3A_17 : vector<256x512xi32>
    %jit3A_19 = arith.constant 0xFF800000 : f32
    %broadcast_in_dim3A_20 = vector.broadcast %jit3A_19 : f32 to vector<256x512xf32>
    %select_n3A_21 = arith.select %eq3A_18, %broadcast_in_dim3A_20, %slice3A : vector<256x512xi1>, vector<256x512xf32>
    %reduce_max3A_22 = arith.constant dense<0xFF800000> : vector<256xf32>
    %reduce_max3A_23 = vector.multi_reduction <maximumf>, %select_n3A_21, %reduce_max3A_22 [1] : vector<256x512xf32> to vector<256xf32>
    %broadcast_in_dim3A_24 = vector.shape_cast %reduce_max3A_23 : vector<256xf32> to vector<256x1xf32>
    %eq3A_25 = vector.broadcast %broadcast_in_dim3A_24 : vector<256x1xf32> to vector<256x512xf32>
    %eq3A_26 = arith.cmpf oeq, %select_n3A_21, %eq3A_25 : vector<256x512xf32>
    %jit3A_27 = arith.constant 512 : i32
    %broadcast_in_dim3A_28 = vector.broadcast %jit3A_27 : i32 to vector<256x512xi32>
    %select_n3A_29 = arith.select %eq3A_26, %iota3A, %broadcast_in_dim3A_28 : vector<256x512xi1>, vector<256x512xi32>
    %reduce_min3A_30 = arith.constant dense<2147483647> : vector<256xi32>
    %reduce_min3A_31 = vector.multi_reduction <minsi>, %select_n3A_29, %reduce_min3A_30 [1] : vector<256x512xi32> to vector<256xi32>
    %broadcast_in_dim3A_32 = vector.shape_cast %reduce_min3A_31 : vector<256xi32> to vector<256x1xi32>
    %eq3A_33 = vector.broadcast %broadcast_in_dim3A_32 : vector<256x1xi32> to vector<256x512xi32>
    %eq3A_34 = arith.cmpi eq, %iota3A, %eq3A_33 : vector<256x512xi32>
    %jit3A_35 = arith.constant 0xFF800000 : f32
    %broadcast_in_dim3A_36 = vector.broadcast %jit3A_35 : f32 to vector<256x512xf32>
    %select_n3A_37 = arith.select %eq3A_34, %broadcast_in_dim3A_36, %select_n3A_21 : vector<256x512xi1>, vector<256x512xf32>
    %reduce_max3A_38 = arith.constant dense<0xFF800000> : vector<256xf32>
    %reduce_max3A_39 = vector.multi_reduction <maximumf>, %select_n3A_37, %reduce_max3A_38 [1] : vector<256x512xf32> to vector<256xf32>
    %broadcast_in_dim3A_40 = vector.shape_cast %reduce_max3A_39 : vector<256xf32> to vector<256x1xf32>
    %eq3A_41 = vector.broadcast %broadcast_in_dim3A_40 : vector<256x1xf32> to vector<256x512xf32>
    %eq3A_42 = arith.cmpf oeq, %select_n3A_37, %eq3A_41 : vector<256x512xf32>
    %jit3A_43 = arith.constant 512 : i32
    %broadcast_in_dim3A_44 = vector.broadcast %jit3A_43 : i32 to vector<256x512xi32>
    %select_n3A_45 = arith.select %eq3A_42, %iota3A, %broadcast_in_dim3A_44 : vector<256x512xi1>, vector<256x512xi32>
    %reduce_min3A_46 = arith.constant dense<2147483647> : vector<256xi32>
    %reduce_min3A_47 = vector.multi_reduction <minsi>, %select_n3A_45, %reduce_min3A_46 [1] : vector<256x512xi32> to vector<256xi32>
    %broadcast_in_dim3A_48 = vector.shape_cast %reduce_min3A_47 : vector<256xi32> to vector<256x1xi32>
    %eq3A_49 = vector.broadcast %broadcast_in_dim3A_48 : vector<256x1xi32> to vector<256x512xi32>
    %eq3A_50 = arith.cmpi eq, %iota3A, %eq3A_49 : vector<256x512xi32>
    %jit3A_51 = arith.constant 0xFF800000 : f32
    %broadcast_in_dim3A_52 = vector.broadcast %jit3A_51 : f32 to vector<256x512xf32>
    %select_n3A_53 = arith.select %eq3A_50, %broadcast_in_dim3A_52, %select_n3A_37 : vector<256x512xi1>, vector<256x512xf32>
    %reduce_max3A_54 = arith.constant dense<0xFF800000> : vector<256xf32>
    %reduce_max3A_55 = vector.multi_reduction <maximumf>, %select_n3A_53, %reduce_max3A_54 [1] : vector<256x512xf32> to vector<256xf32>
    %broadcast_in_dim3A_56 = vector.shape_cast %reduce_max3A_55 : vector<256xf32> to vector<256x1xf32>
    %eq3A_57 = vector.broadcast %broadcast_in_dim3A_56 : vector<256x1xf32> to vector<256x512xf32>
    %eq3A_58 = arith.cmpf oeq, %select_n3A_53, %eq3A_57 : vector<256x512xf32>
    %jit3A_59 = arith.constant 512 : i32
    %broadcast_in_dim3A_60 = vector.broadcast %jit3A_59 : i32 to vector<256x512xi32>
    %select_n3A_61 = arith.select %eq3A_58, %iota3A, %broadcast_in_dim3A_60 : vector<256x512xi1>, vector<256x512xi32>
    %reduce_min3A_62 = arith.constant dense<2147483647> : vector<256xi32>
    %reduce_min3A_63 = vector.multi_reduction <minsi>, %select_n3A_61, %reduce_min3A_62 [1] : vector<256x512xi32> to vector<256xi32>
    %broadcast_in_dim3A_64 = vector.shape_cast %reduce_min3A_63 : vector<256xi32> to vector<256x1xi32>
    %sub3A = arith.subf %broadcast_in_dim3A, %broadcast_in_dim3A : vector<256x1xf32>
    %exp3A = math.exp %sub3A : vector<256x1xf32>
    %sub3A_65 = arith.subf %broadcast_in_dim3A_24, %broadcast_in_dim3A : vector<256x1xf32>
    %exp3A_66 = math.exp %sub3A_65 : vector<256x1xf32>
    %sub3A_67 = arith.subf %broadcast_in_dim3A_40, %broadcast_in_dim3A : vector<256x1xf32>
    %exp3A_68 = math.exp %sub3A_67 : vector<256x1xf32>
    %sub3A_69 = arith.subf %broadcast_in_dim3A_56, %broadcast_in_dim3A : vector<256x1xf32>
    %exp3A_70 = math.exp %sub3A_69 : vector<256x1xf32>
    %add3A_71 = arith.addf %exp3A, %exp3A_66 : vector<256x1xf32>
    %add3A_72 = arith.addf %exp3A_68, %exp3A_70 : vector<256x1xf32>
    %add3A_73 = arith.addf %add3A_71, %add3A_72 : vector<256x1xf32>
    %div3A = arith.constant 0.333333343 : f32
    %div3A_74 = vector.broadcast %div3A : f32 to vector<256x1xf32>
    %div3A_75 = arith.divf %div3A_74, %add3A_73 : vector<256x1xf32>
    %mul3A_76 = arith.mulf %exp3A, %div3A_75 : vector<256x1xf32>
    %mul3A_77 = arith.mulf %exp3A_66, %div3A_75 : vector<256x1xf32>
    %mul3A_78 = arith.mulf %exp3A_68, %div3A_75 : vector<256x1xf32>
    %mul3A_79 = arith.mulf %exp3A_70, %div3A_75 : vector<256x1xf32>
    %add3A_80 = arith.constant 0 : i32
    %add3A_81 = vector.broadcast %add3A_80 : i32 to vector<256x1xi32>
    %add3A_82 = arith.addi %broadcast_in_dim3A_16, %add3A_81 : vector<256x1xi32>
    %add3A_83 = arith.constant 0 : i32
    %add3A_84 = vector.broadcast %add3A_83 : i32 to vector<256x1xi32>
    %add3A_85 = arith.addi %broadcast_in_dim3A_32, %add3A_84 : vector<256x1xi32>
    %add3A_86 = arith.constant 0 : i32
    %add3A_87 = vector.broadcast %add3A_86 : i32 to vector<256x1xi32>
    %add3A_88 = arith.addi %broadcast_in_dim3A_48, %add3A_87 : vector<256x1xi32>
    %add3A_89 = arith.constant 0 : i32
    %add3A_90 = vector.broadcast %add3A_89 : i32 to vector<256x1xi32>
    %add3A_91 = arith.addi %broadcast_in_dim3A_64, %add3A_90 : vector<256x1xi32>
    %slice3A_92 = vector.extract_strided_slice %add3A_11 {offsets = [0, 512], sizes = [256, 256], strides = [1, 1]} : vector<256x896xf32> to vector<256x256xf32>
    %iota3A_93 = tpu.iota {dimensions = array<i32: 1>} : vector<256x256xi32>
    %reduce_max3A_94 = arith.constant dense<0xFF800000> : vector<256xf32>
    %reduce_max3A_95 = vector.multi_reduction <maximumf>, %slice3A_92, %reduce_max3A_94 [1] : vector<256x256xf32> to vector<256xf32>
    %broadcast_in_dim3A_96 = vector.shape_cast %reduce_max3A_95 : vector<256xf32> to vector<256x1xf32>
    %eq3A_97 = vector.broadcast %broadcast_in_dim3A_96 : vector<256x1xf32> to vector<256x256xf32>
    %eq3A_98 = arith.cmpf oeq, %slice3A_92, %eq3A_97 : vector<256x256xf32>
    %jit3A_99 = arith.constant 256 : i32
    %broadcast_in_dim3A_100 = vector.broadcast %jit3A_99 : i32 to vector<256x256xi32>
    %select_n3A_101 = arith.select %eq3A_98, %iota3A_93, %broadcast_in_dim3A_100 : vector<256x256xi1>, vector<256x256xi32>
    %reduce_min3A_102 = arith.constant dense<2147483647> : vector<256xi32>
    %reduce_min3A_103 = vector.multi_reduction <minsi>, %select_n3A_101, %reduce_min3A_102 [1] : vector<256x256xi32> to vector<256xi32>
    %broadcast_in_dim3A_104 = vector.shape_cast %reduce_min3A_103 : vector<256xi32> to vector<256x1xi32>
    %eq3A_105 = vector.broadcast %broadcast_in_dim3A_104 : vector<256x1xi32> to vector<256x256xi32>
    %eq3A_106 = arith.cmpi eq, %iota3A_93, %eq3A_105 : vector<256x256xi32>
    %jit3A_107 = arith.constant 0xFF800000 : f32
    %broadcast_in_dim3A_108 = vector.broadcast %jit3A_107 : f32 to vector<256x256xf32>
    %select_n3A_109 = arith.select %eq3A_106, %broadcast_in_dim3A_108, %slice3A_92 : vector<256x256xi1>, vector<256x256xf32>
    %reduce_max3A_110 = arith.constant dense<0xFF800000> : vector<256xf32>
    %reduce_max3A_111 = vector.multi_reduction <maximumf>, %select_n3A_109, %reduce_max3A_110 [1] : vector<256x256xf32> to vector<256xf32>
    %broadcast_in_dim3A_112 = vector.shape_cast %reduce_max3A_111 : vector<256xf32> to vector<256x1xf32>
    %eq3A_113 = vector.broadcast %broadcast_in_dim3A_112 : vector<256x1xf32> to vector<256x256xf32>
    %eq3A_114 = arith.cmpf oeq, %select_n3A_109, %eq3A_113 : vector<256x256xf32>
    %jit3A_115 = arith.constant 256 : i32
    %broadcast_in_dim3A_116 = vector.broadcast %jit3A_115 : i32 to vector<256x256xi32>
    %select_n3A_117 = arith.select %eq3A_114, %iota3A_93, %broadcast_in_dim3A_116 : vector<256x256xi1>, vector<256x256xi32>
    %reduce_min3A_118 = arith.constant dense<2147483647> : vector<256xi32>
    %reduce_min3A_119 = vector.multi_reduction <minsi>, %select_n3A_117, %reduce_min3A_118 [1] : vector<256x256xi32> to vector<256xi32>
    %broadcast_in_dim3A_120 = vector.shape_cast %reduce_min3A_119 : vector<256xi32> to vector<256x1xi32>
    %eq3A_121 = vector.broadcast %broadcast_in_dim3A_120 : vector<256x1xi32> to vector<256x256xi32>
    %eq3A_122 = arith.cmpi eq, %iota3A_93, %eq3A_121 : vector<256x256xi32>
    %jit3A_123 = arith.constant 0xFF800000 : f32
    %broadcast_in_dim3A_124 = vector.broadcast %jit3A_123 : f32 to vector<256x256xf32>
    %select_n3A_125 = arith.select %eq3A_122, %broadcast_in_dim3A_124, %select_n3A_109 : vector<256x256xi1>, vector<256x256xf32>
    %reduce_max3A_126 = arith.constant dense<0xFF800000> : vector<256xf32>
    %reduce_max3A_127 = vector.multi_reduction <maximumf>, %select_n3A_125, %reduce_max3A_126 [1] : vector<256x256xf32> to vector<256xf32>
    %broadcast_in_dim3A_128 = vector.shape_cast %reduce_max3A_127 : vector<256xf32> to vector<256x1xf32>
    %eq3A_129 = vector.broadcast %broadcast_in_dim3A_128 : vector<256x1xf32> to vector<256x256xf32>
    %eq3A_130 = arith.cmpf oeq, %select_n3A_125, %eq3A_129 : vector<256x256xf32>
    %jit3A_131 = arith.constant 256 : i32
    %broadcast_in_dim3A_132 = vector.broadcast %jit3A_131 : i32 to vector<256x256xi32>
    %select_n3A_133 = arith.select %eq3A_130, %iota3A_93, %broadcast_in_dim3A_132 : vector<256x256xi1>, vector<256x256xi32>
    %reduce_min3A_134 = arith.constant dense<2147483647> : vector<256xi32>
    %reduce_min3A_135 = vector.multi_reduction <minsi>, %select_n3A_133, %reduce_min3A_134 [1] : vector<256x256xi32> to vector<256xi32>
    %broadcast_in_dim3A_136 = vector.shape_cast %reduce_min3A_135 : vector<256xi32> to vector<256x1xi32>
    %eq3A_137 = vector.broadcast %broadcast_in_dim3A_136 : vector<256x1xi32> to vector<256x256xi32>
    %eq3A_138 = arith.cmpi eq, %iota3A_93, %eq3A_137 : vector<256x256xi32>
    %jit3A_139 = arith.constant 0xFF800000 : f32
    %broadcast_in_dim3A_140 = vector.broadcast %jit3A_139 : f32 to vector<256x256xf32>
    %select_n3A_141 = arith.select %eq3A_138, %broadcast_in_dim3A_140, %select_n3A_125 : vector<256x256xi1>, vector<256x256xf32>
    %reduce_max3A_142 = arith.constant dense<0xFF800000> : vector<256xf32>
    %reduce_max3A_143 = vector.multi_reduction <maximumf>, %select_n3A_141, %reduce_max3A_142 [1] : vector<256x256xf32> to vector<256xf32>
    %broadcast_in_dim3A_144 = vector.shape_cast %reduce_max3A_143 : vector<256xf32> to vector<256x1xf32>
    %eq3A_145 = vector.broadcast %broadcast_in_dim3A_144 : vector<256x1xf32> to vector<256x256xf32>
    %eq3A_146 = arith.cmpf oeq, %select_n3A_141, %eq3A_145 : vector<256x256xf32>
    %jit3A_147 = arith.constant 256 : i32
    %broadcast_in_dim3A_148 = vector.broadcast %jit3A_147 : i32 to vector<256x256xi32>
    %select_n3A_149 = arith.select %eq3A_146, %iota3A_93, %broadcast_in_dim3A_148 : vector<256x256xi1>, vector<256x256xi32>
    %reduce_min3A_150 = arith.constant dense<2147483647> : vector<256xi32>
    %reduce_min3A_151 = vector.multi_reduction <minsi>, %select_n3A_149, %reduce_min3A_150 [1] : vector<256x256xi32> to vector<256xi32>
    %broadcast_in_dim3A_152 = vector.shape_cast %reduce_min3A_151 : vector<256xi32> to vector<256x1xi32>
    %sub3A_153 = arith.subf %broadcast_in_dim3A_96, %broadcast_in_dim3A_96 : vector<256x1xf32>
    %exp3A_154 = math.exp %sub3A_153 : vector<256x1xf32>
    %sub3A_155 = arith.subf %broadcast_in_dim3A_112, %broadcast_in_dim3A_96 : vector<256x1xf32>
    %exp3A_156 = math.exp %sub3A_155 : vector<256x1xf32>
    %sub3A_157 = arith.subf %broadcast_in_dim3A_128, %broadcast_in_dim3A_96 : vector<256x1xf32>
    %exp3A_158 = math.exp %sub3A_157 : vector<256x1xf32>
    %sub3A_159 = arith.subf %broadcast_in_dim3A_144, %broadcast_in_dim3A_96 : vector<256x1xf32>
    %exp3A_160 = math.exp %sub3A_159 : vector<256x1xf32>
    %add3A_161 = arith.addf %exp3A_154, %exp3A_156 : vector<256x1xf32>
    %add3A_162 = arith.addf %exp3A_158, %exp3A_160 : vector<256x1xf32>
    %add3A_163 = arith.addf %add3A_161, %add3A_162 : vector<256x1xf32>
    %div3A_164 = arith.constant 0.333333343 : f32
    %div3A_165 = vector.broadcast %div3A_164 : f32 to vector<256x1xf32>
    %div3A_166 = arith.divf %div3A_165, %add3A_163 : vector<256x1xf32>
    %mul3A_167 = arith.mulf %exp3A_154, %div3A_166 : vector<256x1xf32>
    %mul3A_168 = arith.mulf %exp3A_156, %div3A_166 : vector<256x1xf32>
    %mul3A_169 = arith.mulf %exp3A_158, %div3A_166 : vector<256x1xf32>
    %mul3A_170 = arith.mulf %exp3A_160, %div3A_166 : vector<256x1xf32>
    %add3A_171 = arith.constant 512 : i32
    %add3A_172 = vector.broadcast %add3A_171 : i32 to vector<256x1xi32>
    %add3A_173 = arith.addi %broadcast_in_dim3A_104, %add3A_172 : vector<256x1xi32>
    %add3A_174 = arith.constant 512 : i32
    %add3A_175 = vector.broadcast %add3A_174 : i32 to vector<256x1xi32>
    %add3A_176 = arith.addi %broadcast_in_dim3A_120, %add3A_175 : vector<256x1xi32>
    %add3A_177 = arith.constant 512 : i32
    %add3A_178 = vector.broadcast %add3A_177 : i32 to vector<256x1xi32>
    %add3A_179 = arith.addi %broadcast_in_dim3A_136, %add3A_178 : vector<256x1xi32>
    %add3A_180 = arith.constant 512 : i32
    %add3A_181 = vector.broadcast %add3A_180 : i32 to vector<256x1xi32>
    %add3A_182 = arith.addi %broadcast_in_dim3A_152, %add3A_181 : vector<256x1xi32>
    %slice3A_183 = vector.extract_strided_slice %add3A_11 {offsets = [0, 768], sizes = [256, 128], strides = [1, 1]} : vector<256x896xf32> to vector<256x128xf32>
    %iota3A_184 = tpu.iota {dimensions = array<i32: 1>} : vector<256x128xi32>
    %reduce_max3A_185 = arith.constant dense<0xFF800000> : vector<256xf32>
    %reduce_max3A_186 = vector.multi_reduction <maximumf>, %slice3A_183, %reduce_max3A_185 [1] : vector<256x128xf32> to vector<256xf32>
    %broadcast_in_dim3A_187 = vector.shape_cast %reduce_max3A_186 : vector<256xf32> to vector<256x1xf32>
    %eq3A_188 = vector.broadcast %broadcast_in_dim3A_187 : vector<256x1xf32> to vector<256x128xf32>
    %eq3A_189 = arith.cmpf oeq, %slice3A_183, %eq3A_188 : vector<256x128xf32>
    %jit3A_190 = arith.constant 128 : i32
    %broadcast_in_dim3A_191 = vector.broadcast %jit3A_190 : i32 to vector<256x128xi32>
    %select_n3A_192 = arith.select %eq3A_189, %iota3A_184, %broadcast_in_dim3A_191 : vector<256x128xi1>, vector<256x128xi32>
    %reduce_min3A_193 = arith.constant dense<2147483647> : vector<256xi32>
    %reduce_min3A_194 = vector.multi_reduction <minsi>, %select_n3A_192, %reduce_min3A_193 [1] : vector<256x128xi32> to vector<256xi32>
    %broadcast_in_dim3A_195 = vector.shape_cast %reduce_min3A_194 : vector<256xi32> to vector<256x1xi32>
    %eq3A_196 = vector.broadcast %broadcast_in_dim3A_195 : vector<256x1xi32> to vector<256x128xi32>
    %eq3A_197 = arith.cmpi eq, %iota3A_184, %eq3A_196 : vector<256x128xi32>
    %jit3A_198 = arith.constant 0xFF800000 : f32
    %broadcast_in_dim3A_199 = vector.broadcast %jit3A_198 : f32 to vector<256x128xf32>
    %select_n3A_200 = arith.select %eq3A_197, %broadcast_in_dim3A_199, %slice3A_183 : vector<256x128xi1>, vector<256x128xf32>
    %reduce_max3A_201 = arith.constant dense<0xFF800000> : vector<256xf32>
    %reduce_max3A_202 = vector.multi_reduction <maximumf>, %select_n3A_200, %reduce_max3A_201 [1] : vector<256x128xf32> to vector<256xf32>
    %broadcast_in_dim3A_203 = vector.shape_cast %reduce_max3A_202 : vector<256xf32> to vector<256x1xf32>
    %eq3A_204 = vector.broadcast %broadcast_in_dim3A_203 : vector<256x1xf32> to vector<256x128xf32>
    %eq3A_205 = arith.cmpf oeq, %select_n3A_200, %eq3A_204 : vector<256x128xf32>
    %jit3A_206 = arith.constant 128 : i32
    %broadcast_in_dim3A_207 = vector.broadcast %jit3A_206 : i32 to vector<256x128xi32>
    %select_n3A_208 = arith.select %eq3A_205, %iota3A_184, %broadcast_in_dim3A_207 : vector<256x128xi1>, vector<256x128xi32>
    %reduce_min3A_209 = arith.constant dense<2147483647> : vector<256xi32>
    %reduce_min3A_210 = vector.multi_reduction <minsi>, %select_n3A_208, %reduce_min3A_209 [1] : vector<256x128xi32> to vector<256xi32>
    %broadcast_in_dim3A_211 = vector.shape_cast %reduce_min3A_210 : vector<256xi32> to vector<256x1xi32>
    %eq3A_212 = vector.broadcast %broadcast_in_dim3A_211 : vector<256x1xi32> to vector<256x128xi32>
    %eq3A_213 = arith.cmpi eq, %iota3A_184, %eq3A_212 : vector<256x128xi32>
    %jit3A_214 = arith.constant 0xFF800000 : f32
    %broadcast_in_dim3A_215 = vector.broadcast %jit3A_214 : f32 to vector<256x128xf32>
    %select_n3A_216 = arith.select %eq3A_213, %broadcast_in_dim3A_215, %select_n3A_200 : vector<256x128xi1>, vector<256x128xf32>
    %reduce_max3A_217 = arith.constant dense<0xFF800000> : vector<256xf32>
    %reduce_max3A_218 = vector.multi_reduction <maximumf>, %select_n3A_216, %reduce_max3A_217 [1] : vector<256x128xf32> to vector<256xf32>
    %broadcast_in_dim3A_219 = vector.shape_cast %reduce_max3A_218 : vector<256xf32> to vector<256x1xf32>
    %eq3A_220 = vector.broadcast %broadcast_in_dim3A_219 : vector<256x1xf32> to vector<256x128xf32>
    %eq3A_221 = arith.cmpf oeq, %select_n3A_216, %eq3A_220 : vector<256x128xf32>
    %jit3A_222 = arith.constant 128 : i32
    %broadcast_in_dim3A_223 = vector.broadcast %jit3A_222 : i32 to vector<256x128xi32>
    %select_n3A_224 = arith.select %eq3A_221, %iota3A_184, %broadcast_in_dim3A_223 : vector<256x128xi1>, vector<256x128xi32>
    %reduce_min3A_225 = arith.constant dense<2147483647> : vector<256xi32>
    %reduce_min3A_226 = vector.multi_reduction <minsi>, %select_n3A_224, %reduce_min3A_225 [1] : vector<256x128xi32> to vector<256xi32>
    %broadcast_in_dim3A_227 = vector.shape_cast %reduce_min3A_226 : vector<256xi32> to vector<256x1xi32>
    %eq3A_228 = vector.broadcast %broadcast_in_dim3A_227 : vector<256x1xi32> to vector<256x128xi32>
    %eq3A_229 = arith.cmpi eq, %iota3A_184, %eq3A_228 : vector<256x128xi32>
    %jit3A_230 = arith.constant 0xFF800000 : f32
    %broadcast_in_dim3A_231 = vector.broadcast %jit3A_230 : f32 to vector<256x128xf32>
    %select_n3A_232 = arith.select %eq3A_229, %broadcast_in_dim3A_231, %select_n3A_216 : vector<256x128xi1>, vector<256x128xf32>
    %reduce_max3A_233 = arith.constant dense<0xFF800000> : vector<256xf32>
    %reduce_max3A_234 = vector.multi_reduction <maximumf>, %select_n3A_232, %reduce_max3A_233 [1] : vector<256x128xf32> to vector<256xf32>
    %broadcast_in_dim3A_235 = vector.shape_cast %reduce_max3A_234 : vector<256xf32> to vector<256x1xf32>
    %eq3A_236 = vector.broadcast %broadcast_in_dim3A_235 : vector<256x1xf32> to vector<256x128xf32>
    %eq3A_237 = arith.cmpf oeq, %select_n3A_232, %eq3A_236 : vector<256x128xf32>
    %jit3A_238 = arith.constant 128 : i32
    %broadcast_in_dim3A_239 = vector.broadcast %jit3A_238 : i32 to vector<256x128xi32>
    %select_n3A_240 = arith.select %eq3A_237, %iota3A_184, %broadcast_in_dim3A_239 : vector<256x128xi1>, vector<256x128xi32>
    %reduce_min3A_241 = arith.constant dense<2147483647> : vector<256xi32>
    %reduce_min3A_242 = vector.multi_reduction <minsi>, %select_n3A_240, %reduce_min3A_241 [1] : vector<256x128xi32> to vector<256xi32>
    %broadcast_in_dim3A_243 = vector.shape_cast %reduce_min3A_242 : vector<256xi32> to vector<256x1xi32>
    %sub3A_244 = arith.subf %broadcast_in_dim3A_187, %broadcast_in_dim3A_187 : vector<256x1xf32>
    %exp3A_245 = math.exp %sub3A_244 : vector<256x1xf32>
    %sub3A_246 = arith.subf %broadcast_in_dim3A_203, %broadcast_in_dim3A_187 : vector<256x1xf32>
    %exp3A_247 = math.exp %sub3A_246 : vector<256x1xf32>
    %sub3A_248 = arith.subf %broadcast_in_dim3A_219, %broadcast_in_dim3A_187 : vector<256x1xf32>
    %exp3A_249 = math.exp %sub3A_248 : vector<256x1xf32>
    %sub3A_250 = arith.subf %broadcast_in_dim3A_235, %broadcast_in_dim3A_187 : vector<256x1xf32>
    %exp3A_251 = math.exp %sub3A_250 : vector<256x1xf32>
    %add3A_252 = arith.addf %exp3A_245, %exp3A_247 : vector<256x1xf32>
    %add3A_253 = arith.addf %exp3A_249, %exp3A_251 : vector<256x1xf32>
    %add3A_254 = arith.addf %add3A_252, %add3A_253 : vector<256x1xf32>
    %div3A_255 = arith.constant 0.333333343 : f32
    %div3A_256 = vector.broadcast %div3A_255 : f32 to vector<256x1xf32>
    %div3A_257 = arith.divf %div3A_256, %add3A_254 : vector<256x1xf32>
    %mul3A_258 = arith.mulf %exp3A_245, %div3A_257 : vector<256x1xf32>
    %mul3A_259 = arith.mulf %exp3A_247, %div3A_257 : vector<256x1xf32>
    %mul3A_260 = arith.mulf %exp3A_249, %div3A_257 : vector<256x1xf32>
    %mul3A_261 = arith.mulf %exp3A_251, %div3A_257 : vector<256x1xf32>
    %add3A_262 = arith.constant 768 : i32
    %add3A_263 = vector.broadcast %add3A_262 : i32 to vector<256x1xi32>
    %add3A_264 = arith.addi %broadcast_in_dim3A_195, %add3A_263 : vector<256x1xi32>
    %add3A_265 = arith.constant 768 : i32
    %add3A_266 = vector.broadcast %add3A_265 : i32 to vector<256x1xi32>
    %add3A_267 = arith.addi %broadcast_in_dim3A_211, %add3A_266 : vector<256x1xi32>
    %add3A_268 = arith.constant 768 : i32
    %add3A_269 = vector.broadcast %add3A_268 : i32 to vector<256x1xi32>
    %add3A_270 = arith.addi %broadcast_in_dim3A_227, %add3A_269 : vector<256x1xi32>
    %add3A_271 = arith.constant 768 : i32
    %add3A_272 = vector.broadcast %add3A_271 : i32 to vector<256x1xi32>
    %add3A_273 = arith.addi %broadcast_in_dim3A_243, %add3A_272 : vector<256x1xi32>
    %iota3A_274 = tpu.iota {dimensions = array<i32: 1>} : vector<256x64xi32>
    %jit3A_275 = arith.constant 16 : i32
    %div3A_276 = vector.broadcast %jit3A_275 : i32 to vector<256x64xi32>
    %div3A_277 = arith.divsi %iota3A_274, %div3A_276 : vector<256x64xi32>
    %sign3A = arith.constant 0 : i32
    %sign3A_278 = vector.broadcast %sign3A : i32 to vector<256x64xi32>
    %sign3A_279 = arith.cmpi sgt, %iota3A_274, %sign3A_278 : vector<256x64xi32>
    %sign3A_280 = arith.extui %sign3A_279 : vector<256x64xi1> to vector<256x64xi32>
    %sign3A_281 = arith.constant 0 : i32
    %sign3A_282 = vector.broadcast %sign3A_281 : i32 to vector<256x64xi32>
    %sign3A_283 = arith.cmpi slt, %iota3A_274, %sign3A_282 : vector<256x64xi32>
    %sign3A_284 = arith.extui %sign3A_283 : vector<256x64xi1> to vector<256x64xi32>
    %sign3A_285 = arith.subi %sign3A_280, %sign3A_284 : vector<256x64xi32>
    %sign3A_286 = arith.constant 0 : i32
    %sign3A_287 = arith.cmpi sgt, %jit3A_275, %sign3A_286 : i32
    %sign3A_288 = arith.extui %sign3A_287 : i1 to i32
    %sign3A_289 = arith.constant 0 : i32
    %sign3A_290 = arith.cmpi slt, %jit3A_275, %sign3A_289 : i32
    %sign3A_291 = arith.extui %sign3A_290 : i1 to i32
    %sign3A_292 = arith.subi %sign3A_288, %sign3A_291 : i32
    %ne3A = vector.broadcast %sign3A_292 : i32 to vector<256x64xi32>
    %ne3A_293 = arith.cmpi ne, %sign3A_285, %ne3A : vector<256x64xi32>
    %rem3A = vector.broadcast %jit3A_275 : i32 to vector<256x64xi32>
    %rem3A_294 = arith.remsi %iota3A_274, %rem3A : vector<256x64xi32>
    %ne3A_295 = arith.constant 0 : i32
    %ne3A_296 = vector.broadcast %ne3A_295 : i32 to vector<256x64xi32>
    %ne3A_297 = arith.cmpi ne, %rem3A_294, %ne3A_296 : vector<256x64xi32>
    %and3A = arith.andi %ne3A_293, %ne3A_297 : vector<256x64xi1>
    %sub3A_298 = arith.constant 1 : i32
    %sub3A_299 = vector.broadcast %sub3A_298 : i32 to vector<256x64xi32>
    %sub3A_300 = arith.subi %div3A_277, %sub3A_299 : vector<256x64xi32>
    %select_n3A_301 = arith.select %and3A, %sub3A_300, %div3A_277 : vector<256x64xi1>, vector<256x64xi32>
    %broadcast_in_dim3A_302 = arith.constant 0.000000e+00 : f32
    %broadcast_in_dim3A_303 = vector.broadcast %broadcast_in_dim3A_302 : f32 to vector<256x64xf32>
    %eq3A_304 = arith.constant 0 : i32
    %eq3A_305 = vector.broadcast %eq3A_304 : i32 to vector<256x64xi32>
    %eq3A_306 = arith.cmpi eq, %select_n3A_301, %eq3A_305 : vector<256x64xi32>
    %broadcast_in_dim3A_307 = vector.shape_cast %mul3A_76 : vector<256x1xf32> to vector<256x1xf32>
    %broadcast_in_dim3A_308 = vector.broadcast %broadcast_in_dim3A_307 : vector<256x1xf32> to vector<256x64xf32>
    %select_n3A_309 = arith.select %eq3A_306, %broadcast_in_dim3A_308, %broadcast_in_dim3A_303 : vector<256x64xi1>, vector<256x64xf32>
    %eq3A_310 = arith.constant 1 : i32
    %eq3A_311 = vector.broadcast %eq3A_310 : i32 to vector<256x64xi32>
    %eq3A_312 = arith.cmpi eq, %select_n3A_301, %eq3A_311 : vector<256x64xi32>
    %broadcast_in_dim3A_313 = vector.shape_cast %mul3A_77 : vector<256x1xf32> to vector<256x1xf32>
    %broadcast_in_dim3A_314 = vector.broadcast %broadcast_in_dim3A_313 : vector<256x1xf32> to vector<256x64xf32>
    %select_n3A_315 = arith.select %eq3A_312, %broadcast_in_dim3A_314, %select_n3A_309 : vector<256x64xi1>, vector<256x64xf32>
    %eq3A_316 = arith.constant 2 : i32
    %eq3A_317 = vector.broadcast %eq3A_316 : i32 to vector<256x64xi32>
    %eq3A_318 = arith.cmpi eq, %select_n3A_301, %eq3A_317 : vector<256x64xi32>
    %broadcast_in_dim3A_319 = vector.shape_cast %mul3A_78 : vector<256x1xf32> to vector<256x1xf32>
    %broadcast_in_dim3A_320 = vector.broadcast %broadcast_in_dim3A_319 : vector<256x1xf32> to vector<256x64xf32>
    %select_n3A_321 = arith.select %eq3A_318, %broadcast_in_dim3A_320, %select_n3A_315 : vector<256x64xi1>, vector<256x64xf32>
    %eq3A_322 = arith.constant 3 : i32
    %eq3A_323 = vector.broadcast %eq3A_322 : i32 to vector<256x64xi32>
    %eq3A_324 = arith.cmpi eq, %select_n3A_301, %eq3A_323 : vector<256x64xi32>
    %broadcast_in_dim3A_325 = vector.shape_cast %mul3A_79 : vector<256x1xf32> to vector<256x1xf32>
    %broadcast_in_dim3A_326 = vector.broadcast %broadcast_in_dim3A_325 : vector<256x1xf32> to vector<256x64xf32>
    %select_n3A_327 = arith.select %eq3A_324, %broadcast_in_dim3A_326, %select_n3A_321 : vector<256x64xi1>, vector<256x64xf32>
    %swap3A = arith.constant 0 : index
    %swap3A_328 = arith.constant 0 : index
    %swap3A_329 = vector.load %arg6[%swap3A, %swap3A_328] : memref<256x64xf32, #tpu.memory_space<vmem>>, vector<256x64xf32>
    tpu.vector_store %arg6[%swap3A, %swap3A_328], %select_n3A_327 {strides = array<i32>} : memref<256x64xf32, #tpu.memory_space<vmem>>, vector<256x64xf32>,
    %concatenate3A = tpu.concatenate %add3A_82, %add3A_85, %add3A_88, %add3A_91 in 1 : vector<256x1xi32>, vector<256x1xi32>, vector<256x1xi32>, vector<256x1xi32> -> vector<256x4xi32>
    %swap3A_330 = arith.constant 0 : index
    %swap3A_331 = arith.constant 0 : index
    %swap3A_332 = vector.load %arg5[%swap3A_330, %swap3A_331] : memref<256x4xi32, #tpu.memory_space<vmem>>, vector<256x4xi32>
    tpu.vector_store %arg5[%swap3A_330, %swap3A_331], %concatenate3A {strides = array<i32>} : memref<256x4xi32, #tpu.memory_space<vmem>>, vector<256x4xi32>,
    %iota3A_333 = tpu.iota {dimensions = array<i32: 1>} : vector<256x384xi32>
    %add3A_334 = arith.constant 512 : i32
    %add3A_335 = vector.broadcast %add3A_334 : i32 to vector<256x384xi32>
    %add3A_336 = arith.addi %iota3A_333, %add3A_335 : vector<256x384xi32>
    %broadcast_in_dim3A_337 = arith.constant 0.000000e+00 : f32
    %broadcast_in_dim3A_338 = vector.broadcast %broadcast_in_dim3A_337 : f32 to vector<256x384xf32>
    %eq3A_339 = vector.broadcast %add3A_173 : vector<256x1xi32> to vector<256x384xi32>
    %eq3A_340 = arith.cmpi eq, %add3A_336, %eq3A_339 : vector<256x384xi32>
    %broadcast_in_dim3A_341 = vector.shape_cast %mul3A_167 : vector<256x1xf32> to vector<256x1xf32>
    %broadcast_in_dim3A_342 = vector.broadcast %broadcast_in_dim3A_341 : vector<256x1xf32> to vector<256x384xf32>
    %select_n3A_343 = arith.select %eq3A_340, %broadcast_in_dim3A_342, %broadcast_in_dim3A_338 : vector<256x384xi1>, vector<256x384xf32>
    %eq3A_344 = vector.broadcast %add3A_176 : vector<256x1xi32> to vector<256x384xi32>
    %eq3A_345 = arith.cmpi eq, %add3A_336, %eq3A_344 : vector<256x384xi32>
    %broadcast_in_dim3A_346 = vector.shape_cast %mul3A_168 : vector<256x1xf32> to vector<256x1xf32>
    %broadcast_in_dim3A_347 = vector.broadcast %broadcast_in_dim3A_346 : vector<256x1xf32> to vector<256x384xf32>
    %select_n3A_348 = arith.select %eq3A_345, %broadcast_in_dim3A_347, %select_n3A_343 : vector<256x384xi1>, vector<256x384xf32>
    %eq3A_349 = vector.broadcast %add3A_179 : vector<256x1xi32> to vector<256x384xi32>
    %eq3A_350 = arith.cmpi eq, %add3A_336, %eq3A_349 : vector<256x384xi32>
    %broadcast_in_dim3A_351 = vector.shape_cast %mul3A_169 : vector<256x1xf32> to vector<256x1xf32>
    %broadcast_in_dim3A_352 = vector.broadcast %broadcast_in_dim3A_351 : vector<256x1xf32> to vector<256x384xf32>
    %select_n3A_353 = arith.select %eq3A_350, %broadcast_in_dim3A_352, %select_n3A_348 : vector<256x384xi1>, vector<256x384xf32>
    %eq3A_354 = vector.broadcast %add3A_182 : vector<256x1xi32> to vector<256x384xi32>
    %eq3A_355 = arith.cmpi eq, %add3A_336, %eq3A_354 : vector<256x384xi32>
    %broadcast_in_dim3A_356 = vector.shape_cast %mul3A_170 : vector<256x1xf32> to vector<256x1xf32>
    %broadcast_in_dim3A_357 = vector.broadcast %broadcast_in_dim3A_356 : vector<256x1xf32> to vector<256x384xf32>
    %select_n3A_358 = arith.select %eq3A_355, %broadcast_in_dim3A_357, %select_n3A_353 : vector<256x384xi1>, vector<256x384xf32>
    %eq3A_359 = vector.broadcast %add3A_264 : vector<256x1xi32> to vector<256x384xi32>
    %eq3A_360 = arith.cmpi eq, %add3A_336, %eq3A_359 : vector<256x384xi32>
    %broadcast_in_dim3A_361 = vector.shape_cast %mul3A_258 : vector<256x1xf32> to vector<256x1xf32>
    %broadcast_in_dim3A_362 = vector.broadcast %broadcast_in_dim3A_361 : vector<256x1xf32> to vector<256x384xf32>
    %select_n3A_363 = arith.select %eq3A_360, %broadcast_in_dim3A_362, %select_n3A_358 : vector<256x384xi1>, vector<256x384xf32>
    %eq3A_364 = vector.broadcast %add3A_267 : vector<256x1xi32> to vector<256x384xi32>
    %eq3A_365 = arith.cmpi eq, %add3A_336, %eq3A_364 : vector<256x384xi32>
    %broadcast_in_dim3A_366 = vector.shape_cast %mul3A_259 : vector<256x1xf32> to vector<256x1xf32>
    %broadcast_in_dim3A_367 = vector.broadcast %broadcast_in_dim3A_366 : vector<256x1xf32> to vector<256x384xf32>
    %select_n3A_368 = arith.select %eq3A_365, %broadcast_in_dim3A_367, %select_n3A_363 : vector<256x384xi1>, vector<256x384xf32>
    %eq3A_369 = vector.broadcast %add3A_270 : vector<256x1xi32> to vector<256x384xi32>
    %eq3A_370 = arith.cmpi eq, %add3A_336, %eq3A_369 : vector<256x384xi32>
    %broadcast_in_dim3A_371 = vector.shape_cast %mul3A_260 : vector<256x1xf32> to vector<256x1xf32>
    %broadcast_in_dim3A_372 = vector.broadcast %broadcast_in_dim3A_371 : vector<256x1xf32> to vector<256x384xf32>
    %select_n3A_373 = arith.select %eq3A_370, %broadcast_in_dim3A_372, %select_n3A_368 : vector<256x384xi1>, vector<256x384xf32>
    %eq3A_374 = vector.broadcast %add3A_273 : vector<256x1xi32> to vector<256x384xi32>
    %eq3A_375 = arith.cmpi eq, %add3A_336, %eq3A_374 : vector<256x384xi32>
    %broadcast_in_dim3A_376 = vector.shape_cast %mul3A_261 : vector<256x1xf32> to vector<256x1xf32>
    %broadcast_in_dim3A_377 = vector.broadcast %broadcast_in_dim3A_376 : vector<256x1xf32> to vector<256x384xf32>
    %select_n3A_378 = arith.select %eq3A_375, %broadcast_in_dim3A_377, %select_n3A_373 : vector<256x384xi1>, vector<256x384xf32>
    %get3A_379 = arith.constant 0 : index
    %get3A_380 = arith.constant 0 : index
    %get3A_381 = vector.load %arg3[%get3A_379, %get3A_380] : memref<384x1024xf32, #tpu.memory_space<vmem>>, vector<384x1024xf32>
    %dot_general3A_382 = arith.constant dense<0.000000e+00> : vector<256x1024xf32>
    %dot_general3A_383 = tpu.matmul %select_n3A_378, %get3A_381, %dot_general3A_382 {dimension_numbers = #tpu.dot_dimension_numbers<[1], [0], [0], [1], [0, 0, 1, 1], [], []>, transpose_lhs_hint = false} : vector<256x384xf32>, vector<384x1024xf32>, vector<256x1024xf32> -> vector<256x1024xf32>
    %reshape3A = vector.shape_cast %dot_general3A_383 : vector<256x1024xf32> to vector<256x8x128xf32>
    %swap3A_384 = arith.constant 0 : index
    %swap3A_385 = arith.constant 0 : index
    %swap3A_386 = arith.constant 0 : index
    %swap3A_387 = vector.load %arg7[%swap3A_384, %swap3A_385, %swap3A_386] : memref<256x8x128xf32, #tpu.memory_space<vmem>>, vector<256x8x128xf32>
    tpu.vector_store %arg7[%swap3A_384, %swap3A_385, %swap3A_386], %reshape3A {strides = array<i32>} : memref<256x8x128xf32, #tpu.memory_space<vmem>>, vector<256x8x128xf32>,
    return
  }
  func.func @transform_0(%arg0: i32) -> (i32, i32) {
    %c0_i32 = arith.constant 0 : i32
    %c0_i32_0 = arith.constant 0 : i32
    return %arg0, %c0_i32 : i32, i32
  }
  func.func @transform_1(%arg0: i32) -> (i32, i32) {
    %c0_i32 = arith.constant 0 : i32
    %c0_i32_0 = arith.constant 0 : i32
    %c0_i32_1 = arith.constant 0 : i32
    return %c0_i32, %c0_i32_0 : i32, i32
  }
  func.func @transform_2(%arg0: i32) -> (i32, i32) {
    %c0_i32 = arith.constant 0 : i32
    %c0_i32_0 = arith.constant 0 : i32
    %c0_i32_1 = arith.constant 0 : i32
    return %c0_i32, %c0_i32_0 : i32, i32
  }
  func.func @transform_3(%arg0: i32) -> (i32, i32) {
    %c0_i32 = arith.constant 0 : i32
    %c0_i32_0 = arith.constant 0 : i32
    %c0_i32_1 = arith.constant 0 : i32
    return %c0_i32, %c0_i32_0 : i32, i32
  }
  func.func @transform_4(%arg0: i32) -> (i32, i32) {
    %c0_i32 = arith.constant 0 : i32
    %c0_i32_0 = arith.constant 0 : i32
    return %arg0, %c0_i32 : i32, i32
  }
  func.func @transform_5(%arg0: i32) -> (i32, i32) {
    %c0_i32 = arith.constant 0 : i32
    %c0_i32_0 = arith.constant 0 : i32
    return %arg0, %c0_i32 : i32, i32
  }
  func.func @transform_6(%arg0: i32) -> (i32, i32, i32) {
    %c0_i32 = arith.constant 0 : i32
    %c0_i32_0 = arith.constant 0 : i32
    %c0_i32_1 = arith.constant 0 : i32
    return %arg0, %c0_i32, %c0_i32_0 : i32, i32, i32
  }
}

</mosaic_0001>

<sc_bundles>
// kernel: kernel.4.cloned.1.call-start
scs
__scs_entry_jumppad:
0x0: {  	(pc) =	sbr.rel $0x88, $3  }
0x1: {  	(tag) =	ssettag $0x0;
	lr =	simm.s32 $0x1  }
0x2: {  	[smem:$0x3F97] =	sst lr;
	_ =	strace $0xD0000000  }
0x3: {  	_ = 	snop  }
0x4: {  	_ = 	snop  }
0x5: {  	_ = 	snop  }
0x6: {  	_ = 	snop  }
0x7: {  	_ = 	snop  }
__scs_overlays_trampoline_lowered:
0x8: {  	[smem:$0x3FA6] =	sst s0  }
0x9: {  	[smem:$0x3FA7] =	sst s1  }
0xa: {  	[smem:$0x3FA8] =	sst s2  }
0xb: {  	[smem:$0x3FA9] =	sst s3  }
0xc: {  	[smem:$0x3FAA] =	sst s4  }
0xd: {  	[smem:$0x3FAB] =	sst s5  }
0xe: {  	[smem:$0x3FAC] =	sst s6  }
0xf: {  	[smem:$0x3FAD] =	sst s7  }
0x10: {  	[smem:$0x3FAE] =	sst s8  }
0x11: {  	[smem:$0x3FAF] =	sst s9;
	s0 =	simm.s32 @!p0 $0x0  }
0x12: {  	s1 =	sld [smem:$0x3F95];
	s0 =	simm.s32 @p0 $0x1  }
0x13: {  	[smem:$0x3FB0] =	sst s0;
	s0 =	simm.s32 @!p1 $0x0  }
0x14: {  	s2 =	sld [smem:$0x3F94];
	s0 =	simm.s32 @p1 $0x1  }
0x15: {  	[smem:$0x3FB1] =	sst s0;
	s0 =	simm.s32 @!p2 $0x0  }
0x16: {  	s3 =	sld [smem:$0x3FDB];
	s0 =	simm.s32 @p2 $0x1  }
0x17: {  	s4 =	simm.s32 $0x1BF5;
	[smem:$0x3FB3] =	sst s0  }
0x18: {  	s0 =	sld [smem:$0x3F96];
	_ =	swait.ge [sflag:s4], $0x0  }
0x19: {  	s7 =	sld [smem:$0x3F97]  }
0x1a: {  	s8 =	sadd.s32 $0xFFFFE003, lr  }
0x1b: {  	s9 =	sadd.s32 $0xFFFFFEF7, lr;
	s5 =	simm.s32 $0xFFFFFFFF;
	p2 =	slt.u32 s8, $0xFFFFF086  }
0x1c: {  	p1 =	slt.u32 s9, $0xF7A;
	s5 =	simm.s32 @!p2 $0x0  }
0x1d: {  	s5 =	simm.s32 @p1 $0x1;
	p0 =	seq.s32 s7, s2  }
0x1e: {  	s7 =	smul.u32 @!p0 $0xF7A, s2;
	p2 =	seq.s32 @!p0 s5, $0x0  }
0x1f: {  	s9 =	smul.u32 $0xF7A, s1;
	s8 =	simm.s32 @!p0 $0x1BF5;
	p2 =	por !p2, p0  }
0x20: {  	[sflag:s8] =	ssyncset.s32 @!p0 $0xFFFFF086;
	s6 =	sadd.s32 @!p0 s3, s7;
	s7 =	simm.s32 @!p0 $0x108  }
0x21: {  	s3 =	sadd.s32 s3, s9;
	s6 =	sadd.s32 @!p0 $0x88, s6;
	s7 =	simm.s32 @p2 $0x1082  }
0x22: {  	[simem:s7], [sflag:s8] =	dma.local @!p0 [hbm:s6], $0xF7A  }
0x23: {  	s9 =	sor.u32 $0xD0000000, s2;
	s6 =	simm.s32 $0x108;
	_ =	swait.ge @!p0 [sflag:s8], $0x0  }
0x24: {  	s3 =	sadd.s32 $0x88, s3;
	s6 =	simm.s32 @!p1 $0x1082;
	[sflag:s4] =	ssyncset.s32 $0xFFFFF086  }
0x25: {  	[simem:s6], [sflag:s4] =	dma.local [hbm:s3], $0xF7A  }
0x26: {  	[smem:$0x3F97] =	sst s1;
	(tag) =	ssettag s2;
	_ =	strace s9  }
0x27: {  	s1 =	sld [smem:$0x3FA7]  }
0x28: {  	s2 =	sld [smem:$0x3FA8]  }
0x29: {  	s4 =	sld [smem:$0x3FAA]  }
0x2a: {  	p0 =	seq.s32 s5, $0x0;
	s5 =	sld [smem:$0x3FAB]  }
0x2b: {  	s6 =	sld [smem:$0x3FAC]  }
0x2c: {  	s7 =	sld [smem:$0x3FAD]  }
0x2d: {  	s3 =	simm.s32 $0x108;
	s8 =	sld [smem:$0x3FAE]  }
0x2e: {  	s3 =	simm.s32 @!p0 $0x1082;
	s9 =	sld [smem:$0x3FAF]  }
0x2f: {  	lr =	sadd.s32 s0, s3;
	s0 =	sld [smem:$0x3FA6]  }
0x30: {  	s3 =	sld [smem:$0x3FA9]  }
0x31: {  	[smem:$0x3FB2] =	sst s10  }
0x32: {  	s10 =	sld [smem:$0x3FB0];
	_ =	sdelay $0x3  }
0x33: {  	p0 =	seq.s32 s10, $0x1;
	s10 =	sld [smem:$0x3FB2];
	_ =	sdelay $0x3  }
0x34: {  	[smem:$0x3FB2] =	sst s10  }
0x35: {  	s10 =	sld [smem:$0x3FB1];
	_ =	sdelay $0x3  }
0x36: {  	p1 =	seq.s32 s10, $0x1;
	s10 =	sld [smem:$0x3FB2];
	_ =	sdelay $0x3  }
0x37: {  	[smem:$0x3FB2] =	sst s10  }
0x38: {  	s10 =	sld [smem:$0x3FB3]  }
0x39: {  	_ = 	snop;
	(pc) =	sbr.ind lr, $3  }
0x3a: {  	_ = 	snop  }
0x3b: {  	_ = 	snop  }
0x3c: {  	p2 =	seq.s32 s10, $0x1;
	s10 =	sld [smem:$0x3FB2]  }
0x3d: {  	_ =	shalt  }
0x3e: {  	_ =	shalt  }
0x3f: {  	_ =	shalt  }
0x40: {  	_ =	shalt  }
0x41: {  	_ =	shalt  }
0x42: {  	_ =	shalt  }
0x43: {  	_ =	shalt  }
0x44: {  	_ =	shalt  }
0x45: {  	_ =	shalt  }
0x46: {  	_ =	shalt  }
0x47: {  	_ =	shalt  }
0x48: {  	_ =	shalt  }
0x49: {  	_ =	shalt  }
0x4a: {  	_ =	shalt  }
0x4b: {  	_ =	shalt  }
0x4c: {  	_ =	shalt  }
0x4d: {  	_ =	shalt  }
0x4e: {  	_ =	shalt  }
0x4f: {  	_ =	shalt  }
0x50: {  	_ =	shalt  }
0x51: {  	_ =	shalt  }
0x52: {  	_ =	shalt  }
0x53: {  	_ =	shalt  }
0x54: {  	_ =	shalt  }
0x55: {  	_ =	shalt  }
0x56: {  	_ =	shalt  }
0x57: {  	_ =	shalt  }
0x58: {  	_ =	shalt  }
0x59: {  	_ =	shalt  }
0x5a: {  	_ =	shalt  }
0x5b: {  	_ =	shalt  }
0x5c: {  	_ =	shalt  }
0x5d: {  	_ =	shalt  }
0x5e: {  	_ =	shalt  }
0x5f: {  	_ =	shalt  }
0x60: {  	_ =	shalt  }
0x61: {  	_ =	shalt  }
0x62: {  	_ =	shalt  }
0x63: {  	_ =	shalt  }
0x64: {  	_ =	shalt  }
0x65: {  	_ =	shalt  }
0x66: {  	_ =	shalt  }
0x67: {  	_ =	shalt  }
0x68: {  	_ =	shalt  }
0x69: {  	_ =	shalt  }
0x6a: {  	_ =	shalt  }
0x6b: {  	_ =	shalt  }
0x6c: {  	_ =	shalt  }
0x6d: {  	_ =	shalt  }
0x6e: {  	_ =	shalt  }
0x6f: {  	_ =	shalt  }
0x70: {  	_ =	shalt  }
0x71: {  	_ =	shalt  }
0x72: {  	_ =	shalt  }
0x73: {  	_ =	shalt  }
0x74: {  	_ =	shalt  }
0x75: {  	_ =	shalt  }
0x76: {  	_ =	shalt  }
0x77: {  	_ =	shalt  }
0x78: {  	_ =	shalt  }
0x79: {  	_ =	shalt  }
0x7a: {  	_ =	shalt  }
0x7b: {  	_ =	shalt  }
0x7c: {  	_ =	shalt  }
0x7d: {  	_ =	shalt  }
0x7e: {  	_ =	shalt  }
0x7f: {  	_ =	shalt  }
0x80: {  	_ =	shalt  }
0x81: {  	_ =	shalt  }
0x82: {  	_ =	shalt  }
0x83: {  	_ =	shalt  }
0x84: {  	_ =	shalt  }
0x85: {  	_ =	shalt  }
0x86: {  	_ =	shalt  }
0x87: {  	_ =	shalt  }
.Lfunc_end0:
.L_simem_size_0:
called_computation_lowered:
.L_overlay_start_0:
0x88: {  	s2 =	sld [smem:$0x3FD9]  }
0x89: {  	s3 =	sld [smem:$0x3FFE];
	_ =	sdelay $0x1  }
0x8a: {  	s1 =	srdreg.scid  }
0x8b: {  	s0 =	sand.u32 $0x1, s1  }
0x8c: {  	s17 =	sshll.u32 s0, $0xA;
	s2 =	sadd.s32 s3, s2  }
0x8d: {  	s2 =	sadd.s32 s2, s17  }
0x8e: {  	[smem:$0x3FBE] =	sst s2  }
0x8f: {  	_ = 	snop  }
0x90: {  	s2 =	sld [smem:$0x3FD0];
	(tm) =	ssettm $0x1  }
0x91: {  	s18 =	sld [smem:$0x3FFB];
	_ =	sdelay $0x3  }
0x92: {  	_ =	strace s18  }
0x93: {  	s3 =	sld [smem:$0x3FFC];
	_ =	sdelay $0x3  }
0x94: {  	_ =	strace s3  }
0x95: {  	s3 =	sld [smem:$0x3FFD];
	_ =	sdelay $0x3  }
0x96: {  	_ =	strace s3  }
0x97: {  	_ =	strace $0x8FFFFFFF  }
0x98: {  	s19 =	sld [smem:$0x3FDB];
	_ =	sdelay $0x1  }
0x99: {  	s4 =	simm.s32 $_scs_section_size  }
0x9a: {  	s5 =	simm.s32 $_size__tile_overlayer_lowered;
	s6 =	simm.s32 $_tile_overlayer_lowered  }
0x9b: {  	s22 =	simm.s32 $0x1BFF;
	s21 =	sshll.u32 s6, $0x1;
	s3 =	sadd.s32 s4, s19  }
0x9c: {  	s7 =	simm.s32 $0x0;
	s20 =	sshll.u32 s5, $0x1;
	s5 =	sadd.s32 s21, s3  }
0x9d: {  	[timem:s7], [sflag:s22] =	dma.local [hbm:s5], s20  }
0x9e: {  	_ =	swait.ge [sflag:s22], s20  }
0x9f: {  	s4 =	ssub.s32 $0x0, s20;
	[sflag:s22] =	ssyncset.done $0x0  }
0xa0: {  	[sflag:s22] =	ssyncadd.s32 s4;
	_ =	sdelay $0x1  }
0xa1: {  	s23 =	simm.s32 $0x1B8B  }
0xa2: {  	_ =	swait.ge [sflag:s23], $0x1  }
0xa3: {  	[sflag:s23] =	ssyncset.done $0x0  }
0xa4: {  	s25 =	simm.s32 $0x1B8E;
	s24 =	sld [smem:$0x3FFE];
	[sflag:s23] =	ssyncadd.s32 $0xFFFFFFFF  }
0xa5: {  	s26 =	simm.s32 $execute0_lowered;
	[smem:$0x3FD2] =	sst s25  }
0xa6: {  	s5 =	sshll.u32 s26, $0x1;
	_ =	strace $0x80000046;
	[dreg:$0x1] =	wrdreg $0xFFFFFFFF  }
0xa7: {  	s28 =	simm.s32 $_size_execute0_lowered;
	s3 =	sadd.s32 s3, s5;
	[dreg:$0x0] =	wrdreg $0x0  }
0xa8: {  	s5 =	sshll.u32 s28, $0x1;
	[dreg:$0x2] =	wrdreg s3  }
0xa9: {  	[dreg:$0x3] =	wrdreg s5  }
0xaa: {  	[dreg:$0x4] =	wrdreg $0xC0  }
0xab: {  	_ =	task [dreg:s7], $0x5FFFF  }
0xac: {  	[dreg:$0x1] =	wrdreg $0xFFFFFFFF  }
0xad: {  	[dreg:$0x0] =	wrdreg $0x60  }
0xae: {  	[dreg:$0x2] =	wrdreg s24  }
0xaf: {  	[dreg:$0x3] =	wrdreg s2  }
0xb0: {  	[dreg:$0x4] =	wrdreg $0x9  }
0xb1: {  	_ =	task.clear_ibuf [dreg:s7], $0x5FFFF;
	_ =	strace $0x90000046  }
0xb2: {  	s29 =	simm.s32 $0x9;
	_ =	strace $0x80000048  }
0xb3: {  	_ =	swait.ge [sflag:s29], $0x1  }
0xb4: {  	[sflag:s29] =	ssyncadd.s32 $0xFFFFFFFF  }
0xb5: {  	_ =	strace $0x90000048  }
0xb6: {  	_ =	sfence  }
0xb7: {  	s30 =	sld [smem:$0x0];
	_ =	sdelay $0x2  }
0xb8: {  	s31 =	sshll.u32 s1, $0xD;
	s1 =	sshrl.u32 s1, $0x2  }
0xb9: {  	s3 =	sand.u32 $0x4000, s31;
	s1 =	sadd.s32 s1, s30  }
0xba: {  	s0 =	sor.u32 s3, s0;
	s1 =	sshll.u32 s1, $0x11  }
0xbb: {  	s0 =	sor.u32 s1, s0  }
0xbc: {  	s0 =	sadd.s32 $0x8F2B, s0  }
0xbd: {  	[sflag:s0] =	ssyncadd.remote.s32 $0x1  }
0xbe: {  	_ =	sfence.sel $0xFFFF  }
0xbf: {  	[dreg:$0x0] =	wrdreg $0xFFFFFFFF;
	(pc) =	sbr.abs _section_cstart, $3  }
0xc0: {  	[dreg:$0x1] =	wrdreg $0xFFFFFFFF  }
0xc1: {  	_ =	task.clear_ibuf [dreg:s7], $0x2FFFF;
	_ =	strace $0x9FFFFFFF  }
0xc2: {  	(tm) =	ssettm $0x7FFFFFFF  }
0xc3: {  	_ =	shalt  }
tec
execute0_lowered:
.L_overlay_start_1:
0x0: {  	(tag) =	ssettag $0x1  }
0x1: {  	s0 =	rddreg [dreg:$0x0]  }
0x2: {  	s1 =	rddreg [dreg:$0x1]  }
0x3: {  	s2 =	simm.s32 $0x0;
	s3 =	srdreg.scid;
	s5 =	stileid.u32  }
0x4: {  	s14 =	simm.s32 $0xD;
	s16 =	simm.s32 $0x8;
	s28 =	simm.s32 $0x1  }
0x5: {  	s29 =	simm.s32 $0x5;
	s30 =	simm.s32 $0x12400;
	s31 =	simm.s32 $0x2  }
0x6: {  	s15 =	simm.s32 $0x3;
	s17 =	simm.s32 $0x7;
	s18 =	simm.s32 $0x13400  }
0x7: {  	[smem:$0x7FF] =	sst s2;
	s4 =	sand.u32 $0x1, s3;
	s19 =	sshll.u32 s5, $0x1  }
0x8: {  	s3 =	sadd.s32 $0x1200, s0;
	_ =	strace $0x80000047;
	s5 =	sor.u32 s4, s19  }
0x9: {  	s20 =	ssub.s32 $0x2, s4;
	s4 =	sadd.s32 $0x32200, s0;
	s19 =	simm.s32 $0x4  }
0xa: {  	s6 =	sshll.u32 s5, $0x7;
	s7 =	sshll.u32 s5, $0xC;
	s21 =	sshrl.u32 s20, $0x1  }
0xb: {  	s9 =	sshll.u32 s5, $0xF;
	s5 =	sshll.u32 s5, $0x8;
	s8 =	sadd.s32 s6, s0  }
0xc: {  	s7 =	sadd.s32 s7, s0;
	s0 =	ssub.s32 s20, s21;
	s22 =	sadd.s32 $0x31200, s8  }
0xd: {  	s6 =	sadd.s32 s1, s9;
	s23 =	sadd.s32 $0x11200, s7;
	[dreg:$0x3] =	wrdreg s22  }
0xe: {  	s12 =	sadd.s32 s4, s9;
	s24 =	sadd.s32 $0x100, s6;
	[dreg:$0x4] =	wrdreg s23  }
.Ltmp0:
0xf: {  	s25 =	sadd.s32 $0x200, s6;
	[dreg:$0x5] =	wrdreg s24;
	(pc) =	sbr.rel .LBB2_1-.Ltmp0, $4  }
0x10: {  	s1 =	simm.s32 $0x12C00;
	s26 =	sadd.s32 $0x300, s6;
	[dreg:$0x6] =	wrdreg s25  }
0x11: {  	s20 =	simm.s32 $0x13C00;
	s0 =	smax.u32 s0, $0x1;
	[dreg:$0x7] =	wrdreg s26  }
0x12: {  	s7 =	simm.s32 $0x0;
	[dreg:$0x8] =	wrdreg s0;
	s25 =	simm.s32 $0xE400  }
0x13: {  	s26 =	simm.s32 $0x11C00;
	s0 =	simm.s32 $0x6;
	s24 =	simm.s32 $0xC  }
.LBB2_20:
0x14: {  	s8 =	simm.s32 $0x9  }
0x15: {  	_ =	swait.ge [sflag:s8], $0x800  }
0x16: {  	[sflag:s8] =	ssyncset.done $0x0  }
0x17: {  	s21 =	simm.s32 $0xA;
	[sflag:s8] =	ssyncadd.s32 $0xFFFFF800  }
0x18: {  	_ =	swait.ge [sflag:s21], $0x800  }
0x19: {  	[sflag:s21] =	ssyncset.done $0x0  }
0x1a: {  	s22 =	simm.s32 $0xB;
	[sflag:s21] =	ssyncadd.s32 $0xFFFFF800  }
0x1b: {  	_ =	swait.ge [sflag:s22], $0x800  }
0x1c: {  	[sflag:s22] =	ssyncset.done $0x0  }
0x1d: {  	[sflag:s22] =	ssyncadd.s32 $0xFFFFF800  }
0x1e: {  	_ =	swait.ge [sflag:s24], $0x800  }
0x1f: {  	s7 =	sadd.s32 $0x1, s7;
	s23 =	rddreg [dreg:$0x8]  }
0x20: {  	p0 =	sne.s32 s7, s23  }
.Ltmp1:
0x21: {  	_ = 	snop;
	(pc) =	sbr.rel @!p0 .LBB2_21-.Ltmp1, $3  }
0x22: {  	_ =	sdelay $0x1  }
0x23: {  	[sflag:s24] =	ssyncset.done $0x0  }
0x24: {  	[sflag:s24] =	ssyncadd.s32 $0xFFFFF800  }
.LBB2_1:
0x25: {  	s8 =	rddreg [dreg:$0x3]  }
0x26: {  	[tilespmem:s2], [sflag:$0xD] =	stream.linear.gather [hbm4b:s8+s2], $0x400, $0x38;
	[tilespmem:$0x14400] =	vst v63  }
0x27: {  	_ =	swait.ge [sflag:s14], $0x400  }
0x28: {  	[sflag:s14] =	ssyncset.done $0x0  }
0x29: {  	s9 =	simm.s32 $0x400;
	s10 =	rddreg [dreg:$0x4];
	[sflag:s14] =	ssyncadd.s32 $0xFFFFFC00  }
0x2a: {  	[tilespmem:s9], [sflag:$0xD] =	stream.linear.gather [hbm4b:s10+s2], $0x8000, $0x38;
	[tilespmem:$0x14400] =	vst v63  }
0x2b: {  	_ =	swait.ge [sflag:s14], $0x8000  }
0x2c: {  	[sflag:s14] =	ssyncset.done $0x0  }
0x2d: {  	s11 =	simm.s32 $0x8400;
	[sflag:s14] =	ssyncadd.s32 $0xFFFF8000  }
0x2e: {  	[tilespmem:s11], [sflag:$0x1] =	stream.indirect.gather [hbm4b:s3+s16], $0x400, s2, s16, $0xb8;
	[tilespmem:$0x14400] =	vst v63  }
0x2f: {  	s13 =	simm.s32 $0x10400  }
0x30: {  	[tilespmem:s13], [sflag:$0x5] =	stream.linear.gather [hbm4b:s6+s2], $0x800, $0x38;
	[tilespmem:$0x14400] =	vst v63  }
0x31: {  	s21 =	simm.s32 $0xA400  }
0x32: {  	[tilespmem:s21], [sflag:$0x2] =	stream.indirect.gather [hbm4b:s3+s16], $0x400, s16, s16, $0xb8;
	[tilespmem:$0x14400] =	vst v63  }
0x33: {  	s23 =	simm.s32 $0x10C00;
	s22 =	rddreg [dreg:$0x5]  }
0x34: {  	[tilespmem:s23], [sflag:$0x6] =	stream.linear.gather [hbm4b:s22+s2], $0x800, $0x38;
	[tilespmem:$0x14400] =	vst v63  }
0x35: {  	s10 =	simm.s32 $0x10;
	s11 =	simm.s32 $0xC400  }
0x36: {  	[tilespmem:s11], [sflag:$0x3] =	stream.indirect.gather [hbm4b:s3+s16], $0x400, s10, s16, $0xb8;
	[tilespmem:$0x14400] =	vst v63  }
0x37: {  	s13 =	rddreg [dreg:$0x6];
	s21 =	simm.s32 $0x11400  }
0x38: {  	[tilespmem:s21], [sflag:$0x7] =	stream.linear.gather [hbm4b:s13+s2], $0x800, $0x38;
	[tilespmem:$0x14400] =	vst v63  }
0x39: {  	s22 =	simm.s32 $0x18  }
0x3a: {  	[tilespmem:s25], [sflag:$0x4] =	stream.indirect.gather [hbm4b:s3+s16], $0x400, s22, s16, $0xb8;
	[tilespmem:$0x14400] =	vst v63  }
0x3b: {  	s8 =	simm.s32 $0x0;
	s23 =	rddreg [dreg:$0x7]  }
0x3c: {  	[tilespmem:s26], [sflag:$0x8] =	stream.linear.gather [hbm4b:s23+s2], $0x800, $0x38;
	[tilespmem:$0x14400] =	vst v63  }
.LBB2_2:
0x3d: {  	_ =	swait.ge [sflag:s28], $0x2000  }
0x3e: {  	[sflag:s28] =	ssyncset.done $0x0  }
0x3f: {  	[sflag:s28] =	ssyncadd.s32 $0xFFFFE000  }
0x40: {  	_ =	swait.ge [sflag:s29], $0x800  }
0x41: {  	p0 =	seq.s32 s8, $0x0;
	[sflag:s29] =	ssyncset.done $0x0  }
0x42: {  	s9 =	simm.s32 @!p0 $0x9;
	[sflag:s29] =	ssyncadd.s32 $0xFFFFF800  }
0x43: {  	_ =	swait.ge @!p0 [sflag:s9], $0x800  }
0x44: {  	[sflag:s9] =	ssyncset.done @!p0 $0x0  }
0x45: {  	s10 =	sshll.u32 s8, $0xA;
	[sflag:s9] =	ssyncadd.s32 @!p0 $0xFFFFF800  }
0x46: {  	v3 =	vld [tilespmem:s10+$0x400]  }
0x47: {  	v2 =	vld [tilespmem:s10+$0x410]  }
0x48: {  	v0 =	vld [tilespmem:s10+$0x420]  }
0x49: {  	s11 =	simm.s32 $0x0;
	v1 =	vld [tilespmem:s10+$0x430]  }
0x4a: {  	v4 =	vld [tilespmem:s11+$0x8470]  }
0x4b: {  	v5 =	vld [tilespmem:s11+$0x8870]  }
0x4c: {  	v6 =	vld [tilespmem:s11+$0x8C70]  }
0x4d: {  	v7 =	vld [tilespmem:s11+$0x9070]  }
0x4e: {  	v8 =	vld [tilespmem:s11+$0x8400]  }
0x4f: {  	v9 =	vld [tilespmem:s11+$0x8800]  }
0x50: {  	v10 =	vld [tilespmem:s11+$0x8C00]  }
0x51: {  	v11 =	vld [tilespmem:s11+$0x9000]  }
0x52: {  	v12 =	vld [tilespmem:s11+$0x8410]  }
0x53: {  	v13 =	vld [tilespmem:s11+$0x10470]  }
0x54: {  	v14 =	vld [tilespmem:s11+$0x8810]  }
0x55: {  	v15 =	vld [tilespmem:s11+$0x8820]  }
0x56: {  	v16 =	vld [tilespmem:s11+$0x9020]  }
0x57: {  	v17 =	vld [tilespmem:s11+$0x8830]  }
0x58: {  	v18 =	vld [tilespmem:s11+$0x8C30]  }
0x59: {  	v19 =	vld [tilespmem:s11+$0x9030]  }
0x5a: {  	v20 =	vld [tilespmem:s11+$0x8440]  }
0x5b: {  	v21 =	vld [tilespmem:s11+$0x8840]  }
0x5c: {  	v22 =	vld [tilespmem:s11+$0x8C40];
	v4 =	vmul.f32 v4, v3;
	v5 =	vmul.f32 v5, v2  }
0x5d: {  	v23 =	vld [tilespmem:s11+$0x9040];
	v6 =	vmul.f32 v6, v0;
	v7 =	vmul.f32 v7, v1  }
0x5e: {  	v24 =	vld [tilespmem:s11+$0x8450]  }
0x5f: {  	v4 =	vadd.f32 v5, v4;
	v5 =	vadd.f32 v7, v6;
	v6 =	vld [tilespmem:s11+$0x8C10]  }
0x60: {  	v7 =	vld [tilespmem:s11+$0x9010]  }
0x61: {  	v25 =	vld [tilespmem:s11+$0x8850];
	v8 =	vmul.f32 v8, v3;
	v9 =	vmul.f32 v9, v2;
	v4 =	vadd.f32 v5, v4  }
0x62: {  	v10 =	vmul.f32 v10, v0;
	v11 =	vmul.f32 v11, v1;
	v5 =	vld [tilespmem:s11+$0x8420]  }
0x63: {  	v53 =	vmul.f32 v19, v1;
	v55 =	vmul.f32 v21, v2;
	v4 =	vadd.f32 v4, v13;
	v13 =	vld [tilespmem:s11+$0x8C20]  }
0x64: {  	v51 =	vld [tilespmem:s11+$0x8860];
	v8 =	vadd.f32 v9, v8;
	v9 =	vmul.f32 v12, v3;
	v12 =	vmul.f32 v14, v2  }
0x65: {  	v10 =	vadd.f32 v11, v10;
	v6 =	vmul.f32 v6, v0;
	v7 =	vmul.f32 v7, v1;
	[tilespmem:s11+$0x12470] =	vst v4;
	v4 =	vld [tilespmem:s11+$0x8430]  }
0x66: {  	v52 =	vld [tilespmem:s11+$0x8C60];
	v57 =	vmul.f32 v23, v1;
	v9 =	vadd.f32 v12, v9;
	v12 =	vmul.f32 v15, v2  }
0x67: {  	v54 =	vld [tilespmem:s11+$0x9060];
	v8 =	vadd.f32 v10, v8;
	v10 =	vmul.f32 v17, v2;
	v6 =	vadd.f32 v7, v6  }
0x68: {  	v56 =	vld [tilespmem:s11+$0x10400];
	v5 =	vmul.f32 v5, v3;
	v7 =	vmul.f32 v13, v0  }
0x69: {  	v14 =	vld [tilespmem:s11+$0x8C50];
	v13 =	vmul.f32 v16, v1;
	v9 =	vadd.f32 v6, v9;
	v6 =	vmul.f32 v18, v0  }
0x6a: {  	v11 =	vld [tilespmem:s11+$0x9050];
	v5 =	vadd.f32 v12, v5;
	v12 =	vmul.f32 v20, v3;
	v4 =	vmul.f32 v4, v3  }
0x6b: {  	v15 =	vld [tilespmem:s11+$0x8460];
	v7 =	vadd.f32 v13, v7;
	v13 =	vmul.f32 v22, v0;
	v6 =	vadd.f32 v53, v6  }
0x6c: {  	v58 =	vld [tilespmem:s11+$0x10410];
	v12 =	vadd.f32 v55, v12;
	v4 =	vadd.f32 v10, v4  }
0x6d: {  	v62 =	vmul.f32 v54, v1;
	v10 =	vld [tilespmem:s11+$0x10420];
	v13 =	vadd.f32 v57, v13;
	v60 =	vadd.f32 v7, v5  }
0x6e: {  	v59 =	vld [tilespmem:s11+$0x10430];
	v7 =	vmul.f32 v25, v2;
	v61 =	vadd.f32 v6, v4;
	v4 =	vmul.f32 v24, v3  }
0x6f: {  	v26 =	vld [tilespmem:s11+$0x10440];
	v8 =	vadd.f32 v8, v56;
	v11 =	vmul.f32 v11, v1;
	v12 =	vadd.f32 v13, v12  }
0x70: {  	s13 =	simm.s32 $0x80;
	v5 =	vld [tilespmem:s11+$0x10450];
	v13 =	vmul.f32 v14, v0;
	v14 =	vadd.f32 v7, v4;
	v7 =	vmul.f32 v15, v3  }
0x71: {  	v9 =	vadd.f32 v9, v58;
	v15 =	vmul.f32 v51, v2;
	v4 =	vld [tilespmem:s13+$0x8470];
	[tilespmem:s11+$0x12400] =	vst v8;
	v8 =	vmul.f32 v52, v0  }
0x72: {  	v6 =	vld [tilespmem:s11+$0x10460];
	v11 =	vadd.f32 v11, v13;
	v63 =	vadd.f32 v60, v10  }
0x73: {  	v13 =	vadd.f32 v15, v7;
	v15 =	vadd.f32 v62, v8  }
0x74: {  	v7 =	vld [tilespmem:s13+$0x8870];
	[tilespmem:s11+$0x12410] =	vst v9;
	v9 =	vadd.f32 v11, v14;
	v11 =	vadd.f32 v61, v59  }
0x75: {  	s21 =	simm.s32 $0x400;
	s9 =	sshll.u32 s8, $0x2;
	v12 =	vadd.f32 v12, v26;
	v8 =	vld [tilespmem:s13+$0x8C70];
	[tilespmem:s11+$0x12420] =	vst v63;
	v10 =	vadd.f32 v15, v13  }
.LBB2_3:
0x76: {  	p1 =	sne.s32 s21, $0xE00;
	v13 =	vld [tilespmem:s13+$0x9070];
	[tilespmem:s11+$0x12430] =	vst v11;
	v5 =	vadd.f32 v9, v5  }
0x77: {  	v9 =	vld [tilespmem:s13+$0x8400];
	[tilespmem:s11+$0x12440] =	vst v12;
	v6 =	vadd.f32 v10, v6  }
0x78: {  	v10 =	vld [tilespmem:s13+$0x8800];
	[tilespmem:s11+$0x12450] =	vst v5  }
0x79: {  	v5 =	vld [tilespmem:s13+$0x8C00];
	[tilespmem:s11+$0x12460] =	vst v6;
	s11 =	smov.u32 s13  }
0x7a: {  	v4 =	vmul.f32 v4, v3;
	v7 =	vmul.f32 v7, v2;
	v6 =	vld [tilespmem:s11+$0x9000]  }
0x7b: {  	v8 =	vmul.f32 v8, v0;
	v11 =	vld [tilespmem:s11+$0x8410];
	v12 =	vmul.f32 v13, v1  }
0x7c: {  	v9 =	vmul.f32 v9, v3;
	v13 =	vld [tilespmem:s11+$0x10470]  }
0x7d: {  	v4 =	vadd.f32 v7, v4;
	v10 =	vmul.f32 v10, v2;
	v14 =	vld [tilespmem:s11+$0x8810];
	v7 =	vadd.f32 v12, v8  }
0x7e: {  	v5 =	vmul.f32 v5, v0;
	v8 =	vld [tilespmem:s11+$0x8C10]  }
0x7f: {  	v6 =	vmul.f32 v6, v1;
	v9 =	vadd.f32 v10, v9;
	v10 =	vld [tilespmem:s11+$0x9010];
	v4 =	vadd.f32 v7, v4  }
0x80: {  	v7 =	vmul.f32 v11, v3;
	v11 =	vld [tilespmem:s11+$0x8420]  }
0x81: {  	v5 =	vadd.f32 v6, v5;
	v6 =	vld [tilespmem:s11+$0x8820];
	v4 =	vadd.f32 v4, v13  }
0x82: {  	v12 =	vmul.f32 v14, v2;
	v13 =	vld [tilespmem:s11+$0x8C20]  }
0x83: {  	v5 =	vadd.f32 v5, v9;
	v8 =	vmul.f32 v8, v0;
	v9 =	vld [tilespmem:s11+$0x9020];
	[tilespmem:s11+$0x12470] =	vst v4  }
0x84: {  	v4 =	vmul.f32 v10, v1;
	v7 =	vadd.f32 v12, v7;
	v10 =	vld [tilespmem:s11+$0x8430]  }
0x85: {  	v11 =	vmul.f32 v11, v3;
	v12 =	vld [tilespmem:s11+$0x8830]  }
0x86: {  	v4 =	vadd.f32 v4, v8;
	v6 =	vmul.f32 v6, v2;
	v8 =	vld [tilespmem:s11+$0x8C30]  }
0x87: {  	v13 =	vmul.f32 v13, v0;
	v14 =	vld [tilespmem:s11+$0x9030]  }
0x88: {  	v4 =	vadd.f32 v4, v7;
	v7 =	vmul.f32 v9, v1;
	v6 =	vadd.f32 v6, v11;
	v9 =	vld [tilespmem:s11+$0x8440]  }
0x89: {  	v10 =	vmul.f32 v10, v3;
	v11 =	vld [tilespmem:s11+$0x8840]  }
0x8a: {  	v7 =	vadd.f32 v7, v13;
	v12 =	vmul.f32 v12, v2;
	v13 =	vld [tilespmem:s11+$0x8C40]  }
0x8b: {  	v8 =	vmul.f32 v8, v0;
	v15 =	vld [tilespmem:s11+$0x9040]  }
0x8c: {  	v7 =	vadd.f32 v7, v6;
	v6 =	vmul.f32 v14, v1;
	v10 =	vadd.f32 v12, v10;
	v12 =	vld [tilespmem:s11+$0x8450]  }
0x8d: {  	v9 =	vmul.f32 v9, v3;
	v14 =	vld [tilespmem:s11+$0x8850]  }
0x8e: {  	v6 =	vadd.f32 v6, v8;
	v8 =	vmul.f32 v11, v2;
	v11 =	vld [tilespmem:s11+$0x8C50]  }
0x8f: {  	v13 =	vmul.f32 v13, v0;
	v16 =	vld [tilespmem:s11+$0x9050]  }
0x90: {  	v10 =	vadd.f32 v6, v10;
	v6 =	vmul.f32 v15, v1;
	v8 =	vadd.f32 v8, v9;
	v9 =	vld [tilespmem:s11+$0x8460]  }
0x91: {  	v12 =	vmul.f32 v12, v3;
	v15 =	vld [tilespmem:s11+$0x8860]  }
0x92: {  	v6 =	vadd.f32 v6, v13;
	v13 =	vmul.f32 v14, v2;
	v14 =	vld [tilespmem:s11+$0x8C60]  }
0x93: {  	v11 =	vmul.f32 v11, v0;
	v17 =	vld [tilespmem:s11+$0x9060]  }
0x94: {  	v18 =	vld [tilespmem:s11+$0x10400];
	v19 =	vadd.f32 v6, v8;
	v6 =	vmul.f32 v16, v1;
	v8 =	vadd.f32 v13, v12  }
0x95: {  	v12 =	vld [tilespmem:s11+$0x10410];
	v13 =	vmul.f32 v9, v3  }
0x96: {  	v16 =	vld [tilespmem:s11+$0x10420];
	v6 =	vadd.f32 v6, v11;
	v11 =	vmul.f32 v15, v2  }
0x97: {  	v15 =	vld [tilespmem:s11+$0x10430];
	v14 =	vmul.f32 v14, v0  }
0x98: {  	v20 =	vld [tilespmem:s11+$0x10440];
	v9 =	vadd.f32 v6, v8;
	v8 =	vmul.f32 v17, v1;
	v13 =	vadd.f32 v11, v13  }
.Ltmp2:
0x99: {  	v11 =	vadd.f32 v5, v18;
	v5 =	vld [tilespmem:s11+$0x10450];
	(pc) =	sbr.rel @p1 .LBB2_3-.Ltmp2, $4  }
0x9a: {  	s13 =	sshra.s32 s21, $0x2;
	v12 =	vadd.f32 v4, v12;
	v6 =	vld [tilespmem:s11+$0x10460];
	v8 =	vadd.f32 v8, v14  }
0x9b: {  	v4 =	vld [tilespmem:s13+$0x8470];
	[tilespmem:s11+$0x12400] =	vst v11;
	v14 =	vadd.f32 v7, v16  }
0x9c: {  	v7 =	vld [tilespmem:s13+$0x8870];
	[tilespmem:s11+$0x12410] =	vst v12;
	v11 =	vadd.f32 v10, v15;
	v10 =	vadd.f32 v8, v13  }
0x9d: {  	s21 =	sadd.s32 $0x200, s21;
	v8 =	vld [tilespmem:s13+$0x8C70];
	[tilespmem:s11+$0x12420] =	vst v14;
	v12 =	vadd.f32 v19, v20  }
0x9e: {  	v13 =	vld [tilespmem:s13+$0x9070];
	[tilespmem:s11+$0x12430] =	vst v11;
	v5 =	vadd.f32 v9, v5  }
0x9f: {  	v11 =	vld [tilespmem:s13+$0x8400];
	[tilespmem:s11+$0x12440] =	vst v12;
	v6 =	vadd.f32 v10, v6  }
0xa0: {  	v9 =	vld [tilespmem:s13+$0x8800];
	[tilespmem:s11+$0x12450] =	vst v5  }
0xa1: {  	v5 =	vld [tilespmem:s13+$0x8C00];
	[tilespmem:s11+$0x12460] =	vst v6  }
0xa2: {  	v6 =	vld [tilespmem:s13+$0x9000]  }
0xa3: {  	v10 =	vld [tilespmem:s13+$0x8410]  }
0xa4: {  	v14 =	vld [tilespmem:s13+$0x8810]  }
0xa5: {  	v15 =	vld [tilespmem:s13+$0x8820]  }
0xa6: {  	v16 =	vld [tilespmem:s13+$0x9020]  }
0xa7: {  	v17 =	vld [tilespmem:s13+$0x8830]  }
0xa8: {  	v18 =	vld [tilespmem:s13+$0x8C30]  }
0xa9: {  	v19 =	vld [tilespmem:s13+$0x9030]  }
0xaa: {  	v4 =	vmul.f32 v4, v3;
	v7 =	vmul.f32 v7, v2;
	v20 =	vld [tilespmem:s13+$0x8440]  }
0xab: {  	v8 =	vmul.f32 v8, v0;
	v21 =	vld [tilespmem:s13+$0x8840];
	v12 =	vmul.f32 v13, v1  }
0xac: {  	v13 =	vld [tilespmem:s13+$0x10470]  }
0xad: {  	v22 =	vld [tilespmem:s13+$0x8450];
	v4 =	vadd.f32 v7, v4;
	v7 =	vadd.f32 v12, v8  }
0xae: {  	v8 =	vld [tilespmem:s13+$0x8C10]  }
0xaf: {  	v12 =	vld [tilespmem:s13+$0x9010];
	v4 =	vadd.f32 v7, v4  }
0xb0: {  	v11 =	vmul.f32 v11, v3;
	v9 =	vmul.f32 v9, v2;
	v7 =	vld [tilespmem:s13+$0x8420]  }
0xb1: {  	v5 =	vmul.f32 v5, v0;
	v6 =	vmul.f32 v6, v1;
	v4 =	vadd.f32 v4, v13;
	v13 =	vld [tilespmem:s13+$0x8C20]  }
0xb2: {  	v36 =	vld [tilespmem:s13+$0x8C50];
	v9 =	vadd.f32 v9, v11  }
0xb3: {  	v11 =	vld [tilespmem:s13+$0x8C40];
	v10 =	vmul.f32 v10, v3;
	v5 =	vadd.f32 v6, v5;
	v6 =	vmul.f32 v14, v2  }
0xb4: {  	v8 =	vmul.f32 v8, v0;
	v12 =	vmul.f32 v12, v1;
	[tilespmem:s13+$0x12470] =	vst v4;
	v4 =	vld [tilespmem:s13+$0x8430]  }
0xb5: {  	v38 =	vld [tilespmem:s13+$0x8860];
	v5 =	vadd.f32 v5, v9;
	v9 =	vmul.f32 v15, v2;
	v7 =	vmul.f32 v7, v3  }
0xb6: {  	v14 =	vld [tilespmem:s13+$0x9040];
	v6 =	vadd.f32 v6, v10;
	v10 =	vmul.f32 v13, v0;
	v13 =	vmul.f32 v16, v1  }
0xb7: {  	v40 =	vld [tilespmem:s13+$0x8C60];
	v37 =	vmul.f32 v19, v1;
	v39 =	vmul.f32 v21, v2;
	v8 =	vadd.f32 v12, v8  }
0xb8: {  	v15 =	vld [tilespmem:s13+$0x8850];
	v12 =	vmul.f32 v17, v2;
	v7 =	vadd.f32 v9, v7;
	v10 =	vadd.f32 v13, v10  }
0xb9: {  	v11 =	vmul.f32 v11, v0;
	v9 =	vld [tilespmem:s13+$0x9050];
	v4 =	vmul.f32 v4, v3  }
0xba: {  	v41 =	vld [tilespmem:s13+$0x10400];
	v6 =	vadd.f32 v8, v6;
	v8 =	vmul.f32 v18, v0;
	v7 =	vadd.f32 v10, v7  }
0xbb: {  	v13 =	vld [tilespmem:s13+$0x8460];
	v10 =	vmul.f32 v20, v3;
	v4 =	vadd.f32 v12, v4;
	v12 =	vmul.f32 v14, v1  }
0xbc: {  	v42 =	vmul.f32 v22, v3;
	v8 =	vadd.f32 v37, v8;
	v14 =	vld [tilespmem:s13+$0x9060]  }
0xbd: {  	v10 =	vadd.f32 v39, v10;
	v11 =	vadd.f32 v12, v11;
	v12 =	vmul.f32 v15, v2;
	v15 =	vld [tilespmem:s13+$0x10410]  }
0xbe: {  	v43 =	vld [tilespmem:s13+$0x10420];
	v9 =	vmul.f32 v9, v1;
	v4 =	vadd.f32 v8, v4;
	v8 =	vmul.f32 v36, v0  }
0xbf: {  	v10 =	vadd.f32 v11, v10;
	v11 =	vadd.f32 v12, v42;
	v12 =	vld [tilespmem:s13+$0x10430]  }
0xc0: {  	v2 =	vmul.f32 v38, v2;
	v3 =	vmul.f32 v13, v3;
	v8 =	vadd.f32 v9, v8;
	v9 =	vld [tilespmem:s13+$0x10440]  }
0xc1: {  	v5 =	vadd.f32 v5, v41;
	v0 =	vmul.f32 v40, v0;
	v13 =	vld [tilespmem:s13+$0x10450];
	v1 =	vmul.f32 v14, v1  }
0xc2: {  	v2 =	vadd.f32 v2, v3;
	v3 =	vadd.f32 v6, v15;
	v6 =	vld [tilespmem:s13+$0x10460]  }
0xc3: {  	[tilespmem:s13+$0x12400] =	vst v5;
	v0 =	vadd.f32 v1, v0;
	v1 =	vadd.f32 v7, v43  }
0xc4: {  	v5 =	vadd.f32 v8, v11;
	[tilespmem:s13+$0x12410] =	vst v3;
	v3 =	vadd.f32 v4, v12  }
0xc5: {  	v0 =	vadd.f32 v0, v2;
	[tilespmem:s13+$0x12420] =	vst v1;
	v1 =	vadd.f32 v10, v9  }
0xc6: {  	v2 =	vadd.f32 v5, v13;
	[tilespmem:s13+$0x12430] =	vst v3  }
0xc7: {  	[tilespmem:s13+$0x12440] =	vst v1;
	v0 =	vadd.f32 v0, v6  }
0xc8: {  	[tilespmem:s13+$0x12450] =	vst v2  }
0xc9: {  	[tilespmem:s13+$0x12460] =	vst v0  }
0xca: {  	v3 =	vld [tilespmem:s10+$0x480]  }
0xcb: {  	v2 =	vld [tilespmem:s10+$0x490]  }
0xcc: {  	v0 =	vld [tilespmem:s10+$0x4A0]  }
0xcd: {  	s11 =	simm.s32 $0x0;
	v1 =	vld [tilespmem:s10+$0x4B0]  }
0xce: {  	v4 =	vld [tilespmem:s11+$0x9470]  }
0xcf: {  	v5 =	vld [tilespmem:s11+$0x9870]  }
0xd0: {  	v6 =	vld [tilespmem:s11+$0x9C70]  }
0xd1: {  	v7 =	vld [tilespmem:s11+$0xA070]  }
0xd2: {  	v8 =	vld [tilespmem:s11+$0x9400]  }
0xd3: {  	v9 =	vld [tilespmem:s11+$0x9800]  }
0xd4: {  	v10 =	vld [tilespmem:s11+$0x9C00]  }
0xd5: {  	v11 =	vld [tilespmem:s11+$0xA000]  }
0xd6: {  	v12 =	vld [tilespmem:s11+$0x9410]  }
0xd7: {  	v13 =	vld [tilespmem:s11+$0x10870]  }
0xd8: {  	v14 =	vld [tilespmem:s11+$0x9810]  }
0xd9: {  	v15 =	vld [tilespmem:s11+$0x9820]  }
0xda: {  	v44 =	vld [tilespmem:s11+$0xA020]  }
0xdb: {  	v45 =	vld [tilespmem:s11+$0x9830]  }
0xdc: {  	v46 =	vld [tilespmem:s11+$0x9C30]  }
0xdd: {  	v47 =	vld [tilespmem:s11+$0xA030]  }
0xde: {  	v48 =	vld [tilespmem:s11+$0x9440]  }
0xdf: {  	v49 =	vld [tilespmem:s11+$0x9840]  }
0xe0: {  	v50 =	vld [tilespmem:s11+$0x9C40];
	v4 =	vmul.f32 v4, v3;
	v5 =	vmul.f32 v5, v2  }
0xe1: {  	v23 =	vld [tilespmem:s11+$0xA040];
	v6 =	vmul.f32 v6, v0;
	v7 =	vmul.f32 v7, v1  }
0xe2: {  	v24 =	vld [tilespmem:s11+$0x9450]  }
0xe3: {  	v4 =	vadd.f32 v5, v4;
	v5 =	vadd.f32 v7, v6;
	v6 =	vld [tilespmem:s11+$0x9C10]  }
0xe4: {  	v7 =	vld [tilespmem:s11+$0xA010]  }
0xe5: {  	v25 =	vld [tilespmem:s11+$0x9850];
	v8 =	vmul.f32 v8, v3;
	v9 =	vmul.f32 v9, v2;
	v4 =	vadd.f32 v5, v4  }
0xe6: {  	v10 =	vmul.f32 v10, v0;
	v11 =	vmul.f32 v11, v1;
	v5 =	vld [tilespmem:s11+$0x9420]  }
0xe7: {  	v53 =	vmul.f32 v47, v1;
	v55 =	vmul.f32 v49, v2;
	v4 =	vadd.f32 v4, v13;
	v13 =	vld [tilespmem:s11+$0x9C20]  }
0xe8: {  	v51 =	vld [tilespmem:s11+$0x9860];
	v8 =	vadd.f32 v9, v8;
	v9 =	vmul.f32 v12, v3;
	v12 =	vmul.f32 v14, v2  }
0xe9: {  	v10 =	vadd.f32 v11, v10;
	v6 =	vmul.f32 v6, v0;
	v7 =	vmul.f32 v7, v1;
	[tilespmem:s11+$0x12870] =	vst v4;
	v4 =	vld [tilespmem:s11+$0x9430]  }
0xea: {  	v52 =	vld [tilespmem:s11+$0x9C60];
	v57 =	vmul.f32 v23, v1;
	v9 =	vadd.f32 v12, v9;
	v12 =	vmul.f32 v15, v2  }
0xeb: {  	v54 =	vld [tilespmem:s11+$0xA060];
	v8 =	vadd.f32 v10, v8;
	v10 =	vmul.f32 v45, v2;
	v6 =	vadd.f32 v7, v6  }
0xec: {  	v56 =	vld [tilespmem:s11+$0x10800];
	v5 =	vmul.f32 v5, v3;
	v7 =	vmul.f32 v13, v0  }
0xed: {  	v14 =	vld [tilespmem:s11+$0x9C50];
	v13 =	vmul.f32 v44, v1;
	v9 =	vadd.f32 v6, v9;
	v6 =	vmul.f32 v46, v0  }
0xee: {  	v11 =	vld [tilespmem:s11+$0xA050];
	v5 =	vadd.f32 v12, v5;
	v12 =	vmul.f32 v48, v3;
	v4 =	vmul.f32 v4, v3  }
0xef: {  	v15 =	vld [tilespmem:s11+$0x9460];
	v7 =	vadd.f32 v13, v7;
	v13 =	vmul.f32 v50, v0;
	v6 =	vadd.f32 v53, v6  }
0xf0: {  	v58 =	vld [tilespmem:s11+$0x10810];
	v12 =	vadd.f32 v55, v12;
	v4 =	vadd.f32 v10, v4  }
0xf1: {  	v62 =	vmul.f32 v54, v1;
	v10 =	vld [tilespmem:s11+$0x10820];
	v13 =	vadd.f32 v57, v13;
	v60 =	vadd.f32 v7, v5  }
0xf2: {  	v59 =	vld [tilespmem:s11+$0x10830];
	v7 =	vmul.f32 v25, v2;
	v61 =	vadd.f32 v6, v4;
	v4 =	vmul.f32 v24, v3  }
0xf3: {  	v26 =	vld [tilespmem:s11+$0x10840];
	v8 =	vadd.f32 v8, v56;
	v11 =	vmul.f32 v11, v1;
	v12 =	vadd.f32 v13, v12  }
0xf4: {  	s13 =	simm.s32 $0x80;
	v5 =	vld [tilespmem:s11+$0x10850];
	v13 =	vmul.f32 v14, v0;
	v14 =	vadd.f32 v7, v4;
	v7 =	vmul.f32 v15, v3  }
0xf5: {  	v9 =	vadd.f32 v9, v58;
	v15 =	vmul.f32 v51, v2;
	v4 =	vld [tilespmem:s13+$0x9470];
	[tilespmem:s11+$0x12800] =	vst v8;
	v8 =	vmul.f32 v52, v0  }
0xf6: {  	v6 =	vld [tilespmem:s11+$0x10860];
	v11 =	vadd.f32 v11, v13;
	v63 =	vadd.f32 v60, v10  }
0xf7: {  	v13 =	vadd.f32 v15, v7;
	v15 =	vadd.f32 v62, v8  }
0xf8: {  	v7 =	vld [tilespmem:s13+$0x9870];
	[tilespmem:s11+$0x12810] =	vst v9;
	v9 =	vadd.f32 v11, v14;
	v11 =	vadd.f32 v61, v59  }
0xf9: {  	s21 =	simm.s32 $0x400;
	v12 =	vadd.f32 v12, v26;
	v8 =	vld [tilespmem:s13+$0x9C70];
	[tilespmem:s11+$0x12820] =	vst v63;
	v10 =	vadd.f32 v15, v13  }
.LBB2_5:
0xfa: {  	p1 =	sne.s32 s21, $0xE00;
	v13 =	vld [tilespmem:s13+$0xA070];
	[tilespmem:s11+$0x12830] =	vst v11;
	v5 =	vadd.f32 v9, v5  }
0xfb: {  	v9 =	vld [tilespmem:s13+$0x9400];
	[tilespmem:s11+$0x12840] =	vst v12;
	v6 =	vadd.f32 v10, v6  }
0xfc: {  	v10 =	vld [tilespmem:s13+$0x9800];
	[tilespmem:s11+$0x12850] =	vst v5  }
0xfd: {  	v5 =	vld [tilespmem:s13+$0x9C00];
	[tilespmem:s11+$0x12860] =	vst v6;
	s11 =	smov.u32 s13  }
0xfe: {  	v4 =	vmul.f32 v4, v3;
	v7 =	vmul.f32 v7, v2;
	v6 =	vld [tilespmem:s11+$0xA000]  }
0xff: {  	v8 =	vmul.f32 v8, v0;
	v11 =	vld [tilespmem:s11+$0x9410];
	v12 =	vmul.f32 v13, v1  }
0x100: {  	v9 =	vmul.f32 v9, v3;
	v13 =	vld [tilespmem:s11+$0x10870]  }
0x101: {  	v4 =	vadd.f32 v7, v4;
	v10 =	vmul.f32 v10, v2;
	v14 =	vld [tilespmem:s11+$0x9810];
	v7 =	vadd.f32 v12, v8  }
0x102: {  	v5 =	vmul.f32 v5, v0;
	v8 =	vld [tilespmem:s11+$0x9C10]  }
0x103: {  	v6 =	vmul.f32 v6, v1;
	v9 =	vadd.f32 v10, v9;
	v10 =	vld [tilespmem:s11+$0xA010];
	v4 =	vadd.f32 v7, v4  }
0x104: {  	v7 =	vmul.f32 v11, v3;
	v11 =	vld [tilespmem:s11+$0x9420]  }
0x105: {  	v5 =	vadd.f32 v6, v5;
	v6 =	vld [tilespmem:s11+$0x9820];
	v4 =	vadd.f32 v4, v13  }
0x106: {  	v12 =	vmul.f32 v14, v2;
	v13 =	vld [tilespmem:s11+$0x9C20]  }
0x107: {  	v5 =	vadd.f32 v5, v9;
	v8 =	vmul.f32 v8, v0;
	v9 =	vld [tilespmem:s11+$0xA020];
	[tilespmem:s11+$0x12870] =	vst v4  }
0x108: {  	v4 =	vmul.f32 v10, v1;
	v7 =	vadd.f32 v12, v7;
	v10 =	vld [tilespmem:s11+$0x9430]  }
0x109: {  	v11 =	vmul.f32 v11, v3;
	v12 =	vld [tilespmem:s11+$0x9830]  }
0x10a: {  	v4 =	vadd.f32 v4, v8;
	v6 =	vmul.f32 v6, v2;
	v8 =	vld [tilespmem:s11+$0x9C30]  }
0x10b: {  	v13 =	vmul.f32 v13, v0;
	v14 =	vld [tilespmem:s11+$0xA030]  }
0x10c: {  	v4 =	vadd.f32 v4, v7;
	v7 =	vmul.f32 v9, v1;
	v6 =	vadd.f32 v6, v11;
	v9 =	vld [tilespmem:s11+$0x9440]  }
0x10d: {  	v10 =	vmul.f32 v10, v3;
	v11 =	vld [tilespmem:s11+$0x9840]  }
0x10e: {  	v7 =	vadd.f32 v7, v13;
	v12 =	vmul.f32 v12, v2;
	v13 =	vld [tilespmem:s11+$0x9C40]  }
0x10f: {  	v8 =	vmul.f32 v8, v0;
	v15 =	vld [tilespmem:s11+$0xA040]  }
0x110: {  	v7 =	vadd.f32 v7, v6;
	v6 =	vmul.f32 v14, v1;
	v10 =	vadd.f32 v12, v10;
	v12 =	vld [tilespmem:s11+$0x9450]  }
0x111: {  	v9 =	vmul.f32 v9, v3;
	v14 =	vld [tilespmem:s11+$0x9850]  }
0x112: {  	v6 =	vadd.f32 v6, v8;
	v8 =	vmul.f32 v11, v2;
	v11 =	vld [tilespmem:s11+$0x9C50]  }
0x113: {  	v13 =	vmul.f32 v13, v0;
	v16 =	vld [tilespmem:s11+$0xA050]  }
0x114: {  	v10 =	vadd.f32 v6, v10;
	v6 =	vmul.f32 v15, v1;
	v8 =	vadd.f32 v8, v9;
	v9 =	vld [tilespmem:s11+$0x9460]  }
0x115: {  	v12 =	vmul.f32 v12, v3;
	v15 =	vld [tilespmem:s11+$0x9860]  }
0x116: {  	v6 =	vadd.f32 v6, v13;
	v13 =	vmul.f32 v14, v2;
	v14 =	vld [tilespmem:s11+$0x9C60]  }
0x117: {  	v11 =	vmul.f32 v11, v0;
	v17 =	vld [tilespmem:s11+$0xA060]  }
0x118: {  	v18 =	vld [tilespmem:s11+$0x10800];
	v19 =	vadd.f32 v6, v8;
	v6 =	vmul.f32 v16, v1;
	v8 =	vadd.f32 v13, v12  }
0x119: {  	v12 =	vld [tilespmem:s11+$0x10810];
	v13 =	vmul.f32 v9, v3  }
0x11a: {  	v16 =	vld [tilespmem:s11+$0x10820];
	v6 =	vadd.f32 v6, v11;
	v11 =	vmul.f32 v15, v2  }
0x11b: {  	v15 =	vld [tilespmem:s11+$0x10830];
	v14 =	vmul.f32 v14, v0  }
0x11c: {  	v20 =	vld [tilespmem:s11+$0x10840];
	v9 =	vadd.f32 v6, v8;
	v8 =	vmul.f32 v17, v1;
	v13 =	vadd.f32 v11, v13  }
.Ltmp3:
0x11d: {  	v11 =	vadd.f32 v5, v18;
	v5 =	vld [tilespmem:s11+$0x10850];
	(pc) =	sbr.rel @p1 .LBB2_5-.Ltmp3, $4  }
0x11e: {  	s13 =	sshra.s32 s21, $0x2;
	v12 =	vadd.f32 v4, v12;
	v6 =	vld [tilespmem:s11+$0x10860];
	v8 =	vadd.f32 v8, v14  }
0x11f: {  	v4 =	vld [tilespmem:s13+$0x9470];
	[tilespmem:s11+$0x12800] =	vst v11;
	v14 =	vadd.f32 v7, v16  }
0x120: {  	v7 =	vld [tilespmem:s13+$0x9870];
	[tilespmem:s11+$0x12810] =	vst v12;
	v11 =	vadd.f32 v10, v15;
	v10 =	vadd.f32 v8, v13  }
0x121: {  	s21 =	sadd.s32 $0x200, s21;
	v8 =	vld [tilespmem:s13+$0x9C70];
	[tilespmem:s11+$0x12820] =	vst v14;
	v12 =	vadd.f32 v19, v20  }
0x122: {  	v13 =	vld [tilespmem:s13+$0xA070];
	[tilespmem:s11+$0x12830] =	vst v11;
	v5 =	vadd.f32 v9, v5  }
0x123: {  	v11 =	vld [tilespmem:s13+$0x9400];
	[tilespmem:s11+$0x12840] =	vst v12;
	v6 =	vadd.f32 v10, v6  }
0x124: {  	v9 =	vld [tilespmem:s13+$0x9800];
	[tilespmem:s11+$0x12850] =	vst v5  }
0x125: {  	v5 =	vld [tilespmem:s13+$0x9C00];
	[tilespmem:s11+$0x12860] =	vst v6  }
0x126: {  	v6 =	vld [tilespmem:s13+$0xA000]  }
0x127: {  	v10 =	vld [tilespmem:s13+$0x9410]  }
0x128: {  	v14 =	vld [tilespmem:s13+$0x9810]  }
0x129: {  	v15 =	vld [tilespmem:s13+$0x9820]  }
0x12a: {  	v16 =	vld [tilespmem:s13+$0xA020]  }
0x12b: {  	v17 =	vld [tilespmem:s13+$0x9830]  }
0x12c: {  	v18 =	vld [tilespmem:s13+$0x9C30]  }
0x12d: {  	v19 =	vld [tilespmem:s13+$0xA030]  }
0x12e: {  	v4 =	vmul.f32 v4, v3;
	v7 =	vmul.f32 v7, v2;
	v20 =	vld [tilespmem:s13+$0x9440]  }
0x12f: {  	v8 =	vmul.f32 v8, v0;
	v21 =	vld [tilespmem:s13+$0x9840];
	v12 =	vmul.f32 v13, v1  }
0x130: {  	v13 =	vld [tilespmem:s13+$0x10870]  }
0x131: {  	v22 =	vld [tilespmem:s13+$0x9450];
	v4 =	vadd.f32 v7, v4;
	v7 =	vadd.f32 v12, v8  }
0x132: {  	v8 =	vld [tilespmem:s13+$0x9C10]  }
0x133: {  	v12 =	vld [tilespmem:s13+$0xA010];
	v4 =	vadd.f32 v7, v4  }
0x134: {  	v11 =	vmul.f32 v11, v3;
	v9 =	vmul.f32 v9, v2;
	v7 =	vld [tilespmem:s13+$0x9420]  }
0x135: {  	v5 =	vmul.f32 v5, v0;
	v6 =	vmul.f32 v6, v1;
	v4 =	vadd.f32 v4, v13;
	v13 =	vld [tilespmem:s13+$0x9C20]  }
0x136: {  	v36 =	vld [tilespmem:s13+$0x9C50];
	v9 =	vadd.f32 v9, v11  }
0x137: {  	v11 =	vld [tilespmem:s13+$0x9C40];
	v10 =	vmul.f32 v10, v3;
	v5 =	vadd.f32 v6, v5;
	v6 =	vmul.f32 v14, v2  }
0x138: {  	v8 =	vmul.f32 v8, v0;
	v12 =	vmul.f32 v12, v1;
	[tilespmem:s13+$0x12870] =	vst v4;
	v4 =	vld [tilespmem:s13+$0x9430]  }
0x139: {  	v38 =	vld [tilespmem:s13+$0x9860];
	v5 =	vadd.f32 v5, v9;
	v9 =	vmul.f32 v15, v2;
	v7 =	vmul.f32 v7, v3  }
0x13a: {  	v14 =	vld [tilespmem:s13+$0xA040];
	v6 =	vadd.f32 v6, v10;
	v10 =	vmul.f32 v13, v0;
	v13 =	vmul.f32 v16, v1  }
0x13b: {  	v40 =	vld [tilespmem:s13+$0x9C60];
	v37 =	vmul.f32 v19, v1;
	v39 =	vmul.f32 v21, v2;
	v8 =	vadd.f32 v12, v8  }
0x13c: {  	v15 =	vld [tilespmem:s13+$0x9850];
	v12 =	vmul.f32 v17, v2;
	v7 =	vadd.f32 v9, v7;
	v10 =	vadd.f32 v13, v10  }
0x13d: {  	v11 =	vmul.f32 v11, v0;
	v9 =	vld [tilespmem:s13+$0xA050];
	v4 =	vmul.f32 v4, v3  }
0x13e: {  	v41 =	vld [tilespmem:s13+$0x10800];
	v6 =	vadd.f32 v8, v6;
	v8 =	vmul.f32 v18, v0;
	v7 =	vadd.f32 v10, v7  }
0x13f: {  	v13 =	vld [tilespmem:s13+$0x9460];
	v10 =	vmul.f32 v20, v3;
	v4 =	vadd.f32 v12, v4;
	v12 =	vmul.f32 v14, v1  }
0x140: {  	v42 =	vmul.f32 v22, v3;
	v8 =	vadd.f32 v37, v8;
	v14 =	vld [tilespmem:s13+$0xA060]  }
0x141: {  	v10 =	vadd.f32 v39, v10;
	v11 =	vadd.f32 v12, v11;
	v12 =	vmul.f32 v15, v2;
	v15 =	vld [tilespmem:s13+$0x10810]  }
0x142: {  	v43 =	vld [tilespmem:s13+$0x10820];
	v9 =	vmul.f32 v9, v1;
	v4 =	vadd.f32 v8, v4;
	v8 =	vmul.f32 v36, v0  }
0x143: {  	v10 =	vadd.f32 v11, v10;
	v11 =	vadd.f32 v12, v42;
	v12 =	vld [tilespmem:s13+$0x10830]  }
0x144: {  	v2 =	vmul.f32 v38, v2;
	v3 =	vmul.f32 v13, v3;
	v8 =	vadd.f32 v9, v8;
	v9 =	vld [tilespmem:s13+$0x10840]  }
0x145: {  	v5 =	vadd.f32 v5, v41;
	v0 =	vmul.f32 v40, v0;
	v13 =	vld [tilespmem:s13+$0x10850];
	v1 =	vmul.f32 v14, v1  }
0x146: {  	v2 =	vadd.f32 v2, v3;
	v3 =	vadd.f32 v6, v15;
	v6 =	vld [tilespmem:s13+$0x10860]  }
0x147: {  	[tilespmem:s13+$0x12800] =	vst v5;
	v0 =	vadd.f32 v1, v0;
	v1 =	vadd.f32 v7, v43  }
0x148: {  	v5 =	vadd.f32 v8, v11;
	[tilespmem:s13+$0x12810] =	vst v3;
	v3 =	vadd.f32 v4, v12  }
0x149: {  	v0 =	vadd.f32 v0, v2;
	[tilespmem:s13+$0x12820] =	vst v1;
	v1 =	vadd.f32 v10, v9  }
0x14a: {  	v2 =	vadd.f32 v5, v13;
	[tilespmem:s13+$0x12830] =	vst v3  }
0x14b: {  	p1 =	seq.s32 s8, $0x1F;
	[tilespmem:s13+$0x12840] =	vst v1;
	v0 =	vadd.f32 v0, v6  }
0x14c: {  	s11 =	sadd.s32 @!p1 $0x4, s9;
	[tilespmem:s13+$0x12850] =	vst v2  }
0x14d: {  	s22 =	sadd.s32 s10, s12;
	s21 =	simm.s32 @!p1 $0x8;
	[tilespmem:s13+$0x12860] =	vst v0;
	s13 =	sshll.u32 @!p1 s11, $0x3  }
0x14e: {  	[hbm4b:s22+s2] =	stream.linear.scatter [tilespmem:s30], [sflag:$0x9], $0x800, $0x38;
	[tilespmem:$0x14400] =	vst v63  }
0x14f: {  	s11 =	sshll.u32 @!p1 s11, $0x8;
	s13 =	sand.u32 @!p1 $0x3FFFFFF8, s13;
	s22 =	simm.s32 @!p1 $0x8400  }
0x150: {  	[tilespmem:s22], [sflag:$0x1] =	stream.indirect.gather @!p1 [hbm4b:s3+s21], $0x400, s13, s21, $0xb8;
	[tilespmem:$0x14400] =	vst v63  }
0x151: {  	s11 =	sadd.s32 @!p1 s11, s6;
	s13 =	simm.s32 @!p1 $0x0;
	s21 =	simm.s32 @!p1 $0x10400  }
0x152: {  	[tilespmem:s21], [sflag:$0x5] =	stream.linear.gather @!p1 [hbm4b:s11+s13], $0x800, $0x38;
	[tilespmem:$0x14400] =	vst v63  }
0x153: {  	_ =	swait.ge [sflag:s31], $0x2000  }
0x154: {  	[sflag:s31] =	ssyncset.done $0x0  }
0x155: {  	[sflag:s31] =	ssyncadd.s32 $0xFFFFE000  }
0x156: {  	_ =	swait.ge [sflag:s0], $0x800  }
0x157: {  	[sflag:s0] =	ssyncset.done $0x0  }
0x158: {  	s11 =	sshll.u32 s8, $0x3;
	s21 =	simm.s32 @!p0 $0xA;
	[sflag:s0] =	ssyncadd.s32 $0xFFFFF800  }
0x159: {  	s13 =	sor.u32 $0x2, s11;
	_ =	swait.ge @!p0 [sflag:s21], $0x800  }
0x15a: {  	s23 =	sshll.u32 s13, $0x7;
	[sflag:s21] =	ssyncset.done @!p0 $0x0  }
0x15b: {  	s23 =	sand.u32 $0x3FFFFF80, s23;
	[sflag:s21] =	ssyncadd.s32 @!p0 $0xFFFFF800  }
0x15c: {  	v3 =	vld [tilespmem:s23+$0x400]  }
0x15d: {  	v2 =	vld [tilespmem:s23+$0x410]  }
0x15e: {  	v0 =	vld [tilespmem:s23+$0x420]  }
0x15f: {  	s21 =	simm.s32 $0x0;
	v1 =	vld [tilespmem:s23+$0x430]  }
0x160: {  	v4 =	vld [tilespmem:s21+$0xA470]  }
0x161: {  	v5 =	vld [tilespmem:s21+$0xA870]  }
0x162: {  	v6 =	vld [tilespmem:s21+$0xAC70]  }
0x163: {  	v7 =	vld [tilespmem:s21+$0xB070]  }
0x164: {  	v8 =	vld [tilespmem:s21+$0xA400]  }
0x165: {  	v9 =	vld [tilespmem:s21+$0xA800]  }
0x166: {  	v10 =	vld [tilespmem:s21+$0xAC00]  }
0x167: {  	v11 =	vld [tilespmem:s21+$0xB000]  }
0x168: {  	v12 =	vld [tilespmem:s21+$0xA410]  }
0x169: {  	v13 =	vld [tilespmem:s21+$0x10C70]  }
0x16a: {  	v14 =	vld [tilespmem:s21+$0xA810]  }
0x16b: {  	v15 =	vld [tilespmem:s21+$0xA820]  }
0x16c: {  	v44 =	vld [tilespmem:s21+$0xB020]  }
0x16d: {  	v45 =	vld [tilespmem:s21+$0xA830]  }
0x16e: {  	v46 =	vld [tilespmem:s21+$0xAC30]  }
0x16f: {  	v47 =	vld [tilespmem:s21+$0xB030]  }
0x170: {  	v48 =	vld [tilespmem:s21+$0xA440]  }
0x171: {  	v49 =	vld [tilespmem:s21+$0xA840]  }
0x172: {  	v50 =	vld [tilespmem:s21+$0xAC40];
	v4 =	vmul.f32 v4, v3;
	v5 =	vmul.f32 v5, v2  }
0x173: {  	v23 =	vld [tilespmem:s21+$0xB040];
	v6 =	vmul.f32 v6, v0;
	v7 =	vmul.f32 v7, v1  }
0x174: {  	v24 =	vld [tilespmem:s21+$0xA450]  }
0x175: {  	v4 =	vadd.f32 v5, v4;
	v5 =	vadd.f32 v7, v6;
	v6 =	vld [tilespmem:s21+$0xAC10]  }
0x176: {  	v7 =	vld [tilespmem:s21+$0xB010]  }
0x177: {  	v25 =	vld [tilespmem:s21+$0xA850];
	v8 =	vmul.f32 v8, v3;
	v9 =	vmul.f32 v9, v2;
	v4 =	vadd.f32 v5, v4  }
0x178: {  	v10 =	vmul.f32 v10, v0;
	v11 =	vmul.f32 v11, v1;
	v5 =	vld [tilespmem:s21+$0xA420]  }
0x179: {  	v53 =	vmul.f32 v47, v1;
	v55 =	vmul.f32 v49, v2;
	v4 =	vadd.f32 v4, v13;
	v13 =	vld [tilespmem:s21+$0xAC20]  }
0x17a: {  	v51 =	vld [tilespmem:s21+$0xA860];
	v8 =	vadd.f32 v9, v8;
	v9 =	vmul.f32 v12, v3;
	v12 =	vmul.f32 v14, v2  }
0x17b: {  	v10 =	vadd.f32 v11, v10;
	v6 =	vmul.f32 v6, v0;
	v7 =	vmul.f32 v7, v1;
	[tilespmem:s21+$0x12C70] =	vst v4;
	v4 =	vld [tilespmem:s21+$0xA430]  }
0x17c: {  	v52 =	vld [tilespmem:s21+$0xAC60];
	v57 =	vmul.f32 v23, v1;
	v9 =	vadd.f32 v12, v9;
	v12 =	vmul.f32 v15, v2  }
0x17d: {  	v54 =	vld [tilespmem:s21+$0xB060];
	v8 =	vadd.f32 v10, v8;
	v10 =	vmul.f32 v45, v2;
	v6 =	vadd.f32 v7, v6  }
0x17e: {  	v56 =	vld [tilespmem:s21+$0x10C00];
	v5 =	vmul.f32 v5, v3;
	v7 =	vmul.f32 v13, v0  }
0x17f: {  	v14 =	vld [tilespmem:s21+$0xAC50];
	v13 =	vmul.f32 v44, v1;
	v9 =	vadd.f32 v6, v9;
	v6 =	vmul.f32 v46, v0  }
0x180: {  	v11 =	vld [tilespmem:s21+$0xB050];
	v5 =	vadd.f32 v12, v5;
	v12 =	vmul.f32 v48, v3;
	v4 =	vmul.f32 v4, v3  }
0x181: {  	v15 =	vld [tilespmem:s21+$0xA460];
	v7 =	vadd.f32 v13, v7;
	v13 =	vmul.f32 v50, v0;
	v6 =	vadd.f32 v53, v6  }
0x182: {  	v58 =	vld [tilespmem:s21+$0x10C10];
	v12 =	vadd.f32 v55, v12;
	v4 =	vadd.f32 v10, v4  }
0x183: {  	v62 =	vmul.f32 v54, v1;
	v10 =	vld [tilespmem:s21+$0x10C20];
	v13 =	vadd.f32 v57, v13;
	v60 =	vadd.f32 v7, v5  }
0x184: {  	v59 =	vld [tilespmem:s21+$0x10C30];
	v7 =	vmul.f32 v25, v2;
	v61 =	vadd.f32 v6, v4;
	v4 =	vmul.f32 v24, v3  }
0x185: {  	v26 =	vld [tilespmem:s21+$0x10C40];
	v8 =	vadd.f32 v8, v56;
	v11 =	vmul.f32 v11, v1;
	v12 =	vadd.f32 v13, v12  }
0x186: {  	s22 =	simm.s32 $0x80;
	v5 =	vld [tilespmem:s21+$0x10C50];
	v13 =	vmul.f32 v14, v0;
	v14 =	vadd.f32 v7, v4;
	v7 =	vmul.f32 v15, v3  }
0x187: {  	v9 =	vadd.f32 v9, v58;
	v15 =	vmul.f32 v51, v2;
	v4 =	vld [tilespmem:s22+$0xA470];
	[tilespmem:s21+$0x12C00] =	vst v8;
	v8 =	vmul.f32 v52, v0  }
0x188: {  	v6 =	vld [tilespmem:s21+$0x10C60];
	v11 =	vadd.f32 v11, v13;
	v63 =	vadd.f32 v60, v10  }
0x189: {  	v13 =	vadd.f32 v15, v7;
	v15 =	vadd.f32 v62, v8  }
0x18a: {  	v7 =	vld [tilespmem:s22+$0xA870];
	[tilespmem:s21+$0x12C10] =	vst v9;
	v9 =	vadd.f32 v11, v14;
	v11 =	vadd.f32 v61, v59  }
0x18b: {  	s13 =	sadd.s32 s5, s13;
	s23 =	simm.s32 $0x400;
	v12 =	vadd.f32 v12, v26;
	v8 =	vld [tilespmem:s22+$0xAC70];
	[tilespmem:s21+$0x12C20] =	vst v63;
	v10 =	vadd.f32 v15, v13  }
.LBB2_7:
0x18c: {  	p2 =	sne.s32 s23, $0xE00;
	v13 =	vld [tilespmem:s22+$0xB070];
	[tilespmem:s21+$0x12C30] =	vst v11;
	v5 =	vadd.f32 v9, v5  }
0x18d: {  	v9 =	vld [tilespmem:s22+$0xA400];
	[tilespmem:s21+$0x12C40] =	vst v12;
	v6 =	vadd.f32 v10, v6  }
0x18e: {  	v10 =	vld [tilespmem:s22+$0xA800];
	[tilespmem:s21+$0x12C50] =	vst v5  }
0x18f: {  	v5 =	vld [tilespmem:s22+$0xAC00];
	[tilespmem:s21+$0x12C60] =	vst v6;
	s21 =	smov.u32 s22  }
0x190: {  	v4 =	vmul.f32 v4, v3;
	v7 =	vmul.f32 v7, v2;
	v6 =	vld [tilespmem:s21+$0xB000]  }
0x191: {  	v8 =	vmul.f32 v8, v0;
	v11 =	vld [tilespmem:s21+$0xA410];
	v12 =	vmul.f32 v13, v1  }
0x192: {  	v9 =	vmul.f32 v9, v3;
	v13 =	vld [tilespmem:s21+$0x10C70]  }
0x193: {  	v4 =	vadd.f32 v7, v4;
	v10 =	vmul.f32 v10, v2;
	v14 =	vld [tilespmem:s21+$0xA810];
	v7 =	vadd.f32 v12, v8  }
0x194: {  	v5 =	vmul.f32 v5, v0;
	v8 =	vld [tilespmem:s21+$0xAC10]  }
0x195: {  	v6 =	vmul.f32 v6, v1;
	v9 =	vadd.f32 v10, v9;
	v10 =	vld [tilespmem:s21+$0xB010];
	v4 =	vadd.f32 v7, v4  }
0x196: {  	v7 =	vmul.f32 v11, v3;
	v11 =	vld [tilespmem:s21+$0xA420]  }
0x197: {  	v5 =	vadd.f32 v6, v5;
	v6 =	vld [tilespmem:s21+$0xA820];
	v4 =	vadd.f32 v4, v13  }
0x198: {  	v12 =	vmul.f32 v14, v2;
	v13 =	vld [tilespmem:s21+$0xAC20]  }
0x199: {  	v5 =	vadd.f32 v5, v9;
	v8 =	vmul.f32 v8, v0;
	v9 =	vld [tilespmem:s21+$0xB020];
	[tilespmem:s21+$0x12C70] =	vst v4  }
0x19a: {  	v4 =	vmul.f32 v10, v1;
	v7 =	vadd.f32 v12, v7;
	v10 =	vld [tilespmem:s21+$0xA430]  }
0x19b: {  	v11 =	vmul.f32 v11, v3;
	v12 =	vld [tilespmem:s21+$0xA830]  }
0x19c: {  	v4 =	vadd.f32 v4, v8;
	v6 =	vmul.f32 v6, v2;
	v8 =	vld [tilespmem:s21+$0xAC30]  }
0x19d: {  	v13 =	vmul.f32 v13, v0;
	v14 =	vld [tilespmem:s21+$0xB030]  }
0x19e: {  	v4 =	vadd.f32 v4, v7;
	v7 =	vmul.f32 v9, v1;
	v6 =	vadd.f32 v6, v11;
	v9 =	vld [tilespmem:s21+$0xA440]  }
0x19f: {  	v10 =	vmul.f32 v10, v3;
	v11 =	vld [tilespmem:s21+$0xA840]  }
0x1a0: {  	v7 =	vadd.f32 v7, v13;
	v12 =	vmul.f32 v12, v2;
	v13 =	vld [tilespmem:s21+$0xAC40]  }
0x1a1: {  	v8 =	vmul.f32 v8, v0;
	v15 =	vld [tilespmem:s21+$0xB040]  }
0x1a2: {  	v7 =	vadd.f32 v7, v6;
	v6 =	vmul.f32 v14, v1;
	v10 =	vadd.f32 v12, v10;
	v12 =	vld [tilespmem:s21+$0xA450]  }
0x1a3: {  	v9 =	vmul.f32 v9, v3;
	v14 =	vld [tilespmem:s21+$0xA850]  }
0x1a4: {  	v6 =	vadd.f32 v6, v8;
	v8 =	vmul.f32 v11, v2;
	v11 =	vld [tilespmem:s21+$0xAC50]  }
0x1a5: {  	v13 =	vmul.f32 v13, v0;
	v16 =	vld [tilespmem:s21+$0xB050]  }
0x1a6: {  	v10 =	vadd.f32 v6, v10;
	v6 =	vmul.f32 v15, v1;
	v8 =	vadd.f32 v8, v9;
	v9 =	vld [tilespmem:s21+$0xA460]  }
0x1a7: {  	v12 =	vmul.f32 v12, v3;
	v15 =	vld [tilespmem:s21+$0xA860]  }
0x1a8: {  	v6 =	vadd.f32 v6, v13;
	v13 =	vmul.f32 v14, v2;
	v14 =	vld [tilespmem:s21+$0xAC60]  }
0x1a9: {  	v11 =	vmul.f32 v11, v0;
	v17 =	vld [tilespmem:s21+$0xB060]  }
0x1aa: {  	v18 =	vld [tilespmem:s21+$0x10C00];
	v19 =	vadd.f32 v6, v8;
	v6 =	vmul.f32 v16, v1;
	v8 =	vadd.f32 v13, v12  }
0x1ab: {  	v12 =	vld [tilespmem:s21+$0x10C10];
	v13 =	vmul.f32 v9, v3  }
0x1ac: {  	v16 =	vld [tilespmem:s21+$0x10C20];
	v6 =	vadd.f32 v6, v11;
	v11 =	vmul.f32 v15, v2  }
0x1ad: {  	v15 =	vld [tilespmem:s21+$0x10C30];
	v14 =	vmul.f32 v14, v0  }
0x1ae: {  	v20 =	vld [tilespmem:s21+$0x10C40];
	v9 =	vadd.f32 v6, v8;
	v8 =	vmul.f32 v17, v1;
	v13 =	vadd.f32 v11, v13  }
.Ltmp4:
0x1af: {  	v11 =	vadd.f32 v5, v18;
	v5 =	vld [tilespmem:s21+$0x10C50];
	(pc) =	sbr.rel @p2 .LBB2_7-.Ltmp4, $4  }
0x1b0: {  	s22 =	sshra.s32 s23, $0x2;
	v12 =	vadd.f32 v4, v12;
	v6 =	vld [tilespmem:s21+$0x10C60];
	v8 =	vadd.f32 v8, v14  }
0x1b1: {  	v4 =	vld [tilespmem:s22+$0xA470];
	[tilespmem:s21+$0x12C00] =	vst v11;
	v14 =	vadd.f32 v7, v16  }
0x1b2: {  	v7 =	vld [tilespmem:s22+$0xA870];
	[tilespmem:s21+$0x12C10] =	vst v12;
	v11 =	vadd.f32 v10, v15;
	v10 =	vadd.f32 v8, v13  }
0x1b3: {  	s23 =	sadd.s32 $0x200, s23;
	v8 =	vld [tilespmem:s22+$0xAC70];
	[tilespmem:s21+$0x12C20] =	vst v14;
	v12 =	vadd.f32 v19, v20  }
0x1b4: {  	v13 =	vld [tilespmem:s22+$0xB070];
	[tilespmem:s21+$0x12C30] =	vst v11;
	v5 =	vadd.f32 v9, v5  }
0x1b5: {  	v11 =	vld [tilespmem:s22+$0xA400];
	[tilespmem:s21+$0x12C40] =	vst v12;
	v6 =	vadd.f32 v10, v6  }
0x1b6: {  	v9 =	vld [tilespmem:s22+$0xA800];
	[tilespmem:s21+$0x12C50] =	vst v5  }
0x1b7: {  	v5 =	vld [tilespmem:s22+$0xAC00];
	[tilespmem:s21+$0x12C60] =	vst v6  }
0x1b8: {  	v6 =	vld [tilespmem:s22+$0xB000]  }
0x1b9: {  	v10 =	vld [tilespmem:s22+$0xA410]  }
0x1ba: {  	v14 =	vld [tilespmem:s22+$0xA810]  }
0x1bb: {  	v15 =	vld [tilespmem:s22+$0xA820]  }
0x1bc: {  	v16 =	vld [tilespmem:s22+$0xB020]  }
0x1bd: {  	v17 =	vld [tilespmem:s22+$0xA830]  }
0x1be: {  	v18 =	vld [tilespmem:s22+$0xAC30]  }
0x1bf: {  	v19 =	vld [tilespmem:s22+$0xB030]  }
0x1c0: {  	v4 =	vmul.f32 v4, v3;
	v7 =	vmul.f32 v7, v2;
	v20 =	vld [tilespmem:s22+$0xA440]  }
0x1c1: {  	v8 =	vmul.f32 v8, v0;
	v21 =	vld [tilespmem:s22+$0xA840];
	v12 =	vmul.f32 v13, v1  }
0x1c2: {  	v13 =	vld [tilespmem:s22+$0x10C70]  }
0x1c3: {  	v22 =	vld [tilespmem:s22+$0xA450];
	v4 =	vadd.f32 v7, v4;
	v7 =	vadd.f32 v12, v8  }
0x1c4: {  	v8 =	vld [tilespmem:s22+$0xAC10]  }
0x1c5: {  	v12 =	vld [tilespmem:s22+$0xB010];
	v4 =	vadd.f32 v7, v4  }
0x1c6: {  	v11 =	vmul.f32 v11, v3;
	v9 =	vmul.f32 v9, v2;
	v7 =	vld [tilespmem:s22+$0xA420]  }
0x1c7: {  	v5 =	vmul.f32 v5, v0;
	v6 =	vmul.f32 v6, v1;
	v4 =	vadd.f32 v4, v13;
	v13 =	vld [tilespmem:s22+$0xAC20]  }
0x1c8: {  	v36 =	vld [tilespmem:s22+$0xAC50];
	v9 =	vadd.f32 v9, v11  }
0x1c9: {  	v11 =	vld [tilespmem:s22+$0xAC40];
	v10 =	vmul.f32 v10, v3;
	v5 =	vadd.f32 v6, v5;
	v6 =	vmul.f32 v14, v2  }
0x1ca: {  	v8 =	vmul.f32 v8, v0;
	v12 =	vmul.f32 v12, v1;
	[tilespmem:s22+$0x12C70] =	vst v4;
	v4 =	vld [tilespmem:s22+$0xA430]  }
0x1cb: {  	v38 =	vld [tilespmem:s22+$0xA860];
	v5 =	vadd.f32 v5, v9;
	v9 =	vmul.f32 v15, v2;
	v7 =	vmul.f32 v7, v3  }
0x1cc: {  	v14 =	vld [tilespmem:s22+$0xB040];
	v6 =	vadd.f32 v6, v10;
	v10 =	vmul.f32 v13, v0;
	v13 =	vmul.f32 v16, v1  }
0x1cd: {  	v40 =	vld [tilespmem:s22+$0xAC60];
	v37 =	vmul.f32 v19, v1;
	v39 =	vmul.f32 v21, v2;
	v8 =	vadd.f32 v12, v8  }
0x1ce: {  	v15 =	vld [tilespmem:s22+$0xA850];
	v12 =	vmul.f32 v17, v2;
	v7 =	vadd.f32 v9, v7;
	v10 =	vadd.f32 v13, v10  }
0x1cf: {  	v11 =	vmul.f32 v11, v0;
	v9 =	vld [tilespmem:s22+$0xB050];
	v4 =	vmul.f32 v4, v3  }
0x1d0: {  	v41 =	vld [tilespmem:s22+$0x10C00];
	v6 =	vadd.f32 v8, v6;
	v8 =	vmul.f32 v18, v0;
	v7 =	vadd.f32 v10, v7  }
0x1d1: {  	v13 =	vld [tilespmem:s22+$0xA460];
	v10 =	vmul.f32 v20, v3;
	v4 =	vadd.f32 v12, v4;
	v12 =	vmul.f32 v14, v1  }
0x1d2: {  	v42 =	vmul.f32 v22, v3;
	v8 =	vadd.f32 v37, v8;
	v14 =	vld [tilespmem:s22+$0xB060]  }
0x1d3: {  	v10 =	vadd.f32 v39, v10;
	v11 =	vadd.f32 v12, v11;
	v12 =	vmul.f32 v15, v2;
	v15 =	vld [tilespmem:s22+$0x10C10]  }
0x1d4: {  	v43 =	vld [tilespmem:s22+$0x10C20];
	v9 =	vmul.f32 v9, v1;
	v4 =	vadd.f32 v8, v4;
	v8 =	vmul.f32 v36, v0  }
0x1d5: {  	v10 =	vadd.f32 v11, v10;
	v11 =	vadd.f32 v12, v42;
	v12 =	vld [tilespmem:s22+$0x10C30]  }
0x1d6: {  	v2 =	vmul.f32 v38, v2;
	v3 =	vmul.f32 v13, v3;
	v8 =	vadd.f32 v9, v8;
	v9 =	vld [tilespmem:s22+$0x10C40]  }
0x1d7: {  	v5 =	vadd.f32 v5, v41;
	v0 =	vmul.f32 v40, v0;
	v13 =	vld [tilespmem:s22+$0x10C50];
	v1 =	vmul.f32 v14, v1  }
0x1d8: {  	v2 =	vadd.f32 v2, v3;
	v3 =	vadd.f32 v6, v15;
	v6 =	vld [tilespmem:s22+$0x10C60]  }
0x1d9: {  	[tilespmem:s22+$0x12C00] =	vst v5;
	v0 =	vadd.f32 v1, v0;
	v1 =	vadd.f32 v7, v43  }
0x1da: {  	v5 =	vadd.f32 v8, v11;
	[tilespmem:s22+$0x12C10] =	vst v3;
	v3 =	vadd.f32 v4, v12  }
0x1db: {  	v0 =	vadd.f32 v0, v2;
	[tilespmem:s22+$0x12C20] =	vst v1;
	v1 =	vadd.f32 v10, v9  }
0x1dc: {  	v2 =	vadd.f32 v5, v13;
	[tilespmem:s22+$0x12C30] =	vst v3  }
0x1dd: {  	[tilespmem:s22+$0x12C40] =	vst v1;
	v0 =	vadd.f32 v0, v6  }
0x1de: {  	[tilespmem:s22+$0x12C50] =	vst v2  }
0x1df: {  	[tilespmem:s22+$0x12C60] =	vst v0  }
0x1e0: {  	v3 =	vld [tilespmem:s10+$0x580]  }
0x1e1: {  	v2 =	vld [tilespmem:s10+$0x590]  }
0x1e2: {  	v0 =	vld [tilespmem:s10+$0x5A0]  }
0x1e3: {  	s21 =	simm.s32 $0x0;
	v1 =	vld [tilespmem:s10+$0x5B0]  }
0x1e4: {  	v4 =	vld [tilespmem:s21+$0xB470]  }
0x1e5: {  	v5 =	vld [tilespmem:s21+$0xB870]  }
0x1e6: {  	v6 =	vld [tilespmem:s21+$0xBC70]  }
0x1e7: {  	v7 =	vld [tilespmem:s21+$0xC070]  }
0x1e8: {  	v8 =	vld [tilespmem:s21+$0xB400]  }
0x1e9: {  	v9 =	vld [tilespmem:s21+$0xB800]  }
0x1ea: {  	v10 =	vld [tilespmem:s21+$0xBC00]  }
0x1eb: {  	v11 =	vld [tilespmem:s21+$0xC000]  }
0x1ec: {  	v12 =	vld [tilespmem:s21+$0xB410]  }
0x1ed: {  	v13 =	vld [tilespmem:s21+$0x11070]  }
0x1ee: {  	v14 =	vld [tilespmem:s21+$0xB810]  }
0x1ef: {  	v15 =	vld [tilespmem:s21+$0xB820]  }
0x1f0: {  	v44 =	vld [tilespmem:s21+$0xC020]  }
0x1f1: {  	v45 =	vld [tilespmem:s21+$0xB830]  }
0x1f2: {  	v46 =	vld [tilespmem:s21+$0xBC30]  }
0x1f3: {  	v47 =	vld [tilespmem:s21+$0xC030]  }
0x1f4: {  	v48 =	vld [tilespmem:s21+$0xB440]  }
0x1f5: {  	v49 =	vld [tilespmem:s21+$0xB840]  }
0x1f6: {  	v50 =	vld [tilespmem:s21+$0xBC40];
	v4 =	vmul.f32 v4, v3;
	v5 =	vmul.f32 v5, v2  }
0x1f7: {  	v23 =	vld [tilespmem:s21+$0xC040];
	v6 =	vmul.f32 v6, v0;
	v7 =	vmul.f32 v7, v1  }
0x1f8: {  	v24 =	vld [tilespmem:s21+$0xB450]  }
0x1f9: {  	v4 =	vadd.f32 v5, v4;
	v5 =	vadd.f32 v7, v6;
	v6 =	vld [tilespmem:s21+$0xBC10]  }
0x1fa: {  	v7 =	vld [tilespmem:s21+$0xC010]  }
0x1fb: {  	v25 =	vld [tilespmem:s21+$0xB850];
	v8 =	vmul.f32 v8, v3;
	v9 =	vmul.f32 v9, v2;
	v4 =	vadd.f32 v5, v4  }
0x1fc: {  	v10 =	vmul.f32 v10, v0;
	v11 =	vmul.f32 v11, v1;
	v5 =	vld [tilespmem:s21+$0xB420]  }
0x1fd: {  	v53 =	vmul.f32 v47, v1;
	v55 =	vmul.f32 v49, v2;
	v4 =	vadd.f32 v4, v13;
	v13 =	vld [tilespmem:s21+$0xBC20]  }
0x1fe: {  	v51 =	vld [tilespmem:s21+$0xB860];
	v8 =	vadd.f32 v9, v8;
	v9 =	vmul.f32 v12, v3;
	v12 =	vmul.f32 v14, v2  }
0x1ff: {  	v10 =	vadd.f32 v11, v10;
	v6 =	vmul.f32 v6, v0;
	v7 =	vmul.f32 v7, v1;
	[tilespmem:s21+$0x13070] =	vst v4;
	v4 =	vld [tilespmem:s21+$0xB430]  }
0x200: {  	v52 =	vld [tilespmem:s21+$0xBC60];
	v57 =	vmul.f32 v23, v1;
	v9 =	vadd.f32 v12, v9;
	v12 =	vmul.f32 v15, v2  }
0x201: {  	v54 =	vld [tilespmem:s21+$0xC060];
	v8 =	vadd.f32 v10, v8;
	v10 =	vmul.f32 v45, v2;
	v6 =	vadd.f32 v7, v6  }
0x202: {  	v56 =	vld [tilespmem:s21+$0x11000];
	v5 =	vmul.f32 v5, v3;
	v7 =	vmul.f32 v13, v0  }
0x203: {  	v14 =	vld [tilespmem:s21+$0xBC50];
	v13 =	vmul.f32 v44, v1;
	v9 =	vadd.f32 v6, v9;
	v6 =	vmul.f32 v46, v0  }
0x204: {  	v11 =	vld [tilespmem:s21+$0xC050];
	v5 =	vadd.f32 v12, v5;
	v12 =	vmul.f32 v48, v3;
	v4 =	vmul.f32 v4, v3  }
0x205: {  	v15 =	vld [tilespmem:s21+$0xB460];
	v7 =	vadd.f32 v13, v7;
	v13 =	vmul.f32 v50, v0;
	v6 =	vadd.f32 v53, v6  }
0x206: {  	v58 =	vld [tilespmem:s21+$0x11010];
	v12 =	vadd.f32 v55, v12;
	v4 =	vadd.f32 v10, v4  }
0x207: {  	v62 =	vmul.f32 v54, v1;
	v10 =	vld [tilespmem:s21+$0x11020];
	v13 =	vadd.f32 v57, v13;
	v60 =	vadd.f32 v7, v5  }
0x208: {  	v59 =	vld [tilespmem:s21+$0x11030];
	v7 =	vmul.f32 v25, v2;
	v61 =	vadd.f32 v6, v4;
	v4 =	vmul.f32 v24, v3  }
0x209: {  	v26 =	vld [tilespmem:s21+$0x11040];
	v8 =	vadd.f32 v8, v56;
	v11 =	vmul.f32 v11, v1;
	v12 =	vadd.f32 v13, v12  }
0x20a: {  	s22 =	simm.s32 $0x80;
	v5 =	vld [tilespmem:s21+$0x11050];
	v13 =	vmul.f32 v14, v0;
	v14 =	vadd.f32 v7, v4;
	v7 =	vmul.f32 v15, v3  }
0x20b: {  	v9 =	vadd.f32 v9, v58;
	v15 =	vmul.f32 v51, v2;
	v4 =	vld [tilespmem:s22+$0xB470];
	[tilespmem:s21+$0x13000] =	vst v8;
	v8 =	vmul.f32 v52, v0  }
0x20c: {  	v6 =	vld [tilespmem:s21+$0x11060];
	v11 =	vadd.f32 v11, v13;
	v63 =	vadd.f32 v60, v10  }
0x20d: {  	v13 =	vadd.f32 v15, v7;
	v15 =	vadd.f32 v62, v8  }
0x20e: {  	v7 =	vld [tilespmem:s22+$0xB870];
	[tilespmem:s21+$0x13010] =	vst v9;
	v9 =	vadd.f32 v11, v14;
	v11 =	vadd.f32 v61, v59  }
0x20f: {  	s23 =	simm.s32 $0x400;
	v12 =	vadd.f32 v12, v26;
	v8 =	vld [tilespmem:s22+$0xBC70];
	[tilespmem:s21+$0x13020] =	vst v63;
	v10 =	vadd.f32 v15, v13  }
.LBB2_9:
0x210: {  	p2 =	sne.s32 s23, $0xE00;
	v13 =	vld [tilespmem:s22+$0xC070];
	[tilespmem:s21+$0x13030] =	vst v11;
	v5 =	vadd.f32 v9, v5  }
0x211: {  	v9 =	vld [tilespmem:s22+$0xB400];
	[tilespmem:s21+$0x13040] =	vst v12;
	v6 =	vadd.f32 v10, v6  }
0x212: {  	v10 =	vld [tilespmem:s22+$0xB800];
	[tilespmem:s21+$0x13050] =	vst v5  }
0x213: {  	v5 =	vld [tilespmem:s22+$0xBC00];
	[tilespmem:s21+$0x13060] =	vst v6;
	s21 =	smov.u32 s22  }
0x214: {  	v4 =	vmul.f32 v4, v3;
	v7 =	vmul.f32 v7, v2;
	v6 =	vld [tilespmem:s21+$0xC000]  }
0x215: {  	v8 =	vmul.f32 v8, v0;
	v11 =	vld [tilespmem:s21+$0xB410];
	v12 =	vmul.f32 v13, v1  }
0x216: {  	v9 =	vmul.f32 v9, v3;
	v13 =	vld [tilespmem:s21+$0x11070]  }
0x217: {  	v4 =	vadd.f32 v7, v4;
	v10 =	vmul.f32 v10, v2;
	v14 =	vld [tilespmem:s21+$0xB810];
	v7 =	vadd.f32 v12, v8  }
0x218: {  	v5 =	vmul.f32 v5, v0;
	v8 =	vld [tilespmem:s21+$0xBC10]  }
0x219: {  	v6 =	vmul.f32 v6, v1;
	v9 =	vadd.f32 v10, v9;
	v10 =	vld [tilespmem:s21+$0xC010];
	v4 =	vadd.f32 v7, v4  }
0x21a: {  	v7 =	vmul.f32 v11, v3;
	v11 =	vld [tilespmem:s21+$0xB420]  }
0x21b: {  	v5 =	vadd.f32 v6, v5;
	v6 =	vld [tilespmem:s21+$0xB820];
	v4 =	vadd.f32 v4, v13  }
0x21c: {  	v12 =	vmul.f32 v14, v2;
	v13 =	vld [tilespmem:s21+$0xBC20]  }
0x21d: {  	v5 =	vadd.f32 v5, v9;
	v8 =	vmul.f32 v8, v0;
	v9 =	vld [tilespmem:s21+$0xC020];
	[tilespmem:s21+$0x13070] =	vst v4  }
0x21e: {  	v4 =	vmul.f32 v10, v1;
	v7 =	vadd.f32 v12, v7;
	v10 =	vld [tilespmem:s21+$0xB430]  }
0x21f: {  	v11 =	vmul.f32 v11, v3;
	v12 =	vld [tilespmem:s21+$0xB830]  }
0x220: {  	v4 =	vadd.f32 v4, v8;
	v6 =	vmul.f32 v6, v2;
	v8 =	vld [tilespmem:s21+$0xBC30]  }
0x221: {  	v13 =	vmul.f32 v13, v0;
	v14 =	vld [tilespmem:s21+$0xC030]  }
0x222: {  	v4 =	vadd.f32 v4, v7;
	v7 =	vmul.f32 v9, v1;
	v6 =	vadd.f32 v6, v11;
	v9 =	vld [tilespmem:s21+$0xB440]  }
0x223: {  	v10 =	vmul.f32 v10, v3;
	v11 =	vld [tilespmem:s21+$0xB840]  }
0x224: {  	v7 =	vadd.f32 v7, v13;
	v12 =	vmul.f32 v12, v2;
	v13 =	vld [tilespmem:s21+$0xBC40]  }
0x225: {  	v8 =	vmul.f32 v8, v0;
	v15 =	vld [tilespmem:s21+$0xC040]  }
0x226: {  	v7 =	vadd.f32 v7, v6;
	v6 =	vmul.f32 v14, v1;
	v10 =	vadd.f32 v12, v10;
	v12 =	vld [tilespmem:s21+$0xB450]  }
0x227: {  	v9 =	vmul.f32 v9, v3;
	v14 =	vld [tilespmem:s21+$0xB850]  }
0x228: {  	v6 =	vadd.f32 v6, v8;
	v8 =	vmul.f32 v11, v2;
	v11 =	vld [tilespmem:s21+$0xBC50]  }
0x229: {  	v13 =	vmul.f32 v13, v0;
	v16 =	vld [tilespmem:s21+$0xC050]  }
0x22a: {  	v10 =	vadd.f32 v6, v10;
	v6 =	vmul.f32 v15, v1;
	v8 =	vadd.f32 v8, v9;
	v9 =	vld [tilespmem:s21+$0xB460]  }
0x22b: {  	v12 =	vmul.f32 v12, v3;
	v15 =	vld [tilespmem:s21+$0xB860]  }
0x22c: {  	v6 =	vadd.f32 v6, v13;
	v13 =	vmul.f32 v14, v2;
	v14 =	vld [tilespmem:s21+$0xBC60]  }
0x22d: {  	v11 =	vmul.f32 v11, v0;
	v17 =	vld [tilespmem:s21+$0xC060]  }
0x22e: {  	v18 =	vld [tilespmem:s21+$0x11000];
	v19 =	vadd.f32 v6, v8;
	v6 =	vmul.f32 v16, v1;
	v8 =	vadd.f32 v13, v12  }
0x22f: {  	v12 =	vld [tilespmem:s21+$0x11010];
	v13 =	vmul.f32 v9, v3  }
0x230: {  	v16 =	vld [tilespmem:s21+$0x11020];
	v6 =	vadd.f32 v6, v11;
	v11 =	vmul.f32 v15, v2  }
0x231: {  	v15 =	vld [tilespmem:s21+$0x11030];
	v14 =	vmul.f32 v14, v0  }
0x232: {  	v20 =	vld [tilespmem:s21+$0x11040];
	v9 =	vadd.f32 v6, v8;
	v8 =	vmul.f32 v17, v1;
	v13 =	vadd.f32 v11, v13  }
.Ltmp5:
0x233: {  	v11 =	vadd.f32 v5, v18;
	v5 =	vld [tilespmem:s21+$0x11050];
	(pc) =	sbr.rel @p2 .LBB2_9-.Ltmp5, $4  }
0x234: {  	s22 =	sshra.s32 s23, $0x2;
	v12 =	vadd.f32 v4, v12;
	v6 =	vld [tilespmem:s21+$0x11060];
	v8 =	vadd.f32 v8, v14  }
0x235: {  	v4 =	vld [tilespmem:s22+$0xB470];
	[tilespmem:s21+$0x13000] =	vst v11;
	v14 =	vadd.f32 v7, v16  }
0x236: {  	v7 =	vld [tilespmem:s22+$0xB870];
	[tilespmem:s21+$0x13010] =	vst v12;
	v11 =	vadd.f32 v10, v15;
	v10 =	vadd.f32 v8, v13  }
0x237: {  	s23 =	sadd.s32 $0x200, s23;
	v8 =	vld [tilespmem:s22+$0xBC70];
	[tilespmem:s21+$0x13020] =	vst v14;
	v12 =	vadd.f32 v19, v20  }
0x238: {  	v13 =	vld [tilespmem:s22+$0xC070];
	[tilespmem:s21+$0x13030] =	vst v11;
	v5 =	vadd.f32 v9, v5  }
0x239: {  	v11 =	vld [tilespmem:s22+$0xB400];
	[tilespmem:s21+$0x13040] =	vst v12;
	v6 =	vadd.f32 v10, v6  }
0x23a: {  	v9 =	vld [tilespmem:s22+$0xB800];
	[tilespmem:s21+$0x13050] =	vst v5  }
0x23b: {  	v5 =	vld [tilespmem:s22+$0xBC00];
	[tilespmem:s21+$0x13060] =	vst v6  }
0x23c: {  	v6 =	vld [tilespmem:s22+$0xC000]  }
0x23d: {  	v10 =	vld [tilespmem:s22+$0xB410]  }
0x23e: {  	v14 =	vld [tilespmem:s22+$0xB810]  }
0x23f: {  	v15 =	vld [tilespmem:s22+$0xB820]  }
0x240: {  	v16 =	vld [tilespmem:s22+$0xC020]  }
0x241: {  	v17 =	vld [tilespmem:s22+$0xB830]  }
0x242: {  	v18 =	vld [tilespmem:s22+$0xBC30]  }
0x243: {  	v19 =	vld [tilespmem:s22+$0xC030]  }
0x244: {  	v4 =	vmul.f32 v4, v3;
	v7 =	vmul.f32 v7, v2;
	v20 =	vld [tilespmem:s22+$0xB440]  }
0x245: {  	v8 =	vmul.f32 v8, v0;
	v21 =	vld [tilespmem:s22+$0xB840];
	v12 =	vmul.f32 v13, v1  }
0x246: {  	v13 =	vld [tilespmem:s22+$0x11070]  }
0x247: {  	v22 =	vld [tilespmem:s22+$0xB450];
	v4 =	vadd.f32 v7, v4;
	v7 =	vadd.f32 v12, v8  }
0x248: {  	v8 =	vld [tilespmem:s22+$0xBC10]  }
0x249: {  	v12 =	vld [tilespmem:s22+$0xC010];
	v4 =	vadd.f32 v7, v4  }
0x24a: {  	v11 =	vmul.f32 v11, v3;
	v9 =	vmul.f32 v9, v2;
	v7 =	vld [tilespmem:s22+$0xB420]  }
0x24b: {  	v5 =	vmul.f32 v5, v0;
	v6 =	vmul.f32 v6, v1;
	v4 =	vadd.f32 v4, v13;
	v13 =	vld [tilespmem:s22+$0xBC20]  }
0x24c: {  	v36 =	vld [tilespmem:s22+$0xBC50];
	v9 =	vadd.f32 v9, v11  }
0x24d: {  	v11 =	vld [tilespmem:s22+$0xBC40];
	v10 =	vmul.f32 v10, v3;
	v5 =	vadd.f32 v6, v5;
	v6 =	vmul.f32 v14, v2  }
0x24e: {  	v8 =	vmul.f32 v8, v0;
	v12 =	vmul.f32 v12, v1;
	[tilespmem:s22+$0x13070] =	vst v4;
	v4 =	vld [tilespmem:s22+$0xB430]  }
0x24f: {  	v38 =	vld [tilespmem:s22+$0xB860];
	v5 =	vadd.f32 v5, v9;
	v9 =	vmul.f32 v15, v2;
	v7 =	vmul.f32 v7, v3  }
0x250: {  	v14 =	vld [tilespmem:s22+$0xC040];
	v6 =	vadd.f32 v6, v10;
	v10 =	vmul.f32 v13, v0;
	v13 =	vmul.f32 v16, v1  }
0x251: {  	v40 =	vld [tilespmem:s22+$0xBC60];
	v37 =	vmul.f32 v19, v1;
	v39 =	vmul.f32 v21, v2;
	v8 =	vadd.f32 v12, v8  }
0x252: {  	v15 =	vld [tilespmem:s22+$0xB850];
	v12 =	vmul.f32 v17, v2;
	v7 =	vadd.f32 v9, v7;
	v10 =	vadd.f32 v13, v10  }
0x253: {  	v11 =	vmul.f32 v11, v0;
	v9 =	vld [tilespmem:s22+$0xC050];
	v4 =	vmul.f32 v4, v3  }
0x254: {  	v41 =	vld [tilespmem:s22+$0x11000];
	v6 =	vadd.f32 v8, v6;
	v8 =	vmul.f32 v18, v0;
	v7 =	vadd.f32 v10, v7  }
0x255: {  	v13 =	vld [tilespmem:s22+$0xB460];
	v10 =	vmul.f32 v20, v3;
	v4 =	vadd.f32 v12, v4;
	v12 =	vmul.f32 v14, v1  }
0x256: {  	v42 =	vmul.f32 v22, v3;
	v8 =	vadd.f32 v37, v8;
	v14 =	vld [tilespmem:s22+$0xC060]  }
0x257: {  	v10 =	vadd.f32 v39, v10;
	v11 =	vadd.f32 v12, v11;
	v12 =	vmul.f32 v15, v2;
	v15 =	vld [tilespmem:s22+$0x11010]  }
0x258: {  	v43 =	vld [tilespmem:s22+$0x11020];
	v9 =	vmul.f32 v9, v1;
	v4 =	vadd.f32 v8, v4;
	v8 =	vmul.f32 v36, v0  }
0x259: {  	v10 =	vadd.f32 v11, v10;
	v11 =	vadd.f32 v12, v42;
	v12 =	vld [tilespmem:s22+$0x11030]  }
0x25a: {  	v2 =	vmul.f32 v38, v2;
	v3 =	vmul.f32 v13, v3;
	v8 =	vadd.f32 v9, v8;
	v9 =	vld [tilespmem:s22+$0x11040]  }
0x25b: {  	v5 =	vadd.f32 v5, v41;
	v0 =	vmul.f32 v40, v0;
	v13 =	vld [tilespmem:s22+$0x11050];
	v1 =	vmul.f32 v14, v1  }
0x25c: {  	v2 =	vadd.f32 v2, v3;
	v3 =	vadd.f32 v6, v15;
	v6 =	vld [tilespmem:s22+$0x11060]  }
0x25d: {  	[tilespmem:s22+$0x13000] =	vst v5;
	v0 =	vadd.f32 v1, v0;
	v1 =	vadd.f32 v7, v43  }
0x25e: {  	v5 =	vadd.f32 v8, v11;
	[tilespmem:s22+$0x13010] =	vst v3;
	v3 =	vadd.f32 v4, v12  }
0x25f: {  	v0 =	vadd.f32 v0, v2;
	[tilespmem:s22+$0x13020] =	vst v1;
	v1 =	vadd.f32 v10, v9  }
0x260: {  	v2 =	vadd.f32 v5, v13;
	[tilespmem:s22+$0x13030] =	vst v3  }
0x261: {  	s13 =	sshll.u32 s13, $0x7;
	[tilespmem:s22+$0x13040] =	vst v1;
	v0 =	vadd.f32 v0, v6  }
0x262: {  	s13 =	sand.u32 $0x1FFFFD00, s13;
	[tilespmem:s22+$0x13050] =	vst v2  }
0x263: {  	s13 =	sadd.s32 s4, s13;
	[tilespmem:s22+$0x13060] =	vst v0  }
0x264: {  	[hbm4b:s13+s2] =	stream.linear.scatter [tilespmem:s1], [sflag:$0xA], $0x800, $0x38;
	[tilespmem:$0x14400] =	vst v63  }
0x265: {  	s13 =	sadd.s32 @!p1 $0x5, s9  }
0x266: {  	s23 =	simm.s32 @!p1 $0xA400;
	s21 =	sshll.u32 @!p1 s13, $0x3  }
0x267: {  	s22 =	simm.s32 @!p1 $0x8;
	s13 =	sshll.u32 @!p1 s13, $0x8;
	s21 =	sand.u32 @!p1 $0x3FFFFFF8, s21  }
0x268: {  	[tilespmem:s23], [sflag:$0x2] =	stream.indirect.gather @!p1 [hbm4b:s3+s22], $0x400, s21, s22, $0xb8;
	[tilespmem:$0x14400] =	vst v63  }
0x269: {  	s13 =	sadd.s32 @!p1 s13, s6;
	s21 =	simm.s32 @!p1 $0x0;
	s22 =	simm.s32 @!p1 $0x10C00  }
0x26a: {  	[tilespmem:s22], [sflag:$0x6] =	stream.linear.gather @!p1 [hbm4b:s13+s21], $0x800, $0x38;
	[tilespmem:$0x14400] =	vst v63  }
0x26b: {  	_ =	swait.ge [sflag:s15], $0x2000  }
0x26c: {  	[sflag:s15] =	ssyncset.done $0x0  }
0x26d: {  	[sflag:s15] =	ssyncadd.s32 $0xFFFFE000  }
0x26e: {  	_ =	swait.ge [sflag:s17], $0x800  }
0x26f: {  	[sflag:s17] =	ssyncset.done $0x0  }
0x270: {  	s21 =	simm.s32 @!p0 $0xB;
	[sflag:s17] =	ssyncadd.s32 $0xFFFFF800  }
0x271: {  	s13 =	sor.u32 $0x4, s11;
	_ =	swait.ge @!p0 [sflag:s21], $0x800  }
0x272: {  	s23 =	sshll.u32 s13, $0x7;
	[sflag:s21] =	ssyncset.done @!p0 $0x0  }
0x273: {  	s23 =	sand.u32 $0x3FFFFF80, s23;
	[sflag:s21] =	ssyncadd.s32 @!p0 $0xFFFFF800  }
0x274: {  	v3 =	vld [tilespmem:s23+$0x400]  }
0x275: {  	v2 =	vld [tilespmem:s23+$0x410]  }
0x276: {  	v0 =	vld [tilespmem:s23+$0x420]  }
0x277: {  	s21 =	simm.s32 $0x0;
	v1 =	vld [tilespmem:s23+$0x430]  }
0x278: {  	v4 =	vld [tilespmem:s21+$0xC470]  }
0x279: {  	v5 =	vld [tilespmem:s21+$0xC870]  }
0x27a: {  	v6 =	vld [tilespmem:s21+$0xCC70]  }
0x27b: {  	v7 =	vld [tilespmem:s21+$0xD070]  }
0x27c: {  	v8 =	vld [tilespmem:s21+$0xC400]  }
0x27d: {  	v9 =	vld [tilespmem:s21+$0xC800]  }
0x27e: {  	v10 =	vld [tilespmem:s21+$0xCC00]  }
0x27f: {  	v11 =	vld [tilespmem:s21+$0xD000]  }
0x280: {  	v12 =	vld [tilespmem:s21+$0xC410]  }
0x281: {  	v13 =	vld [tilespmem:s21+$0x11470]  }
0x282: {  	v14 =	vld [tilespmem:s21+$0xC810]  }
0x283: {  	v15 =	vld [tilespmem:s21+$0xC820]  }
0x284: {  	v44 =	vld [tilespmem:s21+$0xD020]  }
0x285: {  	v45 =	vld [tilespmem:s21+$0xC830]  }
0x286: {  	v46 =	vld [tilespmem:s21+$0xCC30]  }
0x287: {  	v47 =	vld [tilespmem:s21+$0xD030]  }
0x288: {  	v48 =	vld [tilespmem:s21+$0xC440]  }
0x289: {  	v49 =	vld [tilespmem:s21+$0xC840]  }
0x28a: {  	v50 =	vld [tilespmem:s21+$0xCC40];
	v4 =	vmul.f32 v4, v3;
	v5 =	vmul.f32 v5, v2  }
0x28b: {  	v23 =	vld [tilespmem:s21+$0xD040];
	v6 =	vmul.f32 v6, v0;
	v7 =	vmul.f32 v7, v1  }
0x28c: {  	v24 =	vld [tilespmem:s21+$0xC450]  }
0x28d: {  	v4 =	vadd.f32 v5, v4;
	v5 =	vadd.f32 v7, v6;
	v6 =	vld [tilespmem:s21+$0xCC10]  }
0x28e: {  	v7 =	vld [tilespmem:s21+$0xD010]  }
0x28f: {  	v25 =	vld [tilespmem:s21+$0xC850];
	v8 =	vmul.f32 v8, v3;
	v9 =	vmul.f32 v9, v2;
	v4 =	vadd.f32 v5, v4  }
0x290: {  	v10 =	vmul.f32 v10, v0;
	v11 =	vmul.f32 v11, v1;
	v5 =	vld [tilespmem:s21+$0xC420]  }
0x291: {  	v53 =	vmul.f32 v47, v1;
	v55 =	vmul.f32 v49, v2;
	v4 =	vadd.f32 v4, v13;
	v13 =	vld [tilespmem:s21+$0xCC20]  }
0x292: {  	v51 =	vld [tilespmem:s21+$0xC860];
	v8 =	vadd.f32 v9, v8;
	v9 =	vmul.f32 v12, v3;
	v12 =	vmul.f32 v14, v2  }
0x293: {  	v10 =	vadd.f32 v11, v10;
	v6 =	vmul.f32 v6, v0;
	v7 =	vmul.f32 v7, v1;
	[tilespmem:s21+$0x13470] =	vst v4;
	v4 =	vld [tilespmem:s21+$0xC430]  }
0x294: {  	v52 =	vld [tilespmem:s21+$0xCC60];
	v57 =	vmul.f32 v23, v1;
	v9 =	vadd.f32 v12, v9;
	v12 =	vmul.f32 v15, v2  }
0x295: {  	v54 =	vld [tilespmem:s21+$0xD060];
	v8 =	vadd.f32 v10, v8;
	v10 =	vmul.f32 v45, v2;
	v6 =	vadd.f32 v7, v6  }
0x296: {  	v56 =	vld [tilespmem:s21+$0x11400];
	v5 =	vmul.f32 v5, v3;
	v7 =	vmul.f32 v13, v0  }
0x297: {  	v14 =	vld [tilespmem:s21+$0xCC50];
	v13 =	vmul.f32 v44, v1;
	v9 =	vadd.f32 v6, v9;
	v6 =	vmul.f32 v46, v0  }
0x298: {  	v11 =	vld [tilespmem:s21+$0xD050];
	v5 =	vadd.f32 v12, v5;
	v12 =	vmul.f32 v48, v3;
	v4 =	vmul.f32 v4, v3  }
0x299: {  	v15 =	vld [tilespmem:s21+$0xC460];
	v7 =	vadd.f32 v13, v7;
	v13 =	vmul.f32 v50, v0;
	v6 =	vadd.f32 v53, v6  }
0x29a: {  	v58 =	vld [tilespmem:s21+$0x11410];
	v12 =	vadd.f32 v55, v12;
	v4 =	vadd.f32 v10, v4  }
0x29b: {  	v62 =	vmul.f32 v54, v1;
	v10 =	vld [tilespmem:s21+$0x11420];
	v13 =	vadd.f32 v57, v13;
	v60 =	vadd.f32 v7, v5  }
0x29c: {  	v59 =	vld [tilespmem:s21+$0x11430];
	v7 =	vmul.f32 v25, v2;
	v61 =	vadd.f32 v6, v4;
	v4 =	vmul.f32 v24, v3  }
0x29d: {  	v26 =	vld [tilespmem:s21+$0x11440];
	v8 =	vadd.f32 v8, v56;
	v11 =	vmul.f32 v11, v1;
	v12 =	vadd.f32 v13, v12  }
0x29e: {  	s22 =	simm.s32 $0x80;
	v5 =	vld [tilespmem:s21+$0x11450];
	v13 =	vmul.f32 v14, v0;
	v14 =	vadd.f32 v7, v4;
	v7 =	vmul.f32 v15, v3  }
0x29f: {  	v9 =	vadd.f32 v9, v58;
	v15 =	vmul.f32 v51, v2;
	v4 =	vld [tilespmem:s22+$0xC470];
	[tilespmem:s21+$0x13400] =	vst v8;
	v8 =	vmul.f32 v52, v0  }
0x2a0: {  	v6 =	vld [tilespmem:s21+$0x11460];
	v11 =	vadd.f32 v11, v13;
	v63 =	vadd.f32 v60, v10  }
0x2a1: {  	v13 =	vadd.f32 v15, v7;
	v15 =	vadd.f32 v62, v8  }
0x2a2: {  	v7 =	vld [tilespmem:s22+$0xC870];
	[tilespmem:s21+$0x13410] =	vst v9;
	v9 =	vadd.f32 v11, v14;
	v11 =	vadd.f32 v61, v59  }
0x2a3: {  	s13 =	sadd.s32 s5, s13;
	s23 =	simm.s32 $0x400;
	v12 =	vadd.f32 v12, v26;
	v8 =	vld [tilespmem:s22+$0xCC70];
	[tilespmem:s21+$0x13420] =	vst v63;
	v10 =	vadd.f32 v15, v13  }
.LBB2_11:
0x2a4: {  	p2 =	sne.s32 s23, $0xE00;
	v13 =	vld [tilespmem:s22+$0xD070];
	[tilespmem:s21+$0x13430] =	vst v11;
	v5 =	vadd.f32 v9, v5  }
0x2a5: {  	v9 =	vld [tilespmem:s22+$0xC400];
	[tilespmem:s21+$0x13440] =	vst v12;
	v6 =	vadd.f32 v10, v6  }
0x2a6: {  	v10 =	vld [tilespmem:s22+$0xC800];
	[tilespmem:s21+$0x13450] =	vst v5  }
0x2a7: {  	v5 =	vld [tilespmem:s22+$0xCC00];
	[tilespmem:s21+$0x13460] =	vst v6;
	s21 =	smov.u32 s22  }
0x2a8: {  	v4 =	vmul.f32 v4, v3;
	v7 =	vmul.f32 v7, v2;
	v6 =	vld [tilespmem:s21+$0xD000]  }
0x2a9: {  	v8 =	vmul.f32 v8, v0;
	v11 =	vld [tilespmem:s21+$0xC410];
	v12 =	vmul.f32 v13, v1  }
0x2aa: {  	v9 =	vmul.f32 v9, v3;
	v13 =	vld [tilespmem:s21+$0x11470]  }
0x2ab: {  	v4 =	vadd.f32 v7, v4;
	v10 =	vmul.f32 v10, v2;
	v14 =	vld [tilespmem:s21+$0xC810];
	v7 =	vadd.f32 v12, v8  }
0x2ac: {  	v5 =	vmul.f32 v5, v0;
	v8 =	vld [tilespmem:s21+$0xCC10]  }
0x2ad: {  	v6 =	vmul.f32 v6, v1;
	v9 =	vadd.f32 v10, v9;
	v10 =	vld [tilespmem:s21+$0xD010];
	v4 =	vadd.f32 v7, v4  }
0x2ae: {  	v7 =	vmul.f32 v11, v3;
	v11 =	vld [tilespmem:s21+$0xC420]  }
0x2af: {  	v5 =	vadd.f32 v6, v5;
	v6 =	vld [tilespmem:s21+$0xC820];
	v4 =	vadd.f32 v4, v13  }
0x2b0: {  	v12 =	vmul.f32 v14, v2;
	v13 =	vld [tilespmem:s21+$0xCC20]  }
0x2b1: {  	v5 =	vadd.f32 v5, v9;
	v8 =	vmul.f32 v8, v0;
	v9 =	vld [tilespmem:s21+$0xD020];
	[tilespmem:s21+$0x13470] =	vst v4  }
0x2b2: {  	v4 =	vmul.f32 v10, v1;
	v7 =	vadd.f32 v12, v7;
	v10 =	vld [tilespmem:s21+$0xC430]  }
0x2b3: {  	v11 =	vmul.f32 v11, v3;
	v12 =	vld [tilespmem:s21+$0xC830]  }
0x2b4: {  	v4 =	vadd.f32 v4, v8;
	v6 =	vmul.f32 v6, v2;
	v8 =	vld [tilespmem:s21+$0xCC30]  }
0x2b5: {  	v13 =	vmul.f32 v13, v0;
	v14 =	vld [tilespmem:s21+$0xD030]  }
0x2b6: {  	v4 =	vadd.f32 v4, v7;
	v7 =	vmul.f32 v9, v1;
	v6 =	vadd.f32 v6, v11;
	v9 =	vld [tilespmem:s21+$0xC440]  }
0x2b7: {  	v10 =	vmul.f32 v10, v3;
	v11 =	vld [tilespmem:s21+$0xC840]  }
0x2b8: {  	v7 =	vadd.f32 v7, v13;
	v12 =	vmul.f32 v12, v2;
	v13 =	vld [tilespmem:s21+$0xCC40]  }
0x2b9: {  	v8 =	vmul.f32 v8, v0;
	v15 =	vld [tilespmem:s21+$0xD040]  }
0x2ba: {  	v7 =	vadd.f32 v7, v6;
	v6 =	vmul.f32 v14, v1;
	v10 =	vadd.f32 v12, v10;
	v12 =	vld [tilespmem:s21+$0xC450]  }
0x2bb: {  	v9 =	vmul.f32 v9, v3;
	v14 =	vld [tilespmem:s21+$0xC850]  }
0x2bc: {  	v6 =	vadd.f32 v6, v8;
	v8 =	vmul.f32 v11, v2;
	v11 =	vld [tilespmem:s21+$0xCC50]  }
0x2bd: {  	v13 =	vmul.f32 v13, v0;
	v16 =	vld [tilespmem:s21+$0xD050]  }
0x2be: {  	v10 =	vadd.f32 v6, v10;
	v6 =	vmul.f32 v15, v1;
	v8 =	vadd.f32 v8, v9;
	v9 =	vld [tilespmem:s21+$0xC460]  }
0x2bf: {  	v12 =	vmul.f32 v12, v3;
	v15 =	vld [tilespmem:s21+$0xC860]  }
0x2c0: {  	v6 =	vadd.f32 v6, v13;
	v13 =	vmul.f32 v14, v2;
	v14 =	vld [tilespmem:s21+$0xCC60]  }
0x2c1: {  	v11 =	vmul.f32 v11, v0;
	v17 =	vld [tilespmem:s21+$0xD060]  }
0x2c2: {  	v18 =	vld [tilespmem:s21+$0x11400];
	v19 =	vadd.f32 v6, v8;
	v6 =	vmul.f32 v16, v1;
	v8 =	vadd.f32 v13, v12  }
0x2c3: {  	v12 =	vld [tilespmem:s21+$0x11410];
	v13 =	vmul.f32 v9, v3  }
0x2c4: {  	v16 =	vld [tilespmem:s21+$0x11420];
	v6 =	vadd.f32 v6, v11;
	v11 =	vmul.f32 v15, v2  }
0x2c5: {  	v15 =	vld [tilespmem:s21+$0x11430];
	v14 =	vmul.f32 v14, v0  }
0x2c6: {  	v20 =	vld [tilespmem:s21+$0x11440];
	v9 =	vadd.f32 v6, v8;
	v8 =	vmul.f32 v17, v1;
	v13 =	vadd.f32 v11, v13  }
.Ltmp6:
0x2c7: {  	v11 =	vadd.f32 v5, v18;
	v5 =	vld [tilespmem:s21+$0x11450];
	(pc) =	sbr.rel @p2 .LBB2_11-.Ltmp6, $4  }
0x2c8: {  	s22 =	sshra.s32 s23, $0x2;
	v12 =	vadd.f32 v4, v12;
	v6 =	vld [tilespmem:s21+$0x11460];
	v8 =	vadd.f32 v8, v14  }
0x2c9: {  	v4 =	vld [tilespmem:s22+$0xC470];
	[tilespmem:s21+$0x13400] =	vst v11;
	v14 =	vadd.f32 v7, v16  }
0x2ca: {  	v7 =	vld [tilespmem:s22+$0xC870];
	[tilespmem:s21+$0x13410] =	vst v12;
	v11 =	vadd.f32 v10, v15;
	v10 =	vadd.f32 v8, v13  }
0x2cb: {  	s23 =	sadd.s32 $0x200, s23;
	v8 =	vld [tilespmem:s22+$0xCC70];
	[tilespmem:s21+$0x13420] =	vst v14;
	v12 =	vadd.f32 v19, v20  }
0x2cc: {  	v13 =	vld [tilespmem:s22+$0xD070];
	[tilespmem:s21+$0x13430] =	vst v11;
	v5 =	vadd.f32 v9, v5  }
0x2cd: {  	v11 =	vld [tilespmem:s22+$0xC400];
	[tilespmem:s21+$0x13440] =	vst v12;
	v6 =	vadd.f32 v10, v6  }
0x2ce: {  	v9 =	vld [tilespmem:s22+$0xC800];
	[tilespmem:s21+$0x13450] =	vst v5  }
0x2cf: {  	v5 =	vld [tilespmem:s22+$0xCC00];
	[tilespmem:s21+$0x13460] =	vst v6  }
0x2d0: {  	v6 =	vld [tilespmem:s22+$0xD000]  }
0x2d1: {  	v10 =	vld [tilespmem:s22+$0xC410]  }
0x2d2: {  	v14 =	vld [tilespmem:s22+$0xC810]  }
0x2d3: {  	v15 =	vld [tilespmem:s22+$0xC820]  }
0x2d4: {  	v16 =	vld [tilespmem:s22+$0xD020]  }
0x2d5: {  	v17 =	vld [tilespmem:s22+$0xC830]  }
0x2d6: {  	v18 =	vld [tilespmem:s22+$0xCC30]  }
0x2d7: {  	v19 =	vld [tilespmem:s22+$0xD030]  }
0x2d8: {  	v4 =	vmul.f32 v4, v3;
	v7 =	vmul.f32 v7, v2;
	v20 =	vld [tilespmem:s22+$0xC440]  }
0x2d9: {  	v8 =	vmul.f32 v8, v0;
	v21 =	vld [tilespmem:s22+$0xC840];
	v12 =	vmul.f32 v13, v1  }
0x2da: {  	v13 =	vld [tilespmem:s22+$0x11470]  }
0x2db: {  	v22 =	vld [tilespmem:s22+$0xC450];
	v4 =	vadd.f32 v7, v4;
	v7 =	vadd.f32 v12, v8  }
0x2dc: {  	v8 =	vld [tilespmem:s22+$0xCC10]  }
0x2dd: {  	v12 =	vld [tilespmem:s22+$0xD010];
	v4 =	vadd.f32 v7, v4  }
0x2de: {  	v11 =	vmul.f32 v11, v3;
	v9 =	vmul.f32 v9, v2;
	v7 =	vld [tilespmem:s22+$0xC420]  }
0x2df: {  	v5 =	vmul.f32 v5, v0;
	v6 =	vmul.f32 v6, v1;
	v4 =	vadd.f32 v4, v13;
	v13 =	vld [tilespmem:s22+$0xCC20]  }
0x2e0: {  	v36 =	vld [tilespmem:s22+$0xCC50];
	v9 =	vadd.f32 v9, v11  }
0x2e1: {  	v11 =	vld [tilespmem:s22+$0xCC40];
	v10 =	vmul.f32 v10, v3;
	v5 =	vadd.f32 v6, v5;
	v6 =	vmul.f32 v14, v2  }
0x2e2: {  	v8 =	vmul.f32 v8, v0;
	v12 =	vmul.f32 v12, v1;
	[tilespmem:s22+$0x13470] =	vst v4;
	v4 =	vld [tilespmem:s22+$0xC430]  }
0x2e3: {  	v38 =	vld [tilespmem:s22+$0xC860];
	v5 =	vadd.f32 v5, v9;
	v9 =	vmul.f32 v15, v2;
	v7 =	vmul.f32 v7, v3  }
0x2e4: {  	v14 =	vld [tilespmem:s22+$0xD040];
	v6 =	vadd.f32 v6, v10;
	v10 =	vmul.f32 v13, v0;
	v13 =	vmul.f32 v16, v1  }
0x2e5: {  	v40 =	vld [tilespmem:s22+$0xCC60];
	v37 =	vmul.f32 v19, v1;
	v39 =	vmul.f32 v21, v2;
	v8 =	vadd.f32 v12, v8  }
0x2e6: {  	v15 =	vld [tilespmem:s22+$0xC850];
	v12 =	vmul.f32 v17, v2;
	v7 =	vadd.f32 v9, v7;
	v10 =	vadd.f32 v13, v10  }
0x2e7: {  	v11 =	vmul.f32 v11, v0;
	v9 =	vld [tilespmem:s22+$0xD050];
	v4 =	vmul.f32 v4, v3  }
0x2e8: {  	v41 =	vld [tilespmem:s22+$0x11400];
	v6 =	vadd.f32 v8, v6;
	v8 =	vmul.f32 v18, v0;
	v7 =	vadd.f32 v10, v7  }
0x2e9: {  	v13 =	vld [tilespmem:s22+$0xC460];
	v10 =	vmul.f32 v20, v3;
	v4 =	vadd.f32 v12, v4;
	v12 =	vmul.f32 v14, v1  }
0x2ea: {  	v42 =	vmul.f32 v22, v3;
	v8 =	vadd.f32 v37, v8;
	v14 =	vld [tilespmem:s22+$0xD060]  }
0x2eb: {  	v10 =	vadd.f32 v39, v10;
	v11 =	vadd.f32 v12, v11;
	v12 =	vmul.f32 v15, v2;
	v15 =	vld [tilespmem:s22+$0x11410]  }
0x2ec: {  	v43 =	vld [tilespmem:s22+$0x11420];
	v9 =	vmul.f32 v9, v1;
	v4 =	vadd.f32 v8, v4;
	v8 =	vmul.f32 v36, v0  }
0x2ed: {  	v10 =	vadd.f32 v11, v10;
	v11 =	vadd.f32 v12, v42;
	v12 =	vld [tilespmem:s22+$0x11430]  }
0x2ee: {  	v2 =	vmul.f32 v38, v2;
	v3 =	vmul.f32 v13, v3;
	v8 =	vadd.f32 v9, v8;
	v9 =	vld [tilespmem:s22+$0x11440]  }
0x2ef: {  	v5 =	vadd.f32 v5, v41;
	v0 =	vmul.f32 v40, v0;
	v13 =	vld [tilespmem:s22+$0x11450];
	v1 =	vmul.f32 v14, v1  }
0x2f0: {  	v2 =	vadd.f32 v2, v3;
	v3 =	vadd.f32 v6, v15;
	v6 =	vld [tilespmem:s22+$0x11460]  }
0x2f1: {  	[tilespmem:s22+$0x13400] =	vst v5;
	v0 =	vadd.f32 v1, v0;
	v1 =	vadd.f32 v7, v43  }
0x2f2: {  	v5 =	vadd.f32 v8, v11;
	[tilespmem:s22+$0x13410] =	vst v3;
	v3 =	vadd.f32 v4, v12  }
0x2f3: {  	v0 =	vadd.f32 v0, v2;
	[tilespmem:s22+$0x13420] =	vst v1;
	v1 =	vadd.f32 v10, v9  }
0x2f4: {  	v2 =	vadd.f32 v5, v13;
	[tilespmem:s22+$0x13430] =	vst v3  }
0x2f5: {  	[tilespmem:s22+$0x13440] =	vst v1;
	v0 =	vadd.f32 v0, v6  }
0x2f6: {  	[tilespmem:s22+$0x13450] =	vst v2  }
0x2f7: {  	[tilespmem:s22+$0x13460] =	vst v0  }
0x2f8: {  	v3 =	vld [tilespmem:s10+$0x680]  }
0x2f9: {  	v2 =	vld [tilespmem:s10+$0x690]  }
0x2fa: {  	v0 =	vld [tilespmem:s10+$0x6A0]  }
0x2fb: {  	s21 =	simm.s32 $0x0;
	v1 =	vld [tilespmem:s10+$0x6B0]  }
0x2fc: {  	v4 =	vld [tilespmem:s21+$0xD470]  }
0x2fd: {  	v5 =	vld [tilespmem:s21+$0xD870]  }
0x2fe: {  	v6 =	vld [tilespmem:s21+$0xDC70]  }
0x2ff: {  	v7 =	vld [tilespmem:s21+$0xE070]  }
0x300: {  	v8 =	vld [tilespmem:s21+$0xD400]  }
0x301: {  	v9 =	vld [tilespmem:s21+$0xD800]  }
0x302: {  	v10 =	vld [tilespmem:s21+$0xDC00]  }
0x303: {  	v11 =	vld [tilespmem:s21+$0xE000]  }
0x304: {  	v12 =	vld [tilespmem:s21+$0xD410]  }
0x305: {  	v13 =	vld [tilespmem:s21+$0x11870]  }
0x306: {  	v14 =	vld [tilespmem:s21+$0xD810]  }
0x307: {  	v15 =	vld [tilespmem:s21+$0xD820]  }
0x308: {  	v44 =	vld [tilespmem:s21+$0xE020]  }
0x309: {  	v45 =	vld [tilespmem:s21+$0xD830]  }
0x30a: {  	v46 =	vld [tilespmem:s21+$0xDC30]  }
0x30b: {  	v47 =	vld [tilespmem:s21+$0xE030]  }
0x30c: {  	v48 =	vld [tilespmem:s21+$0xD440]  }
0x30d: {  	v49 =	vld [tilespmem:s21+$0xD840]  }
0x30e: {  	v50 =	vld [tilespmem:s21+$0xDC40];
	v4 =	vmul.f32 v4, v3;
	v5 =	vmul.f32 v5, v2  }
0x30f: {  	v23 =	vld [tilespmem:s21+$0xE040];
	v6 =	vmul.f32 v6, v0;
	v7 =	vmul.f32 v7, v1  }
0x310: {  	v24 =	vld [tilespmem:s21+$0xD450]  }
0x311: {  	v4 =	vadd.f32 v5, v4;
	v5 =	vadd.f32 v7, v6;
	v6 =	vld [tilespmem:s21+$0xDC10]  }
0x312: {  	v7 =	vld [tilespmem:s21+$0xE010]  }
0x313: {  	v25 =	vld [tilespmem:s21+$0xD850];
	v8 =	vmul.f32 v8, v3;
	v9 =	vmul.f32 v9, v2;
	v4 =	vadd.f32 v5, v4  }
0x314: {  	v10 =	vmul.f32 v10, v0;
	v11 =	vmul.f32 v11, v1;
	v5 =	vld [tilespmem:s21+$0xD420]  }
0x315: {  	v53 =	vmul.f32 v47, v1;
	v55 =	vmul.f32 v49, v2;
	v4 =	vadd.f32 v4, v13;
	v13 =	vld [tilespmem:s21+$0xDC20]  }
0x316: {  	v51 =	vld [tilespmem:s21+$0xD860];
	v8 =	vadd.f32 v9, v8;
	v9 =	vmul.f32 v12, v3;
	v12 =	vmul.f32 v14, v2  }
0x317: {  	v10 =	vadd.f32 v11, v10;
	v6 =	vmul.f32 v6, v0;
	v7 =	vmul.f32 v7, v1;
	[tilespmem:s21+$0x13870] =	vst v4;
	v4 =	vld [tilespmem:s21+$0xD430]  }
0x318: {  	v52 =	vld [tilespmem:s21+$0xDC60];
	v57 =	vmul.f32 v23, v1;
	v9 =	vadd.f32 v12, v9;
	v12 =	vmul.f32 v15, v2  }
0x319: {  	v54 =	vld [tilespmem:s21+$0xE060];
	v8 =	vadd.f32 v10, v8;
	v10 =	vmul.f32 v45, v2;
	v6 =	vadd.f32 v7, v6  }
0x31a: {  	v56 =	vld [tilespmem:s21+$0x11800];
	v5 =	vmul.f32 v5, v3;
	v7 =	vmul.f32 v13, v0  }
0x31b: {  	v14 =	vld [tilespmem:s21+$0xDC50];
	v13 =	vmul.f32 v44, v1;
	v9 =	vadd.f32 v6, v9;
	v6 =	vmul.f32 v46, v0  }
0x31c: {  	v11 =	vld [tilespmem:s21+$0xE050];
	v5 =	vadd.f32 v12, v5;
	v12 =	vmul.f32 v48, v3;
	v4 =	vmul.f32 v4, v3  }
0x31d: {  	v15 =	vld [tilespmem:s21+$0xD460];
	v7 =	vadd.f32 v13, v7;
	v13 =	vmul.f32 v50, v0;
	v6 =	vadd.f32 v53, v6  }
0x31e: {  	v58 =	vld [tilespmem:s21+$0x11810];
	v12 =	vadd.f32 v55, v12;
	v4 =	vadd.f32 v10, v4  }
0x31f: {  	v62 =	vmul.f32 v54, v1;
	v10 =	vld [tilespmem:s21+$0x11820];
	v13 =	vadd.f32 v57, v13;
	v60 =	vadd.f32 v7, v5  }
0x320: {  	v59 =	vld [tilespmem:s21+$0x11830];
	v7 =	vmul.f32 v25, v2;
	v61 =	vadd.f32 v6, v4;
	v4 =	vmul.f32 v24, v3  }
0x321: {  	v26 =	vld [tilespmem:s21+$0x11840];
	v8 =	vadd.f32 v8, v56;
	v11 =	vmul.f32 v11, v1;
	v12 =	vadd.f32 v13, v12  }
0x322: {  	s22 =	simm.s32 $0x80;
	v5 =	vld [tilespmem:s21+$0x11850];
	v13 =	vmul.f32 v14, v0;
	v14 =	vadd.f32 v7, v4;
	v7 =	vmul.f32 v15, v3  }
0x323: {  	v9 =	vadd.f32 v9, v58;
	v15 =	vmul.f32 v51, v2;
	v4 =	vld [tilespmem:s22+$0xD470];
	[tilespmem:s21+$0x13800] =	vst v8;
	v8 =	vmul.f32 v52, v0  }
0x324: {  	v6 =	vld [tilespmem:s21+$0x11860];
	v11 =	vadd.f32 v11, v13;
	v63 =	vadd.f32 v60, v10  }
0x325: {  	v13 =	vadd.f32 v15, v7;
	v15 =	vadd.f32 v62, v8  }
0x326: {  	v7 =	vld [tilespmem:s22+$0xD870];
	[tilespmem:s21+$0x13810] =	vst v9;
	v9 =	vadd.f32 v11, v14;
	v11 =	vadd.f32 v61, v59  }
0x327: {  	s23 =	simm.s32 $0x400;
	v12 =	vadd.f32 v12, v26;
	v8 =	vld [tilespmem:s22+$0xDC70];
	[tilespmem:s21+$0x13820] =	vst v63;
	v10 =	vadd.f32 v15, v13  }
.LBB2_13:
0x328: {  	p2 =	sne.s32 s23, $0xE00;
	v13 =	vld [tilespmem:s22+$0xE070];
	[tilespmem:s21+$0x13830] =	vst v11;
	v5 =	vadd.f32 v9, v5  }
0x329: {  	v9 =	vld [tilespmem:s22+$0xD400];
	[tilespmem:s21+$0x13840] =	vst v12;
	v6 =	vadd.f32 v10, v6  }
0x32a: {  	v10 =	vld [tilespmem:s22+$0xD800];
	[tilespmem:s21+$0x13850] =	vst v5  }
0x32b: {  	v5 =	vld [tilespmem:s22+$0xDC00];
	[tilespmem:s21+$0x13860] =	vst v6;
	s21 =	smov.u32 s22  }
0x32c: {  	v4 =	vmul.f32 v4, v3;
	v7 =	vmul.f32 v7, v2;
	v6 =	vld [tilespmem:s21+$0xE000]  }
0x32d: {  	v8 =	vmul.f32 v8, v0;
	v11 =	vld [tilespmem:s21+$0xD410];
	v12 =	vmul.f32 v13, v1  }
0x32e: {  	v9 =	vmul.f32 v9, v3;
	v13 =	vld [tilespmem:s21+$0x11870]  }
0x32f: {  	v4 =	vadd.f32 v7, v4;
	v10 =	vmul.f32 v10, v2;
	v14 =	vld [tilespmem:s21+$0xD810];
	v7 =	vadd.f32 v12, v8  }
0x330: {  	v5 =	vmul.f32 v5, v0;
	v8 =	vld [tilespmem:s21+$0xDC10]  }
0x331: {  	v6 =	vmul.f32 v6, v1;
	v9 =	vadd.f32 v10, v9;
	v10 =	vld [tilespmem:s21+$0xE010];
	v4 =	vadd.f32 v7, v4  }
0x332: {  	v7 =	vmul.f32 v11, v3;
	v11 =	vld [tilespmem:s21+$0xD420]  }
0x333: {  	v5 =	vadd.f32 v6, v5;
	v6 =	vld [tilespmem:s21+$0xD820];
	v4 =	vadd.f32 v4, v13  }
0x334: {  	v12 =	vmul.f32 v14, v2;
	v13 =	vld [tilespmem:s21+$0xDC20]  }
0x335: {  	v5 =	vadd.f32 v5, v9;
	v8 =	vmul.f32 v8, v0;
	v9 =	vld [tilespmem:s21+$0xE020];
	[tilespmem:s21+$0x13870] =	vst v4  }
0x336: {  	v4 =	vmul.f32 v10, v1;
	v7 =	vadd.f32 v12, v7;
	v10 =	vld [tilespmem:s21+$0xD430]  }
0x337: {  	v11 =	vmul.f32 v11, v3;
	v12 =	vld [tilespmem:s21+$0xD830]  }
0x338: {  	v4 =	vadd.f32 v4, v8;
	v6 =	vmul.f32 v6, v2;
	v8 =	vld [tilespmem:s21+$0xDC30]  }
0x339: {  	v13 =	vmul.f32 v13, v0;
	v14 =	vld [tilespmem:s21+$0xE030]  }
0x33a: {  	v4 =	vadd.f32 v4, v7;
	v7 =	vmul.f32 v9, v1;
	v6 =	vadd.f32 v6, v11;
	v9 =	vld [tilespmem:s21+$0xD440]  }
0x33b: {  	v10 =	vmul.f32 v10, v3;
	v11 =	vld [tilespmem:s21+$0xD840]  }
0x33c: {  	v7 =	vadd.f32 v7, v13;
	v12 =	vmul.f32 v12, v2;
	v13 =	vld [tilespmem:s21+$0xDC40]  }
0x33d: {  	v8 =	vmul.f32 v8, v0;
	v15 =	vld [tilespmem:s21+$0xE040]  }
0x33e: {  	v7 =	vadd.f32 v7, v6;
	v6 =	vmul.f32 v14, v1;
	v10 =	vadd.f32 v12, v10;
	v12 =	vld [tilespmem:s21+$0xD450]  }
0x33f: {  	v9 =	vmul.f32 v9, v3;
	v14 =	vld [tilespmem:s21+$0xD850]  }
0x340: {  	v6 =	vadd.f32 v6, v8;
	v8 =	vmul.f32 v11, v2;
	v11 =	vld [tilespmem:s21+$0xDC50]  }
0x341: {  	v13 =	vmul.f32 v13, v0;
	v16 =	vld [tilespmem:s21+$0xE050]  }
0x342: {  	v10 =	vadd.f32 v6, v10;
	v6 =	vmul.f32 v15, v1;
	v8 =	vadd.f32 v8, v9;
	v9 =	vld [tilespmem:s21+$0xD460]  }
0x343: {  	v12 =	vmul.f32 v12, v3;
	v15 =	vld [tilespmem:s21+$0xD860]  }
0x344: {  	v6 =	vadd.f32 v6, v13;
	v13 =	vmul.f32 v14, v2;
	v14 =	vld [tilespmem:s21+$0xDC60]  }
0x345: {  	v11 =	vmul.f32 v11, v0;
	v17 =	vld [tilespmem:s21+$0xE060]  }
0x346: {  	v18 =	vld [tilespmem:s21+$0x11800];
	v19 =	vadd.f32 v6, v8;
	v6 =	vmul.f32 v16, v1;
	v8 =	vadd.f32 v13, v12  }
0x347: {  	v12 =	vld [tilespmem:s21+$0x11810];
	v13 =	vmul.f32 v9, v3  }
0x348: {  	v16 =	vld [tilespmem:s21+$0x11820];
	v6 =	vadd.f32 v6, v11;
	v11 =	vmul.f32 v15, v2  }
0x349: {  	v15 =	vld [tilespmem:s21+$0x11830];
	v14 =	vmul.f32 v14, v0  }
0x34a: {  	v20 =	vld [tilespmem:s21+$0x11840];
	v9 =	vadd.f32 v6, v8;
	v8 =	vmul.f32 v17, v1;
	v13 =	vadd.f32 v11, v13  }
.Ltmp7:
0x34b: {  	v11 =	vadd.f32 v5, v18;
	v5 =	vld [tilespmem:s21+$0x11850];
	(pc) =	sbr.rel @p2 .LBB2_13-.Ltmp7, $4  }
0x34c: {  	s22 =	sshra.s32 s23, $0x2;
	v12 =	vadd.f32 v4, v12;
	v6 =	vld [tilespmem:s21+$0x11860];
	v8 =	vadd.f32 v8, v14  }
0x34d: {  	v4 =	vld [tilespmem:s22+$0xD470];
	[tilespmem:s21+$0x13800] =	vst v11;
	v14 =	vadd.f32 v7, v16  }
0x34e: {  	v7 =	vld [tilespmem:s22+$0xD870];
	[tilespmem:s21+$0x13810] =	vst v12;
	v11 =	vadd.f32 v10, v15;
	v10 =	vadd.f32 v8, v13  }
0x34f: {  	s23 =	sadd.s32 $0x200, s23;
	v8 =	vld [tilespmem:s22+$0xDC70];
	[tilespmem:s21+$0x13820] =	vst v14;
	v12 =	vadd.f32 v19, v20  }
0x350: {  	v13 =	vld [tilespmem:s22+$0xE070];
	[tilespmem:s21+$0x13830] =	vst v11;
	v5 =	vadd.f32 v9, v5  }
0x351: {  	v11 =	vld [tilespmem:s22+$0xD400];
	[tilespmem:s21+$0x13840] =	vst v12;
	v6 =	vadd.f32 v10, v6  }
0x352: {  	v9 =	vld [tilespmem:s22+$0xD800];
	[tilespmem:s21+$0x13850] =	vst v5  }
0x353: {  	v5 =	vld [tilespmem:s22+$0xDC00];
	[tilespmem:s21+$0x13860] =	vst v6  }
0x354: {  	v6 =	vld [tilespmem:s22+$0xE000]  }
0x355: {  	v10 =	vld [tilespmem:s22+$0xD410]  }
0x356: {  	v14 =	vld [tilespmem:s22+$0xD810]  }
0x357: {  	v15 =	vld [tilespmem:s22+$0xD820]  }
0x358: {  	v16 =	vld [tilespmem:s22+$0xE020]  }
0x359: {  	v17 =	vld [tilespmem:s22+$0xD830]  }
0x35a: {  	v18 =	vld [tilespmem:s22+$0xDC30]  }
0x35b: {  	v19 =	vld [tilespmem:s22+$0xE030]  }
0x35c: {  	v4 =	vmul.f32 v4, v3;
	v7 =	vmul.f32 v7, v2;
	v20 =	vld [tilespmem:s22+$0xD440]  }
0x35d: {  	v8 =	vmul.f32 v8, v0;
	v21 =	vld [tilespmem:s22+$0xD840];
	v12 =	vmul.f32 v13, v1  }
0x35e: {  	v13 =	vld [tilespmem:s22+$0x11870]  }
0x35f: {  	v22 =	vld [tilespmem:s22+$0xD450];
	v4 =	vadd.f32 v7, v4;
	v7 =	vadd.f32 v12, v8  }
0x360: {  	v8 =	vld [tilespmem:s22+$0xDC10]  }
0x361: {  	v12 =	vld [tilespmem:s22+$0xE010];
	v4 =	vadd.f32 v7, v4  }
0x362: {  	v11 =	vmul.f32 v11, v3;
	v9 =	vmul.f32 v9, v2;
	v7 =	vld [tilespmem:s22+$0xD420]  }
0x363: {  	v5 =	vmul.f32 v5, v0;
	v6 =	vmul.f32 v6, v1;
	v4 =	vadd.f32 v4, v13;
	v13 =	vld [tilespmem:s22+$0xDC20]  }
0x364: {  	v36 =	vld [tilespmem:s22+$0xDC50];
	v9 =	vadd.f32 v9, v11  }
0x365: {  	v11 =	vld [tilespmem:s22+$0xDC40];
	v10 =	vmul.f32 v10, v3;
	v5 =	vadd.f32 v6, v5;
	v6 =	vmul.f32 v14, v2  }
0x366: {  	v8 =	vmul.f32 v8, v0;
	v12 =	vmul.f32 v12, v1;
	[tilespmem:s22+$0x13870] =	vst v4;
	v4 =	vld [tilespmem:s22+$0xD430]  }
0x367: {  	v38 =	vld [tilespmem:s22+$0xD860];
	v5 =	vadd.f32 v5, v9;
	v9 =	vmul.f32 v15, v2;
	v7 =	vmul.f32 v7, v3  }
0x368: {  	v14 =	vld [tilespmem:s22+$0xE040];
	v6 =	vadd.f32 v6, v10;
	v10 =	vmul.f32 v13, v0;
	v13 =	vmul.f32 v16, v1  }
0x369: {  	v40 =	vld [tilespmem:s22+$0xDC60];
	v37 =	vmul.f32 v19, v1;
	v39 =	vmul.f32 v21, v2;
	v8 =	vadd.f32 v12, v8  }
0x36a: {  	v15 =	vld [tilespmem:s22+$0xD850];
	v12 =	vmul.f32 v17, v2;
	v7 =	vadd.f32 v9, v7;
	v10 =	vadd.f32 v13, v10  }
0x36b: {  	v11 =	vmul.f32 v11, v0;
	v9 =	vld [tilespmem:s22+$0xE050];
	v4 =	vmul.f32 v4, v3  }
0x36c: {  	v41 =	vld [tilespmem:s22+$0x11800];
	v6 =	vadd.f32 v8, v6;
	v8 =	vmul.f32 v18, v0;
	v7 =	vadd.f32 v10, v7  }
0x36d: {  	v13 =	vld [tilespmem:s22+$0xD460];
	v10 =	vmul.f32 v20, v3;
	v4 =	vadd.f32 v12, v4;
	v12 =	vmul.f32 v14, v1  }
0x36e: {  	v42 =	vmul.f32 v22, v3;
	v8 =	vadd.f32 v37, v8;
	v14 =	vld [tilespmem:s22+$0xE060]  }
0x36f: {  	v10 =	vadd.f32 v39, v10;
	v11 =	vadd.f32 v12, v11;
	v12 =	vmul.f32 v15, v2;
	v15 =	vld [tilespmem:s22+$0x11810]  }
0x370: {  	v43 =	vld [tilespmem:s22+$0x11820];
	v9 =	vmul.f32 v9, v1;
	v4 =	vadd.f32 v8, v4;
	v8 =	vmul.f32 v36, v0  }
0x371: {  	v10 =	vadd.f32 v11, v10;
	v11 =	vadd.f32 v12, v42;
	v12 =	vld [tilespmem:s22+$0x11830]  }
0x372: {  	v2 =	vmul.f32 v38, v2;
	v3 =	vmul.f32 v13, v3;
	v8 =	vadd.f32 v9, v8;
	v9 =	vld [tilespmem:s22+$0x11840]  }
0x373: {  	v5 =	vadd.f32 v5, v41;
	v0 =	vmul.f32 v40, v0;
	v13 =	vld [tilespmem:s22+$0x11850];
	v1 =	vmul.f32 v14, v1  }
0x374: {  	v2 =	vadd.f32 v2, v3;
	v3 =	vadd.f32 v6, v15;
	v6 =	vld [tilespmem:s22+$0x11860]  }
0x375: {  	[tilespmem:s22+$0x13800] =	vst v5;
	v0 =	vadd.f32 v1, v0;
	v1 =	vadd.f32 v7, v43  }
0x376: {  	v5 =	vadd.f32 v8, v11;
	[tilespmem:s22+$0x13810] =	vst v3;
	v3 =	vadd.f32 v4, v12  }
0x377: {  	v0 =	vadd.f32 v0, v2;
	[tilespmem:s22+$0x13820] =	vst v1;
	v1 =	vadd.f32 v10, v9  }
0x378: {  	v2 =	vadd.f32 v5, v13;
	[tilespmem:s22+$0x13830] =	vst v3  }
0x379: {  	s13 =	sshll.u32 s13, $0x7;
	[tilespmem:s22+$0x13840] =	vst v1;
	v0 =	vadd.f32 v0, v6  }
0x37a: {  	s13 =	sand.u32 $0x1FFFFE00, s13;
	[tilespmem:s22+$0x13850] =	vst v2  }
0x37b: {  	s13 =	sadd.s32 s4, s13;
	[tilespmem:s22+$0x13860] =	vst v0  }
0x37c: {  	[hbm4b:s13+s2] =	stream.linear.scatter [tilespmem:s18], [sflag:$0xB], $0x800, $0x38;
	[tilespmem:$0x14400] =	vst v63  }
0x37d: {  	s13 =	sadd.s32 @!p1 $0x6, s9  }
0x37e: {  	s23 =	simm.s32 @!p1 $0xC400;
	s21 =	sshll.u32 @!p1 s13, $0x3  }
0x37f: {  	s22 =	simm.s32 @!p1 $0x8;
	s13 =	sshll.u32 @!p1 s13, $0x8;
	s21 =	sand.u32 @!p1 $0x3FFFFFF8, s21  }
0x380: {  	[tilespmem:s23], [sflag:$0x3] =	stream.indirect.gather @!p1 [hbm4b:s3+s22], $0x400, s21, s22, $0xb8;
	[tilespmem:$0x14400] =	vst v63  }
0x381: {  	s13 =	sadd.s32 @!p1 s13, s6;
	s21 =	simm.s32 @!p1 $0x0;
	s22 =	simm.s32 @!p1 $0x11400  }
0x382: {  	[tilespmem:s22], [sflag:$0x7] =	stream.linear.gather @!p1 [hbm4b:s13+s21], $0x800, $0x38;
	[tilespmem:$0x14400] =	vst v63  }
0x383: {  	_ =	swait.ge [sflag:s19], $0x2000  }
0x384: {  	[sflag:s19] =	ssyncset.done $0x0  }
0x385: {  	[sflag:s19] =	ssyncadd.s32 $0xFFFFE000  }
0x386: {  	_ =	swait.ge [sflag:s16], $0x800  }
0x387: {  	[sflag:s16] =	ssyncset.done $0x0  }
0x388: {  	s13 =	simm.s32 @!p0 $0xC;
	[sflag:s16] =	ssyncadd.s32 $0xFFFFF800  }
0x389: {  	s11 =	sor.u32 $0x6, s11;
	_ =	swait.ge @!p0 [sflag:s13], $0x800  }
0x38a: {  	s22 =	sshll.u32 s11, $0x7;
	[sflag:s13] =	ssyncset.done @!p0 $0x0  }
0x38b: {  	s23 =	sand.u32 $0x3FFFFF80, s22;
	[sflag:s13] =	ssyncadd.s32 @!p0 $0xFFFFF800  }
0x38c: {  	v3 =	vld [tilespmem:s23+$0x400]  }
0x38d: {  	v2 =	vld [tilespmem:s23+$0x410]  }
0x38e: {  	v0 =	vld [tilespmem:s23+$0x420]  }
0x38f: {  	s13 =	simm.s32 $0x0;
	v1 =	vld [tilespmem:s23+$0x430]  }
0x390: {  	v4 =	vld [tilespmem:s13+$0xE470]  }
0x391: {  	v5 =	vld [tilespmem:s13+$0xE870]  }
0x392: {  	v6 =	vld [tilespmem:s13+$0xEC70]  }
0x393: {  	v7 =	vld [tilespmem:s13+$0xF070]  }
0x394: {  	v8 =	vld [tilespmem:s13+$0xE400]  }
0x395: {  	v9 =	vld [tilespmem:s13+$0xE800]  }
0x396: {  	v10 =	vld [tilespmem:s13+$0xEC00]  }
0x397: {  	v11 =	vld [tilespmem:s13+$0xF000]  }
0x398: {  	v12 =	vld [tilespmem:s13+$0xE410]  }
0x399: {  	v13 =	vld [tilespmem:s13+$0x11C70]  }
0x39a: {  	v14 =	vld [tilespmem:s13+$0xE810]  }
0x39b: {  	v15 =	vld [tilespmem:s13+$0xE820]  }
0x39c: {  	v44 =	vld [tilespmem:s13+$0xF020]  }
0x39d: {  	v45 =	vld [tilespmem:s13+$0xE830]  }
0x39e: {  	v46 =	vld [tilespmem:s13+$0xEC30]  }
0x39f: {  	v47 =	vld [tilespmem:s13+$0xF030]  }
0x3a0: {  	v48 =	vld [tilespmem:s13+$0xE440]  }
0x3a1: {  	v49 =	vld [tilespmem:s13+$0xE840]  }
0x3a2: {  	v50 =	vld [tilespmem:s13+$0xEC40];
	v4 =	vmul.f32 v4, v3;
	v5 =	vmul.f32 v5, v2  }
0x3a3: {  	v23 =	vld [tilespmem:s13+$0xF040];
	v6 =	vmul.f32 v6, v0;
	v7 =	vmul.f32 v7, v1  }
0x3a4: {  	v24 =	vld [tilespmem:s13+$0xE450]  }
0x3a5: {  	v4 =	vadd.f32 v5, v4;
	v5 =	vadd.f32 v7, v6;
	v6 =	vld [tilespmem:s13+$0xEC10]  }
0x3a6: {  	v7 =	vld [tilespmem:s13+$0xF010]  }
0x3a7: {  	v25 =	vld [tilespmem:s13+$0xE850];
	v8 =	vmul.f32 v8, v3;
	v9 =	vmul.f32 v9, v2;
	v4 =	vadd.f32 v5, v4  }
0x3a8: {  	v10 =	vmul.f32 v10, v0;
	v11 =	vmul.f32 v11, v1;
	v5 =	vld [tilespmem:s13+$0xE420]  }
0x3a9: {  	v53 =	vmul.f32 v47, v1;
	v55 =	vmul.f32 v49, v2;
	v4 =	vadd.f32 v4, v13;
	v13 =	vld [tilespmem:s13+$0xEC20]  }
0x3aa: {  	v51 =	vld [tilespmem:s13+$0xE860];
	v8 =	vadd.f32 v9, v8;
	v9 =	vmul.f32 v12, v3;
	v12 =	vmul.f32 v14, v2  }
0x3ab: {  	v10 =	vadd.f32 v11, v10;
	v6 =	vmul.f32 v6, v0;
	v7 =	vmul.f32 v7, v1;
	[tilespmem:s13+$0x13C70] =	vst v4;
	v4 =	vld [tilespmem:s13+$0xE430]  }
0x3ac: {  	v52 =	vld [tilespmem:s13+$0xEC60];
	v57 =	vmul.f32 v23, v1;
	v9 =	vadd.f32 v12, v9;
	v12 =	vmul.f32 v15, v2  }
0x3ad: {  	v54 =	vld [tilespmem:s13+$0xF060];
	v8 =	vadd.f32 v10, v8;
	v10 =	vmul.f32 v45, v2;
	v6 =	vadd.f32 v7, v6  }
0x3ae: {  	v56 =	vld [tilespmem:s13+$0x11C00];
	v5 =	vmul.f32 v5, v3;
	v7 =	vmul.f32 v13, v0  }
0x3af: {  	v14 =	vld [tilespmem:s13+$0xEC50];
	v13 =	vmul.f32 v44, v1;
	v9 =	vadd.f32 v6, v9;
	v6 =	vmul.f32 v46, v0  }
0x3b0: {  	v11 =	vld [tilespmem:s13+$0xF050];
	v5 =	vadd.f32 v12, v5;
	v12 =	vmul.f32 v48, v3;
	v4 =	vmul.f32 v4, v3  }
0x3b1: {  	v15 =	vld [tilespmem:s13+$0xE460];
	v7 =	vadd.f32 v13, v7;
	v13 =	vmul.f32 v50, v0;
	v6 =	vadd.f32 v53, v6  }
0x3b2: {  	v58 =	vld [tilespmem:s13+$0x11C10];
	v12 =	vadd.f32 v55, v12;
	v4 =	vadd.f32 v10, v4  }
0x3b3: {  	v62 =	vmul.f32 v54, v1;
	v10 =	vld [tilespmem:s13+$0x11C20];
	v13 =	vadd.f32 v57, v13;
	v60 =	vadd.f32 v7, v5  }
0x3b4: {  	v59 =	vld [tilespmem:s13+$0x11C30];
	v7 =	vmul.f32 v25, v2;
	v61 =	vadd.f32 v6, v4;
	v4 =	vmul.f32 v24, v3  }
0x3b5: {  	v26 =	vld [tilespmem:s13+$0x11C40];
	v8 =	vadd.f32 v8, v56;
	v11 =	vmul.f32 v11, v1;
	v12 =	vadd.f32 v13, v12  }
0x3b6: {  	s21 =	simm.s32 $0x80;
	v5 =	vld [tilespmem:s13+$0x11C50];
	v13 =	vmul.f32 v14, v0;
	v14 =	vadd.f32 v7, v4;
	v7 =	vmul.f32 v15, v3  }
0x3b7: {  	v9 =	vadd.f32 v9, v58;
	v15 =	vmul.f32 v51, v2;
	v4 =	vld [tilespmem:s21+$0xE470];
	[tilespmem:s13+$0x13C00] =	vst v8;
	v8 =	vmul.f32 v52, v0  }
0x3b8: {  	v6 =	vld [tilespmem:s13+$0x11C60];
	v11 =	vadd.f32 v11, v13;
	v63 =	vadd.f32 v60, v10  }
0x3b9: {  	v13 =	vadd.f32 v15, v7;
	v15 =	vadd.f32 v62, v8  }
0x3ba: {  	v7 =	vld [tilespmem:s21+$0xE870];
	[tilespmem:s13+$0x13C10] =	vst v9;
	v9 =	vadd.f32 v11, v14;
	v11 =	vadd.f32 v61, v59  }
0x3bb: {  	s11 =	sadd.s32 s5, s11;
	s22 =	simm.s32 $0x400;
	v12 =	vadd.f32 v12, v26;
	v8 =	vld [tilespmem:s21+$0xEC70];
	[tilespmem:s13+$0x13C20] =	vst v63;
	v10 =	vadd.f32 v15, v13  }
.LBB2_15:
0x3bc: {  	p0 =	sne.s32 s22, $0xE00;
	v13 =	vld [tilespmem:s21+$0xF070];
	[tilespmem:s13+$0x13C30] =	vst v11;
	v5 =	vadd.f32 v9, v5  }
0x3bd: {  	v9 =	vld [tilespmem:s21+$0xE400];
	[tilespmem:s13+$0x13C40] =	vst v12;
	v6 =	vadd.f32 v10, v6  }
0x3be: {  	v10 =	vld [tilespmem:s21+$0xE800];
	[tilespmem:s13+$0x13C50] =	vst v5  }
0x3bf: {  	v5 =	vld [tilespmem:s21+$0xEC00];
	[tilespmem:s13+$0x13C60] =	vst v6;
	s13 =	smov.u32 s21  }
0x3c0: {  	v4 =	vmul.f32 v4, v3;
	v7 =	vmul.f32 v7, v2;
	v6 =	vld [tilespmem:s13+$0xF000]  }
0x3c1: {  	v8 =	vmul.f32 v8, v0;
	v11 =	vld [tilespmem:s13+$0xE410];
	v12 =	vmul.f32 v13, v1  }
0x3c2: {  	v9 =	vmul.f32 v9, v3;
	v13 =	vld [tilespmem:s13+$0x11C70]  }
0x3c3: {  	v4 =	vadd.f32 v7, v4;
	v10 =	vmul.f32 v10, v2;
	v14 =	vld [tilespmem:s13+$0xE810];
	v7 =	vadd.f32 v12, v8  }
0x3c4: {  	v5 =	vmul.f32 v5, v0;
	v8 =	vld [tilespmem:s13+$0xEC10]  }
0x3c5: {  	v6 =	vmul.f32 v6, v1;
	v9 =	vadd.f32 v10, v9;
	v10 =	vld [tilespmem:s13+$0xF010];
	v4 =	vadd.f32 v7, v4  }
0x3c6: {  	v7 =	vmul.f32 v11, v3;
	v11 =	vld [tilespmem:s13+$0xE420]  }
0x3c7: {  	v5 =	vadd.f32 v6, v5;
	v6 =	vld [tilespmem:s13+$0xE820];
	v4 =	vadd.f32 v4, v13  }
0x3c8: {  	v12 =	vmul.f32 v14, v2;
	v13 =	vld [tilespmem:s13+$0xEC20]  }
0x3c9: {  	v5 =	vadd.f32 v5, v9;
	v8 =	vmul.f32 v8, v0;
	v9 =	vld [tilespmem:s13+$0xF020];
	[tilespmem:s13+$0x13C70] =	vst v4  }
0x3ca: {  	v4 =	vmul.f32 v10, v1;
	v7 =	vadd.f32 v12, v7;
	v10 =	vld [tilespmem:s13+$0xE430]  }
0x3cb: {  	v11 =	vmul.f32 v11, v3;
	v12 =	vld [tilespmem:s13+$0xE830]  }
0x3cc: {  	v4 =	vadd.f32 v4, v8;
	v6 =	vmul.f32 v6, v2;
	v8 =	vld [tilespmem:s13+$0xEC30]  }
0x3cd: {  	v13 =	vmul.f32 v13, v0;
	v14 =	vld [tilespmem:s13+$0xF030]  }
0x3ce: {  	v4 =	vadd.f32 v4, v7;
	v7 =	vmul.f32 v9, v1;
	v6 =	vadd.f32 v6, v11;
	v9 =	vld [tilespmem:s13+$0xE440]  }
0x3cf: {  	v10 =	vmul.f32 v10, v3;
	v11 =	vld [tilespmem:s13+$0xE840]  }
0x3d0: {  	v7 =	vadd.f32 v7, v13;
	v12 =	vmul.f32 v12, v2;
	v13 =	vld [tilespmem:s13+$0xEC40]  }
0x3d1: {  	v8 =	vmul.f32 v8, v0;
	v15 =	vld [tilespmem:s13+$0xF040]  }
0x3d2: {  	v7 =	vadd.f32 v7, v6;
	v6 =	vmul.f32 v14, v1;
	v10 =	vadd.f32 v12, v10;
	v12 =	vld [tilespmem:s13+$0xE450]  }
0x3d3: {  	v9 =	vmul.f32 v9, v3;
	v14 =	vld [tilespmem:s13+$0xE850]  }
0x3d4: {  	v6 =	vadd.f32 v6, v8;
	v8 =	vmul.f32 v11, v2;
	v11 =	vld [tilespmem:s13+$0xEC50]  }
0x3d5: {  	v13 =	vmul.f32 v13, v0;
	v16 =	vld [tilespmem:s13+$0xF050]  }
0x3d6: {  	v10 =	vadd.f32 v6, v10;
	v6 =	vmul.f32 v15, v1;
	v8 =	vadd.f32 v8, v9;
	v9 =	vld [tilespmem:s13+$0xE460]  }
0x3d7: {  	v12 =	vmul.f32 v12, v3;
	v15 =	vld [tilespmem:s13+$0xE860]  }
0x3d8: {  	v6 =	vadd.f32 v6, v13;
	v13 =	vmul.f32 v14, v2;
	v14 =	vld [tilespmem:s13+$0xEC60]  }
0x3d9: {  	v11 =	vmul.f32 v11, v0;
	v17 =	vld [tilespmem:s13+$0xF060]  }
0x3da: {  	v18 =	vld [tilespmem:s13+$0x11C00];
	v19 =	vadd.f32 v6, v8;
	v6 =	vmul.f32 v16, v1;
	v8 =	vadd.f32 v13, v12  }
0x3db: {  	v12 =	vld [tilespmem:s13+$0x11C10];
	v13 =	vmul.f32 v9, v3  }
0x3dc: {  	v16 =	vld [tilespmem:s13+$0x11C20];
	v6 =	vadd.f32 v6, v11;
	v11 =	vmul.f32 v15, v2  }
0x3dd: {  	v15 =	vld [tilespmem:s13+$0x11C30];
	v14 =	vmul.f32 v14, v0  }
0x3de: {  	v20 =	vld [tilespmem:s13+$0x11C40];
	v9 =	vadd.f32 v6, v8;
	v8 =	vmul.f32 v17, v1;
	v13 =	vadd.f32 v11, v13  }
.Ltmp8:
0x3df: {  	v11 =	vadd.f32 v5, v18;
	v5 =	vld [tilespmem:s13+$0x11C50];
	(pc) =	sbr.rel @p0 .LBB2_15-.Ltmp8, $4  }
0x3e0: {  	s21 =	sshra.s32 s22, $0x2;
	v12 =	vadd.f32 v4, v12;
	v6 =	vld [tilespmem:s13+$0x11C60];
	v8 =	vadd.f32 v8, v14  }
0x3e1: {  	v4 =	vld [tilespmem:s21+$0xE470];
	[tilespmem:s13+$0x13C00] =	vst v11;
	v14 =	vadd.f32 v7, v16  }
0x3e2: {  	v7 =	vld [tilespmem:s21+$0xE870];
	[tilespmem:s13+$0x13C10] =	vst v12;
	v11 =	vadd.f32 v10, v15;
	v10 =	vadd.f32 v8, v13  }
0x3e3: {  	s22 =	sadd.s32 $0x200, s22;
	v8 =	vld [tilespmem:s21+$0xEC70];
	[tilespmem:s13+$0x13C20] =	vst v14;
	v12 =	vadd.f32 v19, v20  }
0x3e4: {  	v13 =	vld [tilespmem:s21+$0xF070];
	[tilespmem:s13+$0x13C30] =	vst v11;
	v5 =	vadd.f32 v9, v5  }
0x3e5: {  	v11 =	vld [tilespmem:s21+$0xE400];
	[tilespmem:s13+$0x13C40] =	vst v12;
	v6 =	vadd.f32 v10, v6  }
0x3e6: {  	v9 =	vld [tilespmem:s21+$0xE800];
	[tilespmem:s13+$0x13C50] =	vst v5  }
0x3e7: {  	v5 =	vld [tilespmem:s21+$0xEC00];
	[tilespmem:s13+$0x13C60] =	vst v6  }
0x3e8: {  	v6 =	vld [tilespmem:s21+$0xF000]  }
0x3e9: {  	v10 =	vld [tilespmem:s21+$0xE410]  }
0x3ea: {  	v14 =	vld [tilespmem:s21+$0xE810]  }
0x3eb: {  	v15 =	vld [tilespmem:s21+$0xE820]  }
0x3ec: {  	v16 =	vld [tilespmem:s21+$0xF020]  }
0x3ed: {  	v17 =	vld [tilespmem:s21+$0xE830]  }
0x3ee: {  	v18 =	vld [tilespmem:s21+$0xEC30]  }
0x3ef: {  	v19 =	vld [tilespmem:s21+$0xF030]  }
0x3f0: {  	v4 =	vmul.f32 v4, v3;
	v7 =	vmul.f32 v7, v2;
	v20 =	vld [tilespmem:s21+$0xE440]  }
0x3f1: {  	v8 =	vmul.f32 v8, v0;
	v21 =	vld [tilespmem:s21+$0xE840];
	v12 =	vmul.f32 v13, v1  }
0x3f2: {  	v13 =	vld [tilespmem:s21+$0x11C70]  }
0x3f3: {  	v22 =	vld [tilespmem:s21+$0xE450];
	v4 =	vadd.f32 v7, v4;
	v7 =	vadd.f32 v12, v8  }
0x3f4: {  	v8 =	vld [tilespmem:s21+$0xEC10]  }
0x3f5: {  	v12 =	vld [tilespmem:s21+$0xF010];
	v4 =	vadd.f32 v7, v4  }
0x3f6: {  	v11 =	vmul.f32 v11, v3;
	v9 =	vmul.f32 v9, v2;
	v7 =	vld [tilespmem:s21+$0xE420]  }
0x3f7: {  	v5 =	vmul.f32 v5, v0;
	v6 =	vmul.f32 v6, v1;
	v4 =	vadd.f32 v4, v13;
	v13 =	vld [tilespmem:s21+$0xEC20]  }
0x3f8: {  	v36 =	vld [tilespmem:s21+$0xEC50];
	v9 =	vadd.f32 v9, v11  }
0x3f9: {  	v11 =	vld [tilespmem:s21+$0xEC40];
	v10 =	vmul.f32 v10, v3;
	v5 =	vadd.f32 v6, v5;
	v6 =	vmul.f32 v14, v2  }
0x3fa: {  	v8 =	vmul.f32 v8, v0;
	v12 =	vmul.f32 v12, v1;
	[tilespmem:s21+$0x13C70] =	vst v4;
	v4 =	vld [tilespmem:s21+$0xE430]  }
0x3fb: {  	v38 =	vld [tilespmem:s21+$0xE860];
	v5 =	vadd.f32 v5, v9;
	v9 =	vmul.f32 v15, v2;
	v7 =	vmul.f32 v7, v3  }
0x3fc: {  	v14 =	vld [tilespmem:s21+$0xF040];
	v6 =	vadd.f32 v6, v10;
	v10 =	vmul.f32 v13, v0;
	v13 =	vmul.f32 v16, v1  }
0x3fd: {  	v40 =	vld [tilespmem:s21+$0xEC60];
	v37 =	vmul.f32 v19, v1;
	v39 =	vmul.f32 v21, v2;
	v8 =	vadd.f32 v12, v8  }
0x3fe: {  	v15 =	vld [tilespmem:s21+$0xE850];
	v12 =	vmul.f32 v17, v2;
	v7 =	vadd.f32 v9, v7;
	v10 =	vadd.f32 v13, v10  }
0x3ff: {  	v11 =	vmul.f32 v11, v0;
	v9 =	vld [tilespmem:s21+$0xF050];
	v4 =	vmul.f32 v4, v3  }
0x400: {  	v41 =	vld [tilespmem:s21+$0x11C00];
	v6 =	vadd.f32 v8, v6;
	v8 =	vmul.f32 v18, v0;
	v7 =	vadd.f32 v10, v7  }
0x401: {  	v13 =	vld [tilespmem:s21+$0xE460];
	v10 =	vmul.f32 v20, v3;
	v4 =	vadd.f32 v12, v4;
	v12 =	vmul.f32 v14, v1  }
0x402: {  	v42 =	vmul.f32 v22, v3;
	v8 =	vadd.f32 v37, v8;
	v14 =	vld [tilespmem:s21+$0xF060]  }
0x403: {  	v10 =	vadd.f32 v39, v10;
	v11 =	vadd.f32 v12, v11;
	v12 =	vmul.f32 v15, v2;
	v15 =	vld [tilespmem:s21+$0x11C10]  }
0x404: {  	v43 =	vld [tilespmem:s21+$0x11C20];
	v9 =	vmul.f32 v9, v1;
	v4 =	vadd.f32 v8, v4;
	v8 =	vmul.f32 v36, v0  }
0x405: {  	v10 =	vadd.f32 v11, v10;
	v11 =	vadd.f32 v12, v42;
	v12 =	vld [tilespmem:s21+$0x11C30]  }
0x406: {  	v2 =	vmul.f32 v38, v2;
	v3 =	vmul.f32 v13, v3;
	v8 =	vadd.f32 v9, v8;
	v9 =	vld [tilespmem:s21+$0x11C40]  }
0x407: {  	v5 =	vadd.f32 v5, v41;
	v0 =	vmul.f32 v40, v0;
	v13 =	vld [tilespmem:s21+$0x11C50];
	v1 =	vmul.f32 v14, v1  }
0x408: {  	v2 =	vadd.f32 v2, v3;
	v3 =	vadd.f32 v6, v15;
	v6 =	vld [tilespmem:s21+$0x11C60]  }
0x409: {  	[tilespmem:s21+$0x13C00] =	vst v5;
	v0 =	vadd.f32 v1, v0;
	v1 =	vadd.f32 v7, v43  }
0x40a: {  	v5 =	vadd.f32 v8, v11;
	[tilespmem:s21+$0x13C10] =	vst v3;
	v3 =	vadd.f32 v4, v12  }
0x40b: {  	v0 =	vadd.f32 v0, v2;
	[tilespmem:s21+$0x13C20] =	vst v1;
	v1 =	vadd.f32 v10, v9  }
0x40c: {  	v2 =	vadd.f32 v5, v13;
	[tilespmem:s21+$0x13C30] =	vst v3  }
0x40d: {  	[tilespmem:s21+$0x13C40] =	vst v1;
	v0 =	vadd.f32 v0, v6  }
0x40e: {  	[tilespmem:s21+$0x13C50] =	vst v2  }
0x40f: {  	[tilespmem:s21+$0x13C60] =	vst v0  }
0x410: {  	v3 =	vld [tilespmem:s10+$0x780]  }
0x411: {  	v2 =	vld [tilespmem:s10+$0x790]  }
0x412: {  	v0 =	vld [tilespmem:s10+$0x7A0]  }
0x413: {  	v1 =	vld [tilespmem:s10+$0x7B0];
	s10 =	simm.s32 $0x0  }
0x414: {  	v4 =	vld [tilespmem:s10+$0xF470]  }
0x415: {  	v5 =	vld [tilespmem:s10+$0xF870]  }
0x416: {  	v6 =	vld [tilespmem:s10+$0xFC70]  }
0x417: {  	v7 =	vld [tilespmem:s10+$0x10070]  }
0x418: {  	v8 =	vld [tilespmem:s10+$0xF400]  }
0x419: {  	v9 =	vld [tilespmem:s10+$0xF800]  }
0x41a: {  	v10 =	vld [tilespmem:s10+$0xFC00]  }
0x41b: {  	v11 =	vld [tilespmem:s10+$0x10000]  }
0x41c: {  	v12 =	vld [tilespmem:s10+$0xF410]  }
0x41d: {  	v13 =	vld [tilespmem:s10+$0x12070]  }
0x41e: {  	v14 =	vld [tilespmem:s10+$0xF810]  }
0x41f: {  	v15 =	vld [tilespmem:s10+$0xF820]  }
0x420: {  	v44 =	vld [tilespmem:s10+$0x10020]  }
0x421: {  	v45 =	vld [tilespmem:s10+$0xF830]  }
0x422: {  	v46 =	vld [tilespmem:s10+$0xFC30]  }
0x423: {  	v47 =	vld [tilespmem:s10+$0x10030]  }
0x424: {  	v48 =	vld [tilespmem:s10+$0xF440]  }
0x425: {  	v49 =	vld [tilespmem:s10+$0xF840]  }
0x426: {  	v50 =	vld [tilespmem:s10+$0xFC40];
	v4 =	vmul.f32 v4, v3;
	v5 =	vmul.f32 v5, v2  }
0x427: {  	v23 =	vld [tilespmem:s10+$0x10040];
	v6 =	vmul.f32 v6, v0;
	v7 =	vmul.f32 v7, v1  }
0x428: {  	v24 =	vld [tilespmem:s10+$0xF450]  }
0x429: {  	v4 =	vadd.f32 v5, v4;
	v5 =	vadd.f32 v7, v6;
	v6 =	vld [tilespmem:s10+$0xFC10]  }
0x42a: {  	v7 =	vld [tilespmem:s10+$0x10010]  }
0x42b: {  	v25 =	vld [tilespmem:s10+$0xF850];
	v8 =	vmul.f32 v8, v3;
	v9 =	vmul.f32 v9, v2;
	v4 =	vadd.f32 v5, v4  }
0x42c: {  	v10 =	vmul.f32 v10, v0;
	v11 =	vmul.f32 v11, v1;
	v5 =	vld [tilespmem:s10+$0xF420]  }
0x42d: {  	v53 =	vmul.f32 v47, v1;
	v55 =	vmul.f32 v49, v2;
	v4 =	vadd.f32 v4, v13;
	v13 =	vld [tilespmem:s10+$0xFC20]  }
0x42e: {  	v51 =	vld [tilespmem:s10+$0xF860];
	v8 =	vadd.f32 v9, v8;
	v9 =	vmul.f32 v12, v3;
	v12 =	vmul.f32 v14, v2  }
0x42f: {  	v10 =	vadd.f32 v11, v10;
	v6 =	vmul.f32 v6, v0;
	v7 =	vmul.f32 v7, v1;
	[tilespmem:s10+$0x14070] =	vst v4;
	v4 =	vld [tilespmem:s10+$0xF430]  }
0x430: {  	v52 =	vld [tilespmem:s10+$0xFC60];
	v57 =	vmul.f32 v23, v1;
	v9 =	vadd.f32 v12, v9;
	v12 =	vmul.f32 v15, v2  }
0x431: {  	v54 =	vld [tilespmem:s10+$0x10060];
	v8 =	vadd.f32 v10, v8;
	v10 =	vmul.f32 v45, v2;
	v6 =	vadd.f32 v7, v6  }
0x432: {  	v56 =	vld [tilespmem:s10+$0x12000];
	v5 =	vmul.f32 v5, v3;
	v7 =	vmul.f32 v13, v0  }
0x433: {  	v14 =	vld [tilespmem:s10+$0xFC50];
	v13 =	vmul.f32 v44, v1;
	v9 =	vadd.f32 v6, v9;
	v6 =	vmul.f32 v46, v0  }
0x434: {  	v11 =	vld [tilespmem:s10+$0x10050];
	v5 =	vadd.f32 v12, v5;
	v12 =	vmul.f32 v48, v3;
	v4 =	vmul.f32 v4, v3  }
0x435: {  	v15 =	vld [tilespmem:s10+$0xF460];
	v7 =	vadd.f32 v13, v7;
	v13 =	vmul.f32 v50, v0;
	v6 =	vadd.f32 v53, v6  }
0x436: {  	v58 =	vld [tilespmem:s10+$0x12010];
	v12 =	vadd.f32 v55, v12;
	v4 =	vadd.f32 v10, v4  }
0x437: {  	v62 =	vmul.f32 v54, v1;
	v10 =	vld [tilespmem:s10+$0x12020];
	v13 =	vadd.f32 v57, v13;
	v60 =	vadd.f32 v7, v5  }
0x438: {  	v59 =	vld [tilespmem:s10+$0x12030];
	v7 =	vmul.f32 v25, v2;
	v61 =	vadd.f32 v6, v4;
	v4 =	vmul.f32 v24, v3  }
0x439: {  	v26 =	vld [tilespmem:s10+$0x12040];
	v8 =	vadd.f32 v8, v56;
	v11 =	vmul.f32 v11, v1;
	v12 =	vadd.f32 v13, v12  }
0x43a: {  	s13 =	simm.s32 $0x80;
	v5 =	vld [tilespmem:s10+$0x12050];
	v13 =	vmul.f32 v14, v0;
	v14 =	vadd.f32 v7, v4;
	v7 =	vmul.f32 v15, v3  }
0x43b: {  	v9 =	vadd.f32 v9, v58;
	v15 =	vmul.f32 v51, v2;
	v4 =	vld [tilespmem:s13+$0xF470];
	[tilespmem:s10+$0x14000] =	vst v8;
	v8 =	vmul.f32 v52, v0  }
0x43c: {  	v6 =	vld [tilespmem:s10+$0x12060];
	v11 =	vadd.f32 v11, v13;
	v63 =	vadd.f32 v60, v10  }
0x43d: {  	v13 =	vadd.f32 v15, v7;
	v15 =	vadd.f32 v62, v8  }
0x43e: {  	v7 =	vld [tilespmem:s13+$0xF870];
	[tilespmem:s10+$0x14010] =	vst v9;
	v9 =	vadd.f32 v11, v14;
	v11 =	vadd.f32 v61, v59  }
0x43f: {  	s21 =	simm.s32 $0x400;
	v12 =	vadd.f32 v12, v26;
	v8 =	vld [tilespmem:s13+$0xFC70];
	[tilespmem:s10+$0x14020] =	vst v63;
	v10 =	vadd.f32 v15, v13  }
.LBB2_17:
0x440: {  	p0 =	sne.s32 s21, $0xE00;
	v13 =	vld [tilespmem:s13+$0x10070];
	[tilespmem:s10+$0x14030] =	vst v11;
	v5 =	vadd.f32 v9, v5  }
0x441: {  	v9 =	vld [tilespmem:s13+$0xF400];
	[tilespmem:s10+$0x14040] =	vst v12;
	v6 =	vadd.f32 v10, v6  }
0x442: {  	v10 =	vld [tilespmem:s13+$0xF800];
	[tilespmem:s10+$0x14050] =	vst v5  }
0x443: {  	v5 =	vld [tilespmem:s13+$0xFC00];
	[tilespmem:s10+$0x14060] =	vst v6;
	s10 =	smov.u32 s13  }
0x444: {  	v4 =	vmul.f32 v4, v3;
	v7 =	vmul.f32 v7, v2;
	v6 =	vld [tilespmem:s10+$0x10000]  }
0x445: {  	v8 =	vmul.f32 v8, v0;
	v11 =	vld [tilespmem:s10+$0xF410];
	v12 =	vmul.f32 v13, v1  }
0x446: {  	v9 =	vmul.f32 v9, v3;
	v13 =	vld [tilespmem:s10+$0x12070]  }
0x447: {  	v4 =	vadd.f32 v7, v4;
	v10 =	vmul.f32 v10, v2;
	v14 =	vld [tilespmem:s10+$0xF810];
	v7 =	vadd.f32 v12, v8  }
0x448: {  	v5 =	vmul.f32 v5, v0;
	v8 =	vld [tilespmem:s10+$0xFC10]  }
0x449: {  	v6 =	vmul.f32 v6, v1;
	v9 =	vadd.f32 v10, v9;
	v10 =	vld [tilespmem:s10+$0x10010];
	v4 =	vadd.f32 v7, v4  }
0x44a: {  	v7 =	vmul.f32 v11, v3;
	v11 =	vld [tilespmem:s10+$0xF420]  }
0x44b: {  	v5 =	vadd.f32 v6, v5;
	v6 =	vld [tilespmem:s10+$0xF820];
	v4 =	vadd.f32 v4, v13  }
0x44c: {  	v12 =	vmul.f32 v14, v2;
	v13 =	vld [tilespmem:s10+$0xFC20]  }
0x44d: {  	v5 =	vadd.f32 v5, v9;
	v8 =	vmul.f32 v8, v0;
	v9 =	vld [tilespmem:s10+$0x10020];
	[tilespmem:s10+$0x14070] =	vst v4  }
0x44e: {  	v4 =	vmul.f32 v10, v1;
	v7 =	vadd.f32 v12, v7;
	v10 =	vld [tilespmem:s10+$0xF430]  }
0x44f: {  	v11 =	vmul.f32 v11, v3;
	v12 =	vld [tilespmem:s10+$0xF830]  }
0x450: {  	v4 =	vadd.f32 v4, v8;
	v6 =	vmul.f32 v6, v2;
	v8 =	vld [tilespmem:s10+$0xFC30]  }
0x451: {  	v13 =	vmul.f32 v13, v0;
	v14 =	vld [tilespmem:s10+$0x10030]  }
0x452: {  	v4 =	vadd.f32 v4, v7;
	v7 =	vmul.f32 v9, v1;
	v6 =	vadd.f32 v6, v11;
	v9 =	vld [tilespmem:s10+$0xF440]  }
0x453: {  	v10 =	vmul.f32 v10, v3;
	v11 =	vld [tilespmem:s10+$0xF840]  }
0x454: {  	v7 =	vadd.f32 v7, v13;
	v12 =	vmul.f32 v12, v2;
	v13 =	vld [tilespmem:s10+$0xFC40]  }
0x455: {  	v8 =	vmul.f32 v8, v0;
	v15 =	vld [tilespmem:s10+$0x10040]  }
0x456: {  	v7 =	vadd.f32 v7, v6;
	v6 =	vmul.f32 v14, v1;
	v10 =	vadd.f32 v12, v10;
	v12 =	vld [tilespmem:s10+$0xF450]  }
0x457: {  	v9 =	vmul.f32 v9, v3;
	v14 =	vld [tilespmem:s10+$0xF850]  }
0x458: {  	v6 =	vadd.f32 v6, v8;
	v8 =	vmul.f32 v11, v2;
	v11 =	vld [tilespmem:s10+$0xFC50]  }
0x459: {  	v13 =	vmul.f32 v13, v0;
	v16 =	vld [tilespmem:s10+$0x10050]  }
0x45a: {  	v10 =	vadd.f32 v6, v10;
	v6 =	vmul.f32 v15, v1;
	v8 =	vadd.f32 v8, v9;
	v9 =	vld [tilespmem:s10+$0xF460]  }
0x45b: {  	v12 =	vmul.f32 v12, v3;
	v15 =	vld [tilespmem:s10+$0xF860]  }
0x45c: {  	v6 =	vadd.f32 v6, v13;
	v13 =	vmul.f32 v14, v2;
	v14 =	vld [tilespmem:s10+$0xFC60]  }
0x45d: {  	v11 =	vmul.f32 v11, v0;
	v17 =	vld [tilespmem:s10+$0x10060]  }
0x45e: {  	v18 =	vld [tilespmem:s10+$0x12000];
	v19 =	vadd.f32 v6, v8;
	v6 =	vmul.f32 v16, v1;
	v8 =	vadd.f32 v13, v12  }
0x45f: {  	v12 =	vld [tilespmem:s10+$0x12010];
	v13 =	vmul.f32 v9, v3  }
0x460: {  	v16 =	vld [tilespmem:s10+$0x12020];
	v6 =	vadd.f32 v6, v11;
	v11 =	vmul.f32 v15, v2  }
0x461: {  	v15 =	vld [tilespmem:s10+$0x12030];
	v14 =	vmul.f32 v14, v0  }
0x462: {  	v20 =	vld [tilespmem:s10+$0x12040];
	v9 =	vadd.f32 v6, v8;
	v8 =	vmul.f32 v17, v1;
	v13 =	vadd.f32 v11, v13  }
.Ltmp9:
0x463: {  	v11 =	vadd.f32 v5, v18;
	v5 =	vld [tilespmem:s10+$0x12050];
	(pc) =	sbr.rel @p0 .LBB2_17-.Ltmp9, $4  }
0x464: {  	s13 =	sshra.s32 s21, $0x2;
	v12 =	vadd.f32 v4, v12;
	v6 =	vld [tilespmem:s10+$0x12060];
	v8 =	vadd.f32 v8, v14  }
0x465: {  	v4 =	vld [tilespmem:s13+$0xF470];
	[tilespmem:s10+$0x14000] =	vst v11;
	v14 =	vadd.f32 v7, v16  }
0x466: {  	v7 =	vld [tilespmem:s13+$0xF870];
	[tilespmem:s10+$0x14010] =	vst v12;
	v11 =	vadd.f32 v10, v15;
	v10 =	vadd.f32 v8, v13  }
0x467: {  	s21 =	sadd.s32 $0x200, s21;
	v8 =	vld [tilespmem:s13+$0xFC70];
	[tilespmem:s10+$0x14020] =	vst v14;
	v12 =	vadd.f32 v19, v20  }
0x468: {  	v13 =	vld [tilespmem:s13+$0x10070];
	[tilespmem:s10+$0x14030] =	vst v11;
	v5 =	vadd.f32 v9, v5  }
0x469: {  	v11 =	vld [tilespmem:s13+$0xF400];
	[tilespmem:s10+$0x14040] =	vst v12;
	v6 =	vadd.f32 v10, v6  }
0x46a: {  	v54 =	vld [tilespmem:s13+$0xF800];
	[tilespmem:s10+$0x14050] =	vst v5  }
0x46b: {  	v5 =	vld [tilespmem:s13+$0xFC00];
	[tilespmem:s10+$0x14060] =	vst v6  }
0x46c: {  	v6 =	vld [tilespmem:s13+$0x10000]  }
0x46d: {  	v55 =	vld [tilespmem:s13+$0xF410]  }
0x46e: {  	v57 =	vld [tilespmem:s13+$0x12070]  }
0x46f: {  	v14 =	vld [tilespmem:s13+$0xF810]  }
0x470: {  	v59 =	vld [tilespmem:s13+$0xFC10]  }
0x471: {  	v60 =	vld [tilespmem:s13+$0x10010]  }
0x472: {  	v61 =	vld [tilespmem:s13+$0xF420]  }
0x473: {  	v15 =	vld [tilespmem:s13+$0xF820]  }
0x474: {  	v62 =	vld [tilespmem:s13+$0xFC20]  }
0x475: {  	v16 =	vld [tilespmem:s13+$0x10020]  }
0x476: {  	v17 =	vld [tilespmem:s13+$0xF830]  }
0x477: {  	v4 =	vmul.f32 v4, v3;
	v18 =	vld [tilespmem:s13+$0xFC30]  }
0x478: {  	v7 =	vmul.f32 v7, v2;
	v8 =	vmul.f32 v8, v0;
	v19 =	vld [tilespmem:s13+$0x10030]  }
0x479: {  	v20 =	vld [tilespmem:s13+$0xF440];
	v56 =	vmul.f32 v13, v1;
	v11 =	vmul.f32 v11, v3  }
0x47a: {  	v24 =	vld [tilespmem:s13+$0xFC40];
	v9 =	vmul.f32 v54, v2;
	v5 =	vmul.f32 v5, v0  }
0x47b: {  	v26 =	vld [tilespmem:s13+$0x10040];
	v6 =	vmul.f32 v6, v1;
	v10 =	vmul.f32 v55, v3  }
0x47c: {  	v22 =	vld [tilespmem:s13+$0xF450];
	v58 =	vadd.f32 v56, v8;
	v25 =	vmul.f32 v14, v2;
	v8 =	vmul.f32 v59, v0  }
0x47d: {  	v28 =	vld [tilespmem:s13+$0xF850];
	v4 =	vadd.f32 v7, v4;
	v12 =	vmul.f32 v60, v1;
	v7 =	vmul.f32 v61, v3  }
0x47e: {  	v34 =	vld [tilespmem:s13+$0xF460];
	v27 =	vmul.f32 v15, v2;
	v29 =	vmul.f32 v62, v0  }
0x47f: {  	v37 =	vld [tilespmem:s13+$0xF860];
	v30 =	vmul.f32 v16, v1;
	v33 =	vmul.f32 v17, v2  }
0x480: {  	v40 =	vld [tilespmem:s13+$0xFC60];
	v4 =	vadd.f32 v58, v4;
	v35 =	vmul.f32 v18, v0;
	v36 =	vmul.f32 v19, v1  }
0x481: {  	v42 =	vld [tilespmem:s13+$0x10060];
	v9 =	vadd.f32 v9, v11;
	v38 =	vmul.f32 v20, v3;
	v11 =	vmul.f32 v24, v0  }
0x482: {  	v21 =	vld [tilespmem:s13+$0xF840];
	v41 =	vmul.f32 v26, v1;
	v44 =	vmul.f32 v22, v3  }
0x483: {  	v31 =	vld [tilespmem:s13+$0xFC50];
	v45 =	vmul.f32 v28, v2;
	v51 =	vmul.f32 v34, v3;
	v4 =	vadd.f32 v4, v57  }
0x484: {  	v63 =	vld [tilespmem:s13+$0xF430];
	v52 =	vmul.f32 v37, v2;
	v5 =	vadd.f32 v6, v5;
	v6 =	vadd.f32 v25, v10  }
0x485: {  	v32 =	vld [tilespmem:s13+$0x10050];
	v54 =	vmul.f32 v40, v0;
	v8 =	vadd.f32 v12, v8;
	v7 =	vadd.f32 v27, v7  }
0x486: {  	v43 =	vld [tilespmem:s13+$0x12000];
	v55 =	vmul.f32 v42, v1;
	v10 =	vadd.f32 v30, v29;
	v11 =	vadd.f32 v41, v11  }
0x487: {  	v46 =	vld [tilespmem:s13+$0x12010];
	v39 =	vmul.f32 v21, v2;
	v49 =	vadd.f32 v45, v44;
	v2 =	vadd.f32 v52, v51  }
0x488: {  	v48 =	vld [tilespmem:s13+$0x12020];
	v47 =	vmul.f32 v31, v0;
	v0 =	vadd.f32 v55, v54;
	v5 =	vadd.f32 v5, v9  }
0x489: {  	[tilespmem:s13+$0x14070] =	vst v4;
	v4 =	vmul.f32 v63, v3;
	v6 =	vadd.f32 v8, v6;
	v7 =	vadd.f32 v10, v7  }
0x48a: {  	v58 =	vld [tilespmem:s13+$0x12060];
	v8 =	vadd.f32 v36, v35;
	v10 =	vadd.f32 v39, v38  }
0x48b: {  	v53 =	vld [tilespmem:s13+$0x12040];
	v0 =	vadd.f32 v0, v2;
	v4 =	vadd.f32 v33, v4  }
0x48c: {  	v50 =	vld [tilespmem:s13+$0x12030];
	v9 =	vmul.f32 v32, v1;
	v10 =	vadd.f32 v11, v10;
	v5 =	vadd.f32 v5, v43  }
0x48d: {  	v56 =	vld [tilespmem:s13+$0x12050];
	v57 =	vadd.f32 v6, v46;
	v59 =	vadd.f32 v7, v48  }
0x48e: {  	v4 =	vadd.f32 v8, v4;
	v8 =	vadd.f32 v9, v47;
	[tilespmem:s13+$0x14000] =	vst v5  }
0x48f: {  	v0 =	vadd.f32 v0, v58;
	[tilespmem:s13+$0x14010] =	vst v57  }
0x490: {  	[tilespmem:s13+$0x14020] =	vst v59;
	v62 =	vadd.f32 v10, v53;
	v60 =	vadd.f32 v8, v49  }
.Ltmp10:
0x491: {  	[tilespmem:s13+$0x14060] =	vst v0;
	v61 =	vadd.f32 v4, v50;
	(pc) =	sbr.rel @p1 .LBB2_20-.Ltmp10, $4  }
0x492: {  	s23 =	sshll.u32 s11, $0x7;
	[tilespmem:s13+$0x14040] =	vst v62;
	v63 =	vadd.f32 v60, v56  }
0x493: {  	s10 =	sand.u32 $0x1FFFFF00, s23;
	[tilespmem:s13+$0x14030] =	vst v61  }
0x494: {  	s10 =	sadd.s32 s4, s10;
	[tilespmem:s13+$0x14050] =	vst v63  }
0x495: {  	[hbm4b:s10+s2] =	stream.linear.scatter [tilespmem:s20], [sflag:$0xC], $0x800, $0x38;
	[tilespmem:$0x14400] =	vst v63  }
0x496: {  	s9 =	sadd.s32 $0x7, s9  }
.Ltmp11:
0x497: {  	s10 =	sshll.u32 s9, $0x3;
	(pc) =	sbr.rel .LBB2_2-.Ltmp11, $4  }
0x498: {  	s9 =	sshll.u32 s9, $0x8;
	s10 =	sand.u32 $0x3FFFFFF8, s10  }
0x499: {  	[tilespmem:s25], [sflag:$0x4] =	stream.indirect.gather [hbm4b:s3+s16], $0x400, s10, s16, $0xb8;
	[tilespmem:$0x14400] =	vst v63  }
0x49a: {  	s8 =	sadd.s32 $0x1, s8;
	s9 =	sadd.s32 s9, s6  }
0x49b: {  	[tilespmem:s26], [sflag:$0x8] =	stream.linear.gather [hbm4b:s9+s2], $0x800, $0x38;
	[tilespmem:$0x14400] =	vst v63  }
.LBB2_21:
0x49c: {  	_ =	sfence.sel $0x180000  }
0x49d: {  	[bflag:$0x0] =	sbarrier.arrive $0xFFFF  }
0x49e: {  	_ =	strace $0x90000047  }
0x49f: {  	s0 =	stileid.u32;
	[bflag:$0x2] =	sbarrier.arrive $0xFFFF  }
0x4a0: {  	p0 =	sne.s32 s0, $0x0;
	s0 =	rddreg [dreg:$0x2]  }
0x4a1: {  	s0 =	sadd.s32 @!p0 $0x100000, s0  }
0x4a2: {  	[sflag:s0] =	ssyncadd.tile.s32 @!p0 $0x1;
	_ =	shalt  }
.Lfunc_end2:
_tile_overlayer_lowered:
.L_overlay_start_2:
0x4a3: {  	(tag) =	ssettag $0x2  }
0x4a4: {  	s0 =	rddreg [dreg:$0x0];
	s2 =	stileid.u32  }
0x4a5: {  	s1 =	rddreg [dreg:$0x1];
	p0 =	sne.s32 s2, $0x0  }
0x4a6: {  	s3 =	rddreg [dreg:$0x2];
	[bflag:$0x3] =	sbarrier.arrive $0xFFFF;
	s2 =	simm.s32 @!p0 $0x1C0D  }
0x4a7: {  	[timem:s3], [sflag:s2] =	dma.local @!p0 [hbm:s0], s1  }
0x4a8: {  	s0 =	simm.s32 @!p0 $0xD  }
0x4a9: {  	_ =	swait.ge @!p0 [sflag:s0], s1  }
0x4aa: {  	s1 =	ssub.s32 @!p0 $0x0, s1;
	[sflag:s0] =	ssyncset.done @!p0 $0x0  }
0x4ab: {  	[sflag:s0] =	ssyncadd.s32 @!p0 s1  }
0x4ac: {  	[bflag:$0x3] =	sbarrier.arrive $0xFFFF  }
0x4ad: {  	_ =	shalt  }

</sc_bundles>
